<compile_context>
chip_gen: v7x
topology: tpu7x:2x2x1
jax: 0.10.2.dev20260603
libtpu: 0.0.44.dev20260713+nightly
codegen_flags: <defaults>
</compile_context>

<pallas_src>
import functools
import math

import jax
import jax.numpy as jnp
from jax import lax
from jax.experimental import pallas as pl
from jax.experimental.pallas import tpu as pltpu
from jax.experimental.pallas import tpu_sc as plsc

_R = 512
_C = 4096
_LOG2PI = math.log(2.0 * math.pi)
_BIG = 3.0e38


def _chol_params_col(cg, anc):
    isz = (jnp.max(jnp.abs(cg), axis=1, keepdims=True) == 0.0)

    def col(k):
        return cg[:, k:k + 1]

    mx = col(0) + anc[:, 0:1]
    my = col(1) + anc[:, 1:2]
    mz = col(2) + anc[:, 2:3]
    one = jnp.ones_like(col(3))
    zero = jnp.zeros_like(one)
    c11 = jnp.where(isz, one, col(3))
    c21 = jnp.where(isz, zero, col(6))
    c22 = jnp.where(isz, one, col(7))
    c31 = jnp.where(isz, zero, col(9))
    c32 = jnp.where(isz, zero, col(10))
    c33 = jnp.where(isz, one, col(11))
    l11 = jnp.sqrt(c11)
    l21 = c21 / l11
    l31 = c31 / l11
    l22 = jnp.sqrt(c22 - l21 * l21)
    l32 = (c32 - l31 * l21) / l22
    l33 = jnp.sqrt(c33 - l31 * l31 - l32 * l32)
    logdet = 2.0 * (jnp.log(l11) + jnp.log(l22) + jnp.log(l33))
    return (mx, my, mz), (l11, l21, l31, l22, l32, l33), logdet, isz


def _merge22(A, B):
    m0, M0 = jnp.minimum(A[0], B[0]), jnp.maximum(A[0], B[0])
    m1, M1 = jnp.minimum(A[1], B[1]), jnp.maximum(A[1], B[1])
    return [m0, jnp.minimum(M0, m1), jnp.maximum(M0, m1), M1]


def _merge44_5(A, B):
    d0 = jnp.minimum(A[0], B[0])
    x = jnp.maximum(A[0], B[0])
    y = jnp.minimum(A[2], B[2])
    d1 = jnp.minimum(x, y)
    d2 = jnp.maximum(x, y)
    e0 = jnp.minimum(A[1], B[1])
    u = jnp.maximum(A[1], B[1])
    v = jnp.minimum(A[3], B[3])
    e1 = jnp.minimum(u, v)
    return [d0, jnp.minimum(d1, e0), jnp.maximum(d1, e0),
            jnp.minimum(d2, e1), jnp.maximum(d2, e1)]


def _merge33_3(p, q):
    f0 = jnp.minimum(p[0], q[0])
    M0 = jnp.maximum(p[0], q[0])
    m1 = jnp.minimum(p[2], q[2])
    f1 = jnp.minimum(M0, m1)
    g0 = jnp.minimum(p[1], q[1])
    return [f0, jnp.minimum(f1, g0), jnp.maximum(f1, g0)]


def _merge55_5(a, b):
    d = _merge33_3([a[0], a[2], a[4]], [b[0], b[2], b[4]])
    e0 = jnp.minimum(a[1], b[1])
    M = jnp.maximum(a[1], b[1])
    m = jnp.minimum(a[3], b[3])
    e1 = jnp.minimum(M, m)
    return [d[0], jnp.minimum(d[1], e0), jnp.maximum(d[1], e0),
            jnp.minimum(d[2], e1), jnp.maximum(d[2], e1)]


def _stage1_body(nv, nc, vt_ref, o_ref, on_ref, at_ref, an_ref, cg_ref,
                 s_ref, w_ref, ai_ref, wm_ref, iz_ref):
    i = pl.program_id(0)
    vt = vt_ref[...]
    r = vt.shape[1]
    v2 = jnp.sum(vt * vt, axis=0, keepdims=True)
    cols = jax.lax.broadcasted_iota(jnp.int32, (1, r), 1)
    valid = (i * r + cols) < nv

    anc_t = at_ref[...]
    na = anc_t.shape[1]
    anc_n = an_ref[...]
    a2c = jnp.sum(anc_n * anc_n, axis=1, keepdims=True)
    va = jax.lax.dot_general(anc_t, vt, (((0,), (0,)), ((), ())),
                             preferred_element_type=jnp.float32,
                             precision=jax.lax.Precision.DEFAULT)
    ad2 = jnp.maximum(v2 + a2c - 2.0 * va, 0.0)
    amin = jnp.min(ad2, axis=0, keepdims=True)
    ia = jax.lax.broadcasted_iota(jnp.int32, (na, r), 0)
    aidx = jnp.min(jnp.where(ad2 == amin, ia, na), axis=0, keepdims=True)
    onehot = ia == aidx

    (mx, my, mz), (l11, l21, l31, l22, l32, l33), logdet, isz = \
        _chol_params_col(cg_ref[...], anc_n)
    dx = vt[0:1, :] - mx
    dy = vt[1:2, :] - my
    dz = vt[2:3, :] - mz
    y1 = dx / l11
    y2 = (dy - l21 * y1) / l22
    y3 = (dz - l31 * y1 - l32 * y2) / l33
    maha = y1 * y1 + y2 * y2 + y3 * y3
    logp = -0.5 * (3.0 * _LOG2PI + logdet + maha)
    wts = jnp.exp(logp)

    w_own = jnp.sum(jnp.where(onehot, wts, 0.0), axis=0, keepdims=True)
    wm_part = jnp.max(jnp.where(onehot & valid, wts, -_BIG), axis=1,
                      keepdims=True)

    @pl.when(i == 0)
    def _():
        wm_ref[...] = jnp.full_like(wm_ref, -_BIG)
    wm_ref[...] = jnp.maximum(wm_ref[...], wm_part[None])

    nv2 = -v2
    vt2 = vt + vt
    t = [jnp.full((1, r), _BIG, dtype=jnp.float32) for _ in range(5)]
    c = _C
    for ci in range(nc):
        o = o_ref[:, ci * c:(ci + 1) * c]
        on = on_ref[ci * c:(ci + 1) * c, :]
        o2c = jnp.sum(on * on, axis=1, keepdims=True)
        dot2 = jax.lax.dot_general(o, vt2, (((0,), (0,)), ((), ())),
                                   preferred_element_type=jnp.float32,
                                   precision=jax.lax.Precision.DEFAULT)
        key = o2c - dot2
        h = [key]
        n = c
        while n > 1:
            n //= 2
            A = [x[:n] for x in h]
            B = [x[n:] for x in h]
            if len(h) == 1:
                h = [jnp.minimum(A[0], B[0]), jnp.maximum(A[0], B[0])]
            elif len(h) == 2:
                h = _merge22(A, B)
            elif len(h) == 4:
                h = _merge44_5(A, B)
            else:
                h = _merge55_5(A, B)
        t = _merge55_5(t, h)

    s = 5.0 * v2 + sum(jnp.maximum(tk, nv2) for tk in t)
    s = jnp.where(valid, s, 0.0)

    s_ref[...] = s[None]
    w_ref[...] = w_own[None]
    ai_ref[...] = aidx[None]
    iz_ref[...] = isz.astype(jnp.float32).reshape(1, 1, na)


def _make_stage2_sc(nvp, nv):
    nw = 16
    per_w = nvp // nw
    nvec = per_w // 16
    mesh = plsc.VectorSubcoreMesh(core_axis_name="c", subcore_axis_name="s",
                                  num_cores=1)

    @functools.partial(
        pl.kernel, mesh=mesh,
        out_type=jax.ShapeDtypeStruct((16,), jnp.float32),
        scratch_types=[
            pltpu.VMEM((per_w,), jnp.float32),
            pltpu.VMEM((per_w,), jnp.float32),
            pltpu.VMEM((per_w,), jnp.int32),
            pltpu.VMEM((128,), jnp.float32),
            pltpu.VMEM_SHARED((nw * 16,), jnp.float32),
            pltpu.VMEM((nw * 16,), jnp.float32),
            pltpu.VMEM((16,), jnp.float32),
        ],
    )
    def stage2(s_hbm, w_hbm, ai_hbm, aux_hbm, out_hbm,
               s_v, w_v, ai_v, aux_v, shared, red_v, out_v):
        wid = lax.axis_index("s")
        base = wid * per_w
        pltpu.sync_copy(s_hbm.at[pl.ds(base, per_w)], s_v)
        pltpu.sync_copy(w_hbm.at[pl.ds(base, per_w)], w_v)
        pltpu.sync_copy(ai_hbm.at[pl.ds(base, per_w)], ai_v)
        pltpu.sync_copy(aux_hbm, aux_v)

        wt = aux_v[pl.ds(64, 16)]
        w0 = aux_v[pl.ds(0, 16)]
        w1 = aux_v[pl.ds(16, 16)]
        z0 = aux_v[pl.ds(32, 16)]
        z1 = aux_v[pl.ds(48, 16)]

        gdn = lax.GatherDimensionNumbers(
            offset_dims=(), collapsed_slice_dims=(0,), start_index_map=(0,))

        def take16(tbl, idx):
            return lax.gather(tbl, idx[:, None], gdn, (1,),
                              mode=lax.GatherScatterMode.PROMISE_IN_BOUNDS)

        def gather2(t0, t1, idx):
            lo = idx < 16
            i0 = jnp.where(lo, idx, 0)
            i1 = jnp.where(lo, 0, idx - 16)
            return jnp.where(lo, take16(t0, i0), take16(t1, i1))

        acc = jnp.zeros((16,), jnp.float32)
        for j in range(nvec):
            sl = pl.ds(j * 16, 16)
            sv = s_v[sl]
            wv = w_v[sl]
            av = ai_v[sl]
            wmv = gather2(w0, w1, av)
            izv = gather2(z0, z1, av)
            norm = jnp.where(wmv > 1.0, wv / wmv, wv)
            thr = jnp.where(norm > wt, norm, 0.0)
            acc = acc + jnp.where(izv > 0.5, 0.0, thr * thr * sv)

        out_v[...] = acc
        pltpu.sync_copy(out_v, shared.at[pl.ds(wid * 16, 16)])
        plsc.subcore_barrier()

        @pl.when(wid == 0)
        def _():
            pltpu.sync_copy(shared, red_v)
            acc2 = jnp.zeros((16,), jnp.float32)
            for k in range(nw):
                acc2 = acc2 + red_v[pl.ds(k * 16, 16)]
            lane = lax.broadcasted_iota(jnp.int32, (16,), 0)
            for sh in (8, 4, 2, 1):
                acc2 = acc2 + take16(acc2, lane ^ sh)
            out_v[...] = jnp.where(lane == 0, acc2 / (nv * 5.0), 0.0)
            pltpu.sync_copy(out_v, out_hbm)

    return stage2


def kernel(verts, anchor_verts, obj_pts, contact_gaussians, K, weights_threshold):
    nv = verts.shape[0]
    no = obj_pts.shape[0]
    na = anchor_verts.shape[0]
    nt = -(-nv // _R)
    nc = -(-no // _C)
    nvp = nt * _R
    nop = nc * _C

    v_t = jnp.zeros((4, nvp), jnp.float32).at[:3, :nv].set(verts.T)
    o_t = jnp.zeros((4, nop), jnp.float32)
    o_t = o_t.at[:3, :no].set(obj_pts.T).at[:3, no:].set(1.0e4)
    o_n = jnp.zeros((nop, 4), jnp.float32)
    o_n = o_n.at[:no, :3].set(obj_pts).at[no:, :3].set(1.0e4)
    a_t = jnp.zeros((4, na), jnp.float32).at[:3, :].set(anchor_verts.T)
    a_n = jnp.zeros((na, 4), jnp.float32).at[:, :3].set(anchor_verts)
    cg = contact_gaussians.astype(jnp.float32)

    s, w, ai, wm, iz = pl.pallas_call(
        functools.partial(_stage1_body, nv, nc),
        grid=(nt,),
        in_specs=[
            pl.BlockSpec((4, _R), lambda i: (0, i)),
            pl.BlockSpec((4, nop), lambda i: (0, 0)),
            pl.BlockSpec((nop, 4), lambda i: (0, 0)),
            pl.BlockSpec((4, na), lambda i: (0, 0)),
            pl.BlockSpec((na, 4), lambda i: (0, 0)),
            pl.BlockSpec((na, 12), lambda i: (0, 0)),
        ],
        out_specs=[
            pl.BlockSpec((1, 1, _R), lambda i: (i, 0, 0)),
            pl.BlockSpec((1, 1, _R), lambda i: (i, 0, 0)),
            pl.BlockSpec((1, 1, _R), lambda i: (i, 0, 0)),
            pl.BlockSpec((1, na, 1), lambda i: (0, 0, 0)),
            pl.BlockSpec((1, 1, na), lambda i: (0, 0, 0)),
        ],
        out_shape=[
            jax.ShapeDtypeStruct((nt, 1, _R), jnp.float32),
            jax.ShapeDtypeStruct((nt, 1, _R), jnp.float32),
            jax.ShapeDtypeStruct((nt, 1, _R), jnp.int32),
            jax.ShapeDtypeStruct((1, na, 1), jnp.float32),
            jax.ShapeDtypeStruct((1, 1, na), jnp.float32),
        ],
    )(v_t, o_t, o_n, a_t, a_n, cg)

    wt_vec = jnp.broadcast_to(
        jnp.asarray(weights_threshold, jnp.float32), (16,))
    aux = jnp.concatenate([wm.reshape(na), iz.reshape(na), wt_vec,
                           jnp.zeros((128 - 2 * na - 16,), jnp.float32)])
    out = _make_stage2_sc(nvp, float(nv))(
        s.reshape(nvp), w.reshape(nvp), ai.reshape(nvp), aux)
    return out[0]

# --- scband reference (transcript-rebuilt; emitter-appended) ---
"""Pipeline reference for scband-contacts-fitting-loss-39101382263200 (READ-ONLY COPY).

The authoritative reference and input builder live on the scoring server;
editing this copy changes nothing except your own understanding.
"""

import jax, jax.numpy as jnp
import numpy as np


def cdist(a, b):
    a2 = jnp.sum(a * a, axis=-1)[:, None]
    b2 = jnp.sum(b * b, axis=-1)[None, :]
    d2 = a2 + b2 - 2.0 * (a @ b.T)
    return jnp.sqrt(jnp.maximum(d2, 0.0))


def mvn_log_prob(x, mean, cov):
    d = x.shape[-1]
    chol = jnp.linalg.cholesky(cov)
    diff = x - mean
    sol = jax.scipy.linalg.solve_triangular(chol, diff.T, lower=True)
    maha = jnp.sum(sol * sol, axis=0)
    logdet = 2.0 * jnp.sum(jnp.log(jnp.diag(chol)))
    return -0.5 * (d * jnp.log(2.0 * jnp.pi) + logdet + maha)


def setup_inputs(seed=0) -> dict:
    key = jax.random.key(seed)
    k1, k2, k3, k4, k5 = jax.random.split(key, 5)
    verts = jax.random.uniform(k1, (6890, 3), dtype=jnp.float32)
    anchor_verts = jax.random.uniform(k2, (32, 3), dtype=jnp.float32)
    obj_pts = jax.random.uniform(k3, (20000, 3), dtype=jnp.float32)
    means = jax.random.normal(k4, (32, 3), dtype=jnp.float32) * 0.05
    A = jax.random.normal(k5, (32, 3, 3), dtype=jnp.float32) * 0.1
    covs = jnp.einsum('bij,bkj->bik', A, A) + 0.05 * jnp.eye(3, dtype=jnp.float32)[None]
    contact_gaussians = jnp.concatenate([means, covs.reshape(32, 9)], axis=-1).astype(jnp.float32)
    return {"verts": verts, "anchor_verts": anchor_verts, "obj_pts": obj_pts,
            "contact_gaussians": contact_gaussians, "K": 5,
            "weights_threshold": 0.01}


def reference(verts, anchor_verts, obj_pts, contact_gaussians, K=5, weights_threshold=0.01):
    # K-NN distances from every vert to the object point cloud
    d = cdist(verts, obj_pts)
    neg_vals, _ = jax.lax.top_k(-d, 5)
    distances = -neg_vals + (0 * K)  # [N, K] smallest-K distances
    # nearest anchor per vert (topk k=1 smallest == argmin)
    ad = cdist(verts, anchor_verts)
    anchor_indices = jnp.argmin(ad, axis=-1)  # [N]
    for i in range(32):
        mask = anchor_indices == i
        gi = contact_gaussians[i]
        is_zero = jnp.all(gi == 0)
        mean = gi[:3] + anchor_verts[i]
        cov = jnp.where(is_zero, jnp.eye(3, dtype=gi.dtype), gi[3:].reshape(3, 3))
        weights = jnp.exp(mvn_log_prob(verts, mean, cov))
        wmax = jnp.max(jnp.where(mask, weights, -jnp.inf))
        weights = jnp.where(wmax > 1.0, weights / wmax, weights)
        weights = jnp.where(weights > weights_threshold, weights, jnp.zeros_like(weights))
        weights = jax.lax.stop_gradient(weights)
        scaled = jnp.where(is_zero, jnp.zeros_like(distances), distances * weights[:, None])
        distances = jnp.where(mask[:, None], scaled, distances)
    return jnp.mean(distances ** 2)

if __name__ == "__main__":
    import jax
    _d = setup_inputs()
    print(jax.jit(kernel)(*tuple(_d.values())))

</pallas_src>

<mosaic_0001>
#map = affine_map<(d0, d1) -> (0)>
module attributes {stable_mosaic.version = 14 : i64} {
  func.func @stage2(%arg0: i32, %arg1: i32, %arg2: memref<7168xf32, #tpu.memory_space<hbm>>, %arg3: memref<7168xf32, #tpu.memory_space<hbm>>, %arg4: memref<7168xi32, #tpu.memory_space<hbm>>, %arg5: memref<128xf32, #tpu.memory_space<hbm>>, %arg6: memref<16xf32, #tpu.memory_space<hbm>>, %arg7: memref<448xf32, #tpu.memory_space<vmem>>, %arg8: memref<448xf32, #tpu.memory_space<vmem>>, %arg9: memref<448xi32, #tpu.memory_space<vmem>>, %arg10: memref<128xf32, #tpu.memory_space<vmem>>, %arg11: memref<256xf32, #tpu.memory_space<vmem_shared>>, %arg12: memref<256xf32, #tpu.memory_space<vmem>>, %arg13: memref<16xf32, #tpu.memory_space<vmem>>) attributes {dimension_semantics = [#tpu.dimension_semantics<core_parallel>, #tpu.dimension_semantics<subcore_parallel>], iteration_bounds = array<i64: 1, 16>, scalar_prefetch = 0 : i64, scratch_operands = 7 : i64, tpu.core_type = #tpu.core_type<sc_vector_subcore>, window_params = [{transform_indices = #map}, {transform_indices = #map}, {transform_indices = #map}, {transform_indices = #map}, {transform_indices = #map}]} {
    %mul3A = arith.constant 448 : i32
    %mul3A_0 = arith.muli %arg1, %mul3A : i32
    "tpu.region"() ({
      %run_scoped3A = tpu.sem_alloc : memref<!tpu.dma_semaphore, #tpu.memory_space<semaphore_mem>>
      %dma_start3A = tpu.memref_slice %arg2[%mul3A_0] : memref<7168xf32, #tpu.memory_space<hbm>> -> memref<448xf32, #tpu.memory_space<hbm>>
      %dma_start3A_1835 = tpu.memref_slice %arg2[%mul3A_0] : memref<7168xf32, #tpu.memory_space<hbm>> -> memref<448xf32, #tpu.memory_space<hbm>>
      tpu.enqueue_dma source(%dma_start3A_1835 : memref<448xf32, #tpu.memory_space<hbm>>) target(%arg7 : memref<448xf32, #tpu.memory_space<vmem>>) target_semaphore(%run_scoped3A : memref<!tpu.dma_semaphore, #tpu.memory_space<semaphore_mem>>)
      %dma_wait3A = tpu.memref_slice %arg2[%mul3A_0] : memref<7168xf32, #tpu.memory_space<hbm>> -> memref<448xf32, #tpu.memory_space<hbm>>
      %dma_wait3A_1836 = tpu.memref_slice %arg2[%mul3A_0] : memref<7168xf32, #tpu.memory_space<hbm>> -> memref<448xf32, #tpu.memory_space<hbm>>
      tpu.wait_dma2 semaphore(%run_scoped3A : memref<!tpu.dma_semaphore, #tpu.memory_space<semaphore_mem>>) src(%dma_wait3A_1836 : memref<448xf32, #tpu.memory_space<hbm>>) dst(%arg7 : memref<448xf32, #tpu.memory_space<vmem>>)
      tpu.yield
    }) : () -> ()
    "tpu.region"() ({
      %run_scoped3A = tpu.sem_alloc : memref<!tpu.dma_semaphore, #tpu.memory_space<semaphore_mem>>
      %dma_start3A = tpu.memref_slice %arg3[%mul3A_0] : memref<7168xf32, #tpu.memory_space<hbm>> -> memref<448xf32, #tpu.memory_space<hbm>>
      %dma_start3A_1835 = tpu.memref_slice %arg3[%mul3A_0] : memref<7168xf32, #tpu.memory_space<hbm>> -> memref<448xf32, #tpu.memory_space<hbm>>
      tpu.enqueue_dma source(%dma_start3A_1835 : memref<448xf32, #tpu.memory_space<hbm>>) target(%arg8 : memref<448xf32, #tpu.memory_space<vmem>>) target_semaphore(%run_scoped3A : memref<!tpu.dma_semaphore, #tpu.memory_space<semaphore_mem>>)
      %dma_wait3A = tpu.memref_slice %arg3[%mul3A_0] : memref<7168xf32, #tpu.memory_space<hbm>> -> memref<448xf32, #tpu.memory_space<hbm>>
      %dma_wait3A_1836 = tpu.memref_slice %arg3[%mul3A_0] : memref<7168xf32, #tpu.memory_space<hbm>> -> memref<448xf32, #tpu.memory_space<hbm>>
      tpu.wait_dma2 semaphore(%run_scoped3A : memref<!tpu.dma_semaphore, #tpu.memory_space<semaphore_mem>>) src(%dma_wait3A_1836 : memref<448xf32, #tpu.memory_space<hbm>>) dst(%arg8 : memref<448xf32, #tpu.memory_space<vmem>>)
      tpu.yield
    }) : () -> ()
    "tpu.region"() ({
      %run_scoped3A = tpu.sem_alloc : memref<!tpu.dma_semaphore, #tpu.memory_space<semaphore_mem>>
      %dma_start3A = tpu.memref_slice %arg4[%mul3A_0] : memref<7168xi32, #tpu.memory_space<hbm>> -> memref<448xi32, #tpu.memory_space<hbm>>
      %dma_start3A_1835 = tpu.memref_slice %arg4[%mul3A_0] : memref<7168xi32, #tpu.memory_space<hbm>> -> memref<448xi32, #tpu.memory_space<hbm>>
      tpu.enqueue_dma source(%dma_start3A_1835 : memref<448xi32, #tpu.memory_space<hbm>>) target(%arg9 : memref<448xi32, #tpu.memory_space<vmem>>) target_semaphore(%run_scoped3A : memref<!tpu.dma_semaphore, #tpu.memory_space<semaphore_mem>>)
      %dma_wait3A = tpu.memref_slice %arg4[%mul3A_0] : memref<7168xi32, #tpu.memory_space<hbm>> -> memref<448xi32, #tpu.memory_space<hbm>>
      %dma_wait3A_1836 = tpu.memref_slice %arg4[%mul3A_0] : memref<7168xi32, #tpu.memory_space<hbm>> -> memref<448xi32, #tpu.memory_space<hbm>>
      tpu.wait_dma2 semaphore(%run_scoped3A : memref<!tpu.dma_semaphore, #tpu.memory_space<semaphore_mem>>) src(%dma_wait3A_1836 : memref<448xi32, #tpu.memory_space<hbm>>) dst(%arg9 : memref<448xi32, #tpu.memory_space<vmem>>)
      tpu.yield
    }) : () -> ()
    "tpu.region"() ({
      %run_scoped3A = tpu.sem_alloc : memref<!tpu.dma_semaphore, #tpu.memory_space<semaphore_mem>>
      tpu.enqueue_dma source(%arg5 : memref<128xf32, #tpu.memory_space<hbm>>) target(%arg10 : memref<128xf32, #tpu.memory_space<vmem>>) target_semaphore(%run_scoped3A : memref<!tpu.dma_semaphore, #tpu.memory_space<semaphore_mem>>)
      tpu.wait_dma2 semaphore(%run_scoped3A : memref<!tpu.dma_semaphore, #tpu.memory_space<semaphore_mem>>) src(%arg5 : memref<128xf32, #tpu.memory_space<hbm>>) dst(%arg10 : memref<128xf32, #tpu.memory_space<vmem>>)
      tpu.yield
    }) : () -> ()
    %get3A = arith.constant 64 : index
    %get3A_1 = tpu.vector_load %arg10[%get3A] {strides = array<i32>} : memref<128xf32, #tpu.memory_space<vmem>>, vector<16xf32>,
    %get3A_2 = vector.shape_cast %get3A_1 : vector<16xf32> to vector<16xf32>
    %get3A_3 = arith.constant 0 : index
    %get3A_4 = tpu.vector_load %arg10[%get3A_3] {strides = array<i32>} : memref<128xf32, #tpu.memory_space<vmem>>, vector<16xf32>,
    %get3A_5 = vector.shape_cast %get3A_4 : vector<16xf32> to vector<16xf32>
    %get3A_6 = arith.constant 16 : index
    %get3A_7 = tpu.vector_load %arg10[%get3A_6] {strides = array<i32>} : memref<128xf32, #tpu.memory_space<vmem>>, vector<16xf32>,
    %get3A_8 = vector.shape_cast %get3A_7 : vector<16xf32> to vector<16xf32>
    %get3A_9 = arith.constant 32 : index
    %get3A_10 = tpu.vector_load %arg10[%get3A_9] {strides = array<i32>} : memref<128xf32, #tpu.memory_space<vmem>>, vector<16xf32>,
    %get3A_11 = vector.shape_cast %get3A_10 : vector<16xf32> to vector<16xf32>
    %get3A_12 = arith.constant 48 : index
    %get3A_13 = tpu.vector_load %arg10[%get3A_12] {strides = array<i32>} : memref<128xf32, #tpu.memory_space<vmem>>, vector<16xf32>,
    %get3A_14 = vector.shape_cast %get3A_13 : vector<16xf32> to vector<16xf32>
    %broadcast_in_dim3A = arith.constant 0.000000e+00 : f32
    %broadcast_in_dim3A_15 = vector.broadcast %broadcast_in_dim3A : f32 to vector<16xf32>
    %get3A_16 = arith.constant 0 : index
    %get3A_17 = tpu.vector_load %arg7[%get3A_16] {strides = array<i32>} : memref<448xf32, #tpu.memory_space<vmem>>, vector<16xf32>,
    %get3A_18 = vector.shape_cast %get3A_17 : vector<16xf32> to vector<16xf32>
    %get3A_19 = arith.constant 0 : index
    %get3A_20 = tpu.vector_load %arg8[%get3A_19] {strides = array<i32>} : memref<448xf32, #tpu.memory_space<vmem>>, vector<16xf32>,
    %get3A_21 = vector.shape_cast %get3A_20 : vector<16xf32> to vector<16xf32>
    %get3A_22 = arith.constant 0 : index
    %get3A_23 = tpu.vector_load %arg9[%get3A_22] {strides = array<i32>} : memref<448xi32, #tpu.memory_space<vmem>>, vector<16xi32>,
    %get3A_24 = vector.shape_cast %get3A_23 : vector<16xi32> to vector<16xi32>
    %lt3A = arith.constant 16 : i32
    %lt3A_25 = vector.broadcast %lt3A : i32 to vector<16xi32>
    %lt3A_26 = arith.cmpi slt, %get3A_24, %lt3A_25 : vector<16xi32>
    %jit3A = arith.constant 0 : i32
    %broadcast_in_dim3A_27 = vector.broadcast %jit3A : i32 to vector<16xi32>
    %select_n3A = arith.select %lt3A_26, %get3A_24, %broadcast_in_dim3A_27 : vector<16xi1>, vector<16xi32>
    %sub3A = arith.constant 16 : i32
    %sub3A_28 = vector.broadcast %sub3A : i32 to vector<16xi32>
    %sub3A_29 = arith.subi %get3A_24, %sub3A_28 : vector<16xi32>
    %jit3A_30 = arith.constant 0 : i32
    %broadcast_in_dim3A_31 = vector.broadcast %jit3A_30 : i32 to vector<16xi32>
    %select_n3A_32 = arith.select %lt3A_26, %broadcast_in_dim3A_31, %sub3A_29 : vector<16xi1>, vector<16xi32>
    %broadcast_in_dim3A_33 = vector.shape_cast %select_n3A : vector<16xi32> to vector<16x1xi32>
    %gather3A = vector.shape_cast %broadcast_in_dim3A_33 : vector<16x1xi32> to vector<16xi32>
    %gather3A_34 = tpu.dynamic_gather %get3A_5[%gather3A] in [0] : vector<16xf32>, vector<16xi32> -> vector<16xf32>
    %broadcast_in_dim3A_35 = vector.shape_cast %select_n3A_32 : vector<16xi32> to vector<16x1xi32>
    %gather3A_36 = vector.shape_cast %broadcast_in_dim3A_35 : vector<16x1xi32> to vector<16xi32>
    %gather3A_37 = tpu.dynamic_gather %get3A_8[%gather3A_36] in [0] : vector<16xf32>, vector<16xi32> -> vector<16xf32>
    %select_n3A_38 = arith.select %lt3A_26, %gather3A_34, %gather3A_37 : vector<16xi1>, vector<16xf32>
    %lt3A_39 = arith.constant 16 : i32
    %lt3A_40 = vector.broadcast %lt3A_39 : i32 to vector<16xi32>
    %lt3A_41 = arith.cmpi slt, %get3A_24, %lt3A_40 : vector<16xi32>
    %jit3A_42 = arith.constant 0 : i32
    %broadcast_in_dim3A_43 = vector.broadcast %jit3A_42 : i32 to vector<16xi32>
    %select_n3A_44 = arith.select %lt3A_41, %get3A_24, %broadcast_in_dim3A_43 : vector<16xi1>, vector<16xi32>
    %sub3A_45 = arith.constant 16 : i32
    %sub3A_46 = vector.broadcast %sub3A_45 : i32 to vector<16xi32>
    %sub3A_47 = arith.subi %get3A_24, %sub3A_46 : vector<16xi32>
    %jit3A_48 = arith.constant 0 : i32
    %broadcast_in_dim3A_49 = vector.broadcast %jit3A_48 : i32 to vector<16xi32>
    %select_n3A_50 = arith.select %lt3A_41, %broadcast_in_dim3A_49, %sub3A_47 : vector<16xi1>, vector<16xi32>
    %broadcast_in_dim3A_51 = vector.shape_cast %select_n3A_44 : vector<16xi32> to vector<16x1xi32>
    %gather3A_52 = vector.shape_cast %broadcast_in_dim3A_51 : vector<16x1xi32> to vector<16xi32>
    %gather3A_53 = tpu.dynamic_gather %get3A_11[%gather3A_52] in [0] : vector<16xf32>, vector<16xi32> -> vector<16xf32>
    %broadcast_in_dim3A_54 = vector.shape_cast %select_n3A_50 : vector<16xi32> to vector<16x1xi32>
    %gather3A_55 = vector.shape_cast %broadcast_in_dim3A_54 : vector<16x1xi32> to vector<16xi32>
    %gather3A_56 = tpu.dynamic_gather %get3A_14[%gather3A_55] in [0] : vector<16xf32>, vector<16xi32> -> vector<16xf32>
    %select_n3A_57 = arith.select %lt3A_41, %gather3A_53, %gather3A_56 : vector<16xi1>, vector<16xf32>
    %gt3A = arith.constant 1.000000e+00 : f32
    %gt3A_58 = vector.broadcast %gt3A : f32 to vector<16xf32>
    %gt3A_59 = arith.cmpf ogt, %select_n3A_38, %gt3A_58 : vector<16xf32>
    %div3A = arith.divf %get3A_21, %select_n3A_38 : vector<16xf32>
    %select_n3A_60 = arith.select %gt3A_59, %div3A, %get3A_21 : vector<16xi1>, vector<16xf32>
    %gt3A_61 = arith.cmpf ogt, %select_n3A_60, %get3A_2 : vector<16xf32>
    %jit3A_62 = arith.constant 0.000000e+00 : f32
    %broadcast_in_dim3A_63 = vector.broadcast %jit3A_62 : f32 to vector<16xf32>
    %select_n3A_64 = arith.select %gt3A_61, %select_n3A_60, %broadcast_in_dim3A_63 : vector<16xi1>, vector<16xf32>
    %gt3A_65 = arith.constant 5.000000e-01 : f32
    %gt3A_66 = vector.broadcast %gt3A_65 : f32 to vector<16xf32>
    %gt3A_67 = arith.cmpf ogt, %select_n3A_57, %gt3A_66 : vector<16xf32>
    %mul3A_68 = arith.mulf %select_n3A_64, %select_n3A_64 : vector<16xf32>
    %mul3A_69 = arith.mulf %mul3A_68, %get3A_18 : vector<16xf32>
    %jit3A_70 = arith.constant 0.000000e+00 : f32
    %broadcast_in_dim3A_71 = vector.broadcast %jit3A_70 : f32 to vector<16xf32>
    %select_n3A_72 = arith.select %gt3A_67, %broadcast_in_dim3A_71, %mul3A_69 : vector<16xi1>, vector<16xf32>
    %add3A = arith.addf %broadcast_in_dim3A_15, %select_n3A_72 : vector<16xf32>
    %get3A_73 = arith.constant 16 : index
    %get3A_74 = tpu.vector_load %arg7[%get3A_73] {strides = array<i32>} : memref<448xf32, #tpu.memory_space<vmem>>, vector<16xf32>,
    %get3A_75 = vector.shape_cast %get3A_74 : vector<16xf32> to vector<16xf32>
    %get3A_76 = arith.constant 16 : index
    %get3A_77 = tpu.vector_load %arg8[%get3A_76] {strides = array<i32>} : memref<448xf32, #tpu.memory_space<vmem>>, vector<16xf32>,
    %get3A_78 = vector.shape_cast %get3A_77 : vector<16xf32> to vector<16xf32>
    %get3A_79 = arith.constant 16 : index
    %get3A_80 = tpu.vector_load %arg9[%get3A_79] {strides = array<i32>} : memref<448xi32, #tpu.memory_space<vmem>>, vector<16xi32>,
    %get3A_81 = vector.shape_cast %get3A_80 : vector<16xi32> to vector<16xi32>
    %lt3A_82 = arith.constant 16 : i32
    %lt3A_83 = vector.broadcast %lt3A_82 : i32 to vector<16xi32>
    %lt3A_84 = arith.cmpi slt, %get3A_81, %lt3A_83 : vector<16xi32>
    %jit3A_85 = arith.constant 0 : i32
    %broadcast_in_dim3A_86 = vector.broadcast %jit3A_85 : i32 to vector<16xi32>
    %select_n3A_87 = arith.select %lt3A_84, %get3A_81, %broadcast_in_dim3A_86 : vector<16xi1>, vector<16xi32>
    %sub3A_88 = arith.constant 16 : i32
    %sub3A_89 = vector.broadcast %sub3A_88 : i32 to vector<16xi32>
    %sub3A_90 = arith.subi %get3A_81, %sub3A_89 : vector<16xi32>
    %jit3A_91 = arith.constant 0 : i32
    %broadcast_in_dim3A_92 = vector.broadcast %jit3A_91 : i32 to vector<16xi32>
    %select_n3A_93 = arith.select %lt3A_84, %broadcast_in_dim3A_92, %sub3A_90 : vector<16xi1>, vector<16xi32>
    %broadcast_in_dim3A_94 = vector.shape_cast %select_n3A_87 : vector<16xi32> to vector<16x1xi32>
    %gather3A_95 = vector.shape_cast %broadcast_in_dim3A_94 : vector<16x1xi32> to vector<16xi32>
    %gather3A_96 = tpu.dynamic_gather %get3A_5[%gather3A_95] in [0] : vector<16xf32>, vector<16xi32> -> vector<16xf32>
    %broadcast_in_dim3A_97 = vector.shape_cast %select_n3A_93 : vector<16xi32> to vector<16x1xi32>
    %gather3A_98 = vector.shape_cast %broadcast_in_dim3A_97 : vector<16x1xi32> to vector<16xi32>
    %gather3A_99 = tpu.dynamic_gather %get3A_8[%gather3A_98] in [0] : vector<16xf32>, vector<16xi32> -> vector<16xf32>
    %select_n3A_100 = arith.select %lt3A_84, %gather3A_96, %gather3A_99 : vector<16xi1>, vector<16xf32>
    %lt3A_101 = arith.constant 16 : i32
    %lt3A_102 = vector.broadcast %lt3A_101 : i32 to vector<16xi32>
    %lt3A_103 = arith.cmpi slt, %get3A_81, %lt3A_102 : vector<16xi32>
    %jit3A_104 = arith.constant 0 : i32
    %broadcast_in_dim3A_105 = vector.broadcast %jit3A_104 : i32 to vector<16xi32>
    %select_n3A_106 = arith.select %lt3A_103, %get3A_81, %broadcast_in_dim3A_105 : vector<16xi1>, vector<16xi32>
    %sub3A_107 = arith.constant 16 : i32
    %sub3A_108 = vector.broadcast %sub3A_107 : i32 to vector<16xi32>
    %sub3A_109 = arith.subi %get3A_81, %sub3A_108 : vector<16xi32>
    %jit3A_110 = arith.constant 0 : i32
    %broadcast_in_dim3A_111 = vector.broadcast %jit3A_110 : i32 to vector<16xi32>
    %select_n3A_112 = arith.select %lt3A_103, %broadcast_in_dim3A_111, %sub3A_109 : vector<16xi1>, vector<16xi32>
    %broadcast_in_dim3A_113 = vector.shape_cast %select_n3A_106 : vector<16xi32> to vector<16x1xi32>
    %gather3A_114 = vector.shape_cast %broadcast_in_dim3A_113 : vector<16x1xi32> to vector<16xi32>
    %gather3A_115 = tpu.dynamic_gather %get3A_11[%gather3A_114] in [0] : vector<16xf32>, vector<16xi32> -> vector<16xf32>
    %broadcast_in_dim3A_116 = vector.shape_cast %select_n3A_112 : vector<16xi32> to vector<16x1xi32>
    %gather3A_117 = vector.shape_cast %broadcast_in_dim3A_116 : vector<16x1xi32> to vector<16xi32>
    %gather3A_118 = tpu.dynamic_gather %get3A_14[%gather3A_117] in [0] : vector<16xf32>, vector<16xi32> -> vector<16xf32>
    %select_n3A_119 = arith.select %lt3A_103, %gather3A_115, %gather3A_118 : vector<16xi1>, vector<16xf32>
    %gt3A_120 = arith.constant 1.000000e+00 : f32
    %gt3A_121 = vector.broadcast %gt3A_120 : f32 to vector<16xf32>
    %gt3A_122 = arith.cmpf ogt, %select_n3A_100, %gt3A_121 : vector<16xf32>
    %div3A_123 = arith.divf %get3A_78, %select_n3A_100 : vector<16xf32>
    %select_n3A_124 = arith.select %gt3A_122, %div3A_123, %get3A_78 : vector<16xi1>, vector<16xf32>
    %gt3A_125 = arith.cmpf ogt, %select_n3A_124, %get3A_2 : vector<16xf32>
    %jit3A_126 = arith.constant 0.000000e+00 : f32
    %broadcast_in_dim3A_127 = vector.broadcast %jit3A_126 : f32 to vector<16xf32>
    %select_n3A_128 = arith.select %gt3A_125, %select_n3A_124, %broadcast_in_dim3A_127 : vector<16xi1>, vector<16xf32>
    %gt3A_129 = arith.constant 5.000000e-01 : f32
    %gt3A_130 = vector.broadcast %gt3A_129 : f32 to vector<16xf32>
    %gt3A_131 = arith.cmpf ogt, %select_n3A_119, %gt3A_130 : vector<16xf32>
    %mul3A_132 = arith.mulf %select_n3A_128, %select_n3A_128 : vector<16xf32>
    %mul3A_133 = arith.mulf %mul3A_132, %get3A_75 : vector<16xf32>
    %jit3A_134 = arith.constant 0.000000e+00 : f32
    %broadcast_in_dim3A_135 = vector.broadcast %jit3A_134 : f32 to vector<16xf32>
    %select_n3A_136 = arith.select %gt3A_131, %broadcast_in_dim3A_135, %mul3A_133 : vector<16xi1>, vector<16xf32>
    %add3A_137 = arith.addf %add3A, %select_n3A_136 : vector<16xf32>
    %get3A_138 = arith.constant 32 : index
    %get3A_139 = tpu.vector_load %arg7[%get3A_138] {strides = array<i32>} : memref<448xf32, #tpu.memory_space<vmem>>, vector<16xf32>,
    %get3A_140 = vector.shape_cast %get3A_139 : vector<16xf32> to vector<16xf32>
    %get3A_141 = arith.constant 32 : index
    %get3A_142 = tpu.vector_load %arg8[%get3A_141] {strides = array<i32>} : memref<448xf32, #tpu.memory_space<vmem>>, vector<16xf32>,
    %get3A_143 = vector.shape_cast %get3A_142 : vector<16xf32> to vector<16xf32>
    %get3A_144 = arith.constant 32 : index
    %get3A_145 = tpu.vector_load %arg9[%get3A_144] {strides = array<i32>} : memref<448xi32, #tpu.memory_space<vmem>>, vector<16xi32>,
    %get3A_146 = vector.shape_cast %get3A_145 : vector<16xi32> to vector<16xi32>
    %lt3A_147 = arith.constant 16 : i32
    %lt3A_148 = vector.broadcast %lt3A_147 : i32 to vector<16xi32>
    %lt3A_149 = arith.cmpi slt, %get3A_146, %lt3A_148 : vector<16xi32>
    %jit3A_150 = arith.constant 0 : i32
    %broadcast_in_dim3A_151 = vector.broadcast %jit3A_150 : i32 to vector<16xi32>
    %select_n3A_152 = arith.select %lt3A_149, %get3A_146, %broadcast_in_dim3A_151 : vector<16xi1>, vector<16xi32>
    %sub3A_153 = arith.constant 16 : i32
    %sub3A_154 = vector.broadcast %sub3A_153 : i32 to vector<16xi32>
    %sub3A_155 = arith.subi %get3A_146, %sub3A_154 : vector<16xi32>
    %jit3A_156 = arith.constant 0 : i32
    %broadcast_in_dim3A_157 = vector.broadcast %jit3A_156 : i32 to vector<16xi32>
    %select_n3A_158 = arith.select %lt3A_149, %broadcast_in_dim3A_157, %sub3A_155 : vector<16xi1>, vector<16xi32>
    %broadcast_in_dim3A_159 = vector.shape_cast %select_n3A_152 : vector<16xi32> to vector<16x1xi32>
    %gather3A_160 = vector.shape_cast %broadcast_in_dim3A_159 : vector<16x1xi32> to vector<16xi32>
    %gather3A_161 = tpu.dynamic_gather %get3A_5[%gather3A_160] in [0] : vector<16xf32>, vector<16xi32> -> vector<16xf32>
    %broadcast_in_dim3A_162 = vector.shape_cast %select_n3A_158 : vector<16xi32> to vector<16x1xi32>
    %gather3A_163 = vector.shape_cast %broadcast_in_dim3A_162 : vector<16x1xi32> to vector<16xi32>
    %gather3A_164 = tpu.dynamic_gather %get3A_8[%gather3A_163] in [0] : vector<16xf32>, vector<16xi32> -> vector<16xf32>
    %select_n3A_165 = arith.select %lt3A_149, %gather3A_161, %gather3A_164 : vector<16xi1>, vector<16xf32>
    %lt3A_166 = arith.constant 16 : i32
    %lt3A_167 = vector.broadcast %lt3A_166 : i32 to vector<16xi32>
    %lt3A_168 = arith.cmpi slt, %get3A_146, %lt3A_167 : vector<16xi32>
    %jit3A_169 = arith.constant 0 : i32
    %broadcast_in_dim3A_170 = vector.broadcast %jit3A_169 : i32 to vector<16xi32>
    %select_n3A_171 = arith.select %lt3A_168, %get3A_146, %broadcast_in_dim3A_170 : vector<16xi1>, vector<16xi32>
    %sub3A_172 = arith.constant 16 : i32
    %sub3A_173 = vector.broadcast %sub3A_172 : i32 to vector<16xi32>
    %sub3A_174 = arith.subi %get3A_146, %sub3A_173 : vector<16xi32>
    %jit3A_175 = arith.constant 0 : i32
    %broadcast_in_dim3A_176 = vector.broadcast %jit3A_175 : i32 to vector<16xi32>
    %select_n3A_177 = arith.select %lt3A_168, %broadcast_in_dim3A_176, %sub3A_174 : vector<16xi1>, vector<16xi32>
    %broadcast_in_dim3A_178 = vector.shape_cast %select_n3A_171 : vector<16xi32> to vector<16x1xi32>
    %gather3A_179 = vector.shape_cast %broadcast_in_dim3A_178 : vector<16x1xi32> to vector<16xi32>
    %gather3A_180 = tpu.dynamic_gather %get3A_11[%gather3A_179] in [0] : vector<16xf32>, vector<16xi32> -> vector<16xf32>
    %broadcast_in_dim3A_181 = vector.shape_cast %select_n3A_177 : vector<16xi32> to vector<16x1xi32>
    %gather3A_182 = vector.shape_cast %broadcast_in_dim3A_181 : vector<16x1xi32> to vector<16xi32>
    %gather3A_183 = tpu.dynamic_gather %get3A_14[%gather3A_182] in [0] : vector<16xf32>, vector<16xi32> -> vector<16xf32>
    %select_n3A_184 = arith.select %lt3A_168, %gather3A_180, %gather3A_183 : vector<16xi1>, vector<16xf32>
    %gt3A_185 = arith.constant 1.000000e+00 : f32
    %gt3A_186 = vector.broadcast %gt3A_185 : f32 to vector<16xf32>
    %gt3A_187 = arith.cmpf ogt, %select_n3A_165, %gt3A_186 : vector<16xf32>
    %div3A_188 = arith.divf %get3A_143, %select_n3A_165 : vector<16xf32>
    %select_n3A_189 = arith.select %gt3A_187, %div3A_188, %get3A_143 : vector<16xi1>, vector<16xf32>
    %gt3A_190 = arith.cmpf ogt, %select_n3A_189, %get3A_2 : vector<16xf32>
    %jit3A_191 = arith.constant 0.000000e+00 : f32
    %broadcast_in_dim3A_192 = vector.broadcast %jit3A_191 : f32 to vector<16xf32>
    %select_n3A_193 = arith.select %gt3A_190, %select_n3A_189, %broadcast_in_dim3A_192 : vector<16xi1>, vector<16xf32>
    %gt3A_194 = arith.constant 5.000000e-01 : f32
    %gt3A_195 = vector.broadcast %gt3A_194 : f32 to vector<16xf32>
    %gt3A_196 = arith.cmpf ogt, %select_n3A_184, %gt3A_195 : vector<16xf32>
    %mul3A_197 = arith.mulf %select_n3A_193, %select_n3A_193 : vector<16xf32>
    %mul3A_198 = arith.mulf %mul3A_197, %get3A_140 : vector<16xf32>
    %jit3A_199 = arith.constant 0.000000e+00 : f32
    %broadcast_in_dim3A_200 = vector.broadcast %jit3A_199 : f32 to vector<16xf32>
    %select_n3A_201 = arith.select %gt3A_196, %broadcast_in_dim3A_200, %mul3A_198 : vector<16xi1>, vector<16xf32>
    %add3A_202 = arith.addf %add3A_137, %select_n3A_201 : vector<16xf32>
    %get3A_203 = arith.constant 48 : index
    %get3A_204 = tpu.vector_load %arg7[%get3A_203] {strides = array<i32>} : memref<448xf32, #tpu.memory_space<vmem>>, vector<16xf32>,
    %get3A_205 = vector.shape_cast %get3A_204 : vector<16xf32> to vector<16xf32>
    %get3A_206 = arith.constant 48 : index
    %get3A_207 = tpu.vector_load %arg8[%get3A_206] {strides = array<i32>} : memref<448xf32, #tpu.memory_space<vmem>>, vector<16xf32>,
    %get3A_208 = vector.shape_cast %get3A_207 : vector<16xf32> to vector<16xf32>
    %get3A_209 = arith.constant 48 : index
    %get3A_210 = tpu.vector_load %arg9[%get3A_209] {strides = array<i32>} : memref<448xi32, #tpu.memory_space<vmem>>, vector<16xi32>,
    %get3A_211 = vector.shape_cast %get3A_210 : vector<16xi32> to vector<16xi32>
    %lt3A_212 = arith.constant 16 : i32
    %lt3A_213 = vector.broadcast %lt3A_212 : i32 to vector<16xi32>
    %lt3A_214 = arith.cmpi slt, %get3A_211, %lt3A_213 : vector<16xi32>
    %jit3A_215 = arith.constant 0 : i32
    %broadcast_in_dim3A_216 = vector.broadcast %jit3A_215 : i32 to vector<16xi32>
    %select_n3A_217 = arith.select %lt3A_214, %get3A_211, %broadcast_in_dim3A_216 : vector<16xi1>, vector<16xi32>
    %sub3A_218 = arith.constant 16 : i32
    %sub3A_219 = vector.broadcast %sub3A_218 : i32 to vector<16xi32>
    %sub3A_220 = arith.subi %get3A_211, %sub3A_219 : vector<16xi32>
    %jit3A_221 = arith.constant 0 : i32
    %broadcast_in_dim3A_222 = vector.broadcast %jit3A_221 : i32 to vector<16xi32>
    %select_n3A_223 = arith.select %lt3A_214, %broadcast_in_dim3A_222, %sub3A_220 : vector<16xi1>, vector<16xi32>
    %broadcast_in_dim3A_224 = vector.shape_cast %select_n3A_217 : vector<16xi32> to vector<16x1xi32>
    %gather3A_225 = vector.shape_cast %broadcast_in_dim3A_224 : vector<16x1xi32> to vector<16xi32>
    %gather3A_226 = tpu.dynamic_gather %get3A_5[%gather3A_225] in [0] : vector<16xf32>, vector<16xi32> -> vector<16xf32>
    %broadcast_in_dim3A_227 = vector.shape_cast %select_n3A_223 : vector<16xi32> to vector<16x1xi32>
    %gather3A_228 = vector.shape_cast %broadcast_in_dim3A_227 : vector<16x1xi32> to vector<16xi32>
    %gather3A_229 = tpu.dynamic_gather %get3A_8[%gather3A_228] in [0] : vector<16xf32>, vector<16xi32> -> vector<16xf32>
    %select_n3A_230 = arith.select %lt3A_214, %gather3A_226, %gather3A_229 : vector<16xi1>, vector<16xf32>
    %lt3A_231 = arith.constant 16 : i32
    %lt3A_232 = vector.broadcast %lt3A_231 : i32 to vector<16xi32>
    %lt3A_233 = arith.cmpi slt, %get3A_211, %lt3A_232 : vector<16xi32>
    %jit3A_234 = arith.constant 0 : i32
    %broadcast_in_dim3A_235 = vector.broadcast %jit3A_234 : i32 to vector<16xi32>
    %select_n3A_236 = arith.select %lt3A_233, %get3A_211, %broadcast_in_dim3A_235 : vector<16xi1>, vector<16xi32>
    %sub3A_237 = arith.constant 16 : i32
    %sub3A_238 = vector.broadcast %sub3A_237 : i32 to vector<16xi32>
    %sub3A_239 = arith.subi %get3A_211, %sub3A_238 : vector<16xi32>
    %jit3A_240 = arith.constant 0 : i32
    %broadcast_in_dim3A_241 = vector.broadcast %jit3A_240 : i32 to vector<16xi32>
    %select_n3A_242 = arith.select %lt3A_233, %broadcast_in_dim3A_241, %sub3A_239 : vector<16xi1>, vector<16xi32>
    %broadcast_in_dim3A_243 = vector.shape_cast %select_n3A_236 : vector<16xi32> to vector<16x1xi32>
    %gather3A_244 = vector.shape_cast %broadcast_in_dim3A_243 : vector<16x1xi32> to vector<16xi32>
    %gather3A_245 = tpu.dynamic_gather %get3A_11[%gather3A_244] in [0] : vector<16xf32>, vector<16xi32> -> vector<16xf32>
    %broadcast_in_dim3A_246 = vector.shape_cast %select_n3A_242 : vector<16xi32> to vector<16x1xi32>
    %gather3A_247 = vector.shape_cast %broadcast_in_dim3A_246 : vector<16x1xi32> to vector<16xi32>
    %gather3A_248 = tpu.dynamic_gather %get3A_14[%gather3A_247] in [0] : vector<16xf32>, vector<16xi32> -> vector<16xf32>
    %select_n3A_249 = arith.select %lt3A_233, %gather3A_245, %gather3A_248 : vector<16xi1>, vector<16xf32>
    %gt3A_250 = arith.constant 1.000000e+00 : f32
    %gt3A_251 = vector.broadcast %gt3A_250 : f32 to vector<16xf32>
    %gt3A_252 = arith.cmpf ogt, %select_n3A_230, %gt3A_251 : vector<16xf32>
    %div3A_253 = arith.divf %get3A_208, %select_n3A_230 : vector<16xf32>
    %select_n3A_254 = arith.select %gt3A_252, %div3A_253, %get3A_208 : vector<16xi1>, vector<16xf32>
    %gt3A_255 = arith.cmpf ogt, %select_n3A_254, %get3A_2 : vector<16xf32>
    %jit3A_256 = arith.constant 0.000000e+00 : f32
    %broadcast_in_dim3A_257 = vector.broadcast %jit3A_256 : f32 to vector<16xf32>
    %select_n3A_258 = arith.select %gt3A_255, %select_n3A_254, %broadcast_in_dim3A_257 : vector<16xi1>, vector<16xf32>
    %gt3A_259 = arith.constant 5.000000e-01 : f32
    %gt3A_260 = vector.broadcast %gt3A_259 : f32 to vector<16xf32>
    %gt3A_261 = arith.cmpf ogt, %select_n3A_249, %gt3A_260 : vector<16xf32>
    %mul3A_262 = arith.mulf %select_n3A_258, %select_n3A_258 : vector<16xf32>
    %mul3A_263 = arith.mulf %mul3A_262, %get3A_205 : vector<16xf32>
    %jit3A_264 = arith.constant 0.000000e+00 : f32
    %broadcast_in_dim3A_265 = vector.broadcast %jit3A_264 : f32 to vector<16xf32>
    %select_n3A_266 = arith.select %gt3A_261, %broadcast_in_dim3A_265, %mul3A_263 : vector<16xi1>, vector<16xf32>
    %add3A_267 = arith.addf %add3A_202, %select_n3A_266 : vector<16xf32>
    %get3A_268 = arith.constant 64 : index
    %get3A_269 = tpu.vector_load %arg7[%get3A_268] {strides = array<i32>} : memref<448xf32, #tpu.memory_space<vmem>>, vector<16xf32>,
    %get3A_270 = vector.shape_cast %get3A_269 : vector<16xf32> to vector<16xf32>
    %get3A_271 = arith.constant 64 : index
    %get3A_272 = tpu.vector_load %arg8[%get3A_271] {strides = array<i32>} : memref<448xf32, #tpu.memory_space<vmem>>, vector<16xf32>,
    %get3A_273 = vector.shape_cast %get3A_272 : vector<16xf32> to vector<16xf32>
    %get3A_274 = arith.constant 64 : index
    %get3A_275 = tpu.vector_load %arg9[%get3A_274] {strides = array<i32>} : memref<448xi32, #tpu.memory_space<vmem>>, vector<16xi32>,
    %get3A_276 = vector.shape_cast %get3A_275 : vector<16xi32> to vector<16xi32>
    %lt3A_277 = arith.constant 16 : i32
    %lt3A_278 = vector.broadcast %lt3A_277 : i32 to vector<16xi32>
    %lt3A_279 = arith.cmpi slt, %get3A_276, %lt3A_278 : vector<16xi32>
    %jit3A_280 = arith.constant 0 : i32
    %broadcast_in_dim3A_281 = vector.broadcast %jit3A_280 : i32 to vector<16xi32>
    %select_n3A_282 = arith.select %lt3A_279, %get3A_276, %broadcast_in_dim3A_281 : vector<16xi1>, vector<16xi32>
    %sub3A_283 = arith.constant 16 : i32
    %sub3A_284 = vector.broadcast %sub3A_283 : i32 to vector<16xi32>
    %sub3A_285 = arith.subi %get3A_276, %sub3A_284 : vector<16xi32>
    %jit3A_286 = arith.constant 0 : i32
    %broadcast_in_dim3A_287 = vector.broadcast %jit3A_286 : i32 to vector<16xi32>
    %select_n3A_288 = arith.select %lt3A_279, %broadcast_in_dim3A_287, %sub3A_285 : vector<16xi1>, vector<16xi32>
    %broadcast_in_dim3A_289 = vector.shape_cast %select_n3A_282 : vector<16xi32> to vector<16x1xi32>
    %gather3A_290 = vector.shape_cast %broadcast_in_dim3A_289 : vector<16x1xi32> to vector<16xi32>
    %gather3A_291 = tpu.dynamic_gather %get3A_5[%gather3A_290] in [0] : vector<16xf32>, vector<16xi32> -> vector<16xf32>
    %broadcast_in_dim3A_292 = vector.shape_cast %select_n3A_288 : vector<16xi32> to vector<16x1xi32>
    %gather3A_293 = vector.shape_cast %broadcast_in_dim3A_292 : vector<16x1xi32> to vector<16xi32>
    %gather3A_294 = tpu.dynamic_gather %get3A_8[%gather3A_293] in [0] : vector<16xf32>, vector<16xi32> -> vector<16xf32>
    %select_n3A_295 = arith.select %lt3A_279, %gather3A_291, %gather3A_294 : vector<16xi1>, vector<16xf32>
    %lt3A_296 = arith.constant 16 : i32
    %lt3A_297 = vector.broadcast %lt3A_296 : i32 to vector<16xi32>
    %lt3A_298 = arith.cmpi slt, %get3A_276, %lt3A_297 : vector<16xi32>
    %jit3A_299 = arith.constant 0 : i32
    %broadcast_in_dim3A_300 = vector.broadcast %jit3A_299 : i32 to vector<16xi32>
    %select_n3A_301 = arith.select %lt3A_298, %get3A_276, %broadcast_in_dim3A_300 : vector<16xi1>, vector<16xi32>
    %sub3A_302 = arith.constant 16 : i32
    %sub3A_303 = vector.broadcast %sub3A_302 : i32 to vector<16xi32>
    %sub3A_304 = arith.subi %get3A_276, %sub3A_303 : vector<16xi32>
    %jit3A_305 = arith.constant 0 : i32
    %broadcast_in_dim3A_306 = vector.broadcast %jit3A_305 : i32 to vector<16xi32>
    %select_n3A_307 = arith.select %lt3A_298, %broadcast_in_dim3A_306, %sub3A_304 : vector<16xi1>, vector<16xi32>
    %broadcast_in_dim3A_308 = vector.shape_cast %select_n3A_301 : vector<16xi32> to vector<16x1xi32>
    %gather3A_309 = vector.shape_cast %broadcast_in_dim3A_308 : vector<16x1xi32> to vector<16xi32>
    %gather3A_310 = tpu.dynamic_gather %get3A_11[%gather3A_309] in [0] : vector<16xf32>, vector<16xi32> -> vector<16xf32>
    %broadcast_in_dim3A_311 = vector.shape_cast %select_n3A_307 : vector<16xi32> to vector<16x1xi32>
    %gather3A_312 = vector.shape_cast %broadcast_in_dim3A_311 : vector<16x1xi32> to vector<16xi32>
    %gather3A_313 = tpu.dynamic_gather %get3A_14[%gather3A_312] in [0] : vector<16xf32>, vector<16xi32> -> vector<16xf32>
    %select_n3A_314 = arith.select %lt3A_298, %gather3A_310, %gather3A_313 : vector<16xi1>, vector<16xf32>
    %gt3A_315 = arith.constant 1.000000e+00 : f32
    %gt3A_316 = vector.broadcast %gt3A_315 : f32 to vector<16xf32>
    %gt3A_317 = arith.cmpf ogt, %select_n3A_295, %gt3A_316 : vector<16xf32>
    %div3A_318 = arith.divf %get3A_273, %select_n3A_295 : vector<16xf32>
    %select_n3A_319 = arith.select %gt3A_317, %div3A_318, %get3A_273 : vector<16xi1>, vector<16xf32>
    %gt3A_320 = arith.cmpf ogt, %select_n3A_319, %get3A_2 : vector<16xf32>
    %jit3A_321 = arith.constant 0.000000e+00 : f32
    %broadcast_in_dim3A_322 = vector.broadcast %jit3A_321 : f32 to vector<16xf32>
    %select_n3A_323 = arith.select %gt3A_320, %select_n3A_319, %broadcast_in_dim3A_322 : vector<16xi1>, vector<16xf32>
    %gt3A_324 = arith.constant 5.000000e-01 : f32
    %gt3A_325 = vector.broadcast %gt3A_324 : f32 to vector<16xf32>
    %gt3A_326 = arith.cmpf ogt, %select_n3A_314, %gt3A_325 : vector<16xf32>
    %mul3A_327 = arith.mulf %select_n3A_323, %select_n3A_323 : vector<16xf32>
    %mul3A_328 = arith.mulf %mul3A_327, %get3A_270 : vector<16xf32>
    %jit3A_329 = arith.constant 0.000000e+00 : f32
    %broadcast_in_dim3A_330 = vector.broadcast %jit3A_329 : f32 to vector<16xf32>
    %select_n3A_331 = arith.select %gt3A_326, %broadcast_in_dim3A_330, %mul3A_328 : vector<16xi1>, vector<16xf32>
    %add3A_332 = arith.addf %add3A_267, %select_n3A_331 : vector<16xf32>
    %get3A_333 = arith.constant 80 : index
    %get3A_334 = tpu.vector_load %arg7[%get3A_333] {strides = array<i32>} : memref<448xf32, #tpu.memory_space<vmem>>, vector<16xf32>,
    %get3A_335 = vector.shape_cast %get3A_334 : vector<16xf32> to vector<16xf32>
    %get3A_336 = arith.constant 80 : index
    %get3A_337 = tpu.vector_load %arg8[%get3A_336] {strides = array<i32>} : memref<448xf32, #tpu.memory_space<vmem>>, vector<16xf32>,
    %get3A_338 = vector.shape_cast %get3A_337 : vector<16xf32> to vector<16xf32>
    %get3A_339 = arith.constant 80 : index
    %get3A_340 = tpu.vector_load %arg9[%get3A_339] {strides = array<i32>} : memref<448xi32, #tpu.memory_space<vmem>>, vector<16xi32>,
    %get3A_341 = vector.shape_cast %get3A_340 : vector<16xi32> to vector<16xi32>
    %lt3A_342 = arith.constant 16 : i32
    %lt3A_343 = vector.broadcast %lt3A_342 : i32 to vector<16xi32>
    %lt3A_344 = arith.cmpi slt, %get3A_341, %lt3A_343 : vector<16xi32>
    %jit3A_345 = arith.constant 0 : i32
    %broadcast_in_dim3A_346 = vector.broadcast %jit3A_345 : i32 to vector<16xi32>
    %select_n3A_347 = arith.select %lt3A_344, %get3A_341, %broadcast_in_dim3A_346 : vector<16xi1>, vector<16xi32>
    %sub3A_348 = arith.constant 16 : i32
    %sub3A_349 = vector.broadcast %sub3A_348 : i32 to vector<16xi32>
    %sub3A_350 = arith.subi %get3A_341, %sub3A_349 : vector<16xi32>
    %jit3A_351 = arith.constant 0 : i32
    %broadcast_in_dim3A_352 = vector.broadcast %jit3A_351 : i32 to vector<16xi32>
    %select_n3A_353 = arith.select %lt3A_344, %broadcast_in_dim3A_352, %sub3A_350 : vector<16xi1>, vector<16xi32>
    %broadcast_in_dim3A_354 = vector.shape_cast %select_n3A_347 : vector<16xi32> to vector<16x1xi32>
    %gather3A_355 = vector.shape_cast %broadcast_in_dim3A_354 : vector<16x1xi32> to vector<16xi32>
    %gather3A_356 = tpu.dynamic_gather %get3A_5[%gather3A_355] in [0] : vector<16xf32>, vector<16xi32> -> vector<16xf32>
    %broadcast_in_dim3A_357 = vector.shape_cast %select_n3A_353 : vector<16xi32> to vector<16x1xi32>
    %gather3A_358 = vector.shape_cast %broadcast_in_dim3A_357 : vector<16x1xi32> to vector<16xi32>
    %gather3A_359 = tpu.dynamic_gather %get3A_8[%gather3A_358] in [0] : vector<16xf32>, vector<16xi32> -> vector<16xf32>
    %select_n3A_360 = arith.select %lt3A_344, %gather3A_356, %gather3A_359 : vector<16xi1>, vector<16xf32>
    %lt3A_361 = arith.constant 16 : i32
    %lt3A_362 = vector.broadcast %lt3A_361 : i32 to vector<16xi32>
    %lt3A_363 = arith.cmpi slt, %get3A_341, %lt3A_362 : vector<16xi32>
    %jit3A_364 = arith.constant 0 : i32
    %broadcast_in_dim3A_365 = vector.broadcast %jit3A_364 : i32 to vector<16xi32>
    %select_n3A_366 = arith.select %lt3A_363, %get3A_341, %broadcast_in_dim3A_365 : vector<16xi1>, vector<16xi32>
    %sub3A_367 = arith.constant 16 : i32
    %sub3A_368 = vector.broadcast %sub3A_367 : i32 to vector<16xi32>
    %sub3A_369 = arith.subi %get3A_341, %sub3A_368 : vector<16xi32>
    %jit3A_370 = arith.constant 0 : i32
    %broadcast_in_dim3A_371 = vector.broadcast %jit3A_370 : i32 to vector<16xi32>
    %select_n3A_372 = arith.select %lt3A_363, %broadcast_in_dim3A_371, %sub3A_369 : vector<16xi1>, vector<16xi32>
    %broadcast_in_dim3A_373 = vector.shape_cast %select_n3A_366 : vector<16xi32> to vector<16x1xi32>
    %gather3A_374 = vector.shape_cast %broadcast_in_dim3A_373 : vector<16x1xi32> to vector<16xi32>
    %gather3A_375 = tpu.dynamic_gather %get3A_11[%gather3A_374] in [0] : vector<16xf32>, vector<16xi32> -> vector<16xf32>
    %broadcast_in_dim3A_376 = vector.shape_cast %select_n3A_372 : vector<16xi32> to vector<16x1xi32>
    %gather3A_377 = vector.shape_cast %broadcast_in_dim3A_376 : vector<16x1xi32> to vector<16xi32>
    %gather3A_378 = tpu.dynamic_gather %get3A_14[%gather3A_377] in [0] : vector<16xf32>, vector<16xi32> -> vector<16xf32>
    %select_n3A_379 = arith.select %lt3A_363, %gather3A_375, %gather3A_378 : vector<16xi1>, vector<16xf32>
    %gt3A_380 = arith.constant 1.000000e+00 : f32
    %gt3A_381 = vector.broadcast %gt3A_380 : f32 to vector<16xf32>
    %gt3A_382 = arith.cmpf ogt, %select_n3A_360, %gt3A_381 : vector<16xf32>
    %div3A_383 = arith.divf %get3A_338, %select_n3A_360 : vector<16xf32>
    %select_n3A_384 = arith.select %gt3A_382, %div3A_383, %get3A_338 : vector<16xi1>, vector<16xf32>
    %gt3A_385 = arith.cmpf ogt, %select_n3A_384, %get3A_2 : vector<16xf32>
    %jit3A_386 = arith.constant 0.000000e+00 : f32
    %broadcast_in_dim3A_387 = vector.broadcast %jit3A_386 : f32 to vector<16xf32>
    %select_n3A_388 = arith.select %gt3A_385, %select_n3A_384, %broadcast_in_dim3A_387 : vector<16xi1>, vector<16xf32>
    %gt3A_389 = arith.constant 5.000000e-01 : f32
    %gt3A_390 = vector.broadcast %gt3A_389 : f32 to vector<16xf32>
    %gt3A_391 = arith.cmpf ogt, %select_n3A_379, %gt3A_390 : vector<16xf32>
    %mul3A_392 = arith.mulf %select_n3A_388, %select_n3A_388 : vector<16xf32>
    %mul3A_393 = arith.mulf %mul3A_392, %get3A_335 : vector<16xf32>
    %jit3A_394 = arith.constant 0.000000e+00 : f32
    %broadcast_in_dim3A_395 = vector.broadcast %jit3A_394 : f32 to vector<16xf32>
    %select_n3A_396 = arith.select %gt3A_391, %broadcast_in_dim3A_395, %mul3A_393 : vector<16xi1>, vector<16xf32>
    %add3A_397 = arith.addf %add3A_332, %select_n3A_396 : vector<16xf32>
    %get3A_398 = arith.constant 96 : index
    %get3A_399 = tpu.vector_load %arg7[%get3A_398] {strides = array<i32>} : memref<448xf32, #tpu.memory_space<vmem>>, vector<16xf32>,
    %get3A_400 = vector.shape_cast %get3A_399 : vector<16xf32> to vector<16xf32>
    %get3A_401 = arith.constant 96 : index
    %get3A_402 = tpu.vector_load %arg8[%get3A_401] {strides = array<i32>} : memref<448xf32, #tpu.memory_space<vmem>>, vector<16xf32>,
    %get3A_403 = vector.shape_cast %get3A_402 : vector<16xf32> to vector<16xf32>
    %get3A_404 = arith.constant 96 : index
    %get3A_405 = tpu.vector_load %arg9[%get3A_404] {strides = array<i32>} : memref<448xi32, #tpu.memory_space<vmem>>, vector<16xi32>,
    %get3A_406 = vector.shape_cast %get3A_405 : vector<16xi32> to vector<16xi32>
    %lt3A_407 = arith.constant 16 : i32
    %lt3A_408 = vector.broadcast %lt3A_407 : i32 to vector<16xi32>
    %lt3A_409 = arith.cmpi slt, %get3A_406, %lt3A_408 : vector<16xi32>
    %jit3A_410 = arith.constant 0 : i32
    %broadcast_in_dim3A_411 = vector.broadcast %jit3A_410 : i32 to vector<16xi32>
    %select_n3A_412 = arith.select %lt3A_409, %get3A_406, %broadcast_in_dim3A_411 : vector<16xi1>, vector<16xi32>
    %sub3A_413 = arith.constant 16 : i32
    %sub3A_414 = vector.broadcast %sub3A_413 : i32 to vector<16xi32>
    %sub3A_415 = arith.subi %get3A_406, %sub3A_414 : vector<16xi32>
    %jit3A_416 = arith.constant 0 : i32
    %broadcast_in_dim3A_417 = vector.broadcast %jit3A_416 : i32 to vector<16xi32>
    %select_n3A_418 = arith.select %lt3A_409, %broadcast_in_dim3A_417, %sub3A_415 : vector<16xi1>, vector<16xi32>
    %broadcast_in_dim3A_419 = vector.shape_cast %select_n3A_412 : vector<16xi32> to vector<16x1xi32>
    %gather3A_420 = vector.shape_cast %broadcast_in_dim3A_419 : vector<16x1xi32> to vector<16xi32>
    %gather3A_421 = tpu.dynamic_gather %get3A_5[%gather3A_420] in [0] : vector<16xf32>, vector<16xi32> -> vector<16xf32>
    %broadcast_in_dim3A_422 = vector.shape_cast %select_n3A_418 : vector<16xi32> to vector<16x1xi32>
    %gather3A_423 = vector.shape_cast %broadcast_in_dim3A_422 : vector<16x1xi32> to vector<16xi32>
    %gather3A_424 = tpu.dynamic_gather %get3A_8[%gather3A_423] in [0] : vector<16xf32>, vector<16xi32> -> vector<16xf32>
    %select_n3A_425 = arith.select %lt3A_409, %gather3A_421, %gather3A_424 : vector<16xi1>, vector<16xf32>
    %lt3A_426 = arith.constant 16 : i32
    %lt3A_427 = vector.broadcast %lt3A_426 : i32 to vector<16xi32>
    %lt3A_428 = arith.cmpi slt, %get3A_406, %lt3A_427 : vector<16xi32>
    %jit3A_429 = arith.constant 0 : i32
    %broadcast_in_dim3A_430 = vector.broadcast %jit3A_429 : i32 to vector<16xi32>
    %select_n3A_431 = arith.select %lt3A_428, %get3A_406, %broadcast_in_dim3A_430 : vector<16xi1>, vector<16xi32>
    %sub3A_432 = arith.constant 16 : i32
    %sub3A_433 = vector.broadcast %sub3A_432 : i32 to vector<16xi32>
    %sub3A_434 = arith.subi %get3A_406, %sub3A_433 : vector<16xi32>
    %jit3A_435 = arith.constant 0 : i32
    %broadcast_in_dim3A_436 = vector.broadcast %jit3A_435 : i32 to vector<16xi32>
    %select_n3A_437 = arith.select %lt3A_428, %broadcast_in_dim3A_436, %sub3A_434 : vector<16xi1>, vector<16xi32>
    %broadcast_in_dim3A_438 = vector.shape_cast %select_n3A_431 : vector<16xi32> to vector<16x1xi32>
    %gather3A_439 = vector.shape_cast %broadcast_in_dim3A_438 : vector<16x1xi32> to vector<16xi32>
    %gather3A_440 = tpu.dynamic_gather %get3A_11[%gather3A_439] in [0] : vector<16xf32>, vector<16xi32> -> vector<16xf32>
    %broadcast_in_dim3A_441 = vector.shape_cast %select_n3A_437 : vector<16xi32> to vector<16x1xi32>
    %gather3A_442 = vector.shape_cast %broadcast_in_dim3A_441 : vector<16x1xi32> to vector<16xi32>
    %gather3A_443 = tpu.dynamic_gather %get3A_14[%gather3A_442] in [0] : vector<16xf32>, vector<16xi32> -> vector<16xf32>
    %select_n3A_444 = arith.select %lt3A_428, %gather3A_440, %gather3A_443 : vector<16xi1>, vector<16xf32>
    %gt3A_445 = arith.constant 1.000000e+00 : f32
    %gt3A_446 = vector.broadcast %gt3A_445 : f32 to vector<16xf32>
    %gt3A_447 = arith.cmpf ogt, %select_n3A_425, %gt3A_446 : vector<16xf32>
    %div3A_448 = arith.divf %get3A_403, %select_n3A_425 : vector<16xf32>
    %select_n3A_449 = arith.select %gt3A_447, %div3A_448, %get3A_403 : vector<16xi1>, vector<16xf32>
    %gt3A_450 = arith.cmpf ogt, %select_n3A_449, %get3A_2 : vector<16xf32>
    %jit3A_451 = arith.constant 0.000000e+00 : f32
    %broadcast_in_dim3A_452 = vector.broadcast %jit3A_451 : f32 to vector<16xf32>
    %select_n3A_453 = arith.select %gt3A_450, %select_n3A_449, %broadcast_in_dim3A_452 : vector<16xi1>, vector<16xf32>
    %gt3A_454 = arith.constant 5.000000e-01 : f32
    %gt3A_455 = vector.broadcast %gt3A_454 : f32 to vector<16xf32>
    %gt3A_456 = arith.cmpf ogt, %select_n3A_444, %gt3A_455 : vector<16xf32>
    %mul3A_457 = arith.mulf %select_n3A_453, %select_n3A_453 : vector<16xf32>
    %mul3A_458 = arith.mulf %mul3A_457, %get3A_400 : vector<16xf32>
    %jit3A_459 = arith.constant 0.000000e+00 : f32
    %broadcast_in_dim3A_460 = vector.broadcast %jit3A_459 : f32 to vector<16xf32>
    %select_n3A_461 = arith.select %gt3A_456, %broadcast_in_dim3A_460, %mul3A_458 : vector<16xi1>, vector<16xf32>
    %add3A_462 = arith.addf %add3A_397, %select_n3A_461 : vector<16xf32>
    %get3A_463 = arith.constant 112 : index
    %get3A_464 = tpu.vector_load %arg7[%get3A_463] {strides = array<i32>} : memref<448xf32, #tpu.memory_space<vmem>>, vector<16xf32>,
    %get3A_465 = vector.shape_cast %get3A_464 : vector<16xf32> to vector<16xf32>
    %get3A_466 = arith.constant 112 : index
    %get3A_467 = tpu.vector_load %arg8[%get3A_466] {strides = array<i32>} : memref<448xf32, #tpu.memory_space<vmem>>, vector<16xf32>,
    %get3A_468 = vector.shape_cast %get3A_467 : vector<16xf32> to vector<16xf32>
    %get3A_469 = arith.constant 112 : index
    %get3A_470 = tpu.vector_load %arg9[%get3A_469] {strides = array<i32>} : memref<448xi32, #tpu.memory_space<vmem>>, vector<16xi32>,
    %get3A_471 = vector.shape_cast %get3A_470 : vector<16xi32> to vector<16xi32>
    %lt3A_472 = arith.constant 16 : i32
    %lt3A_473 = vector.broadcast %lt3A_472 : i32 to vector<16xi32>
    %lt3A_474 = arith.cmpi slt, %get3A_471, %lt3A_473 : vector<16xi32>
    %jit3A_475 = arith.constant 0 : i32
    %broadcast_in_dim3A_476 = vector.broadcast %jit3A_475 : i32 to vector<16xi32>
    %select_n3A_477 = arith.select %lt3A_474, %get3A_471, %broadcast_in_dim3A_476 : vector<16xi1>, vector<16xi32>
    %sub3A_478 = arith.constant 16 : i32
    %sub3A_479 = vector.broadcast %sub3A_478 : i32 to vector<16xi32>
    %sub3A_480 = arith.subi %get3A_471, %sub3A_479 : vector<16xi32>
    %jit3A_481 = arith.constant 0 : i32
    %broadcast_in_dim3A_482 = vector.broadcast %jit3A_481 : i32 to vector<16xi32>
    %select_n3A_483 = arith.select %lt3A_474, %broadcast_in_dim3A_482, %sub3A_480 : vector<16xi1>, vector<16xi32>
    %broadcast_in_dim3A_484 = vector.shape_cast %select_n3A_477 : vector<16xi32> to vector<16x1xi32>
    %gather3A_485 = vector.shape_cast %broadcast_in_dim3A_484 : vector<16x1xi32> to vector<16xi32>
    %gather3A_486 = tpu.dynamic_gather %get3A_5[%gather3A_485] in [0] : vector<16xf32>, vector<16xi32> -> vector<16xf32>
    %broadcast_in_dim3A_487 = vector.shape_cast %select_n3A_483 : vector<16xi32> to vector<16x1xi32>
    %gather3A_488 = vector.shape_cast %broadcast_in_dim3A_487 : vector<16x1xi32> to vector<16xi32>
    %gather3A_489 = tpu.dynamic_gather %get3A_8[%gather3A_488] in [0] : vector<16xf32>, vector<16xi32> -> vector<16xf32>
    %select_n3A_490 = arith.select %lt3A_474, %gather3A_486, %gather3A_489 : vector<16xi1>, vector<16xf32>
    %lt3A_491 = arith.constant 16 : i32
    %lt3A_492 = vector.broadcast %lt3A_491 : i32 to vector<16xi32>
    %lt3A_493 = arith.cmpi slt, %get3A_471, %lt3A_492 : vector<16xi32>
    %jit3A_494 = arith.constant 0 : i32
    %broadcast_in_dim3A_495 = vector.broadcast %jit3A_494 : i32 to vector<16xi32>
    %select_n3A_496 = arith.select %lt3A_493, %get3A_471, %broadcast_in_dim3A_495 : vector<16xi1>, vector<16xi32>
    %sub3A_497 = arith.constant 16 : i32
    %sub3A_498 = vector.broadcast %sub3A_497 : i32 to vector<16xi32>
    %sub3A_499 = arith.subi %get3A_471, %sub3A_498 : vector<16xi32>
    %jit3A_500 = arith.constant 0 : i32
    %broadcast_in_dim3A_501 = vector.broadcast %jit3A_500 : i32 to vector<16xi32>
    %select_n3A_502 = arith.select %lt3A_493, %broadcast_in_dim3A_501, %sub3A_499 : vector<16xi1>, vector<16xi32>
    %broadcast_in_dim3A_503 = vector.shape_cast %select_n3A_496 : vector<16xi32> to vector<16x1xi32>
    %gather3A_504 = vector.shape_cast %broadcast_in_dim3A_503 : vector<16x1xi32> to vector<16xi32>
    %gather3A_505 = tpu.dynamic_gather %get3A_11[%gather3A_504] in [0] : vector<16xf32>, vector<16xi32> -> vector<16xf32>
    %broadcast_in_dim3A_506 = vector.shape_cast %select_n3A_502 : vector<16xi32> to vector<16x1xi32>
    %gather3A_507 = vector.shape_cast %broadcast_in_dim3A_506 : vector<16x1xi32> to vector<16xi32>
    %gather3A_508 = tpu.dynamic_gather %get3A_14[%gather3A_507] in [0] : vector<16xf32>, vector<16xi32> -> vector<16xf32>
    %select_n3A_509 = arith.select %lt3A_493, %gather3A_505, %gather3A_508 : vector<16xi1>, vector<16xf32>
    %gt3A_510 = arith.constant 1.000000e+00 : f32
    %gt3A_511 = vector.broadcast %gt3A_510 : f32 to vector<16xf32>
    %gt3A_512 = arith.cmpf ogt, %select_n3A_490, %gt3A_511 : vector<16xf32>
    %div3A_513 = arith.divf %get3A_468, %select_n3A_490 : vector<16xf32>
    %select_n3A_514 = arith.select %gt3A_512, %div3A_513, %get3A_468 : vector<16xi1>, vector<16xf32>
    %gt3A_515 = arith.cmpf ogt, %select_n3A_514, %get3A_2 : vector<16xf32>
    %jit3A_516 = arith.constant 0.000000e+00 : f32
    %broadcast_in_dim3A_517 = vector.broadcast %jit3A_516 : f32 to vector<16xf32>
    %select_n3A_518 = arith.select %gt3A_515, %select_n3A_514, %broadcast_in_dim3A_517 : vector<16xi1>, vector<16xf32>
    %gt3A_519 = arith.constant 5.000000e-01 : f32
    %gt3A_520 = vector.broadcast %gt3A_519 : f32 to vector<16xf32>
    %gt3A_521 = arith.cmpf ogt, %select_n3A_509, %gt3A_520 : vector<16xf32>
    %mul3A_522 = arith.mulf %select_n3A_518, %select_n3A_518 : vector<16xf32>
    %mul3A_523 = arith.mulf %mul3A_522, %get3A_465 : vector<16xf32>
    %jit3A_524 = arith.constant 0.000000e+00 : f32
    %broadcast_in_dim3A_525 = vector.broadcast %jit3A_524 : f32 to vector<16xf32>
    %select_n3A_526 = arith.select %gt3A_521, %broadcast_in_dim3A_525, %mul3A_523 : vector<16xi1>, vector<16xf32>
    %add3A_527 = arith.addf %add3A_462, %select_n3A_526 : vector<16xf32>
    %get3A_528 = arith.constant 128 : index
    %get3A_529 = tpu.vector_load %arg7[%get3A_528] {strides = array<i32>} : memref<448xf32, #tpu.memory_space<vmem>>, vector<16xf32>,
    %get3A_530 = vector.shape_cast %get3A_529 : vector<16xf32> to vector<16xf32>
    %get3A_531 = arith.constant 128 : index
    %get3A_532 = tpu.vector_load %arg8[%get3A_531] {strides = array<i32>} : memref<448xf32, #tpu.memory_space<vmem>>, vector<16xf32>,
    %get3A_533 = vector.shape_cast %get3A_532 : vector<16xf32> to vector<16xf32>
    %get3A_534 = arith.constant 128 : index
    %get3A_535 = tpu.vector_load %arg9[%get3A_534] {strides = array<i32>} : memref<448xi32, #tpu.memory_space<vmem>>, vector<16xi32>,
    %get3A_536 = vector.shape_cast %get3A_535 : vector<16xi32> to vector<16xi32>
    %lt3A_537 = arith.constant 16 : i32
    %lt3A_538 = vector.broadcast %lt3A_537 : i32 to vector<16xi32>
    %lt3A_539 = arith.cmpi slt, %get3A_536, %lt3A_538 : vector<16xi32>
    %jit3A_540 = arith.constant 0 : i32
    %broadcast_in_dim3A_541 = vector.broadcast %jit3A_540 : i32 to vector<16xi32>
    %select_n3A_542 = arith.select %lt3A_539, %get3A_536, %broadcast_in_dim3A_541 : vector<16xi1>, vector<16xi32>
    %sub3A_543 = arith.constant 16 : i32
    %sub3A_544 = vector.broadcast %sub3A_543 : i32 to vector<16xi32>
    %sub3A_545 = arith.subi %get3A_536, %sub3A_544 : vector<16xi32>
    %jit3A_546 = arith.constant 0 : i32
    %broadcast_in_dim3A_547 = vector.broadcast %jit3A_546 : i32 to vector<16xi32>
    %select_n3A_548 = arith.select %lt3A_539, %broadcast_in_dim3A_547, %sub3A_545 : vector<16xi1>, vector<16xi32>
    %broadcast_in_dim3A_549 = vector.shape_cast %select_n3A_542 : vector<16xi32> to vector<16x1xi32>
    %gather3A_550 = vector.shape_cast %broadcast_in_dim3A_549 : vector<16x1xi32> to vector<16xi32>
    %gather3A_551 = tpu.dynamic_gather %get3A_5[%gather3A_550] in [0] : vector<16xf32>, vector<16xi32> -> vector<16xf32>
    %broadcast_in_dim3A_552 = vector.shape_cast %select_n3A_548 : vector<16xi32> to vector<16x1xi32>
    %gather3A_553 = vector.shape_cast %broadcast_in_dim3A_552 : vector<16x1xi32> to vector<16xi32>
    %gather3A_554 = tpu.dynamic_gather %get3A_8[%gather3A_553] in [0] : vector<16xf32>, vector<16xi32> -> vector<16xf32>
    %select_n3A_555 = arith.select %lt3A_539, %gather3A_551, %gather3A_554 : vector<16xi1>, vector<16xf32>
    %lt3A_556 = arith.constant 16 : i32
    %lt3A_557 = vector.broadcast %lt3A_556 : i32 to vector<16xi32>
    %lt3A_558 = arith.cmpi slt, %get3A_536, %lt3A_557 : vector<16xi32>
    %jit3A_559 = arith.constant 0 : i32
    %broadcast_in_dim3A_560 = vector.broadcast %jit3A_559 : i32 to vector<16xi32>
    %select_n3A_561 = arith.select %lt3A_558, %get3A_536, %broadcast_in_dim3A_560 : vector<16xi1>, vector<16xi32>
    %sub3A_562 = arith.constant 16 : i32
    %sub3A_563 = vector.broadcast %sub3A_562 : i32 to vector<16xi32>
    %sub3A_564 = arith.subi %get3A_536, %sub3A_563 : vector<16xi32>
    %jit3A_565 = arith.constant 0 : i32
    %broadcast_in_dim3A_566 = vector.broadcast %jit3A_565 : i32 to vector<16xi32>
    %select_n3A_567 = arith.select %lt3A_558, %broadcast_in_dim3A_566, %sub3A_564 : vector<16xi1>, vector<16xi32>
    %broadcast_in_dim3A_568 = vector.shape_cast %select_n3A_561 : vector<16xi32> to vector<16x1xi32>
    %gather3A_569 = vector.shape_cast %broadcast_in_dim3A_568 : vector<16x1xi32> to vector<16xi32>
    %gather3A_570 = tpu.dynamic_gather %get3A_11[%gather3A_569] in [0] : vector<16xf32>, vector<16xi32> -> vector<16xf32>
    %broadcast_in_dim3A_571 = vector.shape_cast %select_n3A_567 : vector<16xi32> to vector<16x1xi32>
    %gather3A_572 = vector.shape_cast %broadcast_in_dim3A_571 : vector<16x1xi32> to vector<16xi32>
    %gather3A_573 = tpu.dynamic_gather %get3A_14[%gather3A_572] in [0] : vector<16xf32>, vector<16xi32> -> vector<16xf32>
    %select_n3A_574 = arith.select %lt3A_558, %gather3A_570, %gather3A_573 : vector<16xi1>, vector<16xf32>
    %gt3A_575 = arith.constant 1.000000e+00 : f32
    %gt3A_576 = vector.broadcast %gt3A_575 : f32 to vector<16xf32>
    %gt3A_577 = arith.cmpf ogt, %select_n3A_555, %gt3A_576 : vector<16xf32>
    %div3A_578 = arith.divf %get3A_533, %select_n3A_555 : vector<16xf32>
    %select_n3A_579 = arith.select %gt3A_577, %div3A_578, %get3A_533 : vector<16xi1>, vector<16xf32>
    %gt3A_580 = arith.cmpf ogt, %select_n3A_579, %get3A_2 : vector<16xf32>
    %jit3A_581 = arith.constant 0.000000e+00 : f32
    %broadcast_in_dim3A_582 = vector.broadcast %jit3A_581 : f32 to vector<16xf32>
    %select_n3A_583 = arith.select %gt3A_580, %select_n3A_579, %broadcast_in_dim3A_582 : vector<16xi1>, vector<16xf32>
    %gt3A_584 = arith.constant 5.000000e-01 : f32
    %gt3A_585 = vector.broadcast %gt3A_584 : f32 to vector<16xf32>
    %gt3A_586 = arith.cmpf ogt, %select_n3A_574, %gt3A_585 : vector<16xf32>
    %mul3A_587 = arith.mulf %select_n3A_583, %select_n3A_583 : vector<16xf32>
    %mul3A_588 = arith.mulf %mul3A_587, %get3A_530 : vector<16xf32>
    %jit3A_589 = arith.constant 0.000000e+00 : f32
    %broadcast_in_dim3A_590 = vector.broadcast %jit3A_589 : f32 to vector<16xf32>
    %select_n3A_591 = arith.select %gt3A_586, %broadcast_in_dim3A_590, %mul3A_588 : vector<16xi1>, vector<16xf32>
    %add3A_592 = arith.addf %add3A_527, %select_n3A_591 : vector<16xf32>
    %get3A_593 = arith.constant 144 : index
    %get3A_594 = tpu.vector_load %arg7[%get3A_593] {strides = array<i32>} : memref<448xf32, #tpu.memory_space<vmem>>, vector<16xf32>,
    %get3A_595 = vector.shape_cast %get3A_594 : vector<16xf32> to vector<16xf32>
    %get3A_596 = arith.constant 144 : index
    %get3A_597 = tpu.vector_load %arg8[%get3A_596] {strides = array<i32>} : memref<448xf32, #tpu.memory_space<vmem>>, vector<16xf32>,
    %get3A_598 = vector.shape_cast %get3A_597 : vector<16xf32> to vector<16xf32>
    %get3A_599 = arith.constant 144 : index
    %get3A_600 = tpu.vector_load %arg9[%get3A_599] {strides = array<i32>} : memref<448xi32, #tpu.memory_space<vmem>>, vector<16xi32>,
    %get3A_601 = vector.shape_cast %get3A_600 : vector<16xi32> to vector<16xi32>
    %lt3A_602 = arith.constant 16 : i32
    %lt3A_603 = vector.broadcast %lt3A_602 : i32 to vector<16xi32>
    %lt3A_604 = arith.cmpi slt, %get3A_601, %lt3A_603 : vector<16xi32>
    %jit3A_605 = arith.constant 0 : i32
    %broadcast_in_dim3A_606 = vector.broadcast %jit3A_605 : i32 to vector<16xi32>
    %select_n3A_607 = arith.select %lt3A_604, %get3A_601, %broadcast_in_dim3A_606 : vector<16xi1>, vector<16xi32>
    %sub3A_608 = arith.constant 16 : i32
    %sub3A_609 = vector.broadcast %sub3A_608 : i32 to vector<16xi32>
    %sub3A_610 = arith.subi %get3A_601, %sub3A_609 : vector<16xi32>
    %jit3A_611 = arith.constant 0 : i32
    %broadcast_in_dim3A_612 = vector.broadcast %jit3A_611 : i32 to vector<16xi32>
    %select_n3A_613 = arith.select %lt3A_604, %broadcast_in_dim3A_612, %sub3A_610 : vector<16xi1>, vector<16xi32>
    %broadcast_in_dim3A_614 = vector.shape_cast %select_n3A_607 : vector<16xi32> to vector<16x1xi32>
    %gather3A_615 = vector.shape_cast %broadcast_in_dim3A_614 : vector<16x1xi32> to vector<16xi32>
    %gather3A_616 = tpu.dynamic_gather %get3A_5[%gather3A_615] in [0] : vector<16xf32>, vector<16xi32> -> vector<16xf32>
    %broadcast_in_dim3A_617 = vector.shape_cast %select_n3A_613 : vector<16xi32> to vector<16x1xi32>
    %gather3A_618 = vector.shape_cast %broadcast_in_dim3A_617 : vector<16x1xi32> to vector<16xi32>
    %gather3A_619 = tpu.dynamic_gather %get3A_8[%gather3A_618] in [0] : vector<16xf32>, vector<16xi32> -> vector<16xf32>
    %select_n3A_620 = arith.select %lt3A_604, %gather3A_616, %gather3A_619 : vector<16xi1>, vector<16xf32>
    %lt3A_621 = arith.constant 16 : i32
    %lt3A_622 = vector.broadcast %lt3A_621 : i32 to vector<16xi32>
    %lt3A_623 = arith.cmpi slt, %get3A_601, %lt3A_622 : vector<16xi32>
    %jit3A_624 = arith.constant 0 : i32
    %broadcast_in_dim3A_625 = vector.broadcast %jit3A_624 : i32 to vector<16xi32>
    %select_n3A_626 = arith.select %lt3A_623, %get3A_601, %broadcast_in_dim3A_625 : vector<16xi1>, vector<16xi32>
    %sub3A_627 = arith.constant 16 : i32
    %sub3A_628 = vector.broadcast %sub3A_627 : i32 to vector<16xi32>
    %sub3A_629 = arith.subi %get3A_601, %sub3A_628 : vector<16xi32>
    %jit3A_630 = arith.constant 0 : i32
    %broadcast_in_dim3A_631 = vector.broadcast %jit3A_630 : i32 to vector<16xi32>
    %select_n3A_632 = arith.select %lt3A_623, %broadcast_in_dim3A_631, %sub3A_629 : vector<16xi1>, vector<16xi32>
    %broadcast_in_dim3A_633 = vector.shape_cast %select_n3A_626 : vector<16xi32> to vector<16x1xi32>
    %gather3A_634 = vector.shape_cast %broadcast_in_dim3A_633 : vector<16x1xi32> to vector<16xi32>
    %gather3A_635 = tpu.dynamic_gather %get3A_11[%gather3A_634] in [0] : vector<16xf32>, vector<16xi32> -> vector<16xf32>
    %broadcast_in_dim3A_636 = vector.shape_cast %select_n3A_632 : vector<16xi32> to vector<16x1xi32>
    %gather3A_637 = vector.shape_cast %broadcast_in_dim3A_636 : vector<16x1xi32> to vector<16xi32>
    %gather3A_638 = tpu.dynamic_gather %get3A_14[%gather3A_637] in [0] : vector<16xf32>, vector<16xi32> -> vector<16xf32>
    %select_n3A_639 = arith.select %lt3A_623, %gather3A_635, %gather3A_638 : vector<16xi1>, vector<16xf32>
    %gt3A_640 = arith.constant 1.000000e+00 : f32
    %gt3A_641 = vector.broadcast %gt3A_640 : f32 to vector<16xf32>
    %gt3A_642 = arith.cmpf ogt, %select_n3A_620, %gt3A_641 : vector<16xf32>
    %div3A_643 = arith.divf %get3A_598, %select_n3A_620 : vector<16xf32>
    %select_n3A_644 = arith.select %gt3A_642, %div3A_643, %get3A_598 : vector<16xi1>, vector<16xf32>
    %gt3A_645 = arith.cmpf ogt, %select_n3A_644, %get3A_2 : vector<16xf32>
    %jit3A_646 = arith.constant 0.000000e+00 : f32
    %broadcast_in_dim3A_647 = vector.broadcast %jit3A_646 : f32 to vector<16xf32>
    %select_n3A_648 = arith.select %gt3A_645, %select_n3A_644, %broadcast_in_dim3A_647 : vector<16xi1>, vector<16xf32>
    %gt3A_649 = arith.constant 5.000000e-01 : f32
    %gt3A_650 = vector.broadcast %gt3A_649 : f32 to vector<16xf32>
    %gt3A_651 = arith.cmpf ogt, %select_n3A_639, %gt3A_650 : vector<16xf32>
    %mul3A_652 = arith.mulf %select_n3A_648, %select_n3A_648 : vector<16xf32>
    %mul3A_653 = arith.mulf %mul3A_652, %get3A_595 : vector<16xf32>
    %jit3A_654 = arith.constant 0.000000e+00 : f32
    %broadcast_in_dim3A_655 = vector.broadcast %jit3A_654 : f32 to vector<16xf32>
    %select_n3A_656 = arith.select %gt3A_651, %broadcast_in_dim3A_655, %mul3A_653 : vector<16xi1>, vector<16xf32>
    %add3A_657 = arith.addf %add3A_592, %select_n3A_656 : vector<16xf32>
    %get3A_658 = arith.constant 160 : index
    %get3A_659 = tpu.vector_load %arg7[%get3A_658] {strides = array<i32>} : memref<448xf32, #tpu.memory_space<vmem>>, vector<16xf32>,
    %get3A_660 = vector.shape_cast %get3A_659 : vector<16xf32> to vector<16xf32>
    %get3A_661 = arith.constant 160 : index
    %get3A_662 = tpu.vector_load %arg8[%get3A_661] {strides = array<i32>} : memref<448xf32, #tpu.memory_space<vmem>>, vector<16xf32>,
    %get3A_663 = vector.shape_cast %get3A_662 : vector<16xf32> to vector<16xf32>
    %get3A_664 = arith.constant 160 : index
    %get3A_665 = tpu.vector_load %arg9[%get3A_664] {strides = array<i32>} : memref<448xi32, #tpu.memory_space<vmem>>, vector<16xi32>,
    %get3A_666 = vector.shape_cast %get3A_665 : vector<16xi32> to vector<16xi32>
    %lt3A_667 = arith.constant 16 : i32
    %lt3A_668 = vector.broadcast %lt3A_667 : i32 to vector<16xi32>
    %lt3A_669 = arith.cmpi slt, %get3A_666, %lt3A_668 : vector<16xi32>
    %jit3A_670 = arith.constant 0 : i32
    %broadcast_in_dim3A_671 = vector.broadcast %jit3A_670 : i32 to vector<16xi32>
    %select_n3A_672 = arith.select %lt3A_669, %get3A_666, %broadcast_in_dim3A_671 : vector<16xi1>, vector<16xi32>
    %sub3A_673 = arith.constant 16 : i32
    %sub3A_674 = vector.broadcast %sub3A_673 : i32 to vector<16xi32>
    %sub3A_675 = arith.subi %get3A_666, %sub3A_674 : vector<16xi32>
    %jit3A_676 = arith.constant 0 : i32
    %broadcast_in_dim3A_677 = vector.broadcast %jit3A_676 : i32 to vector<16xi32>
    %select_n3A_678 = arith.select %lt3A_669, %broadcast_in_dim3A_677, %sub3A_675 : vector<16xi1>, vector<16xi32>
    %broadcast_in_dim3A_679 = vector.shape_cast %select_n3A_672 : vector<16xi32> to vector<16x1xi32>
    %gather3A_680 = vector.shape_cast %broadcast_in_dim3A_679 : vector<16x1xi32> to vector<16xi32>
    %gather3A_681 = tpu.dynamic_gather %get3A_5[%gather3A_680] in [0] : vector<16xf32>, vector<16xi32> -> vector<16xf32>
    %broadcast_in_dim3A_682 = vector.shape_cast %select_n3A_678 : vector<16xi32> to vector<16x1xi32>
    %gather3A_683 = vector.shape_cast %broadcast_in_dim3A_682 : vector<16x1xi32> to vector<16xi32>
    %gather3A_684 = tpu.dynamic_gather %get3A_8[%gather3A_683] in [0] : vector<16xf32>, vector<16xi32> -> vector<16xf32>
    %select_n3A_685 = arith.select %lt3A_669, %gather3A_681, %gather3A_684 : vector<16xi1>, vector<16xf32>
    %lt3A_686 = arith.constant 16 : i32
    %lt3A_687 = vector.broadcast %lt3A_686 : i32 to vector<16xi32>
    %lt3A_688 = arith.cmpi slt, %get3A_666, %lt3A_687 : vector<16xi32>
    %jit3A_689 = arith.constant 0 : i32
    %broadcast_in_dim3A_690 = vector.broadcast %jit3A_689 : i32 to vector<16xi32>
    %select_n3A_691 = arith.select %lt3A_688, %get3A_666, %broadcast_in_dim3A_690 : vector<16xi1>, vector<16xi32>
    %sub3A_692 = arith.constant 16 : i32
    %sub3A_693 = vector.broadcast %sub3A_692 : i32 to vector<16xi32>
    %sub3A_694 = arith.subi %get3A_666, %sub3A_693 : vector<16xi32>
    %jit3A_695 = arith.constant 0 : i32
    %broadcast_in_dim3A_696 = vector.broadcast %jit3A_695 : i32 to vector<16xi32>
    %select_n3A_697 = arith.select %lt3A_688, %broadcast_in_dim3A_696, %sub3A_694 : vector<16xi1>, vector<16xi32>
    %broadcast_in_dim3A_698 = vector.shape_cast %select_n3A_691 : vector<16xi32> to vector<16x1xi32>
    %gather3A_699 = vector.shape_cast %broadcast_in_dim3A_698 : vector<16x1xi32> to vector<16xi32>
    %gather3A_700 = tpu.dynamic_gather %get3A_11[%gather3A_699] in [0] : vector<16xf32>, vector<16xi32> -> vector<16xf32>
    %broadcast_in_dim3A_701 = vector.shape_cast %select_n3A_697 : vector<16xi32> to vector<16x1xi32>
    %gather3A_702 = vector.shape_cast %broadcast_in_dim3A_701 : vector<16x1xi32> to vector<16xi32>
    %gather3A_703 = tpu.dynamic_gather %get3A_14[%gather3A_702] in [0] : vector<16xf32>, vector<16xi32> -> vector<16xf32>
    %select_n3A_704 = arith.select %lt3A_688, %gather3A_700, %gather3A_703 : vector<16xi1>, vector<16xf32>
    %gt3A_705 = arith.constant 1.000000e+00 : f32
    %gt3A_706 = vector.broadcast %gt3A_705 : f32 to vector<16xf32>
    %gt3A_707 = arith.cmpf ogt, %select_n3A_685, %gt3A_706 : vector<16xf32>
    %div3A_708 = arith.divf %get3A_663, %select_n3A_685 : vector<16xf32>
    %select_n3A_709 = arith.select %gt3A_707, %div3A_708, %get3A_663 : vector<16xi1>, vector<16xf32>
    %gt3A_710 = arith.cmpf ogt, %select_n3A_709, %get3A_2 : vector<16xf32>
    %jit3A_711 = arith.constant 0.000000e+00 : f32
    %broadcast_in_dim3A_712 = vector.broadcast %jit3A_711 : f32 to vector<16xf32>
    %select_n3A_713 = arith.select %gt3A_710, %select_n3A_709, %broadcast_in_dim3A_712 : vector<16xi1>, vector<16xf32>
    %gt3A_714 = arith.constant 5.000000e-01 : f32
    %gt3A_715 = vector.broadcast %gt3A_714 : f32 to vector<16xf32>
    %gt3A_716 = arith.cmpf ogt, %select_n3A_704, %gt3A_715 : vector<16xf32>
    %mul3A_717 = arith.mulf %select_n3A_713, %select_n3A_713 : vector<16xf32>
    %mul3A_718 = arith.mulf %mul3A_717, %get3A_660 : vector<16xf32>
    %jit3A_719 = arith.constant 0.000000e+00 : f32
    %broadcast_in_dim3A_720 = vector.broadcast %jit3A_719 : f32 to vector<16xf32>
    %select_n3A_721 = arith.select %gt3A_716, %broadcast_in_dim3A_720, %mul3A_718 : vector<16xi1>, vector<16xf32>
    %add3A_722 = arith.addf %add3A_657, %select_n3A_721 : vector<16xf32>
    %get3A_723 = arith.constant 176 : index
    %get3A_724 = tpu.vector_load %arg7[%get3A_723] {strides = array<i32>} : memref<448xf32, #tpu.memory_space<vmem>>, vector<16xf32>,
    %get3A_725 = vector.shape_cast %get3A_724 : vector<16xf32> to vector<16xf32>
    %get3A_726 = arith.constant 176 : index
    %get3A_727 = tpu.vector_load %arg8[%get3A_726] {strides = array<i32>} : memref<448xf32, #tpu.memory_space<vmem>>, vector<16xf32>,
    %get3A_728 = vector.shape_cast %get3A_727 : vector<16xf32> to vector<16xf32>
    %get3A_729 = arith.constant 176 : index
    %get3A_730 = tpu.vector_load %arg9[%get3A_729] {strides = array<i32>} : memref<448xi32, #tpu.memory_space<vmem>>, vector<16xi32>,
    %get3A_731 = vector.shape_cast %get3A_730 : vector<16xi32> to vector<16xi32>
    %lt3A_732 = arith.constant 16 : i32
    %lt3A_733 = vector.broadcast %lt3A_732 : i32 to vector<16xi32>
    %lt3A_734 = arith.cmpi slt, %get3A_731, %lt3A_733 : vector<16xi32>
    %jit3A_735 = arith.constant 0 : i32
    %broadcast_in_dim3A_736 = vector.broadcast %jit3A_735 : i32 to vector<16xi32>
    %select_n3A_737 = arith.select %lt3A_734, %get3A_731, %broadcast_in_dim3A_736 : vector<16xi1>, vector<16xi32>
    %sub3A_738 = arith.constant 16 : i32
    %sub3A_739 = vector.broadcast %sub3A_738 : i32 to vector<16xi32>
    %sub3A_740 = arith.subi %get3A_731, %sub3A_739 : vector<16xi32>
    %jit3A_741 = arith.constant 0 : i32
    %broadcast_in_dim3A_742 = vector.broadcast %jit3A_741 : i32 to vector<16xi32>
    %select_n3A_743 = arith.select %lt3A_734, %broadcast_in_dim3A_742, %sub3A_740 : vector<16xi1>, vector<16xi32>
    %broadcast_in_dim3A_744 = vector.shape_cast %select_n3A_737 : vector<16xi32> to vector<16x1xi32>
    %gather3A_745 = vector.shape_cast %broadcast_in_dim3A_744 : vector<16x1xi32> to vector<16xi32>
    %gather3A_746 = tpu.dynamic_gather %get3A_5[%gather3A_745] in [0] : vector<16xf32>, vector<16xi32> -> vector<16xf32>
    %broadcast_in_dim3A_747 = vector.shape_cast %select_n3A_743 : vector<16xi32> to vector<16x1xi32>
    %gather3A_748 = vector.shape_cast %broadcast_in_dim3A_747 : vector<16x1xi32> to vector<16xi32>
    %gather3A_749 = tpu.dynamic_gather %get3A_8[%gather3A_748] in [0] : vector<16xf32>, vector<16xi32> -> vector<16xf32>
    %select_n3A_750 = arith.select %lt3A_734, %gather3A_746, %gather3A_749 : vector<16xi1>, vector<16xf32>
    %lt3A_751 = arith.constant 16 : i32
    %lt3A_752 = vector.broadcast %lt3A_751 : i32 to vector<16xi32>
    %lt3A_753 = arith.cmpi slt, %get3A_731, %lt3A_752 : vector<16xi32>
    %jit3A_754 = arith.constant 0 : i32
    %broadcast_in_dim3A_755 = vector.broadcast %jit3A_754 : i32 to vector<16xi32>
    %select_n3A_756 = arith.select %lt3A_753, %get3A_731, %broadcast_in_dim3A_755 : vector<16xi1>, vector<16xi32>
    %sub3A_757 = arith.constant 16 : i32
    %sub3A_758 = vector.broadcast %sub3A_757 : i32 to vector<16xi32>
    %sub3A_759 = arith.subi %get3A_731, %sub3A_758 : vector<16xi32>
    %jit3A_760 = arith.constant 0 : i32
    %broadcast_in_dim3A_761 = vector.broadcast %jit3A_760 : i32 to vector<16xi32>
    %select_n3A_762 = arith.select %lt3A_753, %broadcast_in_dim3A_761, %sub3A_759 : vector<16xi1>, vector<16xi32>
    %broadcast_in_dim3A_763 = vector.shape_cast %select_n3A_756 : vector<16xi32> to vector<16x1xi32>
    %gather3A_764 = vector.shape_cast %broadcast_in_dim3A_763 : vector<16x1xi32> to vector<16xi32>
    %gather3A_765 = tpu.dynamic_gather %get3A_11[%gather3A_764] in [0] : vector<16xf32>, vector<16xi32> -> vector<16xf32>
    %broadcast_in_dim3A_766 = vector.shape_cast %select_n3A_762 : vector<16xi32> to vector<16x1xi32>
    %gather3A_767 = vector.shape_cast %broadcast_in_dim3A_766 : vector<16x1xi32> to vector<16xi32>
    %gather3A_768 = tpu.dynamic_gather %get3A_14[%gather3A_767] in [0] : vector<16xf32>, vector<16xi32> -> vector<16xf32>
    %select_n3A_769 = arith.select %lt3A_753, %gather3A_765, %gather3A_768 : vector<16xi1>, vector<16xf32>
    %gt3A_770 = arith.constant 1.000000e+00 : f32
    %gt3A_771 = vector.broadcast %gt3A_770 : f32 to vector<16xf32>
    %gt3A_772 = arith.cmpf ogt, %select_n3A_750, %gt3A_771 : vector<16xf32>
    %div3A_773 = arith.divf %get3A_728, %select_n3A_750 : vector<16xf32>
    %select_n3A_774 = arith.select %gt3A_772, %div3A_773, %get3A_728 : vector<16xi1>, vector<16xf32>
    %gt3A_775 = arith.cmpf ogt, %select_n3A_774, %get3A_2 : vector<16xf32>
    %jit3A_776 = arith.constant 0.000000e+00 : f32
    %broadcast_in_dim3A_777 = vector.broadcast %jit3A_776 : f32 to vector<16xf32>
    %select_n3A_778 = arith.select %gt3A_775, %select_n3A_774, %broadcast_in_dim3A_777 : vector<16xi1>, vector<16xf32>
    %gt3A_779 = arith.constant 5.000000e-01 : f32
    %gt3A_780 = vector.broadcast %gt3A_779 : f32 to vector<16xf32>
    %gt3A_781 = arith.cmpf ogt, %select_n3A_769, %gt3A_780 : vector<16xf32>
    %mul3A_782 = arith.mulf %select_n3A_778, %select_n3A_778 : vector<16xf32>
    %mul3A_783 = arith.mulf %mul3A_782, %get3A_725 : vector<16xf32>
    %jit3A_784 = arith.constant 0.000000e+00 : f32
    %broadcast_in_dim3A_785 = vector.broadcast %jit3A_784 : f32 to vector<16xf32>
    %select_n3A_786 = arith.select %gt3A_781, %broadcast_in_dim3A_785, %mul3A_783 : vector<16xi1>, vector<16xf32>
    %add3A_787 = arith.addf %add3A_722, %select_n3A_786 : vector<16xf32>
    %get3A_788 = arith.constant 192 : index
    %get3A_789 = tpu.vector_load %arg7[%get3A_788] {strides = array<i32>} : memref<448xf32, #tpu.memory_space<vmem>>, vector<16xf32>,
    %get3A_790 = vector.shape_cast %get3A_789 : vector<16xf32> to vector<16xf32>
    %get3A_791 = arith.constant 192 : index
    %get3A_792 = tpu.vector_load %arg8[%get3A_791] {strides = array<i32>} : memref<448xf32, #tpu.memory_space<vmem>>, vector<16xf32>,
    %get3A_793 = vector.shape_cast %get3A_792 : vector<16xf32> to vector<16xf32>
    %get3A_794 = arith.constant 192 : index
    %get3A_795 = tpu.vector_load %arg9[%get3A_794] {strides = array<i32>} : memref<448xi32, #tpu.memory_space<vmem>>, vector<16xi32>,
    %get3A_796 = vector.shape_cast %get3A_795 : vector<16xi32> to vector<16xi32>
    %lt3A_797 = arith.constant 16 : i32
    %lt3A_798 = vector.broadcast %lt3A_797 : i32 to vector<16xi32>
    %lt3A_799 = arith.cmpi slt, %get3A_796, %lt3A_798 : vector<16xi32>
    %jit3A_800 = arith.constant 0 : i32
    %broadcast_in_dim3A_801 = vector.broadcast %jit3A_800 : i32 to vector<16xi32>
    %select_n3A_802 = arith.select %lt3A_799, %get3A_796, %broadcast_in_dim3A_801 : vector<16xi1>, vector<16xi32>
    %sub3A_803 = arith.constant 16 : i32
    %sub3A_804 = vector.broadcast %sub3A_803 : i32 to vector<16xi32>
    %sub3A_805 = arith.subi %get3A_796, %sub3A_804 : vector<16xi32>
    %jit3A_806 = arith.constant 0 : i32
    %broadcast_in_dim3A_807 = vector.broadcast %jit3A_806 : i32 to vector<16xi32>
    %select_n3A_808 = arith.select %lt3A_799, %broadcast_in_dim3A_807, %sub3A_805 : vector<16xi1>, vector<16xi32>
    %broadcast_in_dim3A_809 = vector.shape_cast %select_n3A_802 : vector<16xi32> to vector<16x1xi32>
    %gather3A_810 = vector.shape_cast %broadcast_in_dim3A_809 : vector<16x1xi32> to vector<16xi32>
    %gather3A_811 = tpu.dynamic_gather %get3A_5[%gather3A_810] in [0] : vector<16xf32>, vector<16xi32> -> vector<16xf32>
    %broadcast_in_dim3A_812 = vector.shape_cast %select_n3A_808 : vector<16xi32> to vector<16x1xi32>
    %gather3A_813 = vector.shape_cast %broadcast_in_dim3A_812 : vector<16x1xi32> to vector<16xi32>
    %gather3A_814 = tpu.dynamic_gather %get3A_8[%gather3A_813] in [0] : vector<16xf32>, vector<16xi32> -> vector<16xf32>
    %select_n3A_815 = arith.select %lt3A_799, %gather3A_811, %gather3A_814 : vector<16xi1>, vector<16xf32>
    %lt3A_816 = arith.constant 16 : i32
    %lt3A_817 = vector.broadcast %lt3A_816 : i32 to vector<16xi32>
    %lt3A_818 = arith.cmpi slt, %get3A_796, %lt3A_817 : vector<16xi32>
    %jit3A_819 = arith.constant 0 : i32
    %broadcast_in_dim3A_820 = vector.broadcast %jit3A_819 : i32 to vector<16xi32>
    %select_n3A_821 = arith.select %lt3A_818, %get3A_796, %broadcast_in_dim3A_820 : vector<16xi1>, vector<16xi32>
    %sub3A_822 = arith.constant 16 : i32
    %sub3A_823 = vector.broadcast %sub3A_822 : i32 to vector<16xi32>
    %sub3A_824 = arith.subi %get3A_796, %sub3A_823 : vector<16xi32>
    %jit3A_825 = arith.constant 0 : i32
    %broadcast_in_dim3A_826 = vector.broadcast %jit3A_825 : i32 to vector<16xi32>
    %select_n3A_827 = arith.select %lt3A_818, %broadcast_in_dim3A_826, %sub3A_824 : vector<16xi1>, vector<16xi32>
    %broadcast_in_dim3A_828 = vector.shape_cast %select_n3A_821 : vector<16xi32> to vector<16x1xi32>
    %gather3A_829 = vector.shape_cast %broadcast_in_dim3A_828 : vector<16x1xi32> to vector<16xi32>
    %gather3A_830 = tpu.dynamic_gather %get3A_11[%gather3A_829] in [0] : vector<16xf32>, vector<16xi32> -> vector<16xf32>
    %broadcast_in_dim3A_831 = vector.shape_cast %select_n3A_827 : vector<16xi32> to vector<16x1xi32>
    %gather3A_832 = vector.shape_cast %broadcast_in_dim3A_831 : vector<16x1xi32> to vector<16xi32>
    %gather3A_833 = tpu.dynamic_gather %get3A_14[%gather3A_832] in [0] : vector<16xf32>, vector<16xi32> -> vector<16xf32>
    %select_n3A_834 = arith.select %lt3A_818, %gather3A_830, %gather3A_833 : vector<16xi1>, vector<16xf32>
    %gt3A_835 = arith.constant 1.000000e+00 : f32
    %gt3A_836 = vector.broadcast %gt3A_835 : f32 to vector<16xf32>
    %gt3A_837 = arith.cmpf ogt, %select_n3A_815, %gt3A_836 : vector<16xf32>
    %div3A_838 = arith.divf %get3A_793, %select_n3A_815 : vector<16xf32>
    %select_n3A_839 = arith.select %gt3A_837, %div3A_838, %get3A_793 : vector<16xi1>, vector<16xf32>
    %gt3A_840 = arith.cmpf ogt, %select_n3A_839, %get3A_2 : vector<16xf32>
    %jit3A_841 = arith.constant 0.000000e+00 : f32
    %broadcast_in_dim3A_842 = vector.broadcast %jit3A_841 : f32 to vector<16xf32>
    %select_n3A_843 = arith.select %gt3A_840, %select_n3A_839, %broadcast_in_dim3A_842 : vector<16xi1>, vector<16xf32>
    %gt3A_844 = arith.constant 5.000000e-01 : f32
    %gt3A_845 = vector.broadcast %gt3A_844 : f32 to vector<16xf32>
    %gt3A_846 = arith.cmpf ogt, %select_n3A_834, %gt3A_845 : vector<16xf32>
    %mul3A_847 = arith.mulf %select_n3A_843, %select_n3A_843 : vector<16xf32>
    %mul3A_848 = arith.mulf %mul3A_847, %get3A_790 : vector<16xf32>
    %jit3A_849 = arith.constant 0.000000e+00 : f32
    %broadcast_in_dim3A_850 = vector.broadcast %jit3A_849 : f32 to vector<16xf32>
    %select_n3A_851 = arith.select %gt3A_846, %broadcast_in_dim3A_850, %mul3A_848 : vector<16xi1>, vector<16xf32>
    %add3A_852 = arith.addf %add3A_787, %select_n3A_851 : vector<16xf32>
    %get3A_853 = arith.constant 208 : index
    %get3A_854 = tpu.vector_load %arg7[%get3A_853] {strides = array<i32>} : memref<448xf32, #tpu.memory_space<vmem>>, vector<16xf32>,
    %get3A_855 = vector.shape_cast %get3A_854 : vector<16xf32> to vector<16xf32>
    %get3A_856 = arith.constant 208 : index
    %get3A_857 = tpu.vector_load %arg8[%get3A_856] {strides = array<i32>} : memref<448xf32, #tpu.memory_space<vmem>>, vector<16xf32>,
    %get3A_858 = vector.shape_cast %get3A_857 : vector<16xf32> to vector<16xf32>
    %get3A_859 = arith.constant 208 : index
    %get3A_860 = tpu.vector_load %arg9[%get3A_859] {strides = array<i32>} : memref<448xi32, #tpu.memory_space<vmem>>, vector<16xi32>,
    %get3A_861 = vector.shape_cast %get3A_860 : vector<16xi32> to vector<16xi32>
    %lt3A_862 = arith.constant 16 : i32
    %lt3A_863 = vector.broadcast %lt3A_862 : i32 to vector<16xi32>
    %lt3A_864 = arith.cmpi slt, %get3A_861, %lt3A_863 : vector<16xi32>
    %jit3A_865 = arith.constant 0 : i32
    %broadcast_in_dim3A_866 = vector.broadcast %jit3A_865 : i32 to vector<16xi32>
    %select_n3A_867 = arith.select %lt3A_864, %get3A_861, %broadcast_in_dim3A_866 : vector<16xi1>, vector<16xi32>
    %sub3A_868 = arith.constant 16 : i32
    %sub3A_869 = vector.broadcast %sub3A_868 : i32 to vector<16xi32>
    %sub3A_870 = arith.subi %get3A_861, %sub3A_869 : vector<16xi32>
    %jit3A_871 = arith.constant 0 : i32
    %broadcast_in_dim3A_872 = vector.broadcast %jit3A_871 : i32 to vector<16xi32>
    %select_n3A_873 = arith.select %lt3A_864, %broadcast_in_dim3A_872, %sub3A_870 : vector<16xi1>, vector<16xi32>
    %broadcast_in_dim3A_874 = vector.shape_cast %select_n3A_867 : vector<16xi32> to vector<16x1xi32>
    %gather3A_875 = vector.shape_cast %broadcast_in_dim3A_874 : vector<16x1xi32> to vector<16xi32>
    %gather3A_876 = tpu.dynamic_gather %get3A_5[%gather3A_875] in [0] : vector<16xf32>, vector<16xi32> -> vector<16xf32>
    %broadcast_in_dim3A_877 = vector.shape_cast %select_n3A_873 : vector<16xi32> to vector<16x1xi32>
    %gather3A_878 = vector.shape_cast %broadcast_in_dim3A_877 : vector<16x1xi32> to vector<16xi32>
    %gather3A_879 = tpu.dynamic_gather %get3A_8[%gather3A_878] in [0] : vector<16xf32>, vector<16xi32> -> vector<16xf32>
    %select_n3A_880 = arith.select %lt3A_864, %gather3A_876, %gather3A_879 : vector<16xi1>, vector<16xf32>
    %lt3A_881 = arith.constant 16 : i32
    %lt3A_882 = vector.broadcast %lt3A_881 : i32 to vector<16xi32>
    %lt3A_883 = arith.cmpi slt, %get3A_861, %lt3A_882 : vector<16xi32>
    %jit3A_884 = arith.constant 0 : i32
    %broadcast_in_dim3A_885 = vector.broadcast %jit3A_884 : i32 to vector<16xi32>
    %select_n3A_886 = arith.select %lt3A_883, %get3A_861, %broadcast_in_dim3A_885 : vector<16xi1>, vector<16xi32>
    %sub3A_887 = arith.constant 16 : i32
    %sub3A_888 = vector.broadcast %sub3A_887 : i32 to vector<16xi32>
    %sub3A_889 = arith.subi %get3A_861, %sub3A_888 : vector<16xi32>
    %jit3A_890 = arith.constant 0 : i32
    %broadcast_in_dim3A_891 = vector.broadcast %jit3A_890 : i32 to vector<16xi32>
    %select_n3A_892 = arith.select %lt3A_883, %broadcast_in_dim3A_891, %sub3A_889 : vector<16xi1>, vector<16xi32>
    %broadcast_in_dim3A_893 = vector.shape_cast %select_n3A_886 : vector<16xi32> to vector<16x1xi32>
    %gather3A_894 = vector.shape_cast %broadcast_in_dim3A_893 : vector<16x1xi32> to vector<16xi32>
    %gather3A_895 = tpu.dynamic_gather %get3A_11[%gather3A_894] in [0] : vector<16xf32>, vector<16xi32> -> vector<16xf32>
    %broadcast_in_dim3A_896 = vector.shape_cast %select_n3A_892 : vector<16xi32> to vector<16x1xi32>
    %gather3A_897 = vector.shape_cast %broadcast_in_dim3A_896 : vector<16x1xi32> to vector<16xi32>
    %gather3A_898 = tpu.dynamic_gather %get3A_14[%gather3A_897] in [0] : vector<16xf32>, vector<16xi32> -> vector<16xf32>
    %select_n3A_899 = arith.select %lt3A_883, %gather3A_895, %gather3A_898 : vector<16xi1>, vector<16xf32>
    %gt3A_900 = arith.constant 1.000000e+00 : f32
    %gt3A_901 = vector.broadcast %gt3A_900 : f32 to vector<16xf32>
    %gt3A_902 = arith.cmpf ogt, %select_n3A_880, %gt3A_901 : vector<16xf32>
    %div3A_903 = arith.divf %get3A_858, %select_n3A_880 : vector<16xf32>
    %select_n3A_904 = arith.select %gt3A_902, %div3A_903, %get3A_858 : vector<16xi1>, vector<16xf32>
    %gt3A_905 = arith.cmpf ogt, %select_n3A_904, %get3A_2 : vector<16xf32>
    %jit3A_906 = arith.constant 0.000000e+00 : f32
    %broadcast_in_dim3A_907 = vector.broadcast %jit3A_906 : f32 to vector<16xf32>
    %select_n3A_908 = arith.select %gt3A_905, %select_n3A_904, %broadcast_in_dim3A_907 : vector<16xi1>, vector<16xf32>
    %gt3A_909 = arith.constant 5.000000e-01 : f32
    %gt3A_910 = vector.broadcast %gt3A_909 : f32 to vector<16xf32>
    %gt3A_911 = arith.cmpf ogt, %select_n3A_899, %gt3A_910 : vector<16xf32>
    %mul3A_912 = arith.mulf %select_n3A_908, %select_n3A_908 : vector<16xf32>
    %mul3A_913 = arith.mulf %mul3A_912, %get3A_855 : vector<16xf32>
    %jit3A_914 = arith.constant 0.000000e+00 : f32
    %broadcast_in_dim3A_915 = vector.broadcast %jit3A_914 : f32 to vector<16xf32>
    %select_n3A_916 = arith.select %gt3A_911, %broadcast_in_dim3A_915, %mul3A_913 : vector<16xi1>, vector<16xf32>
    %add3A_917 = arith.addf %add3A_852, %select_n3A_916 : vector<16xf32>
    %get3A_918 = arith.constant 224 : index
    %get3A_919 = tpu.vector_load %arg7[%get3A_918] {strides = array<i32>} : memref<448xf32, #tpu.memory_space<vmem>>, vector<16xf32>,
    %get3A_920 = vector.shape_cast %get3A_919 : vector<16xf32> to vector<16xf32>
    %get3A_921 = arith.constant 224 : index
    %get3A_922 = tpu.vector_load %arg8[%get3A_921] {strides = array<i32>} : memref<448xf32, #tpu.memory_space<vmem>>, vector<16xf32>,
    %get3A_923 = vector.shape_cast %get3A_922 : vector<16xf32> to vector<16xf32>
    %get3A_924 = arith.constant 224 : index
    %get3A_925 = tpu.vector_load %arg9[%get3A_924] {strides = array<i32>} : memref<448xi32, #tpu.memory_space<vmem>>, vector<16xi32>,
    %get3A_926 = vector.shape_cast %get3A_925 : vector<16xi32> to vector<16xi32>
    %lt3A_927 = arith.constant 16 : i32
    %lt3A_928 = vector.broadcast %lt3A_927 : i32 to vector<16xi32>
    %lt3A_929 = arith.cmpi slt, %get3A_926, %lt3A_928 : vector<16xi32>
    %jit3A_930 = arith.constant 0 : i32
    %broadcast_in_dim3A_931 = vector.broadcast %jit3A_930 : i32 to vector<16xi32>
    %select_n3A_932 = arith.select %lt3A_929, %get3A_926, %broadcast_in_dim3A_931 : vector<16xi1>, vector<16xi32>
    %sub3A_933 = arith.constant 16 : i32
    %sub3A_934 = vector.broadcast %sub3A_933 : i32 to vector<16xi32>
    %sub3A_935 = arith.subi %get3A_926, %sub3A_934 : vector<16xi32>
    %jit3A_936 = arith.constant 0 : i32
    %broadcast_in_dim3A_937 = vector.broadcast %jit3A_936 : i32 to vector<16xi32>
    %select_n3A_938 = arith.select %lt3A_929, %broadcast_in_dim3A_937, %sub3A_935 : vector<16xi1>, vector<16xi32>
    %broadcast_in_dim3A_939 = vector.shape_cast %select_n3A_932 : vector<16xi32> to vector<16x1xi32>
    %gather3A_940 = vector.shape_cast %broadcast_in_dim3A_939 : vector<16x1xi32> to vector<16xi32>
    %gather3A_941 = tpu.dynamic_gather %get3A_5[%gather3A_940] in [0] : vector<16xf32>, vector<16xi32> -> vector<16xf32>
    %broadcast_in_dim3A_942 = vector.shape_cast %select_n3A_938 : vector<16xi32> to vector<16x1xi32>
    %gather3A_943 = vector.shape_cast %broadcast_in_dim3A_942 : vector<16x1xi32> to vector<16xi32>
    %gather3A_944 = tpu.dynamic_gather %get3A_8[%gather3A_943] in [0] : vector<16xf32>, vector<16xi32> -> vector<16xf32>
    %select_n3A_945 = arith.select %lt3A_929, %gather3A_941, %gather3A_944 : vector<16xi1>, vector<16xf32>
    %lt3A_946 = arith.constant 16 : i32
    %lt3A_947 = vector.broadcast %lt3A_946 : i32 to vector<16xi32>
    %lt3A_948 = arith.cmpi slt, %get3A_926, %lt3A_947 : vector<16xi32>
    %jit3A_949 = arith.constant 0 : i32
    %broadcast_in_dim3A_950 = vector.broadcast %jit3A_949 : i32 to vector<16xi32>
    %select_n3A_951 = arith.select %lt3A_948, %get3A_926, %broadcast_in_dim3A_950 : vector<16xi1>, vector<16xi32>
    %sub3A_952 = arith.constant 16 : i32
    %sub3A_953 = vector.broadcast %sub3A_952 : i32 to vector<16xi32>
    %sub3A_954 = arith.subi %get3A_926, %sub3A_953 : vector<16xi32>
    %jit3A_955 = arith.constant 0 : i32
    %broadcast_in_dim3A_956 = vector.broadcast %jit3A_955 : i32 to vector<16xi32>
    %select_n3A_957 = arith.select %lt3A_948, %broadcast_in_dim3A_956, %sub3A_954 : vector<16xi1>, vector<16xi32>
    %broadcast_in_dim3A_958 = vector.shape_cast %select_n3A_951 : vector<16xi32> to vector<16x1xi32>
    %gather3A_959 = vector.shape_cast %broadcast_in_dim3A_958 : vector<16x1xi32> to vector<16xi32>
    %gather3A_960 = tpu.dynamic_gather %get3A_11[%gather3A_959] in [0] : vector<16xf32>, vector<16xi32> -> vector<16xf32>
    %broadcast_in_dim3A_961 = vector.shape_cast %select_n3A_957 : vector<16xi32> to vector<16x1xi32>
    %gather3A_962 = vector.shape_cast %broadcast_in_dim3A_961 : vector<16x1xi32> to vector<16xi32>
    %gather3A_963 = tpu.dynamic_gather %get3A_14[%gather3A_962] in [0] : vector<16xf32>, vector<16xi32> -> vector<16xf32>
    %select_n3A_964 = arith.select %lt3A_948, %gather3A_960, %gather3A_963 : vector<16xi1>, vector<16xf32>
    %gt3A_965 = arith.constant 1.000000e+00 : f32
    %gt3A_966 = vector.broadcast %gt3A_965 : f32 to vector<16xf32>
    %gt3A_967 = arith.cmpf ogt, %select_n3A_945, %gt3A_966 : vector<16xf32>
    %div3A_968 = arith.divf %get3A_923, %select_n3A_945 : vector<16xf32>
    %select_n3A_969 = arith.select %gt3A_967, %div3A_968, %get3A_923 : vector<16xi1>, vector<16xf32>
    %gt3A_970 = arith.cmpf ogt, %select_n3A_969, %get3A_2 : vector<16xf32>
    %jit3A_971 = arith.constant 0.000000e+00 : f32
    %broadcast_in_dim3A_972 = vector.broadcast %jit3A_971 : f32 to vector<16xf32>
    %select_n3A_973 = arith.select %gt3A_970, %select_n3A_969, %broadcast_in_dim3A_972 : vector<16xi1>, vector<16xf32>
    %gt3A_974 = arith.constant 5.000000e-01 : f32
    %gt3A_975 = vector.broadcast %gt3A_974 : f32 to vector<16xf32>
    %gt3A_976 = arith.cmpf ogt, %select_n3A_964, %gt3A_975 : vector<16xf32>
    %mul3A_977 = arith.mulf %select_n3A_973, %select_n3A_973 : vector<16xf32>
    %mul3A_978 = arith.mulf %mul3A_977, %get3A_920 : vector<16xf32>
    %jit3A_979 = arith.constant 0.000000e+00 : f32
    %broadcast_in_dim3A_980 = vector.broadcast %jit3A_979 : f32 to vector<16xf32>
    %select_n3A_981 = arith.select %gt3A_976, %broadcast_in_dim3A_980, %mul3A_978 : vector<16xi1>, vector<16xf32>
    %add3A_982 = arith.addf %add3A_917, %select_n3A_981 : vector<16xf32>
    %get3A_983 = arith.constant 240 : index
    %get3A_984 = tpu.vector_load %arg7[%get3A_983] {strides = array<i32>} : memref<448xf32, #tpu.memory_space<vmem>>, vector<16xf32>,
    %get3A_985 = vector.shape_cast %get3A_984 : vector<16xf32> to vector<16xf32>
    %get3A_986 = arith.constant 240 : index
    %get3A_987 = tpu.vector_load %arg8[%get3A_986] {strides = array<i32>} : memref<448xf32, #tpu.memory_space<vmem>>, vector<16xf32>,
    %get3A_988 = vector.shape_cast %get3A_987 : vector<16xf32> to vector<16xf32>
    %get3A_989 = arith.constant 240 : index
    %get3A_990 = tpu.vector_load %arg9[%get3A_989] {strides = array<i32>} : memref<448xi32, #tpu.memory_space<vmem>>, vector<16xi32>,
    %get3A_991 = vector.shape_cast %get3A_990 : vector<16xi32> to vector<16xi32>
    %lt3A_992 = arith.constant 16 : i32
    %lt3A_993 = vector.broadcast %lt3A_992 : i32 to vector<16xi32>
    %lt3A_994 = arith.cmpi slt, %get3A_991, %lt3A_993 : vector<16xi32>
    %jit3A_995 = arith.constant 0 : i32
    %broadcast_in_dim3A_996 = vector.broadcast %jit3A_995 : i32 to vector<16xi32>
    %select_n3A_997 = arith.select %lt3A_994, %get3A_991, %broadcast_in_dim3A_996 : vector<16xi1>, vector<16xi32>
    %sub3A_998 = arith.constant 16 : i32
    %sub3A_999 = vector.broadcast %sub3A_998 : i32 to vector<16xi32>
    %sub3A_1000 = arith.subi %get3A_991, %sub3A_999 : vector<16xi32>
    %jit3A_1001 = arith.constant 0 : i32
    %broadcast_in_dim3A_1002 = vector.broadcast %jit3A_1001 : i32 to vector<16xi32>
    %select_n3A_1003 = arith.select %lt3A_994, %broadcast_in_dim3A_1002, %sub3A_1000 : vector<16xi1>, vector<16xi32>
    %broadcast_in_dim3A_1004 = vector.shape_cast %select_n3A_997 : vector<16xi32> to vector<16x1xi32>
    %gather3A_1005 = vector.shape_cast %broadcast_in_dim3A_1004 : vector<16x1xi32> to vector<16xi32>
    %gather3A_1006 = tpu.dynamic_gather %get3A_5[%gather3A_1005] in [0] : vector<16xf32>, vector<16xi32> -> vector<16xf32>
    %broadcast_in_dim3A_1007 = vector.shape_cast %select_n3A_1003 : vector<16xi32> to vector<16x1xi32>
    %gather3A_1008 = vector.shape_cast %broadcast_in_dim3A_1007 : vector<16x1xi32> to vector<16xi32>
    %gather3A_1009 = tpu.dynamic_gather %get3A_8[%gather3A_1008] in [0] : vector<16xf32>, vector<16xi32> -> vector<16xf32>
    %select_n3A_1010 = arith.select %lt3A_994, %gather3A_1006, %gather3A_1009 : vector<16xi1>, vector<16xf32>
    %lt3A_1011 = arith.constant 16 : i32
    %lt3A_1012 = vector.broadcast %lt3A_1011 : i32 to vector<16xi32>
    %lt3A_1013 = arith.cmpi slt, %get3A_991, %lt3A_1012 : vector<16xi32>
    %jit3A_1014 = arith.constant 0 : i32
    %broadcast_in_dim3A_1015 = vector.broadcast %jit3A_1014 : i32 to vector<16xi32>
    %select_n3A_1016 = arith.select %lt3A_1013, %get3A_991, %broadcast_in_dim3A_1015 : vector<16xi1>, vector<16xi32>
    %sub3A_1017 = arith.constant 16 : i32
    %sub3A_1018 = vector.broadcast %sub3A_1017 : i32 to vector<16xi32>
    %sub3A_1019 = arith.subi %get3A_991, %sub3A_1018 : vector<16xi32>
    %jit3A_1020 = arith.constant 0 : i32
    %broadcast_in_dim3A_1021 = vector.broadcast %jit3A_1020 : i32 to vector<16xi32>
    %select_n3A_1022 = arith.select %lt3A_1013, %broadcast_in_dim3A_1021, %sub3A_1019 : vector<16xi1>, vector<16xi32>
    %broadcast_in_dim3A_1023 = vector.shape_cast %select_n3A_1016 : vector<16xi32> to vector<16x1xi32>
    %gather3A_1024 = vector.shape_cast %broadcast_in_dim3A_1023 : vector<16x1xi32> to vector<16xi32>
    %gather3A_1025 = tpu.dynamic_gather %get3A_11[%gather3A_1024] in [0] : vector<16xf32>, vector<16xi32> -> vector<16xf32>
    %broadcast_in_dim3A_1026 = vector.shape_cast %select_n3A_1022 : vector<16xi32> to vector<16x1xi32>
    %gather3A_1027 = vector.shape_cast %broadcast_in_dim3A_1026 : vector<16x1xi32> to vector<16xi32>
    %gather3A_1028 = tpu.dynamic_gather %get3A_14[%gather3A_1027] in [0] : vector<16xf32>, vector<16xi32> -> vector<16xf32>
    %select_n3A_1029 = arith.select %lt3A_1013, %gather3A_1025, %gather3A_1028 : vector<16xi1>, vector<16xf32>
    %gt3A_1030 = arith.constant 1.000000e+00 : f32
    %gt3A_1031 = vector.broadcast %gt3A_1030 : f32 to vector<16xf32>
    %gt3A_1032 = arith.cmpf ogt, %select_n3A_1010, %gt3A_1031 : vector<16xf32>
    %div3A_1033 = arith.divf %get3A_988, %select_n3A_1010 : vector<16xf32>
    %select_n3A_1034 = arith.select %gt3A_1032, %div3A_1033, %get3A_988 : vector<16xi1>, vector<16xf32>
    %gt3A_1035 = arith.cmpf ogt, %select_n3A_1034, %get3A_2 : vector<16xf32>
    %jit3A_1036 = arith.constant 0.000000e+00 : f32
    %broadcast_in_dim3A_1037 = vector.broadcast %jit3A_1036 : f32 to vector<16xf32>
    %select_n3A_1038 = arith.select %gt3A_1035, %select_n3A_1034, %broadcast_in_dim3A_1037 : vector<16xi1>, vector<16xf32>
    %gt3A_1039 = arith.constant 5.000000e-01 : f32
    %gt3A_1040 = vector.broadcast %gt3A_1039 : f32 to vector<16xf32>
    %gt3A_1041 = arith.cmpf ogt, %select_n3A_1029, %gt3A_1040 : vector<16xf32>
    %mul3A_1042 = arith.mulf %select_n3A_1038, %select_n3A_1038 : vector<16xf32>
    %mul3A_1043 = arith.mulf %mul3A_1042, %get3A_985 : vector<16xf32>
    %jit3A_1044 = arith.constant 0.000000e+00 : f32
    %broadcast_in_dim3A_1045 = vector.broadcast %jit3A_1044 : f32 to vector<16xf32>
    %select_n3A_1046 = arith.select %gt3A_1041, %broadcast_in_dim3A_1045, %mul3A_1043 : vector<16xi1>, vector<16xf32>
    %add3A_1047 = arith.addf %add3A_982, %select_n3A_1046 : vector<16xf32>
    %get3A_1048 = arith.constant 256 : index
    %get3A_1049 = tpu.vector_load %arg7[%get3A_1048] {strides = array<i32>} : memref<448xf32, #tpu.memory_space<vmem>>, vector<16xf32>,
    %get3A_1050 = vector.shape_cast %get3A_1049 : vector<16xf32> to vector<16xf32>
    %get3A_1051 = arith.constant 256 : index
    %get3A_1052 = tpu.vector_load %arg8[%get3A_1051] {strides = array<i32>} : memref<448xf32, #tpu.memory_space<vmem>>, vector<16xf32>,
    %get3A_1053 = vector.shape_cast %get3A_1052 : vector<16xf32> to vector<16xf32>
    %get3A_1054 = arith.constant 256 : index
    %get3A_1055 = tpu.vector_load %arg9[%get3A_1054] {strides = array<i32>} : memref<448xi32, #tpu.memory_space<vmem>>, vector<16xi32>,
    %get3A_1056 = vector.shape_cast %get3A_1055 : vector<16xi32> to vector<16xi32>
    %lt3A_1057 = arith.constant 16 : i32
    %lt3A_1058 = vector.broadcast %lt3A_1057 : i32 to vector<16xi32>
    %lt3A_1059 = arith.cmpi slt, %get3A_1056, %lt3A_1058 : vector<16xi32>
    %jit3A_1060 = arith.constant 0 : i32
    %broadcast_in_dim3A_1061 = vector.broadcast %jit3A_1060 : i32 to vector<16xi32>
    %select_n3A_1062 = arith.select %lt3A_1059, %get3A_1056, %broadcast_in_dim3A_1061 : vector<16xi1>, vector<16xi32>
    %sub3A_1063 = arith.constant 16 : i32
    %sub3A_1064 = vector.broadcast %sub3A_1063 : i32 to vector<16xi32>
    %sub3A_1065 = arith.subi %get3A_1056, %sub3A_1064 : vector<16xi32>
    %jit3A_1066 = arith.constant 0 : i32
    %broadcast_in_dim3A_1067 = vector.broadcast %jit3A_1066 : i32 to vector<16xi32>
    %select_n3A_1068 = arith.select %lt3A_1059, %broadcast_in_dim3A_1067, %sub3A_1065 : vector<16xi1>, vector<16xi32>
    %broadcast_in_dim3A_1069 = vector.shape_cast %select_n3A_1062 : vector<16xi32> to vector<16x1xi32>
    %gather3A_1070 = vector.shape_cast %broadcast_in_dim3A_1069 : vector<16x1xi32> to vector<16xi32>
    %gather3A_1071 = tpu.dynamic_gather %get3A_5[%gather3A_1070] in [0] : vector<16xf32>, vector<16xi32> -> vector<16xf32>
    %broadcast_in_dim3A_1072 = vector.shape_cast %select_n3A_1068 : vector<16xi32> to vector<16x1xi32>
    %gather3A_1073 = vector.shape_cast %broadcast_in_dim3A_1072 : vector<16x1xi32> to vector<16xi32>
    %gather3A_1074 = tpu.dynamic_gather %get3A_8[%gather3A_1073] in [0] : vector<16xf32>, vector<16xi32> -> vector<16xf32>
    %select_n3A_1075 = arith.select %lt3A_1059, %gather3A_1071, %gather3A_1074 : vector<16xi1>, vector<16xf32>
    %lt3A_1076 = arith.constant 16 : i32
    %lt3A_1077 = vector.broadcast %lt3A_1076 : i32 to vector<16xi32>
    %lt3A_1078 = arith.cmpi slt, %get3A_1056, %lt3A_1077 : vector<16xi32>
    %jit3A_1079 = arith.constant 0 : i32
    %broadcast_in_dim3A_1080 = vector.broadcast %jit3A_1079 : i32 to vector<16xi32>
    %select_n3A_1081 = arith.select %lt3A_1078, %get3A_1056, %broadcast_in_dim3A_1080 : vector<16xi1>, vector<16xi32>
    %sub3A_1082 = arith.constant 16 : i32
    %sub3A_1083 = vector.broadcast %sub3A_1082 : i32 to vector<16xi32>
    %sub3A_1084 = arith.subi %get3A_1056, %sub3A_1083 : vector<16xi32>
    %jit3A_1085 = arith.constant 0 : i32
    %broadcast_in_dim3A_1086 = vector.broadcast %jit3A_1085 : i32 to vector<16xi32>
    %select_n3A_1087 = arith.select %lt3A_1078, %broadcast_in_dim3A_1086, %sub3A_1084 : vector<16xi1>, vector<16xi32>
    %broadcast_in_dim3A_1088 = vector.shape_cast %select_n3A_1081 : vector<16xi32> to vector<16x1xi32>
    %gather3A_1089 = vector.shape_cast %broadcast_in_dim3A_1088 : vector<16x1xi32> to vector<16xi32>
    %gather3A_1090 = tpu.dynamic_gather %get3A_11[%gather3A_1089] in [0] : vector<16xf32>, vector<16xi32> -> vector<16xf32>
    %broadcast_in_dim3A_1091 = vector.shape_cast %select_n3A_1087 : vector<16xi32> to vector<16x1xi32>
    %gather3A_1092 = vector.shape_cast %broadcast_in_dim3A_1091 : vector<16x1xi32> to vector<16xi32>
    %gather3A_1093 = tpu.dynamic_gather %get3A_14[%gather3A_1092] in [0] : vector<16xf32>, vector<16xi32> -> vector<16xf32>
    %select_n3A_1094 = arith.select %lt3A_1078, %gather3A_1090, %gather3A_1093 : vector<16xi1>, vector<16xf32>
    %gt3A_1095 = arith.constant 1.000000e+00 : f32
    %gt3A_1096 = vector.broadcast %gt3A_1095 : f32 to vector<16xf32>
    %gt3A_1097 = arith.cmpf ogt, %select_n3A_1075, %gt3A_1096 : vector<16xf32>
    %div3A_1098 = arith.divf %get3A_1053, %select_n3A_1075 : vector<16xf32>
    %select_n3A_1099 = arith.select %gt3A_1097, %div3A_1098, %get3A_1053 : vector<16xi1>, vector<16xf32>
    %gt3A_1100 = arith.cmpf ogt, %select_n3A_1099, %get3A_2 : vector<16xf32>
    %jit3A_1101 = arith.constant 0.000000e+00 : f32
    %broadcast_in_dim3A_1102 = vector.broadcast %jit3A_1101 : f32 to vector<16xf32>
    %select_n3A_1103 = arith.select %gt3A_1100, %select_n3A_1099, %broadcast_in_dim3A_1102 : vector<16xi1>, vector<16xf32>
    %gt3A_1104 = arith.constant 5.000000e-01 : f32
    %gt3A_1105 = vector.broadcast %gt3A_1104 : f32 to vector<16xf32>
    %gt3A_1106 = arith.cmpf ogt, %select_n3A_1094, %gt3A_1105 : vector<16xf32>
    %mul3A_1107 = arith.mulf %select_n3A_1103, %select_n3A_1103 : vector<16xf32>
    %mul3A_1108 = arith.mulf %mul3A_1107, %get3A_1050 : vector<16xf32>
    %jit3A_1109 = arith.constant 0.000000e+00 : f32
    %broadcast_in_dim3A_1110 = vector.broadcast %jit3A_1109 : f32 to vector<16xf32>
    %select_n3A_1111 = arith.select %gt3A_1106, %broadcast_in_dim3A_1110, %mul3A_1108 : vector<16xi1>, vector<16xf32>
    %add3A_1112 = arith.addf %add3A_1047, %select_n3A_1111 : vector<16xf32>
    %get3A_1113 = arith.constant 272 : index
    %get3A_1114 = tpu.vector_load %arg7[%get3A_1113] {strides = array<i32>} : memref<448xf32, #tpu.memory_space<vmem>>, vector<16xf32>,
    %get3A_1115 = vector.shape_cast %get3A_1114 : vector<16xf32> to vector<16xf32>
    %get3A_1116 = arith.constant 272 : index
    %get3A_1117 = tpu.vector_load %arg8[%get3A_1116] {strides = array<i32>} : memref<448xf32, #tpu.memory_space<vmem>>, vector<16xf32>,
    %get3A_1118 = vector.shape_cast %get3A_1117 : vector<16xf32> to vector<16xf32>
    %get3A_1119 = arith.constant 272 : index
    %get3A_1120 = tpu.vector_load %arg9[%get3A_1119] {strides = array<i32>} : memref<448xi32, #tpu.memory_space<vmem>>, vector<16xi32>,
    %get3A_1121 = vector.shape_cast %get3A_1120 : vector<16xi32> to vector<16xi32>
    %lt3A_1122 = arith.constant 16 : i32
    %lt3A_1123 = vector.broadcast %lt3A_1122 : i32 to vector<16xi32>
    %lt3A_1124 = arith.cmpi slt, %get3A_1121, %lt3A_1123 : vector<16xi32>
    %jit3A_1125 = arith.constant 0 : i32
    %broadcast_in_dim3A_1126 = vector.broadcast %jit3A_1125 : i32 to vector<16xi32>
    %select_n3A_1127 = arith.select %lt3A_1124, %get3A_1121, %broadcast_in_dim3A_1126 : vector<16xi1>, vector<16xi32>
    %sub3A_1128 = arith.constant 16 : i32
    %sub3A_1129 = vector.broadcast %sub3A_1128 : i32 to vector<16xi32>
    %sub3A_1130 = arith.subi %get3A_1121, %sub3A_1129 : vector<16xi32>
    %jit3A_1131 = arith.constant 0 : i32
    %broadcast_in_dim3A_1132 = vector.broadcast %jit3A_1131 : i32 to vector<16xi32>
    %select_n3A_1133 = arith.select %lt3A_1124, %broadcast_in_dim3A_1132, %sub3A_1130 : vector<16xi1>, vector<16xi32>
    %broadcast_in_dim3A_1134 = vector.shape_cast %select_n3A_1127 : vector<16xi32> to vector<16x1xi32>
    %gather3A_1135 = vector.shape_cast %broadcast_in_dim3A_1134 : vector<16x1xi32> to vector<16xi32>
    %gather3A_1136 = tpu.dynamic_gather %get3A_5[%gather3A_1135] in [0] : vector<16xf32>, vector<16xi32> -> vector<16xf32>
    %broadcast_in_dim3A_1137 = vector.shape_cast %select_n3A_1133 : vector<16xi32> to vector<16x1xi32>
    %gather3A_1138 = vector.shape_cast %broadcast_in_dim3A_1137 : vector<16x1xi32> to vector<16xi32>
    %gather3A_1139 = tpu.dynamic_gather %get3A_8[%gather3A_1138] in [0] : vector<16xf32>, vector<16xi32> -> vector<16xf32>
    %select_n3A_1140 = arith.select %lt3A_1124, %gather3A_1136, %gather3A_1139 : vector<16xi1>, vector<16xf32>
    %lt3A_1141 = arith.constant 16 : i32
    %lt3A_1142 = vector.broadcast %lt3A_1141 : i32 to vector<16xi32>
    %lt3A_1143 = arith.cmpi slt, %get3A_1121, %lt3A_1142 : vector<16xi32>
    %jit3A_1144 = arith.constant 0 : i32
    %broadcast_in_dim3A_1145 = vector.broadcast %jit3A_1144 : i32 to vector<16xi32>
    %select_n3A_1146 = arith.select %lt3A_1143, %get3A_1121, %broadcast_in_dim3A_1145 : vector<16xi1>, vector<16xi32>
    %sub3A_1147 = arith.constant 16 : i32
    %sub3A_1148 = vector.broadcast %sub3A_1147 : i32 to vector<16xi32>
    %sub3A_1149 = arith.subi %get3A_1121, %sub3A_1148 : vector<16xi32>
    %jit3A_1150 = arith.constant 0 : i32
    %broadcast_in_dim3A_1151 = vector.broadcast %jit3A_1150 : i32 to vector<16xi32>
    %select_n3A_1152 = arith.select %lt3A_1143, %broadcast_in_dim3A_1151, %sub3A_1149 : vector<16xi1>, vector<16xi32>
    %broadcast_in_dim3A_1153 = vector.shape_cast %select_n3A_1146 : vector<16xi32> to vector<16x1xi32>
    %gather3A_1154 = vector.shape_cast %broadcast_in_dim3A_1153 : vector<16x1xi32> to vector<16xi32>
    %gather3A_1155 = tpu.dynamic_gather %get3A_11[%gather3A_1154] in [0] : vector<16xf32>, vector<16xi32> -> vector<16xf32>
    %broadcast_in_dim3A_1156 = vector.shape_cast %select_n3A_1152 : vector<16xi32> to vector<16x1xi32>
    %gather3A_1157 = vector.shape_cast %broadcast_in_dim3A_1156 : vector<16x1xi32> to vector<16xi32>
    %gather3A_1158 = tpu.dynamic_gather %get3A_14[%gather3A_1157] in [0] : vector<16xf32>, vector<16xi32> -> vector<16xf32>
    %select_n3A_1159 = arith.select %lt3A_1143, %gather3A_1155, %gather3A_1158 : vector<16xi1>, vector<16xf32>
    %gt3A_1160 = arith.constant 1.000000e+00 : f32
    %gt3A_1161 = vector.broadcast %gt3A_1160 : f32 to vector<16xf32>
    %gt3A_1162 = arith.cmpf ogt, %select_n3A_1140, %gt3A_1161 : vector<16xf32>
    %div3A_1163 = arith.divf %get3A_1118, %select_n3A_1140 : vector<16xf32>
    %select_n3A_1164 = arith.select %gt3A_1162, %div3A_1163, %get3A_1118 : vector<16xi1>, vector<16xf32>
    %gt3A_1165 = arith.cmpf ogt, %select_n3A_1164, %get3A_2 : vector<16xf32>
    %jit3A_1166 = arith.constant 0.000000e+00 : f32
    %broadcast_in_dim3A_1167 = vector.broadcast %jit3A_1166 : f32 to vector<16xf32>
    %select_n3A_1168 = arith.select %gt3A_1165, %select_n3A_1164, %broadcast_in_dim3A_1167 : vector<16xi1>, vector<16xf32>
    %gt3A_1169 = arith.constant 5.000000e-01 : f32
    %gt3A_1170 = vector.broadcast %gt3A_1169 : f32 to vector<16xf32>
    %gt3A_1171 = arith.cmpf ogt, %select_n3A_1159, %gt3A_1170 : vector<16xf32>
    %mul3A_1172 = arith.mulf %select_n3A_1168, %select_n3A_1168 : vector<16xf32>
    %mul3A_1173 = arith.mulf %mul3A_1172, %get3A_1115 : vector<16xf32>
    %jit3A_1174 = arith.constant 0.000000e+00 : f32
    %broadcast_in_dim3A_1175 = vector.broadcast %jit3A_1174 : f32 to vector<16xf32>
    %select_n3A_1176 = arith.select %gt3A_1171, %broadcast_in_dim3A_1175, %mul3A_1173 : vector<16xi1>, vector<16xf32>
    %add3A_1177 = arith.addf %add3A_1112, %select_n3A_1176 : vector<16xf32>
    %get3A_1178 = arith.constant 288 : index
    %get3A_1179 = tpu.vector_load %arg7[%get3A_1178] {strides = array<i32>} : memref<448xf32, #tpu.memory_space<vmem>>, vector<16xf32>,
    %get3A_1180 = vector.shape_cast %get3A_1179 : vector<16xf32> to vector<16xf32>
    %get3A_1181 = arith.constant 288 : index
    %get3A_1182 = tpu.vector_load %arg8[%get3A_1181] {strides = array<i32>} : memref<448xf32, #tpu.memory_space<vmem>>, vector<16xf32>,
    %get3A_1183 = vector.shape_cast %get3A_1182 : vector<16xf32> to vector<16xf32>
    %get3A_1184 = arith.constant 288 : index
    %get3A_1185 = tpu.vector_load %arg9[%get3A_1184] {strides = array<i32>} : memref<448xi32, #tpu.memory_space<vmem>>, vector<16xi32>,
    %get3A_1186 = vector.shape_cast %get3A_1185 : vector<16xi32> to vector<16xi32>
    %lt3A_1187 = arith.constant 16 : i32
    %lt3A_1188 = vector.broadcast %lt3A_1187 : i32 to vector<16xi32>
    %lt3A_1189 = arith.cmpi slt, %get3A_1186, %lt3A_1188 : vector<16xi32>
    %jit3A_1190 = arith.constant 0 : i32
    %broadcast_in_dim3A_1191 = vector.broadcast %jit3A_1190 : i32 to vector<16xi32>
    %select_n3A_1192 = arith.select %lt3A_1189, %get3A_1186, %broadcast_in_dim3A_1191 : vector<16xi1>, vector<16xi32>
    %sub3A_1193 = arith.constant 16 : i32
    %sub3A_1194 = vector.broadcast %sub3A_1193 : i32 to vector<16xi32>
    %sub3A_1195 = arith.subi %get3A_1186, %sub3A_1194 : vector<16xi32>
    %jit3A_1196 = arith.constant 0 : i32
    %broadcast_in_dim3A_1197 = vector.broadcast %jit3A_1196 : i32 to vector<16xi32>
    %select_n3A_1198 = arith.select %lt3A_1189, %broadcast_in_dim3A_1197, %sub3A_1195 : vector<16xi1>, vector<16xi32>
    %broadcast_in_dim3A_1199 = vector.shape_cast %select_n3A_1192 : vector<16xi32> to vector<16x1xi32>
    %gather3A_1200 = vector.shape_cast %broadcast_in_dim3A_1199 : vector<16x1xi32> to vector<16xi32>
    %gather3A_1201 = tpu.dynamic_gather %get3A_5[%gather3A_1200] in [0] : vector<16xf32>, vector<16xi32> -> vector<16xf32>
    %broadcast_in_dim3A_1202 = vector.shape_cast %select_n3A_1198 : vector<16xi32> to vector<16x1xi32>
    %gather3A_1203 = vector.shape_cast %broadcast_in_dim3A_1202 : vector<16x1xi32> to vector<16xi32>
    %gather3A_1204 = tpu.dynamic_gather %get3A_8[%gather3A_1203] in [0] : vector<16xf32>, vector<16xi32> -> vector<16xf32>
    %select_n3A_1205 = arith.select %lt3A_1189, %gather3A_1201, %gather3A_1204 : vector<16xi1>, vector<16xf32>
    %lt3A_1206 = arith.constant 16 : i32
    %lt3A_1207 = vector.broadcast %lt3A_1206 : i32 to vector<16xi32>
    %lt3A_1208 = arith.cmpi slt, %get3A_1186, %lt3A_1207 : vector<16xi32>
    %jit3A_1209 = arith.constant 0 : i32
    %broadcast_in_dim3A_1210 = vector.broadcast %jit3A_1209 : i32 to vector<16xi32>
    %select_n3A_1211 = arith.select %lt3A_1208, %get3A_1186, %broadcast_in_dim3A_1210 : vector<16xi1>, vector<16xi32>
    %sub3A_1212 = arith.constant 16 : i32
    %sub3A_1213 = vector.broadcast %sub3A_1212 : i32 to vector<16xi32>
    %sub3A_1214 = arith.subi %get3A_1186, %sub3A_1213 : vector<16xi32>
    %jit3A_1215 = arith.constant 0 : i32
    %broadcast_in_dim3A_1216 = vector.broadcast %jit3A_1215 : i32 to vector<16xi32>
    %select_n3A_1217 = arith.select %lt3A_1208, %broadcast_in_dim3A_1216, %sub3A_1214 : vector<16xi1>, vector<16xi32>
    %broadcast_in_dim3A_1218 = vector.shape_cast %select_n3A_1211 : vector<16xi32> to vector<16x1xi32>
    %gather3A_1219 = vector.shape_cast %broadcast_in_dim3A_1218 : vector<16x1xi32> to vector<16xi32>
    %gather3A_1220 = tpu.dynamic_gather %get3A_11[%gather3A_1219] in [0] : vector<16xf32>, vector<16xi32> -> vector<16xf32>
    %broadcast_in_dim3A_1221 = vector.shape_cast %select_n3A_1217 : vector<16xi32> to vector<16x1xi32>
    %gather3A_1222 = vector.shape_cast %broadcast_in_dim3A_1221 : vector<16x1xi32> to vector<16xi32>
    %gather3A_1223 = tpu.dynamic_gather %get3A_14[%gather3A_1222] in [0] : vector<16xf32>, vector<16xi32> -> vector<16xf32>
    %select_n3A_1224 = arith.select %lt3A_1208, %gather3A_1220, %gather3A_1223 : vector<16xi1>, vector<16xf32>
    %gt3A_1225 = arith.constant 1.000000e+00 : f32
    %gt3A_1226 = vector.broadcast %gt3A_1225 : f32 to vector<16xf32>
    %gt3A_1227 = arith.cmpf ogt, %select_n3A_1205, %gt3A_1226 : vector<16xf32>
    %div3A_1228 = arith.divf %get3A_1183, %select_n3A_1205 : vector<16xf32>
    %select_n3A_1229 = arith.select %gt3A_1227, %div3A_1228, %get3A_1183 : vector<16xi1>, vector<16xf32>
    %gt3A_1230 = arith.cmpf ogt, %select_n3A_1229, %get3A_2 : vector<16xf32>
    %jit3A_1231 = arith.constant 0.000000e+00 : f32
    %broadcast_in_dim3A_1232 = vector.broadcast %jit3A_1231 : f32 to vector<16xf32>
    %select_n3A_1233 = arith.select %gt3A_1230, %select_n3A_1229, %broadcast_in_dim3A_1232 : vector<16xi1>, vector<16xf32>
    %gt3A_1234 = arith.constant 5.000000e-01 : f32
    %gt3A_1235 = vector.broadcast %gt3A_1234 : f32 to vector<16xf32>
    %gt3A_1236 = arith.cmpf ogt, %select_n3A_1224, %gt3A_1235 : vector<16xf32>
    %mul3A_1237 = arith.mulf %select_n3A_1233, %select_n3A_1233 : vector<16xf32>
    %mul3A_1238 = arith.mulf %mul3A_1237, %get3A_1180 : vector<16xf32>
    %jit3A_1239 = arith.constant 0.000000e+00 : f32
    %broadcast_in_dim3A_1240 = vector.broadcast %jit3A_1239 : f32 to vector<16xf32>
    %select_n3A_1241 = arith.select %gt3A_1236, %broadcast_in_dim3A_1240, %mul3A_1238 : vector<16xi1>, vector<16xf32>
    %add3A_1242 = arith.addf %add3A_1177, %select_n3A_1241 : vector<16xf32>
    %get3A_1243 = arith.constant 304 : index
    %get3A_1244 = tpu.vector_load %arg7[%get3A_1243] {strides = array<i32>} : memref<448xf32, #tpu.memory_space<vmem>>, vector<16xf32>,
    %get3A_1245 = vector.shape_cast %get3A_1244 : vector<16xf32> to vector<16xf32>
    %get3A_1246 = arith.constant 304 : index
    %get3A_1247 = tpu.vector_load %arg8[%get3A_1246] {strides = array<i32>} : memref<448xf32, #tpu.memory_space<vmem>>, vector<16xf32>,
    %get3A_1248 = vector.shape_cast %get3A_1247 : vector<16xf32> to vector<16xf32>
    %get3A_1249 = arith.constant 304 : index
    %get3A_1250 = tpu.vector_load %arg9[%get3A_1249] {strides = array<i32>} : memref<448xi32, #tpu.memory_space<vmem>>, vector<16xi32>,
    %get3A_1251 = vector.shape_cast %get3A_1250 : vector<16xi32> to vector<16xi32>
    %lt3A_1252 = arith.constant 16 : i32
    %lt3A_1253 = vector.broadcast %lt3A_1252 : i32 to vector<16xi32>
    %lt3A_1254 = arith.cmpi slt, %get3A_1251, %lt3A_1253 : vector<16xi32>
    %jit3A_1255 = arith.constant 0 : i32
    %broadcast_in_dim3A_1256 = vector.broadcast %jit3A_1255 : i32 to vector<16xi32>
    %select_n3A_1257 = arith.select %lt3A_1254, %get3A_1251, %broadcast_in_dim3A_1256 : vector<16xi1>, vector<16xi32>
    %sub3A_1258 = arith.constant 16 : i32
    %sub3A_1259 = vector.broadcast %sub3A_1258 : i32 to vector<16xi32>
    %sub3A_1260 = arith.subi %get3A_1251, %sub3A_1259 : vector<16xi32>
    %jit3A_1261 = arith.constant 0 : i32
    %broadcast_in_dim3A_1262 = vector.broadcast %jit3A_1261 : i32 to vector<16xi32>
    %select_n3A_1263 = arith.select %lt3A_1254, %broadcast_in_dim3A_1262, %sub3A_1260 : vector<16xi1>, vector<16xi32>
    %broadcast_in_dim3A_1264 = vector.shape_cast %select_n3A_1257 : vector<16xi32> to vector<16x1xi32>
    %gather3A_1265 = vector.shape_cast %broadcast_in_dim3A_1264 : vector<16x1xi32> to vector<16xi32>
    %gather3A_1266 = tpu.dynamic_gather %get3A_5[%gather3A_1265] in [0] : vector<16xf32>, vector<16xi32> -> vector<16xf32>
    %broadcast_in_dim3A_1267 = vector.shape_cast %select_n3A_1263 : vector<16xi32> to vector<16x1xi32>
    %gather3A_1268 = vector.shape_cast %broadcast_in_dim3A_1267 : vector<16x1xi32> to vector<16xi32>
    %gather3A_1269 = tpu.dynamic_gather %get3A_8[%gather3A_1268] in [0] : vector<16xf32>, vector<16xi32> -> vector<16xf32>
    %select_n3A_1270 = arith.select %lt3A_1254, %gather3A_1266, %gather3A_1269 : vector<16xi1>, vector<16xf32>
    %lt3A_1271 = arith.constant 16 : i32
    %lt3A_1272 = vector.broadcast %lt3A_1271 : i32 to vector<16xi32>
    %lt3A_1273 = arith.cmpi slt, %get3A_1251, %lt3A_1272 : vector<16xi32>
    %jit3A_1274 = arith.constant 0 : i32
    %broadcast_in_dim3A_1275 = vector.broadcast %jit3A_1274 : i32 to vector<16xi32>
    %select_n3A_1276 = arith.select %lt3A_1273, %get3A_1251, %broadcast_in_dim3A_1275 : vector<16xi1>, vector<16xi32>
    %sub3A_1277 = arith.constant 16 : i32
    %sub3A_1278 = vector.broadcast %sub3A_1277 : i32 to vector<16xi32>
    %sub3A_1279 = arith.subi %get3A_1251, %sub3A_1278 : vector<16xi32>
    %jit3A_1280 = arith.constant 0 : i32
    %broadcast_in_dim3A_1281 = vector.broadcast %jit3A_1280 : i32 to vector<16xi32>
    %select_n3A_1282 = arith.select %lt3A_1273, %broadcast_in_dim3A_1281, %sub3A_1279 : vector<16xi1>, vector<16xi32>
    %broadcast_in_dim3A_1283 = vector.shape_cast %select_n3A_1276 : vector<16xi32> to vector<16x1xi32>
    %gather3A_1284 = vector.shape_cast %broadcast_in_dim3A_1283 : vector<16x1xi32> to vector<16xi32>
    %gather3A_1285 = tpu.dynamic_gather %get3A_11[%gather3A_1284] in [0] : vector<16xf32>, vector<16xi32> -> vector<16xf32>
    %broadcast_in_dim3A_1286 = vector.shape_cast %select_n3A_1282 : vector<16xi32> to vector<16x1xi32>
    %gather3A_1287 = vector.shape_cast %broadcast_in_dim3A_1286 : vector<16x1xi32> to vector<16xi32>
    %gather3A_1288 = tpu.dynamic_gather %get3A_14[%gather3A_1287] in [0] : vector<16xf32>, vector<16xi32> -> vector<16xf32>
    %select_n3A_1289 = arith.select %lt3A_1273, %gather3A_1285, %gather3A_1288 : vector<16xi1>, vector<16xf32>
    %gt3A_1290 = arith.constant 1.000000e+00 : f32
    %gt3A_1291 = vector.broadcast %gt3A_1290 : f32 to vector<16xf32>
    %gt3A_1292 = arith.cmpf ogt, %select_n3A_1270, %gt3A_1291 : vector<16xf32>
    %div3A_1293 = arith.divf %get3A_1248, %select_n3A_1270 : vector<16xf32>
    %select_n3A_1294 = arith.select %gt3A_1292, %div3A_1293, %get3A_1248 : vector<16xi1>, vector<16xf32>
    %gt3A_1295 = arith.cmpf ogt, %select_n3A_1294, %get3A_2 : vector<16xf32>
    %jit3A_1296 = arith.constant 0.000000e+00 : f32
    %broadcast_in_dim3A_1297 = vector.broadcast %jit3A_1296 : f32 to vector<16xf32>
    %select_n3A_1298 = arith.select %gt3A_1295, %select_n3A_1294, %broadcast_in_dim3A_1297 : vector<16xi1>, vector<16xf32>
    %gt3A_1299 = arith.constant 5.000000e-01 : f32
    %gt3A_1300 = vector.broadcast %gt3A_1299 : f32 to vector<16xf32>
    %gt3A_1301 = arith.cmpf ogt, %select_n3A_1289, %gt3A_1300 : vector<16xf32>
    %mul3A_1302 = arith.mulf %select_n3A_1298, %select_n3A_1298 : vector<16xf32>
    %mul3A_1303 = arith.mulf %mul3A_1302, %get3A_1245 : vector<16xf32>
    %jit3A_1304 = arith.constant 0.000000e+00 : f32
    %broadcast_in_dim3A_1305 = vector.broadcast %jit3A_1304 : f32 to vector<16xf32>
    %select_n3A_1306 = arith.select %gt3A_1301, %broadcast_in_dim3A_1305, %mul3A_1303 : vector<16xi1>, vector<16xf32>
    %add3A_1307 = arith.addf %add3A_1242, %select_n3A_1306 : vector<16xf32>
    %get3A_1308 = arith.constant 320 : index
    %get3A_1309 = tpu.vector_load %arg7[%get3A_1308] {strides = array<i32>} : memref<448xf32, #tpu.memory_space<vmem>>, vector<16xf32>,
    %get3A_1310 = vector.shape_cast %get3A_1309 : vector<16xf32> to vector<16xf32>
    %get3A_1311 = arith.constant 320 : index
    %get3A_1312 = tpu.vector_load %arg8[%get3A_1311] {strides = array<i32>} : memref<448xf32, #tpu.memory_space<vmem>>, vector<16xf32>,
    %get3A_1313 = vector.shape_cast %get3A_1312 : vector<16xf32> to vector<16xf32>
    %get3A_1314 = arith.constant 320 : index
    %get3A_1315 = tpu.vector_load %arg9[%get3A_1314] {strides = array<i32>} : memref<448xi32, #tpu.memory_space<vmem>>, vector<16xi32>,
    %get3A_1316 = vector.shape_cast %get3A_1315 : vector<16xi32> to vector<16xi32>
    %lt3A_1317 = arith.constant 16 : i32
    %lt3A_1318 = vector.broadcast %lt3A_1317 : i32 to vector<16xi32>
    %lt3A_1319 = arith.cmpi slt, %get3A_1316, %lt3A_1318 : vector<16xi32>
    %jit3A_1320 = arith.constant 0 : i32
    %broadcast_in_dim3A_1321 = vector.broadcast %jit3A_1320 : i32 to vector<16xi32>
    %select_n3A_1322 = arith.select %lt3A_1319, %get3A_1316, %broadcast_in_dim3A_1321 : vector<16xi1>, vector<16xi32>
    %sub3A_1323 = arith.constant 16 : i32
    %sub3A_1324 = vector.broadcast %sub3A_1323 : i32 to vector<16xi32>
    %sub3A_1325 = arith.subi %get3A_1316, %sub3A_1324 : vector<16xi32>
    %jit3A_1326 = arith.constant 0 : i32
    %broadcast_in_dim3A_1327 = vector.broadcast %jit3A_1326 : i32 to vector<16xi32>
    %select_n3A_1328 = arith.select %lt3A_1319, %broadcast_in_dim3A_1327, %sub3A_1325 : vector<16xi1>, vector<16xi32>
    %broadcast_in_dim3A_1329 = vector.shape_cast %select_n3A_1322 : vector<16xi32> to vector<16x1xi32>
    %gather3A_1330 = vector.shape_cast %broadcast_in_dim3A_1329 : vector<16x1xi32> to vector<16xi32>
    %gather3A_1331 = tpu.dynamic_gather %get3A_5[%gather3A_1330] in [0] : vector<16xf32>, vector<16xi32> -> vector<16xf32>
    %broadcast_in_dim3A_1332 = vector.shape_cast %select_n3A_1328 : vector<16xi32> to vector<16x1xi32>
    %gather3A_1333 = vector.shape_cast %broadcast_in_dim3A_1332 : vector<16x1xi32> to vector<16xi32>
    %gather3A_1334 = tpu.dynamic_gather %get3A_8[%gather3A_1333] in [0] : vector<16xf32>, vector<16xi32> -> vector<16xf32>
    %select_n3A_1335 = arith.select %lt3A_1319, %gather3A_1331, %gather3A_1334 : vector<16xi1>, vector<16xf32>
    %lt3A_1336 = arith.constant 16 : i32
    %lt3A_1337 = vector.broadcast %lt3A_1336 : i32 to vector<16xi32>
    %lt3A_1338 = arith.cmpi slt, %get3A_1316, %lt3A_1337 : vector<16xi32>
    %jit3A_1339 = arith.constant 0 : i32
    %broadcast_in_dim3A_1340 = vector.broadcast %jit3A_1339 : i32 to vector<16xi32>
    %select_n3A_1341 = arith.select %lt3A_1338, %get3A_1316, %broadcast_in_dim3A_1340 : vector<16xi1>, vector<16xi32>
    %sub3A_1342 = arith.constant 16 : i32
    %sub3A_1343 = vector.broadcast %sub3A_1342 : i32 to vector<16xi32>
    %sub3A_1344 = arith.subi %get3A_1316, %sub3A_1343 : vector<16xi32>
    %jit3A_1345 = arith.constant 0 : i32
    %broadcast_in_dim3A_1346 = vector.broadcast %jit3A_1345 : i32 to vector<16xi32>
    %select_n3A_1347 = arith.select %lt3A_1338, %broadcast_in_dim3A_1346, %sub3A_1344 : vector<16xi1>, vector<16xi32>
    %broadcast_in_dim3A_1348 = vector.shape_cast %select_n3A_1341 : vector<16xi32> to vector<16x1xi32>
    %gather3A_1349 = vector.shape_cast %broadcast_in_dim3A_1348 : vector<16x1xi32> to vector<16xi32>
    %gather3A_1350 = tpu.dynamic_gather %get3A_11[%gather3A_1349] in [0] : vector<16xf32>, vector<16xi32> -> vector<16xf32>
    %broadcast_in_dim3A_1351 = vector.shape_cast %select_n3A_1347 : vector<16xi32> to vector<16x1xi32>
    %gather3A_1352 = vector.shape_cast %broadcast_in_dim3A_1351 : vector<16x1xi32> to vector<16xi32>
    %gather3A_1353 = tpu.dynamic_gather %get3A_14[%gather3A_1352] in [0] : vector<16xf32>, vector<16xi32> -> vector<16xf32>
    %select_n3A_1354 = arith.select %lt3A_1338, %gather3A_1350, %gather3A_1353 : vector<16xi1>, vector<16xf32>
    %gt3A_1355 = arith.constant 1.000000e+00 : f32
    %gt3A_1356 = vector.broadcast %gt3A_1355 : f32 to vector<16xf32>
    %gt3A_1357 = arith.cmpf ogt, %select_n3A_1335, %gt3A_1356 : vector<16xf32>
    %div3A_1358 = arith.divf %get3A_1313, %select_n3A_1335 : vector<16xf32>
    %select_n3A_1359 = arith.select %gt3A_1357, %div3A_1358, %get3A_1313 : vector<16xi1>, vector<16xf32>
    %gt3A_1360 = arith.cmpf ogt, %select_n3A_1359, %get3A_2 : vector<16xf32>
    %jit3A_1361 = arith.constant 0.000000e+00 : f32
    %broadcast_in_dim3A_1362 = vector.broadcast %jit3A_1361 : f32 to vector<16xf32>
    %select_n3A_1363 = arith.select %gt3A_1360, %select_n3A_1359, %broadcast_in_dim3A_1362 : vector<16xi1>, vector<16xf32>
    %gt3A_1364 = arith.constant 5.000000e-01 : f32
    %gt3A_1365 = vector.broadcast %gt3A_1364 : f32 to vector<16xf32>
    %gt3A_1366 = arith.cmpf ogt, %select_n3A_1354, %gt3A_1365 : vector<16xf32>
    %mul3A_1367 = arith.mulf %select_n3A_1363, %select_n3A_1363 : vector<16xf32>
    %mul3A_1368 = arith.mulf %mul3A_1367, %get3A_1310 : vector<16xf32>
    %jit3A_1369 = arith.constant 0.000000e+00 : f32
    %broadcast_in_dim3A_1370 = vector.broadcast %jit3A_1369 : f32 to vector<16xf32>
    %select_n3A_1371 = arith.select %gt3A_1366, %broadcast_in_dim3A_1370, %mul3A_1368 : vector<16xi1>, vector<16xf32>
    %add3A_1372 = arith.addf %add3A_1307, %select_n3A_1371 : vector<16xf32>
    %get3A_1373 = arith.constant 336 : index
    %get3A_1374 = tpu.vector_load %arg7[%get3A_1373] {strides = array<i32>} : memref<448xf32, #tpu.memory_space<vmem>>, vector<16xf32>,
    %get3A_1375 = vector.shape_cast %get3A_1374 : vector<16xf32> to vector<16xf32>
    %get3A_1376 = arith.constant 336 : index
    %get3A_1377 = tpu.vector_load %arg8[%get3A_1376] {strides = array<i32>} : memref<448xf32, #tpu.memory_space<vmem>>, vector<16xf32>,
    %get3A_1378 = vector.shape_cast %get3A_1377 : vector<16xf32> to vector<16xf32>
    %get3A_1379 = arith.constant 336 : index
    %get3A_1380 = tpu.vector_load %arg9[%get3A_1379] {strides = array<i32>} : memref<448xi32, #tpu.memory_space<vmem>>, vector<16xi32>,
    %get3A_1381 = vector.shape_cast %get3A_1380 : vector<16xi32> to vector<16xi32>
    %lt3A_1382 = arith.constant 16 : i32
    %lt3A_1383 = vector.broadcast %lt3A_1382 : i32 to vector<16xi32>
    %lt3A_1384 = arith.cmpi slt, %get3A_1381, %lt3A_1383 : vector<16xi32>
    %jit3A_1385 = arith.constant 0 : i32
    %broadcast_in_dim3A_1386 = vector.broadcast %jit3A_1385 : i32 to vector<16xi32>
    %select_n3A_1387 = arith.select %lt3A_1384, %get3A_1381, %broadcast_in_dim3A_1386 : vector<16xi1>, vector<16xi32>
    %sub3A_1388 = arith.constant 16 : i32
    %sub3A_1389 = vector.broadcast %sub3A_1388 : i32 to vector<16xi32>
    %sub3A_1390 = arith.subi %get3A_1381, %sub3A_1389 : vector<16xi32>
    %jit3A_1391 = arith.constant 0 : i32
    %broadcast_in_dim3A_1392 = vector.broadcast %jit3A_1391 : i32 to vector<16xi32>
    %select_n3A_1393 = arith.select %lt3A_1384, %broadcast_in_dim3A_1392, %sub3A_1390 : vector<16xi1>, vector<16xi32>
    %broadcast_in_dim3A_1394 = vector.shape_cast %select_n3A_1387 : vector<16xi32> to vector<16x1xi32>
    %gather3A_1395 = vector.shape_cast %broadcast_in_dim3A_1394 : vector<16x1xi32> to vector<16xi32>
    %gather3A_1396 = tpu.dynamic_gather %get3A_5[%gather3A_1395] in [0] : vector<16xf32>, vector<16xi32> -> vector<16xf32>
    %broadcast_in_dim3A_1397 = vector.shape_cast %select_n3A_1393 : vector<16xi32> to vector<16x1xi32>
    %gather3A_1398 = vector.shape_cast %broadcast_in_dim3A_1397 : vector<16x1xi32> to vector<16xi32>
    %gather3A_1399 = tpu.dynamic_gather %get3A_8[%gather3A_1398] in [0] : vector<16xf32>, vector<16xi32> -> vector<16xf32>
    %select_n3A_1400 = arith.select %lt3A_1384, %gather3A_1396, %gather3A_1399 : vector<16xi1>, vector<16xf32>
    %lt3A_1401 = arith.constant 16 : i32
    %lt3A_1402 = vector.broadcast %lt3A_1401 : i32 to vector<16xi32>
    %lt3A_1403 = arith.cmpi slt, %get3A_1381, %lt3A_1402 : vector<16xi32>
    %jit3A_1404 = arith.constant 0 : i32
    %broadcast_in_dim3A_1405 = vector.broadcast %jit3A_1404 : i32 to vector<16xi32>
    %select_n3A_1406 = arith.select %lt3A_1403, %get3A_1381, %broadcast_in_dim3A_1405 : vector<16xi1>, vector<16xi32>
    %sub3A_1407 = arith.constant 16 : i32
    %sub3A_1408 = vector.broadcast %sub3A_1407 : i32 to vector<16xi32>
    %sub3A_1409 = arith.subi %get3A_1381, %sub3A_1408 : vector<16xi32>
    %jit3A_1410 = arith.constant 0 : i32
    %broadcast_in_dim3A_1411 = vector.broadcast %jit3A_1410 : i32 to vector<16xi32>
    %select_n3A_1412 = arith.select %lt3A_1403, %broadcast_in_dim3A_1411, %sub3A_1409 : vector<16xi1>, vector<16xi32>
    %broadcast_in_dim3A_1413 = vector.shape_cast %select_n3A_1406 : vector<16xi32> to vector<16x1xi32>
    %gather3A_1414 = vector.shape_cast %broadcast_in_dim3A_1413 : vector<16x1xi32> to vector<16xi32>
    %gather3A_1415 = tpu.dynamic_gather %get3A_11[%gather3A_1414] in [0] : vector<16xf32>, vector<16xi32> -> vector<16xf32>
    %broadcast_in_dim3A_1416 = vector.shape_cast %select_n3A_1412 : vector<16xi32> to vector<16x1xi32>
    %gather3A_1417 = vector.shape_cast %broadcast_in_dim3A_1416 : vector<16x1xi32> to vector<16xi32>
    %gather3A_1418 = tpu.dynamic_gather %get3A_14[%gather3A_1417] in [0] : vector<16xf32>, vector<16xi32> -> vector<16xf32>
    %select_n3A_1419 = arith.select %lt3A_1403, %gather3A_1415, %gather3A_1418 : vector<16xi1>, vector<16xf32>
    %gt3A_1420 = arith.constant 1.000000e+00 : f32
    %gt3A_1421 = vector.broadcast %gt3A_1420 : f32 to vector<16xf32>
    %gt3A_1422 = arith.cmpf ogt, %select_n3A_1400, %gt3A_1421 : vector<16xf32>
    %div3A_1423 = arith.divf %get3A_1378, %select_n3A_1400 : vector<16xf32>
    %select_n3A_1424 = arith.select %gt3A_1422, %div3A_1423, %get3A_1378 : vector<16xi1>, vector<16xf32>
    %gt3A_1425 = arith.cmpf ogt, %select_n3A_1424, %get3A_2 : vector<16xf32>
    %jit3A_1426 = arith.constant 0.000000e+00 : f32
    %broadcast_in_dim3A_1427 = vector.broadcast %jit3A_1426 : f32 to vector<16xf32>
    %select_n3A_1428 = arith.select %gt3A_1425, %select_n3A_1424, %broadcast_in_dim3A_1427 : vector<16xi1>, vector<16xf32>
    %gt3A_1429 = arith.constant 5.000000e-01 : f32
    %gt3A_1430 = vector.broadcast %gt3A_1429 : f32 to vector<16xf32>
    %gt3A_1431 = arith.cmpf ogt, %select_n3A_1419, %gt3A_1430 : vector<16xf32>
    %mul3A_1432 = arith.mulf %select_n3A_1428, %select_n3A_1428 : vector<16xf32>
    %mul3A_1433 = arith.mulf %mul3A_1432, %get3A_1375 : vector<16xf32>
    %jit3A_1434 = arith.constant 0.000000e+00 : f32
    %broadcast_in_dim3A_1435 = vector.broadcast %jit3A_1434 : f32 to vector<16xf32>
    %select_n3A_1436 = arith.select %gt3A_1431, %broadcast_in_dim3A_1435, %mul3A_1433 : vector<16xi1>, vector<16xf32>
    %add3A_1437 = arith.addf %add3A_1372, %select_n3A_1436 : vector<16xf32>
    %get3A_1438 = arith.constant 352 : index
    %get3A_1439 = tpu.vector_load %arg7[%get3A_1438] {strides = array<i32>} : memref<448xf32, #tpu.memory_space<vmem>>, vector<16xf32>,
    %get3A_1440 = vector.shape_cast %get3A_1439 : vector<16xf32> to vector<16xf32>
    %get3A_1441 = arith.constant 352 : index
    %get3A_1442 = tpu.vector_load %arg8[%get3A_1441] {strides = array<i32>} : memref<448xf32, #tpu.memory_space<vmem>>, vector<16xf32>,
    %get3A_1443 = vector.shape_cast %get3A_1442 : vector<16xf32> to vector<16xf32>
    %get3A_1444 = arith.constant 352 : index
    %get3A_1445 = tpu.vector_load %arg9[%get3A_1444] {strides = array<i32>} : memref<448xi32, #tpu.memory_space<vmem>>, vector<16xi32>,
    %get3A_1446 = vector.shape_cast %get3A_1445 : vector<16xi32> to vector<16xi32>
    %lt3A_1447 = arith.constant 16 : i32
    %lt3A_1448 = vector.broadcast %lt3A_1447 : i32 to vector<16xi32>
    %lt3A_1449 = arith.cmpi slt, %get3A_1446, %lt3A_1448 : vector<16xi32>
    %jit3A_1450 = arith.constant 0 : i32
    %broadcast_in_dim3A_1451 = vector.broadcast %jit3A_1450 : i32 to vector<16xi32>
    %select_n3A_1452 = arith.select %lt3A_1449, %get3A_1446, %broadcast_in_dim3A_1451 : vector<16xi1>, vector<16xi32>
    %sub3A_1453 = arith.constant 16 : i32
    %sub3A_1454 = vector.broadcast %sub3A_1453 : i32 to vector<16xi32>
    %sub3A_1455 = arith.subi %get3A_1446, %sub3A_1454 : vector<16xi32>
    %jit3A_1456 = arith.constant 0 : i32
    %broadcast_in_dim3A_1457 = vector.broadcast %jit3A_1456 : i32 to vector<16xi32>
    %select_n3A_1458 = arith.select %lt3A_1449, %broadcast_in_dim3A_1457, %sub3A_1455 : vector<16xi1>, vector<16xi32>
    %broadcast_in_dim3A_1459 = vector.shape_cast %select_n3A_1452 : vector<16xi32> to vector<16x1xi32>
    %gather3A_1460 = vector.shape_cast %broadcast_in_dim3A_1459 : vector<16x1xi32> to vector<16xi32>
    %gather3A_1461 = tpu.dynamic_gather %get3A_5[%gather3A_1460] in [0] : vector<16xf32>, vector<16xi32> -> vector<16xf32>
    %broadcast_in_dim3A_1462 = vector.shape_cast %select_n3A_1458 : vector<16xi32> to vector<16x1xi32>
    %gather3A_1463 = vector.shape_cast %broadcast_in_dim3A_1462 : vector<16x1xi32> to vector<16xi32>
    %gather3A_1464 = tpu.dynamic_gather %get3A_8[%gather3A_1463] in [0] : vector<16xf32>, vector<16xi32> -> vector<16xf32>
    %select_n3A_1465 = arith.select %lt3A_1449, %gather3A_1461, %gather3A_1464 : vector<16xi1>, vector<16xf32>
    %lt3A_1466 = arith.constant 16 : i32
    %lt3A_1467 = vector.broadcast %lt3A_1466 : i32 to vector<16xi32>
    %lt3A_1468 = arith.cmpi slt, %get3A_1446, %lt3A_1467 : vector<16xi32>
    %jit3A_1469 = arith.constant 0 : i32
    %broadcast_in_dim3A_1470 = vector.broadcast %jit3A_1469 : i32 to vector<16xi32>
    %select_n3A_1471 = arith.select %lt3A_1468, %get3A_1446, %broadcast_in_dim3A_1470 : vector<16xi1>, vector<16xi32>
    %sub3A_1472 = arith.constant 16 : i32
    %sub3A_1473 = vector.broadcast %sub3A_1472 : i32 to vector<16xi32>
    %sub3A_1474 = arith.subi %get3A_1446, %sub3A_1473 : vector<16xi32>
    %jit3A_1475 = arith.constant 0 : i32
    %broadcast_in_dim3A_1476 = vector.broadcast %jit3A_1475 : i32 to vector<16xi32>
    %select_n3A_1477 = arith.select %lt3A_1468, %broadcast_in_dim3A_1476, %sub3A_1474 : vector<16xi1>, vector<16xi32>
    %broadcast_in_dim3A_1478 = vector.shape_cast %select_n3A_1471 : vector<16xi32> to vector<16x1xi32>
    %gather3A_1479 = vector.shape_cast %broadcast_in_dim3A_1478 : vector<16x1xi32> to vector<16xi32>
    %gather3A_1480 = tpu.dynamic_gather %get3A_11[%gather3A_1479] in [0] : vector<16xf32>, vector<16xi32> -> vector<16xf32>
    %broadcast_in_dim3A_1481 = vector.shape_cast %select_n3A_1477 : vector<16xi32> to vector<16x1xi32>
    %gather3A_1482 = vector.shape_cast %broadcast_in_dim3A_1481 : vector<16x1xi32> to vector<16xi32>
    %gather3A_1483 = tpu.dynamic_gather %get3A_14[%gather3A_1482] in [0] : vector<16xf32>, vector<16xi32> -> vector<16xf32>
    %select_n3A_1484 = arith.select %lt3A_1468, %gather3A_1480, %gather3A_1483 : vector<16xi1>, vector<16xf32>
    %gt3A_1485 = arith.constant 1.000000e+00 : f32
    %gt3A_1486 = vector.broadcast %gt3A_1485 : f32 to vector<16xf32>
    %gt3A_1487 = arith.cmpf ogt, %select_n3A_1465, %gt3A_1486 : vector<16xf32>
    %div3A_1488 = arith.divf %get3A_1443, %select_n3A_1465 : vector<16xf32>
    %select_n3A_1489 = arith.select %gt3A_1487, %div3A_1488, %get3A_1443 : vector<16xi1>, vector<16xf32>
    %gt3A_1490 = arith.cmpf ogt, %select_n3A_1489, %get3A_2 : vector<16xf32>
    %jit3A_1491 = arith.constant 0.000000e+00 : f32
    %broadcast_in_dim3A_1492 = vector.broadcast %jit3A_1491 : f32 to vector<16xf32>
    %select_n3A_1493 = arith.select %gt3A_1490, %select_n3A_1489, %broadcast_in_dim3A_1492 : vector<16xi1>, vector<16xf32>
    %gt3A_1494 = arith.constant 5.000000e-01 : f32
    %gt3A_1495 = vector.broadcast %gt3A_1494 : f32 to vector<16xf32>
    %gt3A_1496 = arith.cmpf ogt, %select_n3A_1484, %gt3A_1495 : vector<16xf32>
    %mul3A_1497 = arith.mulf %select_n3A_1493, %select_n3A_1493 : vector<16xf32>
    %mul3A_1498 = arith.mulf %mul3A_1497, %get3A_1440 : vector<16xf32>
    %jit3A_1499 = arith.constant 0.000000e+00 : f32
    %broadcast_in_dim3A_1500 = vector.broadcast %jit3A_1499 : f32 to vector<16xf32>
    %select_n3A_1501 = arith.select %gt3A_1496, %broadcast_in_dim3A_1500, %mul3A_1498 : vector<16xi1>, vector<16xf32>
    %add3A_1502 = arith.addf %add3A_1437, %select_n3A_1501 : vector<16xf32>
    %get3A_1503 = arith.constant 368 : index
    %get3A_1504 = tpu.vector_load %arg7[%get3A_1503] {strides = array<i32>} : memref<448xf32, #tpu.memory_space<vmem>>, vector<16xf32>,
    %get3A_1505 = vector.shape_cast %get3A_1504 : vector<16xf32> to vector<16xf32>
    %get3A_1506 = arith.constant 368 : index
    %get3A_1507 = tpu.vector_load %arg8[%get3A_1506] {strides = array<i32>} : memref<448xf32, #tpu.memory_space<vmem>>, vector<16xf32>,
    %get3A_1508 = vector.shape_cast %get3A_1507 : vector<16xf32> to vector<16xf32>
    %get3A_1509 = arith.constant 368 : index
    %get3A_1510 = tpu.vector_load %arg9[%get3A_1509] {strides = array<i32>} : memref<448xi32, #tpu.memory_space<vmem>>, vector<16xi32>,
    %get3A_1511 = vector.shape_cast %get3A_1510 : vector<16xi32> to vector<16xi32>
    %lt3A_1512 = arith.constant 16 : i32
    %lt3A_1513 = vector.broadcast %lt3A_1512 : i32 to vector<16xi32>
    %lt3A_1514 = arith.cmpi slt, %get3A_1511, %lt3A_1513 : vector<16xi32>
    %jit3A_1515 = arith.constant 0 : i32
    %broadcast_in_dim3A_1516 = vector.broadcast %jit3A_1515 : i32 to vector<16xi32>
    %select_n3A_1517 = arith.select %lt3A_1514, %get3A_1511, %broadcast_in_dim3A_1516 : vector<16xi1>, vector<16xi32>
    %sub3A_1518 = arith.constant 16 : i32
    %sub3A_1519 = vector.broadcast %sub3A_1518 : i32 to vector<16xi32>
    %sub3A_1520 = arith.subi %get3A_1511, %sub3A_1519 : vector<16xi32>
    %jit3A_1521 = arith.constant 0 : i32
    %broadcast_in_dim3A_1522 = vector.broadcast %jit3A_1521 : i32 to vector<16xi32>
    %select_n3A_1523 = arith.select %lt3A_1514, %broadcast_in_dim3A_1522, %sub3A_1520 : vector<16xi1>, vector<16xi32>
    %broadcast_in_dim3A_1524 = vector.shape_cast %select_n3A_1517 : vector<16xi32> to vector<16x1xi32>
    %gather3A_1525 = vector.shape_cast %broadcast_in_dim3A_1524 : vector<16x1xi32> to vector<16xi32>
    %gather3A_1526 = tpu.dynamic_gather %get3A_5[%gather3A_1525] in [0] : vector<16xf32>, vector<16xi32> -> vector<16xf32>
    %broadcast_in_dim3A_1527 = vector.shape_cast %select_n3A_1523 : vector<16xi32> to vector<16x1xi32>
    %gather3A_1528 = vector.shape_cast %broadcast_in_dim3A_1527 : vector<16x1xi32> to vector<16xi32>
    %gather3A_1529 = tpu.dynamic_gather %get3A_8[%gather3A_1528] in [0] : vector<16xf32>, vector<16xi32> -> vector<16xf32>
    %select_n3A_1530 = arith.select %lt3A_1514, %gather3A_1526, %gather3A_1529 : vector<16xi1>, vector<16xf32>
    %lt3A_1531 = arith.constant 16 : i32
    %lt3A_1532 = vector.broadcast %lt3A_1531 : i32 to vector<16xi32>
    %lt3A_1533 = arith.cmpi slt, %get3A_1511, %lt3A_1532 : vector<16xi32>
    %jit3A_1534 = arith.constant 0 : i32
    %broadcast_in_dim3A_1535 = vector.broadcast %jit3A_1534 : i32 to vector<16xi32>
    %select_n3A_1536 = arith.select %lt3A_1533, %get3A_1511, %broadcast_in_dim3A_1535 : vector<16xi1>, vector<16xi32>
    %sub3A_1537 = arith.constant 16 : i32
    %sub3A_1538 = vector.broadcast %sub3A_1537 : i32 to vector<16xi32>
    %sub3A_1539 = arith.subi %get3A_1511, %sub3A_1538 : vector<16xi32>
    %jit3A_1540 = arith.constant 0 : i32
    %broadcast_in_dim3A_1541 = vector.broadcast %jit3A_1540 : i32 to vector<16xi32>
    %select_n3A_1542 = arith.select %lt3A_1533, %broadcast_in_dim3A_1541, %sub3A_1539 : vector<16xi1>, vector<16xi32>
    %broadcast_in_dim3A_1543 = vector.shape_cast %select_n3A_1536 : vector<16xi32> to vector<16x1xi32>
    %gather3A_1544 = vector.shape_cast %broadcast_in_dim3A_1543 : vector<16x1xi32> to vector<16xi32>
    %gather3A_1545 = tpu.dynamic_gather %get3A_11[%gather3A_1544] in [0] : vector<16xf32>, vector<16xi32> -> vector<16xf32>
    %broadcast_in_dim3A_1546 = vector.shape_cast %select_n3A_1542 : vector<16xi32> to vector<16x1xi32>
    %gather3A_1547 = vector.shape_cast %broadcast_in_dim3A_1546 : vector<16x1xi32> to vector<16xi32>
    %gather3A_1548 = tpu.dynamic_gather %get3A_14[%gather3A_1547] in [0] : vector<16xf32>, vector<16xi32> -> vector<16xf32>
    %select_n3A_1549 = arith.select %lt3A_1533, %gather3A_1545, %gather3A_1548 : vector<16xi1>, vector<16xf32>
    %gt3A_1550 = arith.constant 1.000000e+00 : f32
    %gt3A_1551 = vector.broadcast %gt3A_1550 : f32 to vector<16xf32>
    %gt3A_1552 = arith.cmpf ogt, %select_n3A_1530, %gt3A_1551 : vector<16xf32>
    %div3A_1553 = arith.divf %get3A_1508, %select_n3A_1530 : vector<16xf32>
    %select_n3A_1554 = arith.select %gt3A_1552, %div3A_1553, %get3A_1508 : vector<16xi1>, vector<16xf32>
    %gt3A_1555 = arith.cmpf ogt, %select_n3A_1554, %get3A_2 : vector<16xf32>
    %jit3A_1556 = arith.constant 0.000000e+00 : f32
    %broadcast_in_dim3A_1557 = vector.broadcast %jit3A_1556 : f32 to vector<16xf32>
    %select_n3A_1558 = arith.select %gt3A_1555, %select_n3A_1554, %broadcast_in_dim3A_1557 : vector<16xi1>, vector<16xf32>
    %gt3A_1559 = arith.constant 5.000000e-01 : f32
    %gt3A_1560 = vector.broadcast %gt3A_1559 : f32 to vector<16xf32>
    %gt3A_1561 = arith.cmpf ogt, %select_n3A_1549, %gt3A_1560 : vector<16xf32>
    %mul3A_1562 = arith.mulf %select_n3A_1558, %select_n3A_1558 : vector<16xf32>
    %mul3A_1563 = arith.mulf %mul3A_1562, %get3A_1505 : vector<16xf32>
    %jit3A_1564 = arith.constant 0.000000e+00 : f32
    %broadcast_in_dim3A_1565 = vector.broadcast %jit3A_1564 : f32 to vector<16xf32>
    %select_n3A_1566 = arith.select %gt3A_1561, %broadcast_in_dim3A_1565, %mul3A_1563 : vector<16xi1>, vector<16xf32>
    %add3A_1567 = arith.addf %add3A_1502, %select_n3A_1566 : vector<16xf32>
    %get3A_1568 = arith.constant 384 : index
    %get3A_1569 = tpu.vector_load %arg7[%get3A_1568] {strides = array<i32>} : memref<448xf32, #tpu.memory_space<vmem>>, vector<16xf32>,
    %get3A_1570 = vector.shape_cast %get3A_1569 : vector<16xf32> to vector<16xf32>
    %get3A_1571 = arith.constant 384 : index
    %get3A_1572 = tpu.vector_load %arg8[%get3A_1571] {strides = array<i32>} : memref<448xf32, #tpu.memory_space<vmem>>, vector<16xf32>,
    %get3A_1573 = vector.shape_cast %get3A_1572 : vector<16xf32> to vector<16xf32>
    %get3A_1574 = arith.constant 384 : index
    %get3A_1575 = tpu.vector_load %arg9[%get3A_1574] {strides = array<i32>} : memref<448xi32, #tpu.memory_space<vmem>>, vector<16xi32>,
    %get3A_1576 = vector.shape_cast %get3A_1575 : vector<16xi32> to vector<16xi32>
    %lt3A_1577 = arith.constant 16 : i32
    %lt3A_1578 = vector.broadcast %lt3A_1577 : i32 to vector<16xi32>
    %lt3A_1579 = arith.cmpi slt, %get3A_1576, %lt3A_1578 : vector<16xi32>
    %jit3A_1580 = arith.constant 0 : i32
    %broadcast_in_dim3A_1581 = vector.broadcast %jit3A_1580 : i32 to vector<16xi32>
    %select_n3A_1582 = arith.select %lt3A_1579, %get3A_1576, %broadcast_in_dim3A_1581 : vector<16xi1>, vector<16xi32>
    %sub3A_1583 = arith.constant 16 : i32
    %sub3A_1584 = vector.broadcast %sub3A_1583 : i32 to vector<16xi32>
    %sub3A_1585 = arith.subi %get3A_1576, %sub3A_1584 : vector<16xi32>
    %jit3A_1586 = arith.constant 0 : i32
    %broadcast_in_dim3A_1587 = vector.broadcast %jit3A_1586 : i32 to vector<16xi32>
    %select_n3A_1588 = arith.select %lt3A_1579, %broadcast_in_dim3A_1587, %sub3A_1585 : vector<16xi1>, vector<16xi32>
    %broadcast_in_dim3A_1589 = vector.shape_cast %select_n3A_1582 : vector<16xi32> to vector<16x1xi32>
    %gather3A_1590 = vector.shape_cast %broadcast_in_dim3A_1589 : vector<16x1xi32> to vector<16xi32>
    %gather3A_1591 = tpu.dynamic_gather %get3A_5[%gather3A_1590] in [0] : vector<16xf32>, vector<16xi32> -> vector<16xf32>
    %broadcast_in_dim3A_1592 = vector.shape_cast %select_n3A_1588 : vector<16xi32> to vector<16x1xi32>
    %gather3A_1593 = vector.shape_cast %broadcast_in_dim3A_1592 : vector<16x1xi32> to vector<16xi32>
    %gather3A_1594 = tpu.dynamic_gather %get3A_8[%gather3A_1593] in [0] : vector<16xf32>, vector<16xi32> -> vector<16xf32>
    %select_n3A_1595 = arith.select %lt3A_1579, %gather3A_1591, %gather3A_1594 : vector<16xi1>, vector<16xf32>
    %lt3A_1596 = arith.constant 16 : i32
    %lt3A_1597 = vector.broadcast %lt3A_1596 : i32 to vector<16xi32>
    %lt3A_1598 = arith.cmpi slt, %get3A_1576, %lt3A_1597 : vector<16xi32>
    %jit3A_1599 = arith.constant 0 : i32
    %broadcast_in_dim3A_1600 = vector.broadcast %jit3A_1599 : i32 to vector<16xi32>
    %select_n3A_1601 = arith.select %lt3A_1598, %get3A_1576, %broadcast_in_dim3A_1600 : vector<16xi1>, vector<16xi32>
    %sub3A_1602 = arith.constant 16 : i32
    %sub3A_1603 = vector.broadcast %sub3A_1602 : i32 to vector<16xi32>
    %sub3A_1604 = arith.subi %get3A_1576, %sub3A_1603 : vector<16xi32>
    %jit3A_1605 = arith.constant 0 : i32
    %broadcast_in_dim3A_1606 = vector.broadcast %jit3A_1605 : i32 to vector<16xi32>
    %select_n3A_1607 = arith.select %lt3A_1598, %broadcast_in_dim3A_1606, %sub3A_1604 : vector<16xi1>, vector<16xi32>
    %broadcast_in_dim3A_1608 = vector.shape_cast %select_n3A_1601 : vector<16xi32> to vector<16x1xi32>
    %gather3A_1609 = vector.shape_cast %broadcast_in_dim3A_1608 : vector<16x1xi32> to vector<16xi32>
    %gather3A_1610 = tpu.dynamic_gather %get3A_11[%gather3A_1609] in [0] : vector<16xf32>, vector<16xi32> -> vector<16xf32>
    %broadcast_in_dim3A_1611 = vector.shape_cast %select_n3A_1607 : vector<16xi32> to vector<16x1xi32>
    %gather3A_1612 = vector.shape_cast %broadcast_in_dim3A_1611 : vector<16x1xi32> to vector<16xi32>
    %gather3A_1613 = tpu.dynamic_gather %get3A_14[%gather3A_1612] in [0] : vector<16xf32>, vector<16xi32> -> vector<16xf32>
    %select_n3A_1614 = arith.select %lt3A_1598, %gather3A_1610, %gather3A_1613 : vector<16xi1>, vector<16xf32>
    %gt3A_1615 = arith.constant 1.000000e+00 : f32
    %gt3A_1616 = vector.broadcast %gt3A_1615 : f32 to vector<16xf32>
    %gt3A_1617 = arith.cmpf ogt, %select_n3A_1595, %gt3A_1616 : vector<16xf32>
    %div3A_1618 = arith.divf %get3A_1573, %select_n3A_1595 : vector<16xf32>
    %select_n3A_1619 = arith.select %gt3A_1617, %div3A_1618, %get3A_1573 : vector<16xi1>, vector<16xf32>
    %gt3A_1620 = arith.cmpf ogt, %select_n3A_1619, %get3A_2 : vector<16xf32>
    %jit3A_1621 = arith.constant 0.000000e+00 : f32
    %broadcast_in_dim3A_1622 = vector.broadcast %jit3A_1621 : f32 to vector<16xf32>
    %select_n3A_1623 = arith.select %gt3A_1620, %select_n3A_1619, %broadcast_in_dim3A_1622 : vector<16xi1>, vector<16xf32>
    %gt3A_1624 = arith.constant 5.000000e-01 : f32
    %gt3A_1625 = vector.broadcast %gt3A_1624 : f32 to vector<16xf32>
    %gt3A_1626 = arith.cmpf ogt, %select_n3A_1614, %gt3A_1625 : vector<16xf32>
    %mul3A_1627 = arith.mulf %select_n3A_1623, %select_n3A_1623 : vector<16xf32>
    %mul3A_1628 = arith.mulf %mul3A_1627, %get3A_1570 : vector<16xf32>
    %jit3A_1629 = arith.constant 0.000000e+00 : f32
    %broadcast_in_dim3A_1630 = vector.broadcast %jit3A_1629 : f32 to vector<16xf32>
    %select_n3A_1631 = arith.select %gt3A_1626, %broadcast_in_dim3A_1630, %mul3A_1628 : vector<16xi1>, vector<16xf32>
    %add3A_1632 = arith.addf %add3A_1567, %select_n3A_1631 : vector<16xf32>
    %get3A_1633 = arith.constant 400 : index
    %get3A_1634 = tpu.vector_load %arg7[%get3A_1633] {strides = array<i32>} : memref<448xf32, #tpu.memory_space<vmem>>, vector<16xf32>,
    %get3A_1635 = vector.shape_cast %get3A_1634 : vector<16xf32> to vector<16xf32>
    %get3A_1636 = arith.constant 400 : index
    %get3A_1637 = tpu.vector_load %arg8[%get3A_1636] {strides = array<i32>} : memref<448xf32, #tpu.memory_space<vmem>>, vector<16xf32>,
    %get3A_1638 = vector.shape_cast %get3A_1637 : vector<16xf32> to vector<16xf32>
    %get3A_1639 = arith.constant 400 : index
    %get3A_1640 = tpu.vector_load %arg9[%get3A_1639] {strides = array<i32>} : memref<448xi32, #tpu.memory_space<vmem>>, vector<16xi32>,
    %get3A_1641 = vector.shape_cast %get3A_1640 : vector<16xi32> to vector<16xi32>
    %lt3A_1642 = arith.constant 16 : i32
    %lt3A_1643 = vector.broadcast %lt3A_1642 : i32 to vector<16xi32>
    %lt3A_1644 = arith.cmpi slt, %get3A_1641, %lt3A_1643 : vector<16xi32>
    %jit3A_1645 = arith.constant 0 : i32
    %broadcast_in_dim3A_1646 = vector.broadcast %jit3A_1645 : i32 to vector<16xi32>
    %select_n3A_1647 = arith.select %lt3A_1644, %get3A_1641, %broadcast_in_dim3A_1646 : vector<16xi1>, vector<16xi32>
    %sub3A_1648 = arith.constant 16 : i32
    %sub3A_1649 = vector.broadcast %sub3A_1648 : i32 to vector<16xi32>
    %sub3A_1650 = arith.subi %get3A_1641, %sub3A_1649 : vector<16xi32>
    %jit3A_1651 = arith.constant 0 : i32
    %broadcast_in_dim3A_1652 = vector.broadcast %jit3A_1651 : i32 to vector<16xi32>
    %select_n3A_1653 = arith.select %lt3A_1644, %broadcast_in_dim3A_1652, %sub3A_1650 : vector<16xi1>, vector<16xi32>
    %broadcast_in_dim3A_1654 = vector.shape_cast %select_n3A_1647 : vector<16xi32> to vector<16x1xi32>
    %gather3A_1655 = vector.shape_cast %broadcast_in_dim3A_1654 : vector<16x1xi32> to vector<16xi32>
    %gather3A_1656 = tpu.dynamic_gather %get3A_5[%gather3A_1655] in [0] : vector<16xf32>, vector<16xi32> -> vector<16xf32>
    %broadcast_in_dim3A_1657 = vector.shape_cast %select_n3A_1653 : vector<16xi32> to vector<16x1xi32>
    %gather3A_1658 = vector.shape_cast %broadcast_in_dim3A_1657 : vector<16x1xi32> to vector<16xi32>
    %gather3A_1659 = tpu.dynamic_gather %get3A_8[%gather3A_1658] in [0] : vector<16xf32>, vector<16xi32> -> vector<16xf32>
    %select_n3A_1660 = arith.select %lt3A_1644, %gather3A_1656, %gather3A_1659 : vector<16xi1>, vector<16xf32>
    %lt3A_1661 = arith.constant 16 : i32
    %lt3A_1662 = vector.broadcast %lt3A_1661 : i32 to vector<16xi32>
    %lt3A_1663 = arith.cmpi slt, %get3A_1641, %lt3A_1662 : vector<16xi32>
    %jit3A_1664 = arith.constant 0 : i32
    %broadcast_in_dim3A_1665 = vector.broadcast %jit3A_1664 : i32 to vector<16xi32>
    %select_n3A_1666 = arith.select %lt3A_1663, %get3A_1641, %broadcast_in_dim3A_1665 : vector<16xi1>, vector<16xi32>
    %sub3A_1667 = arith.constant 16 : i32
    %sub3A_1668 = vector.broadcast %sub3A_1667 : i32 to vector<16xi32>
    %sub3A_1669 = arith.subi %get3A_1641, %sub3A_1668 : vector<16xi32>
    %jit3A_1670 = arith.constant 0 : i32
    %broadcast_in_dim3A_1671 = vector.broadcast %jit3A_1670 : i32 to vector<16xi32>
    %select_n3A_1672 = arith.select %lt3A_1663, %broadcast_in_dim3A_1671, %sub3A_1669 : vector<16xi1>, vector<16xi32>
    %broadcast_in_dim3A_1673 = vector.shape_cast %select_n3A_1666 : vector<16xi32> to vector<16x1xi32>
    %gather3A_1674 = vector.shape_cast %broadcast_in_dim3A_1673 : vector<16x1xi32> to vector<16xi32>
    %gather3A_1675 = tpu.dynamic_gather %get3A_11[%gather3A_1674] in [0] : vector<16xf32>, vector<16xi32> -> vector<16xf32>
    %broadcast_in_dim3A_1676 = vector.shape_cast %select_n3A_1672 : vector<16xi32> to vector<16x1xi32>
    %gather3A_1677 = vector.shape_cast %broadcast_in_dim3A_1676 : vector<16x1xi32> to vector<16xi32>
    %gather3A_1678 = tpu.dynamic_gather %get3A_14[%gather3A_1677] in [0] : vector<16xf32>, vector<16xi32> -> vector<16xf32>
    %select_n3A_1679 = arith.select %lt3A_1663, %gather3A_1675, %gather3A_1678 : vector<16xi1>, vector<16xf32>
    %gt3A_1680 = arith.constant 1.000000e+00 : f32
    %gt3A_1681 = vector.broadcast %gt3A_1680 : f32 to vector<16xf32>
    %gt3A_1682 = arith.cmpf ogt, %select_n3A_1660, %gt3A_1681 : vector<16xf32>
    %div3A_1683 = arith.divf %get3A_1638, %select_n3A_1660 : vector<16xf32>
    %select_n3A_1684 = arith.select %gt3A_1682, %div3A_1683, %get3A_1638 : vector<16xi1>, vector<16xf32>
    %gt3A_1685 = arith.cmpf ogt, %select_n3A_1684, %get3A_2 : vector<16xf32>
    %jit3A_1686 = arith.constant 0.000000e+00 : f32
    %broadcast_in_dim3A_1687 = vector.broadcast %jit3A_1686 : f32 to vector<16xf32>
    %select_n3A_1688 = arith.select %gt3A_1685, %select_n3A_1684, %broadcast_in_dim3A_1687 : vector<16xi1>, vector<16xf32>
    %gt3A_1689 = arith.constant 5.000000e-01 : f32
    %gt3A_1690 = vector.broadcast %gt3A_1689 : f32 to vector<16xf32>
    %gt3A_1691 = arith.cmpf ogt, %select_n3A_1679, %gt3A_1690 : vector<16xf32>
    %mul3A_1692 = arith.mulf %select_n3A_1688, %select_n3A_1688 : vector<16xf32>
    %mul3A_1693 = arith.mulf %mul3A_1692, %get3A_1635 : vector<16xf32>
    %jit3A_1694 = arith.constant 0.000000e+00 : f32
    %broadcast_in_dim3A_1695 = vector.broadcast %jit3A_1694 : f32 to vector<16xf32>
    %select_n3A_1696 = arith.select %gt3A_1691, %broadcast_in_dim3A_1695, %mul3A_1693 : vector<16xi1>, vector<16xf32>
    %add3A_1697 = arith.addf %add3A_1632, %select_n3A_1696 : vector<16xf32>
    %get3A_1698 = arith.constant 416 : index
    %get3A_1699 = tpu.vector_load %arg7[%get3A_1698] {strides = array<i32>} : memref<448xf32, #tpu.memory_space<vmem>>, vector<16xf32>,
    %get3A_1700 = vector.shape_cast %get3A_1699 : vector<16xf32> to vector<16xf32>
    %get3A_1701 = arith.constant 416 : index
    %get3A_1702 = tpu.vector_load %arg8[%get3A_1701] {strides = array<i32>} : memref<448xf32, #tpu.memory_space<vmem>>, vector<16xf32>,
    %get3A_1703 = vector.shape_cast %get3A_1702 : vector<16xf32> to vector<16xf32>
    %get3A_1704 = arith.constant 416 : index
    %get3A_1705 = tpu.vector_load %arg9[%get3A_1704] {strides = array<i32>} : memref<448xi32, #tpu.memory_space<vmem>>, vector<16xi32>,
    %get3A_1706 = vector.shape_cast %get3A_1705 : vector<16xi32> to vector<16xi32>
    %lt3A_1707 = arith.constant 16 : i32
    %lt3A_1708 = vector.broadcast %lt3A_1707 : i32 to vector<16xi32>
    %lt3A_1709 = arith.cmpi slt, %get3A_1706, %lt3A_1708 : vector<16xi32>
    %jit3A_1710 = arith.constant 0 : i32
    %broadcast_in_dim3A_1711 = vector.broadcast %jit3A_1710 : i32 to vector<16xi32>
    %select_n3A_1712 = arith.select %lt3A_1709, %get3A_1706, %broadcast_in_dim3A_1711 : vector<16xi1>, vector<16xi32>
    %sub3A_1713 = arith.constant 16 : i32
    %sub3A_1714 = vector.broadcast %sub3A_1713 : i32 to vector<16xi32>
    %sub3A_1715 = arith.subi %get3A_1706, %sub3A_1714 : vector<16xi32>
    %jit3A_1716 = arith.constant 0 : i32
    %broadcast_in_dim3A_1717 = vector.broadcast %jit3A_1716 : i32 to vector<16xi32>
    %select_n3A_1718 = arith.select %lt3A_1709, %broadcast_in_dim3A_1717, %sub3A_1715 : vector<16xi1>, vector<16xi32>
    %broadcast_in_dim3A_1719 = vector.shape_cast %select_n3A_1712 : vector<16xi32> to vector<16x1xi32>
    %gather3A_1720 = vector.shape_cast %broadcast_in_dim3A_1719 : vector<16x1xi32> to vector<16xi32>
    %gather3A_1721 = tpu.dynamic_gather %get3A_5[%gather3A_1720] in [0] : vector<16xf32>, vector<16xi32> -> vector<16xf32>
    %broadcast_in_dim3A_1722 = vector.shape_cast %select_n3A_1718 : vector<16xi32> to vector<16x1xi32>
    %gather3A_1723 = vector.shape_cast %broadcast_in_dim3A_1722 : vector<16x1xi32> to vector<16xi32>
    %gather3A_1724 = tpu.dynamic_gather %get3A_8[%gather3A_1723] in [0] : vector<16xf32>, vector<16xi32> -> vector<16xf32>
    %select_n3A_1725 = arith.select %lt3A_1709, %gather3A_1721, %gather3A_1724 : vector<16xi1>, vector<16xf32>
    %lt3A_1726 = arith.constant 16 : i32
    %lt3A_1727 = vector.broadcast %lt3A_1726 : i32 to vector<16xi32>
    %lt3A_1728 = arith.cmpi slt, %get3A_1706, %lt3A_1727 : vector<16xi32>
    %jit3A_1729 = arith.constant 0 : i32
    %broadcast_in_dim3A_1730 = vector.broadcast %jit3A_1729 : i32 to vector<16xi32>
    %select_n3A_1731 = arith.select %lt3A_1728, %get3A_1706, %broadcast_in_dim3A_1730 : vector<16xi1>, vector<16xi32>
    %sub3A_1732 = arith.constant 16 : i32
    %sub3A_1733 = vector.broadcast %sub3A_1732 : i32 to vector<16xi32>
    %sub3A_1734 = arith.subi %get3A_1706, %sub3A_1733 : vector<16xi32>
    %jit3A_1735 = arith.constant 0 : i32
    %broadcast_in_dim3A_1736 = vector.broadcast %jit3A_1735 : i32 to vector<16xi32>
    %select_n3A_1737 = arith.select %lt3A_1728, %broadcast_in_dim3A_1736, %sub3A_1734 : vector<16xi1>, vector<16xi32>
    %broadcast_in_dim3A_1738 = vector.shape_cast %select_n3A_1731 : vector<16xi32> to vector<16x1xi32>
    %gather3A_1739 = vector.shape_cast %broadcast_in_dim3A_1738 : vector<16x1xi32> to vector<16xi32>
    %gather3A_1740 = tpu.dynamic_gather %get3A_11[%gather3A_1739] in [0] : vector<16xf32>, vector<16xi32> -> vector<16xf32>
    %broadcast_in_dim3A_1741 = vector.shape_cast %select_n3A_1737 : vector<16xi32> to vector<16x1xi32>
    %gather3A_1742 = vector.shape_cast %broadcast_in_dim3A_1741 : vector<16x1xi32> to vector<16xi32>
    %gather3A_1743 = tpu.dynamic_gather %get3A_14[%gather3A_1742] in [0] : vector<16xf32>, vector<16xi32> -> vector<16xf32>
    %select_n3A_1744 = arith.select %lt3A_1728, %gather3A_1740, %gather3A_1743 : vector<16xi1>, vector<16xf32>
    %gt3A_1745 = arith.constant 1.000000e+00 : f32
    %gt3A_1746 = vector.broadcast %gt3A_1745 : f32 to vector<16xf32>
    %gt3A_1747 = arith.cmpf ogt, %select_n3A_1725, %gt3A_1746 : vector<16xf32>
    %div3A_1748 = arith.divf %get3A_1703, %select_n3A_1725 : vector<16xf32>
    %select_n3A_1749 = arith.select %gt3A_1747, %div3A_1748, %get3A_1703 : vector<16xi1>, vector<16xf32>
    %gt3A_1750 = arith.cmpf ogt, %select_n3A_1749, %get3A_2 : vector<16xf32>
    %jit3A_1751 = arith.constant 0.000000e+00 : f32
    %broadcast_in_dim3A_1752 = vector.broadcast %jit3A_1751 : f32 to vector<16xf32>
    %select_n3A_1753 = arith.select %gt3A_1750, %select_n3A_1749, %broadcast_in_dim3A_1752 : vector<16xi1>, vector<16xf32>
    %gt3A_1754 = arith.constant 5.000000e-01 : f32
    %gt3A_1755 = vector.broadcast %gt3A_1754 : f32 to vector<16xf32>
    %gt3A_1756 = arith.cmpf ogt, %select_n3A_1744, %gt3A_1755 : vector<16xf32>
    %mul3A_1757 = arith.mulf %select_n3A_1753, %select_n3A_1753 : vector<16xf32>
    %mul3A_1758 = arith.mulf %mul3A_1757, %get3A_1700 : vector<16xf32>
    %jit3A_1759 = arith.constant 0.000000e+00 : f32
    %broadcast_in_dim3A_1760 = vector.broadcast %jit3A_1759 : f32 to vector<16xf32>
    %select_n3A_1761 = arith.select %gt3A_1756, %broadcast_in_dim3A_1760, %mul3A_1758 : vector<16xi1>, vector<16xf32>
    %add3A_1762 = arith.addf %add3A_1697, %select_n3A_1761 : vector<16xf32>
    %get3A_1763 = arith.constant 432 : index
    %get3A_1764 = tpu.vector_load %arg7[%get3A_1763] {strides = array<i32>} : memref<448xf32, #tpu.memory_space<vmem>>, vector<16xf32>,
    %get3A_1765 = vector.shape_cast %get3A_1764 : vector<16xf32> to vector<16xf32>
    %get3A_1766 = arith.constant 432 : index
    %get3A_1767 = tpu.vector_load %arg8[%get3A_1766] {strides = array<i32>} : memref<448xf32, #tpu.memory_space<vmem>>, vector<16xf32>,
    %get3A_1768 = vector.shape_cast %get3A_1767 : vector<16xf32> to vector<16xf32>
    %get3A_1769 = arith.constant 432 : index
    %get3A_1770 = tpu.vector_load %arg9[%get3A_1769] {strides = array<i32>} : memref<448xi32, #tpu.memory_space<vmem>>, vector<16xi32>,
    %get3A_1771 = vector.shape_cast %get3A_1770 : vector<16xi32> to vector<16xi32>
    %lt3A_1772 = arith.constant 16 : i32
    %lt3A_1773 = vector.broadcast %lt3A_1772 : i32 to vector<16xi32>
    %lt3A_1774 = arith.cmpi slt, %get3A_1771, %lt3A_1773 : vector<16xi32>
    %jit3A_1775 = arith.constant 0 : i32
    %broadcast_in_dim3A_1776 = vector.broadcast %jit3A_1775 : i32 to vector<16xi32>
    %select_n3A_1777 = arith.select %lt3A_1774, %get3A_1771, %broadcast_in_dim3A_1776 : vector<16xi1>, vector<16xi32>
    %sub3A_1778 = arith.constant 16 : i32
    %sub3A_1779 = vector.broadcast %sub3A_1778 : i32 to vector<16xi32>
    %sub3A_1780 = arith.subi %get3A_1771, %sub3A_1779 : vector<16xi32>
    %jit3A_1781 = arith.constant 0 : i32
    %broadcast_in_dim3A_1782 = vector.broadcast %jit3A_1781 : i32 to vector<16xi32>
    %select_n3A_1783 = arith.select %lt3A_1774, %broadcast_in_dim3A_1782, %sub3A_1780 : vector<16xi1>, vector<16xi32>
    %broadcast_in_dim3A_1784 = vector.shape_cast %select_n3A_1777 : vector<16xi32> to vector<16x1xi32>
    %gather3A_1785 = vector.shape_cast %broadcast_in_dim3A_1784 : vector<16x1xi32> to vector<16xi32>
    %gather3A_1786 = tpu.dynamic_gather %get3A_5[%gather3A_1785] in [0] : vector<16xf32>, vector<16xi32> -> vector<16xf32>
    %broadcast_in_dim3A_1787 = vector.shape_cast %select_n3A_1783 : vector<16xi32> to vector<16x1xi32>
    %gather3A_1788 = vector.shape_cast %broadcast_in_dim3A_1787 : vector<16x1xi32> to vector<16xi32>
    %gather3A_1789 = tpu.dynamic_gather %get3A_8[%gather3A_1788] in [0] : vector<16xf32>, vector<16xi32> -> vector<16xf32>
    %select_n3A_1790 = arith.select %lt3A_1774, %gather3A_1786, %gather3A_1789 : vector<16xi1>, vector<16xf32>
    %lt3A_1791 = arith.constant 16 : i32
    %lt3A_1792 = vector.broadcast %lt3A_1791 : i32 to vector<16xi32>
    %lt3A_1793 = arith.cmpi slt, %get3A_1771, %lt3A_1792 : vector<16xi32>
    %jit3A_1794 = arith.constant 0 : i32
    %broadcast_in_dim3A_1795 = vector.broadcast %jit3A_1794 : i32 to vector<16xi32>
    %select_n3A_1796 = arith.select %lt3A_1793, %get3A_1771, %broadcast_in_dim3A_1795 : vector<16xi1>, vector<16xi32>
    %sub3A_1797 = arith.constant 16 : i32
    %sub3A_1798 = vector.broadcast %sub3A_1797 : i32 to vector<16xi32>
    %sub3A_1799 = arith.subi %get3A_1771, %sub3A_1798 : vector<16xi32>
    %jit3A_1800 = arith.constant 0 : i32
    %broadcast_in_dim3A_1801 = vector.broadcast %jit3A_1800 : i32 to vector<16xi32>
    %select_n3A_1802 = arith.select %lt3A_1793, %broadcast_in_dim3A_1801, %sub3A_1799 : vector<16xi1>, vector<16xi32>
    %broadcast_in_dim3A_1803 = vector.shape_cast %select_n3A_1796 : vector<16xi32> to vector<16x1xi32>
    %gather3A_1804 = vector.shape_cast %broadcast_in_dim3A_1803 : vector<16x1xi32> to vector<16xi32>
    %gather3A_1805 = tpu.dynamic_gather %get3A_11[%gather3A_1804] in [0] : vector<16xf32>, vector<16xi32> -> vector<16xf32>
    %broadcast_in_dim3A_1806 = vector.shape_cast %select_n3A_1802 : vector<16xi32> to vector<16x1xi32>
    %gather3A_1807 = vector.shape_cast %broadcast_in_dim3A_1806 : vector<16x1xi32> to vector<16xi32>
    %gather3A_1808 = tpu.dynamic_gather %get3A_14[%gather3A_1807] in [0] : vector<16xf32>, vector<16xi32> -> vector<16xf32>
    %select_n3A_1809 = arith.select %lt3A_1793, %gather3A_1805, %gather3A_1808 : vector<16xi1>, vector<16xf32>
    %gt3A_1810 = arith.constant 1.000000e+00 : f32
    %gt3A_1811 = vector.broadcast %gt3A_1810 : f32 to vector<16xf32>
    %gt3A_1812 = arith.cmpf ogt, %select_n3A_1790, %gt3A_1811 : vector<16xf32>
    %div3A_1813 = arith.divf %get3A_1768, %select_n3A_1790 : vector<16xf32>
    %select_n3A_1814 = arith.select %gt3A_1812, %div3A_1813, %get3A_1768 : vector<16xi1>, vector<16xf32>
    %gt3A_1815 = arith.cmpf ogt, %select_n3A_1814, %get3A_2 : vector<16xf32>
    %jit3A_1816 = arith.constant 0.000000e+00 : f32
    %broadcast_in_dim3A_1817 = vector.broadcast %jit3A_1816 : f32 to vector<16xf32>
    %select_n3A_1818 = arith.select %gt3A_1815, %select_n3A_1814, %broadcast_in_dim3A_1817 : vector<16xi1>, vector<16xf32>
    %gt3A_1819 = arith.constant 5.000000e-01 : f32
    %gt3A_1820 = vector.broadcast %gt3A_1819 : f32 to vector<16xf32>
    %gt3A_1821 = arith.cmpf ogt, %select_n3A_1809, %gt3A_1820 : vector<16xf32>
    %mul3A_1822 = arith.mulf %select_n3A_1818, %select_n3A_1818 : vector<16xf32>
    %mul3A_1823 = arith.mulf %mul3A_1822, %get3A_1765 : vector<16xf32>
    %jit3A_1824 = arith.constant 0.000000e+00 : f32
    %broadcast_in_dim3A_1825 = vector.broadcast %jit3A_1824 : f32 to vector<16xf32>
    %select_n3A_1826 = arith.select %gt3A_1821, %broadcast_in_dim3A_1825, %mul3A_1823 : vector<16xi1>, vector<16xf32>
    %add3A_1827 = arith.addf %add3A_1762, %select_n3A_1826 : vector<16xf32>
    %swap3A = arith.constant 0 : index
    %swap3A_1828 = tpu.vector_load %arg13[%swap3A] {strides = array<i32>} : memref<16xf32, #tpu.memory_space<vmem>>, vector<16xf32>,
    %swap3A_1829 = vector.shape_cast %swap3A_1828 : vector<16xf32> to vector<16xf32>
    %swap3A_1830 = vector.shape_cast %add3A_1827 : vector<16xf32> to vector<16xf32>
    tpu.vector_store %arg13[%swap3A], %swap3A_1830 {strides = array<i32>} : memref<16xf32, #tpu.memory_space<vmem>>, vector<16xf32>,
    %mul3A_1831 = arith.constant 16 : i32
    %mul3A_1832 = arith.muli %arg1, %mul3A_1831 : i32
    "tpu.region"() ({
      %run_scoped3A = tpu.sem_alloc : memref<!tpu.dma_semaphore, #tpu.memory_space<semaphore_mem>>
      %dma_start3A = tpu.memref_slice %arg11[%mul3A_1832] : memref<256xf32, #tpu.memory_space<vmem_shared>> -> memref<16xf32, #tpu.memory_space<vmem_shared>>
      %dma_start3A_1835 = tpu.memref_slice %arg11[%mul3A_1832] : memref<256xf32, #tpu.memory_space<vmem_shared>> -> memref<16xf32, #tpu.memory_space<vmem_shared>>
      tpu.enqueue_dma source(%arg13 : memref<16xf32, #tpu.memory_space<vmem>>) target(%dma_start3A_1835 : memref<16xf32, #tpu.memory_space<vmem_shared>>) target_semaphore(%run_scoped3A : memref<!tpu.dma_semaphore, #tpu.memory_space<semaphore_mem>>)
      %dma_wait3A = tpu.memref_slice %arg11[%mul3A_1832] : memref<256xf32, #tpu.memory_space<vmem_shared>> -> memref<16xf32, #tpu.memory_space<vmem_shared>>
      %dma_wait3A_1836 = tpu.memref_slice %arg11[%mul3A_1832] : memref<256xf32, #tpu.memory_space<vmem_shared>> -> memref<16xf32, #tpu.memory_space<vmem_shared>>
      tpu.wait_dma2 semaphore(%run_scoped3A : memref<!tpu.dma_semaphore, #tpu.memory_space<semaphore_mem>>) src(%arg13 : memref<16xf32, #tpu.memory_space<vmem>>) dst(%dma_wait3A_1836 : memref<16xf32, #tpu.memory_space<vmem_shared>>)
      tpu.yield
    }) : () -> ()
    %barrier3A = arith.constant 0 : index
    tpu.barrier barrier_id(%barrier3A)
    %eq3A = arith.constant 0 : i32
    %eq3A_1833 = arith.cmpi eq, %arg1, %eq3A : i32
    %convert_element_type3A = arith.extui %eq3A_1833 : i1 to i32
    %cond3A = arith.constant 0 : i32
    %cond3A_1834 = arith.cmpi ne, %convert_element_type3A, %cond3A : i32
    scf.if %cond3A_1834 {
      "tpu.region"() ({
        %run_scoped3A = tpu.sem_alloc : memref<!tpu.dma_semaphore, #tpu.memory_space<semaphore_mem>>
        tpu.enqueue_dma source(%arg11 : memref<256xf32, #tpu.memory_space<vmem_shared>>) target(%arg12 : memref<256xf32, #tpu.memory_space<vmem>>) target_semaphore(%run_scoped3A : memref<!tpu.dma_semaphore, #tpu.memory_space<semaphore_mem>>)
        tpu.wait_dma2 semaphore(%run_scoped3A : memref<!tpu.dma_semaphore, #tpu.memory_space<semaphore_mem>>) src(%arg11 : memref<256xf32, #tpu.memory_space<vmem_shared>>) dst(%arg12 : memref<256xf32, #tpu.memory_space<vmem>>)
        tpu.yield
      }) : () -> ()
      %broadcast_in_dim3A_1835 = arith.constant 0.000000e+00 : f32
      %broadcast_in_dim3A_1836 = vector.broadcast %broadcast_in_dim3A_1835 : f32 to vector<16xf32>
      %get3A_1837 = arith.constant 0 : index
      %get3A_1838 = tpu.vector_load %arg12[%get3A_1837] {strides = array<i32>} : memref<256xf32, #tpu.memory_space<vmem>>, vector<16xf32>,
      %get3A_1839 = vector.shape_cast %get3A_1838 : vector<16xf32> to vector<16xf32>
      %add3A_1840 = arith.addf %broadcast_in_dim3A_1836, %get3A_1839 : vector<16xf32>
      %get3A_1841 = arith.constant 16 : index
      %get3A_1842 = tpu.vector_load %arg12[%get3A_1841] {strides = array<i32>} : memref<256xf32, #tpu.memory_space<vmem>>, vector<16xf32>,
      %get3A_1843 = vector.shape_cast %get3A_1842 : vector<16xf32> to vector<16xf32>
      %add3A_1844 = arith.addf %add3A_1840, %get3A_1843 : vector<16xf32>
      %get3A_1845 = arith.constant 32 : index
      %get3A_1846 = tpu.vector_load %arg12[%get3A_1845] {strides = array<i32>} : memref<256xf32, #tpu.memory_space<vmem>>, vector<16xf32>,
      %get3A_1847 = vector.shape_cast %get3A_1846 : vector<16xf32> to vector<16xf32>
      %add3A_1848 = arith.addf %add3A_1844, %get3A_1847 : vector<16xf32>
      %get3A_1849 = arith.constant 48 : index
      %get3A_1850 = tpu.vector_load %arg12[%get3A_1849] {strides = array<i32>} : memref<256xf32, #tpu.memory_space<vmem>>, vector<16xf32>,
      %get3A_1851 = vector.shape_cast %get3A_1850 : vector<16xf32> to vector<16xf32>
      %add3A_1852 = arith.addf %add3A_1848, %get3A_1851 : vector<16xf32>
      %get3A_1853 = arith.constant 64 : index
      %get3A_1854 = tpu.vector_load %arg12[%get3A_1853] {strides = array<i32>} : memref<256xf32, #tpu.memory_space<vmem>>, vector<16xf32>,
      %get3A_1855 = vector.shape_cast %get3A_1854 : vector<16xf32> to vector<16xf32>
      %add3A_1856 = arith.addf %add3A_1852, %get3A_1855 : vector<16xf32>
      %get3A_1857 = arith.constant 80 : index
      %get3A_1858 = tpu.vector_load %arg12[%get3A_1857] {strides = array<i32>} : memref<256xf32, #tpu.memory_space<vmem>>, vector<16xf32>,
      %get3A_1859 = vector.shape_cast %get3A_1858 : vector<16xf32> to vector<16xf32>
      %add3A_1860 = arith.addf %add3A_1856, %get3A_1859 : vector<16xf32>
      %get3A_1861 = arith.constant 96 : index
      %get3A_1862 = tpu.vector_load %arg12[%get3A_1861] {strides = array<i32>} : memref<256xf32, #tpu.memory_space<vmem>>, vector<16xf32>,
      %get3A_1863 = vector.shape_cast %get3A_1862 : vector<16xf32> to vector<16xf32>
      %add3A_1864 = arith.addf %add3A_1860, %get3A_1863 : vector<16xf32>
      %get3A_1865 = arith.constant 112 : index
      %get3A_1866 = tpu.vector_load %arg12[%get3A_1865] {strides = array<i32>} : memref<256xf32, #tpu.memory_space<vmem>>, vector<16xf32>,
      %get3A_1867 = vector.shape_cast %get3A_1866 : vector<16xf32> to vector<16xf32>
      %add3A_1868 = arith.addf %add3A_1864, %get3A_1867 : vector<16xf32>
      %get3A_1869 = arith.constant 128 : index
      %get3A_1870 = tpu.vector_load %arg12[%get3A_1869] {strides = array<i32>} : memref<256xf32, #tpu.memory_space<vmem>>, vector<16xf32>,
      %get3A_1871 = vector.shape_cast %get3A_1870 : vector<16xf32> to vector<16xf32>
      %add3A_1872 = arith.addf %add3A_1868, %get3A_1871 : vector<16xf32>
      %get3A_1873 = arith.constant 144 : index
      %get3A_1874 = tpu.vector_load %arg12[%get3A_1873] {strides = array<i32>} : memref<256xf32, #tpu.memory_space<vmem>>, vector<16xf32>,
      %get3A_1875 = vector.shape_cast %get3A_1874 : vector<16xf32> to vector<16xf32>
      %add3A_1876 = arith.addf %add3A_1872, %get3A_1875 : vector<16xf32>
      %get3A_1877 = arith.constant 160 : index
      %get3A_1878 = tpu.vector_load %arg12[%get3A_1877] {strides = array<i32>} : memref<256xf32, #tpu.memory_space<vmem>>, vector<16xf32>,
      %get3A_1879 = vector.shape_cast %get3A_1878 : vector<16xf32> to vector<16xf32>
      %add3A_1880 = arith.addf %add3A_1876, %get3A_1879 : vector<16xf32>
      %get3A_1881 = arith.constant 176 : index
      %get3A_1882 = tpu.vector_load %arg12[%get3A_1881] {strides = array<i32>} : memref<256xf32, #tpu.memory_space<vmem>>, vector<16xf32>,
      %get3A_1883 = vector.shape_cast %get3A_1882 : vector<16xf32> to vector<16xf32>
      %add3A_1884 = arith.addf %add3A_1880, %get3A_1883 : vector<16xf32>
      %get3A_1885 = arith.constant 192 : index
      %get3A_1886 = tpu.vector_load %arg12[%get3A_1885] {strides = array<i32>} : memref<256xf32, #tpu.memory_space<vmem>>, vector<16xf32>,
      %get3A_1887 = vector.shape_cast %get3A_1886 : vector<16xf32> to vector<16xf32>
      %add3A_1888 = arith.addf %add3A_1884, %get3A_1887 : vector<16xf32>
      %get3A_1889 = arith.constant 208 : index
      %get3A_1890 = tpu.vector_load %arg12[%get3A_1889] {strides = array<i32>} : memref<256xf32, #tpu.memory_space<vmem>>, vector<16xf32>,
      %get3A_1891 = vector.shape_cast %get3A_1890 : vector<16xf32> to vector<16xf32>
      %add3A_1892 = arith.addf %add3A_1888, %get3A_1891 : vector<16xf32>
      %get3A_1893 = arith.constant 224 : index
      %get3A_1894 = tpu.vector_load %arg12[%get3A_1893] {strides = array<i32>} : memref<256xf32, #tpu.memory_space<vmem>>, vector<16xf32>,
      %get3A_1895 = vector.shape_cast %get3A_1894 : vector<16xf32> to vector<16xf32>
      %add3A_1896 = arith.addf %add3A_1892, %get3A_1895 : vector<16xf32>
      %get3A_1897 = arith.constant 240 : index
      %get3A_1898 = tpu.vector_load %arg12[%get3A_1897] {strides = array<i32>} : memref<256xf32, #tpu.memory_space<vmem>>, vector<16xf32>,
      %get3A_1899 = vector.shape_cast %get3A_1898 : vector<16xf32> to vector<16xf32>
      %add3A_1900 = arith.addf %add3A_1896, %get3A_1899 : vector<16xf32>
      %iota3A = tpu.iota {dimensions = array<i32: 0>} : vector<16xi32>
      %xor3A = arith.constant 8 : i32
      %xor3A_1901 = vector.broadcast %xor3A : i32 to vector<16xi32>
      %xor3A_1902 = arith.xori %iota3A, %xor3A_1901 : vector<16xi32>
      %broadcast_in_dim3A_1903 = vector.shape_cast %xor3A_1902 : vector<16xi32> to vector<16x1xi32>
      %gather3A_1904 = vector.shape_cast %broadcast_in_dim3A_1903 : vector<16x1xi32> to vector<16xi32>
      %gather3A_1905 = tpu.dynamic_gather %add3A_1900[%gather3A_1904] in [0] : vector<16xf32>, vector<16xi32> -> vector<16xf32>
      %add3A_1906 = arith.addf %add3A_1900, %gather3A_1905 : vector<16xf32>
      %xor3A_1907 = arith.constant 4 : i32
      %xor3A_1908 = vector.broadcast %xor3A_1907 : i32 to vector<16xi32>
      %xor3A_1909 = arith.xori %iota3A, %xor3A_1908 : vector<16xi32>
      %broadcast_in_dim3A_1910 = vector.shape_cast %xor3A_1909 : vector<16xi32> to vector<16x1xi32>
      %gather3A_1911 = vector.shape_cast %broadcast_in_dim3A_1910 : vector<16x1xi32> to vector<16xi32>
      %gather3A_1912 = tpu.dynamic_gather %add3A_1906[%gather3A_1911] in [0] : vector<16xf32>, vector<16xi32> -> vector<16xf32>
      %add3A_1913 = arith.addf %add3A_1906, %gather3A_1912 : vector<16xf32>
      %xor3A_1914 = arith.constant 2 : i32
      %xor3A_1915 = vector.broadcast %xor3A_1914 : i32 to vector<16xi32>
      %xor3A_1916 = arith.xori %iota3A, %xor3A_1915 : vector<16xi32>
      %broadcast_in_dim3A_1917 = vector.shape_cast %xor3A_1916 : vector<16xi32> to vector<16x1xi32>
      %gather3A_1918 = vector.shape_cast %broadcast_in_dim3A_1917 : vector<16x1xi32> to vector<16xi32>
      %gather3A_1919 = tpu.dynamic_gather %add3A_1913[%gather3A_1918] in [0] : vector<16xf32>, vector<16xi32> -> vector<16xf32>
      %add3A_1920 = arith.addf %add3A_1913, %gather3A_1919 : vector<16xf32>
      %xor3A_1921 = arith.constant 1 : i32
      %xor3A_1922 = vector.broadcast %xor3A_1921 : i32 to vector<16xi32>
      %xor3A_1923 = arith.xori %iota3A, %xor3A_1922 : vector<16xi32>
      %broadcast_in_dim3A_1924 = vector.shape_cast %xor3A_1923 : vector<16xi32> to vector<16x1xi32>
      %gather3A_1925 = vector.shape_cast %broadcast_in_dim3A_1924 : vector<16x1xi32> to vector<16xi32>
      %gather3A_1926 = tpu.dynamic_gather %add3A_1920[%gather3A_1925] in [0] : vector<16xf32>, vector<16xi32> -> vector<16xf32>
      %add3A_1927 = arith.addf %add3A_1920, %gather3A_1926 : vector<16xf32>
      %eq3A_1928 = arith.constant 0 : i32
      %eq3A_1929 = vector.broadcast %eq3A_1928 : i32 to vector<16xi32>
      %eq3A_1930 = arith.cmpi eq, %iota3A, %eq3A_1929 : vector<16xi32>
      %div3A_1931 = arith.constant 3.445000e+04 : f32
      %div3A_1932 = vector.broadcast %div3A_1931 : f32 to vector<16xf32>
      %div3A_1933 = arith.divf %add3A_1927, %div3A_1932 : vector<16xf32>
      %jit3A_1934 = arith.constant 0.000000e+00 : f32
      %broadcast_in_dim3A_1935 = vector.broadcast %jit3A_1934 : f32 to vector<16xf32>
      %select_n3A_1936 = arith.select %eq3A_1930, %div3A_1933, %broadcast_in_dim3A_1935 : vector<16xi1>, vector<16xf32>
      %swap3A_1937 = arith.constant 0 : index
      %swap3A_1938 = tpu.vector_load %arg13[%swap3A_1937] {strides = array<i32>} : memref<16xf32, #tpu.memory_space<vmem>>, vector<16xf32>,
      %swap3A_1939 = vector.shape_cast %swap3A_1938 : vector<16xf32> to vector<16xf32>
      %swap3A_1940 = vector.shape_cast %select_n3A_1936 : vector<16xf32> to vector<16xf32>
      tpu.vector_store %arg13[%swap3A_1937], %swap3A_1940 {strides = array<i32>} : memref<16xf32, #tpu.memory_space<vmem>>, vector<16xf32>,
      "tpu.region"() ({
        %run_scoped3A = tpu.sem_alloc : memref<!tpu.dma_semaphore, #tpu.memory_space<semaphore_mem>>
        tpu.enqueue_dma source(%arg13 : memref<16xf32, #tpu.memory_space<vmem>>) target(%arg6 : memref<16xf32, #tpu.memory_space<hbm>>) target_semaphore(%run_scoped3A : memref<!tpu.dma_semaphore, #tpu.memory_space<semaphore_mem>>)
        tpu.wait_dma2 semaphore(%run_scoped3A : memref<!tpu.dma_semaphore, #tpu.memory_space<semaphore_mem>>) src(%arg13 : memref<16xf32, #tpu.memory_space<vmem>>) dst(%arg6 : memref<16xf32, #tpu.memory_space<hbm>>)
        tpu.yield
      }) : () -> ()
    } else {
    }
    return
  }
}

module attributes {stable_mosaic.version = 14 : i64} {
  func.func @_stage1_body(%arg0: i32, %arg1: memref<4x512xf32, #tpu.memory_space<vmem>>, %arg2: memref<4x20480xf32, #tpu.memory_space<vmem>>, %arg3: memref<20480x4xf32, #tpu.memory_space<vmem>>, %arg4: memref<4x32xf32, #tpu.memory_space<vmem>>, %arg5: memref<32x4xf32, #tpu.memory_space<vmem>>, %arg6: memref<32x12xf32, #tpu.memory_space<vmem>>, %arg7: memref<1x1x512xf32, #tpu.memory_space<vmem>>, %arg8: memref<1x1x512xf32, #tpu.memory_space<vmem>>, %arg9: memref<1x1x512xi32, #tpu.memory_space<vmem>>, %arg10: memref<1x32x1xf32, #tpu.memory_space<vmem>>, %arg11: memref<1x1x32xf32, #tpu.memory_space<vmem>>) attributes {dimension_semantics = [#tpu.dimension_semantics<arbitrary>], iteration_bounds = array<i64: 14>, scalar_prefetch = 0 : i64, scratch_operands = 0 : i64, tpu.core_type = #tpu.core_type<tc>, window_params = [{transform_indices = @transform_0, window_bounds = array<i64: 4, 512>}, {pipeline_mode = #tpu.pipeline_mode<synchronous>, transform_indices = @transform_1, window_bounds = array<i64: 4, 20480>}, {pipeline_mode = #tpu.pipeline_mode<synchronous>, transform_indices = @transform_2, window_bounds = array<i64: 20480, 4>}, {pipeline_mode = #tpu.pipeline_mode<synchronous>, transform_indices = @transform_3, window_bounds = array<i64: 4, 32>}, {pipeline_mode = #tpu.pipeline_mode<synchronous>, transform_indices = @transform_4, window_bounds = array<i64: 32, 4>}, {pipeline_mode = #tpu.pipeline_mode<synchronous>, transform_indices = @transform_5, window_bounds = array<i64: 32, 12>}, {transform_indices = @transform_6, window_bounds = array<i64: 1, 1, 512>}, {transform_indices = @transform_7, window_bounds = array<i64: 1, 1, 512>}, {transform_indices = @transform_8, window_bounds = array<i64: 1, 1, 512>}, {pipeline_mode = #tpu.pipeline_mode<synchronous>, transform_indices = @transform_9, window_bounds = array<i64: 1, 32, 1>}, {pipeline_mode = #tpu.pipeline_mode<synchronous>, transform_indices = @transform_10, window_bounds = array<i64: 1, 1, 32>}]} {
    %get3A = arith.constant 0 : index
    %get3A_0 = arith.constant 0 : index
    %get3A_1 = vector.load %arg1[%get3A, %get3A_0] : memref<4x512xf32, #tpu.memory_space<vmem>>, vector<4x512xf32>
    %mul3A = arith.mulf %get3A_1, %get3A_1 : vector<4x512xf32>
    %reduce_sum3A = arith.constant dense<0.000000e+00> : vector<512xf32>
    %reduce_sum3A_2 = vector.multi_reduction <add>, %mul3A, %reduce_sum3A [0] : vector<4x512xf32> to vector<512xf32>
    %broadcast_in_dim3A = vector.shape_cast %reduce_sum3A_2 : vector<512xf32> to vector<1x512xf32>
    %iota3A = tpu.iota {dimensions = array<i32: 1>} : vector<1x512xi32>
    %mul3A_3 = arith.constant 512 : i32
    %mul3A_4 = arith.muli %arg0, %mul3A_3 : i32
    %add3A = vector.broadcast %mul3A_4 : i32 to vector<1x512xi32>
    %add3A_5 = arith.addi %add3A, %iota3A : vector<1x512xi32>
    %lt3A = arith.constant 6890 : i32
    %lt3A_6 = vector.broadcast %lt3A : i32 to vector<1x512xi32>
    %lt3A_7 = arith.cmpi slt, %add3A_5, %lt3A_6 : vector<1x512xi32>
    %get3A_8 = arith.constant 0 : index
    %get3A_9 = arith.constant 0 : index
    %get3A_10 = vector.load %arg4[%get3A_8, %get3A_9] : memref<4x32xf32, #tpu.memory_space<vmem>>, vector<4x32xf32>
    %get3A_11 = arith.constant 0 : index
    %get3A_12 = arith.constant 0 : index
    %get3A_13 = vector.load %arg5[%get3A_11, %get3A_12] : memref<32x4xf32, #tpu.memory_space<vmem>>, vector<32x4xf32>
    %mul3A_14 = arith.mulf %get3A_13, %get3A_13 : vector<32x4xf32>
    %reduce_sum3A_15 = arith.constant dense<0.000000e+00> : vector<32xf32>
    %reduce_sum3A_16 = vector.multi_reduction <add>, %mul3A_14, %reduce_sum3A_15 [1] : vector<32x4xf32> to vector<32xf32>
    %broadcast_in_dim3A_17 = vector.shape_cast %reduce_sum3A_16 : vector<32xf32> to vector<32x1xf32>
    %dot_general3A = arith.constant dense<0.000000e+00> : vector<32x512xf32>
    %dot_general3A_18 = tpu.matmul %get3A_10, %get3A_1, %dot_general3A {dimension_numbers = #tpu.dot_dimension_numbers<[0], [0], [1], [1], [0, 1, 1, 1], [], []>, transpose_lhs_hint = false} : vector<4x32xf32>, vector<4x512xf32>, vector<32x512xf32> -> vector<32x512xf32>
    %add3A_19 = vector.broadcast %broadcast_in_dim3A : vector<1x512xf32> to vector<32x512xf32>
    %add3A_20 = vector.broadcast %broadcast_in_dim3A_17 : vector<32x1xf32> to vector<32x512xf32>
    %add3A_21 = arith.addf %add3A_19, %add3A_20 : vector<32x512xf32>
    %mul3A_22 = arith.constant 2.000000e+00 : f32
    %mul3A_23 = vector.broadcast %mul3A_22 : f32 to vector<32x512xf32>
    %mul3A_24 = arith.mulf %mul3A_23, %dot_general3A_18 : vector<32x512xf32>
    %sub3A = arith.subf %add3A_21, %mul3A_24 : vector<32x512xf32>
    %max3A = arith.constant 0.000000e+00 : f32
    %max3A_25 = vector.broadcast %max3A : f32 to vector<32x512xf32>
    %max3A_26 = arith.maximumf %sub3A, %max3A_25 : vector<32x512xf32>
    %reduce_min3A = arith.constant dense<0x7F800000> : vector<512xf32>
    %reduce_min3A_27 = vector.multi_reduction <minimumf>, %max3A_26, %reduce_min3A [0] : vector<32x512xf32> to vector<512xf32>
    %broadcast_in_dim3A_28 = vector.shape_cast %reduce_min3A_27 : vector<512xf32> to vector<1x512xf32>
    %iota3A_29 = tpu.iota {dimensions = array<i32: 0>} : vector<32x512xi32>
    %eq3A = vector.broadcast %broadcast_in_dim3A_28 : vector<1x512xf32> to vector<32x512xf32>
    %eq3A_30 = arith.cmpf oeq, %max3A_26, %eq3A : vector<32x512xf32>
    %jit3A = arith.constant 32 : i32
    %broadcast_in_dim3A_31 = vector.broadcast %jit3A : i32 to vector<32x512xi32>
    %select_n3A = arith.select %eq3A_30, %iota3A_29, %broadcast_in_dim3A_31 : vector<32x512xi1>, vector<32x512xi32>
    %reduce_min3A_32 = arith.constant dense<2147483647> : vector<512xi32>
    %reduce_min3A_33 = vector.multi_reduction <minsi>, %select_n3A, %reduce_min3A_32 [0] : vector<32x512xi32> to vector<512xi32>
    %broadcast_in_dim3A_34 = vector.shape_cast %reduce_min3A_33 : vector<512xi32> to vector<1x512xi32>
    %eq3A_35 = vector.broadcast %broadcast_in_dim3A_34 : vector<1x512xi32> to vector<32x512xi32>
    %eq3A_36 = arith.cmpi eq, %iota3A_29, %eq3A_35 : vector<32x512xi32>
    %get3A_37 = arith.constant 0 : index
    %get3A_38 = arith.constant 0 : index
    %get3A_39 = vector.load %arg6[%get3A_37, %get3A_38] : memref<32x12xf32, #tpu.memory_space<vmem>>, vector<32x12xf32>
    %abs3A = math.absf %get3A_39 : vector<32x12xf32>
    %reduce_max3A = arith.constant dense<0xFF800000> : vector<32xf32>
    %reduce_max3A_40 = vector.multi_reduction <maximumf>, %abs3A, %reduce_max3A [1] : vector<32x12xf32> to vector<32xf32>
    %broadcast_in_dim3A_41 = vector.shape_cast %reduce_max3A_40 : vector<32xf32> to vector<32x1xf32>
    %eq3A_42 = arith.constant 0.000000e+00 : f32
    %eq3A_43 = vector.broadcast %eq3A_42 : f32 to vector<32x1xf32>
    %eq3A_44 = arith.cmpf oeq, %broadcast_in_dim3A_41, %eq3A_43 : vector<32x1xf32>
    %slice3A = vector.extract_strided_slice %get3A_39 {offsets = [0, 0], sizes = [32, 1], strides = [1, 1]} : vector<32x12xf32> to vector<32x1xf32>
    %slice3A_45 = vector.extract_strided_slice %get3A_13 {offsets = [0, 0], sizes = [32, 1], strides = [1, 1]} : vector<32x4xf32> to vector<32x1xf32>
    %add3A_46 = arith.addf %slice3A, %slice3A_45 : vector<32x1xf32>
    %slice3A_47 = vector.extract_strided_slice %get3A_39 {offsets = [0, 1], sizes = [32, 1], strides = [1, 1]} : vector<32x12xf32> to vector<32x1xf32>
    %slice3A_48 = vector.extract_strided_slice %get3A_13 {offsets = [0, 1], sizes = [32, 1], strides = [1, 1]} : vector<32x4xf32> to vector<32x1xf32>
    %add3A_49 = arith.addf %slice3A_47, %slice3A_48 : vector<32x1xf32>
    %slice3A_50 = vector.extract_strided_slice %get3A_39 {offsets = [0, 2], sizes = [32, 1], strides = [1, 1]} : vector<32x12xf32> to vector<32x1xf32>
    %slice3A_51 = vector.extract_strided_slice %get3A_13 {offsets = [0, 2], sizes = [32, 1], strides = [1, 1]} : vector<32x4xf32> to vector<32x1xf32>
    %add3A_52 = arith.addf %slice3A_50, %slice3A_51 : vector<32x1xf32>
    %broadcast_in_dim3A_53 = arith.constant 1.000000e+00 : f32
    %broadcast_in_dim3A_54 = vector.broadcast %broadcast_in_dim3A_53 : f32 to vector<32x1xf32>
    %broadcast_in_dim3A_55 = arith.constant 0.000000e+00 : f32
    %broadcast_in_dim3A_56 = vector.broadcast %broadcast_in_dim3A_55 : f32 to vector<32x1xf32>
    %slice3A_57 = vector.extract_strided_slice %get3A_39 {offsets = [0, 3], sizes = [32, 1], strides = [1, 1]} : vector<32x12xf32> to vector<32x1xf32>
    %select_n3A_58 = arith.select %eq3A_44, %broadcast_in_dim3A_54, %slice3A_57 : vector<32x1xi1>, vector<32x1xf32>
    %slice3A_59 = vector.extract_strided_slice %get3A_39 {offsets = [0, 6], sizes = [32, 1], strides = [1, 1]} : vector<32x12xf32> to vector<32x1xf32>
    %select_n3A_60 = arith.select %eq3A_44, %broadcast_in_dim3A_56, %slice3A_59 : vector<32x1xi1>, vector<32x1xf32>
    %slice3A_61 = vector.extract_strided_slice %get3A_39 {offsets = [0, 7], sizes = [32, 1], strides = [1, 1]} : vector<32x12xf32> to vector<32x1xf32>
    %select_n3A_62 = arith.select %eq3A_44, %broadcast_in_dim3A_54, %slice3A_61 : vector<32x1xi1>, vector<32x1xf32>
    %slice3A_63 = vector.extract_strided_slice %get3A_39 {offsets = [0, 9], sizes = [32, 1], strides = [1, 1]} : vector<32x12xf32> to vector<32x1xf32>
    %select_n3A_64 = arith.select %eq3A_44, %broadcast_in_dim3A_56, %slice3A_63 : vector<32x1xi1>, vector<32x1xf32>
    %slice3A_65 = vector.extract_strided_slice %get3A_39 {offsets = [0, 10], sizes = [32, 1], strides = [1, 1]} : vector<32x12xf32> to vector<32x1xf32>
    %select_n3A_66 = arith.select %eq3A_44, %broadcast_in_dim3A_56, %slice3A_65 : vector<32x1xi1>, vector<32x1xf32>
    %slice3A_67 = vector.extract_strided_slice %get3A_39 {offsets = [0, 11], sizes = [32, 1], strides = [1, 1]} : vector<32x12xf32> to vector<32x1xf32>
    %select_n3A_68 = arith.select %eq3A_44, %broadcast_in_dim3A_54, %slice3A_67 : vector<32x1xi1>, vector<32x1xf32>
    %sqrt3A = math.sqrt %select_n3A_58 : vector<32x1xf32>
    %div3A = arith.divf %select_n3A_60, %sqrt3A : vector<32x1xf32>
    %div3A_69 = arith.divf %select_n3A_64, %sqrt3A : vector<32x1xf32>
    %mul3A_70 = arith.mulf %div3A, %div3A : vector<32x1xf32>
    %sub3A_71 = arith.subf %select_n3A_62, %mul3A_70 : vector<32x1xf32>
    %sqrt3A_72 = math.sqrt %sub3A_71 : vector<32x1xf32>
    %mul3A_73 = arith.mulf %div3A_69, %div3A : vector<32x1xf32>
    %sub3A_74 = arith.subf %select_n3A_66, %mul3A_73 : vector<32x1xf32>
    %div3A_75 = arith.divf %sub3A_74, %sqrt3A_72 : vector<32x1xf32>
    %mul3A_76 = arith.mulf %div3A_69, %div3A_69 : vector<32x1xf32>
    %sub3A_77 = arith.subf %select_n3A_68, %mul3A_76 : vector<32x1xf32>
    %mul3A_78 = arith.mulf %div3A_75, %div3A_75 : vector<32x1xf32>
    %sub3A_79 = arith.subf %sub3A_77, %mul3A_78 : vector<32x1xf32>
    %sqrt3A_80 = math.sqrt %sub3A_79 : vector<32x1xf32>
    %log3A = math.log %sqrt3A : vector<32x1xf32>
    %log3A_81 = math.log %sqrt3A_72 : vector<32x1xf32>
    %add3A_82 = arith.addf %log3A, %log3A_81 : vector<32x1xf32>
    %log3A_83 = math.log %sqrt3A_80 : vector<32x1xf32>
    %add3A_84 = arith.addf %add3A_82, %log3A_83 : vector<32x1xf32>
    %mul3A_85 = arith.constant 2.000000e+00 : f32
    %mul3A_86 = vector.broadcast %mul3A_85 : f32 to vector<32x1xf32>
    %mul3A_87 = arith.mulf %mul3A_86, %add3A_84 : vector<32x1xf32>
    %slice3A_88 = vector.extract_strided_slice %get3A_1 {offsets = [0, 0], sizes = [1, 512], strides = [1, 1]} : vector<4x512xf32> to vector<1x512xf32>
    %sub3A_89 = vector.broadcast %slice3A_88 : vector<1x512xf32> to vector<32x512xf32>
    %sub3A_90 = vector.broadcast %add3A_46 : vector<32x1xf32> to vector<32x512xf32>
    %sub3A_91 = arith.subf %sub3A_89, %sub3A_90 : vector<32x512xf32>
    %slice3A_92 = vector.extract_strided_slice %get3A_1 {offsets = [1, 0], sizes = [1, 512], strides = [1, 1]} : vector<4x512xf32> to vector<1x512xf32>
    %sub3A_93 = vector.broadcast %slice3A_92 : vector<1x512xf32> to vector<32x512xf32>
    %sub3A_94 = vector.broadcast %add3A_49 : vector<32x1xf32> to vector<32x512xf32>
    %sub3A_95 = arith.subf %sub3A_93, %sub3A_94 : vector<32x512xf32>
    %slice3A_96 = vector.extract_strided_slice %get3A_1 {offsets = [2, 0], sizes = [1, 512], strides = [1, 1]} : vector<4x512xf32> to vector<1x512xf32>
    %sub3A_97 = vector.broadcast %slice3A_96 : vector<1x512xf32> to vector<32x512xf32>
    %sub3A_98 = vector.broadcast %add3A_52 : vector<32x1xf32> to vector<32x512xf32>
    %sub3A_99 = arith.subf %sub3A_97, %sub3A_98 : vector<32x512xf32>
    %div3A_100 = vector.broadcast %sqrt3A : vector<32x1xf32> to vector<32x512xf32>
    %div3A_101 = arith.divf %sub3A_91, %div3A_100 : vector<32x512xf32>
    %mul3A_102 = vector.broadcast %div3A : vector<32x1xf32> to vector<32x512xf32>
    %mul3A_103 = arith.mulf %mul3A_102, %div3A_101 : vector<32x512xf32>
    %sub3A_104 = arith.subf %sub3A_95, %mul3A_103 : vector<32x512xf32>
    %div3A_105 = vector.broadcast %sqrt3A_72 : vector<32x1xf32> to vector<32x512xf32>
    %div3A_106 = arith.divf %sub3A_104, %div3A_105 : vector<32x512xf32>
    %mul3A_107 = vector.broadcast %div3A_69 : vector<32x1xf32> to vector<32x512xf32>
    %mul3A_108 = arith.mulf %mul3A_107, %div3A_101 : vector<32x512xf32>
    %sub3A_109 = arith.subf %sub3A_99, %mul3A_108 : vector<32x512xf32>
    %mul3A_110 = vector.broadcast %div3A_75 : vector<32x1xf32> to vector<32x512xf32>
    %mul3A_111 = arith.mulf %mul3A_110, %div3A_106 : vector<32x512xf32>
    %sub3A_112 = arith.subf %sub3A_109, %mul3A_111 : vector<32x512xf32>
    %div3A_113 = vector.broadcast %sqrt3A_80 : vector<32x1xf32> to vector<32x512xf32>
    %div3A_114 = arith.divf %sub3A_112, %div3A_113 : vector<32x512xf32>
    %mul3A_115 = arith.mulf %div3A_101, %div3A_101 : vector<32x512xf32>
    %mul3A_116 = arith.mulf %div3A_106, %div3A_106 : vector<32x512xf32>
    %add3A_117 = arith.addf %mul3A_115, %mul3A_116 : vector<32x512xf32>
    %mul3A_118 = arith.mulf %div3A_114, %div3A_114 : vector<32x512xf32>
    %add3A_119 = arith.addf %add3A_117, %mul3A_118 : vector<32x512xf32>
    %add3A_120 = arith.constant 5.51363134 : f32
    %add3A_121 = vector.broadcast %add3A_120 : f32 to vector<32x1xf32>
    %add3A_122 = arith.addf %add3A_121, %mul3A_87 : vector<32x1xf32>
    %add3A_123 = vector.broadcast %add3A_122 : vector<32x1xf32> to vector<32x512xf32>
    %add3A_124 = arith.addf %add3A_123, %add3A_119 : vector<32x512xf32>
    %mul3A_125 = arith.constant -5.000000e-01 : f32
    %mul3A_126 = vector.broadcast %mul3A_125 : f32 to vector<32x512xf32>
    %mul3A_127 = arith.mulf %mul3A_126, %add3A_124 : vector<32x512xf32>
    %exp3A = math.exp %mul3A_127 : vector<32x512xf32>
    %jit3A_128 = arith.constant 0.000000e+00 : f32
    %broadcast_in_dim3A_129 = vector.broadcast %jit3A_128 : f32 to vector<32x512xf32>
    %select_n3A_130 = arith.select %eq3A_36, %exp3A, %broadcast_in_dim3A_129 : vector<32x512xi1>, vector<32x512xf32>
    %reduce_sum3A_131 = arith.constant dense<0.000000e+00> : vector<512xf32>
    %reduce_sum3A_132 = vector.multi_reduction <add>, %select_n3A_130, %reduce_sum3A_131 [0] : vector<32x512xf32> to vector<512xf32>
    %broadcast_in_dim3A_133 = vector.shape_cast %reduce_sum3A_132 : vector<512xf32> to vector<1x512xf32>
    %and3A = vector.broadcast %lt3A_7 : vector<1x512xi1> to vector<32x512xi1>
    %and3A_134 = arith.andi %eq3A_36, %and3A : vector<32x512xi1>
    %jit3A_135 = arith.constant -3.000000e+38 : f32
    %broadcast_in_dim3A_136 = vector.broadcast %jit3A_135 : f32 to vector<32x512xf32>
    %select_n3A_137 = arith.select %and3A_134, %exp3A, %broadcast_in_dim3A_136 : vector<32x512xi1>, vector<32x512xf32>
    %reduce_max3A_138 = arith.constant dense<0xFF800000> : vector<32xf32>
    %reduce_max3A_139 = vector.multi_reduction <maximumf>, %select_n3A_137, %reduce_max3A_138 [1] : vector<32x512xf32> to vector<32xf32>
    %broadcast_in_dim3A_140 = vector.shape_cast %reduce_max3A_139 : vector<32xf32> to vector<32x1xf32>
    %eq3A_141 = arith.constant 0 : i32
    %eq3A_142 = arith.cmpi eq, %arg0, %eq3A_141 : i32
    %convert_element_type3A = arith.extui %eq3A_142 : i1 to i32
    %cond3A = arith.constant 0 : i32
    %cond3A_143 = arith.cmpi ne, %convert_element_type3A, %cond3A : i32
    scf.if %cond3A_143 {
      %broadcast_in_dim3A_1650 = arith.constant -3.000000e+38 : f32
      %broadcast_in_dim3A_1651 = vector.broadcast %broadcast_in_dim3A_1650 : f32 to vector<1x32x1xf32>
      %swap3A_1652 = arith.constant 0 : index
      %swap3A_1653 = arith.constant 0 : index
      %swap3A_1654 = arith.constant 0 : index
      %swap3A_1655 = vector.load %arg10[%swap3A_1652, %swap3A_1653, %swap3A_1654] : memref<1x32x1xf32, #tpu.memory_space<vmem>>, vector<1x32x1xf32>
      tpu.vector_store %arg10[%swap3A_1652, %swap3A_1653, %swap3A_1654], %broadcast_in_dim3A_1651 {strides = array<i32>} : memref<1x32x1xf32, #tpu.memory_space<vmem>>, vector<1x32x1xf32>,
    } else {
    }
    %get3A_144 = arith.constant 0 : index
    %get3A_145 = arith.constant 0 : index
    %get3A_146 = arith.constant 0 : index
    %get3A_147 = vector.load %arg10[%get3A_144, %get3A_145, %get3A_146] : memref<1x32x1xf32, #tpu.memory_space<vmem>>, vector<1x32x1xf32>
    %broadcast_in_dim3A_148 = vector.shape_cast %broadcast_in_dim3A_140 : vector<32x1xf32> to vector<1x32x1xf32>
    %max3A_149 = arith.maximumf %get3A_147, %broadcast_in_dim3A_148 : vector<1x32x1xf32>
    %swap3A = arith.constant 0 : index
    %swap3A_150 = arith.constant 0 : index
    %swap3A_151 = arith.constant 0 : index
    %swap3A_152 = vector.load %arg10[%swap3A, %swap3A_150, %swap3A_151] : memref<1x32x1xf32, #tpu.memory_space<vmem>>, vector<1x32x1xf32>
    tpu.vector_store %arg10[%swap3A, %swap3A_150, %swap3A_151], %max3A_149 {strides = array<i32>} : memref<1x32x1xf32, #tpu.memory_space<vmem>>, vector<1x32x1xf32>,
    %neg3A = arith.constant 0.000000e+00 : f32
    %neg3A_153 = vector.broadcast %neg3A : f32 to vector<1x512xf32>
    %neg3A_154 = arith.subf %neg3A_153, %broadcast_in_dim3A : vector<1x512xf32>
    %add3A_155 = arith.addf %get3A_1, %get3A_1 : vector<4x512xf32>
    %broadcast_in_dim3A_156 = arith.constant 3.000000e+38 : f32
    %broadcast_in_dim3A_157 = vector.broadcast %broadcast_in_dim3A_156 : f32 to vector<1x512xf32>
    %broadcast_in_dim3A_158 = arith.constant 3.000000e+38 : f32
    %broadcast_in_dim3A_159 = vector.broadcast %broadcast_in_dim3A_158 : f32 to vector<1x512xf32>
    %broadcast_in_dim3A_160 = arith.constant 3.000000e+38 : f32
    %broadcast_in_dim3A_161 = vector.broadcast %broadcast_in_dim3A_160 : f32 to vector<1x512xf32>
    %broadcast_in_dim3A_162 = arith.constant 3.000000e+38 : f32
    %broadcast_in_dim3A_163 = vector.broadcast %broadcast_in_dim3A_162 : f32 to vector<1x512xf32>
    %broadcast_in_dim3A_164 = arith.constant 3.000000e+38 : f32
    %broadcast_in_dim3A_165 = vector.broadcast %broadcast_in_dim3A_164 : f32 to vector<1x512xf32>
    %get3A_166 = arith.constant 0 : index
    %get3A_167 = arith.constant 0 : index
    %get3A_168 = vector.load %arg2[%get3A_166, %get3A_167] : memref<4x20480xf32, #tpu.memory_space<vmem>>, vector<4x4096xf32>
    %get3A_169 = arith.constant 0 : index
    %get3A_170 = arith.constant 0 : index
    %get3A_171 = vector.load %arg3[%get3A_169, %get3A_170] : memref<20480x4xf32, #tpu.memory_space<vmem>>, vector<4096x4xf32>
    %mul3A_172 = arith.mulf %get3A_171, %get3A_171 : vector<4096x4xf32>
    %reduce_sum3A_173 = arith.constant dense<0.000000e+00> : vector<4096xf32>
    %reduce_sum3A_174 = vector.multi_reduction <add>, %mul3A_172, %reduce_sum3A_173 [1] : vector<4096x4xf32> to vector<4096xf32>
    %broadcast_in_dim3A_175 = vector.shape_cast %reduce_sum3A_174 : vector<4096xf32> to vector<4096x1xf32>
    %dot_general3A_176 = arith.constant dense<0.000000e+00> : vector<4096x512xf32>
    %dot_general3A_177 = tpu.matmul %get3A_168, %add3A_155, %dot_general3A_176 {dimension_numbers = #tpu.dot_dimension_numbers<[0], [0], [1], [1], [0, 1, 1, 1], [], []>, transpose_lhs_hint = false} : vector<4x4096xf32>, vector<4x512xf32>, vector<4096x512xf32> -> vector<4096x512xf32>
    %sub3A_178 = vector.broadcast %broadcast_in_dim3A_175 : vector<4096x1xf32> to vector<4096x512xf32>
    %sub3A_179 = arith.subf %sub3A_178, %dot_general3A_177 : vector<4096x512xf32>
    %slice3A_180 = vector.extract_strided_slice %sub3A_179 {offsets = [0, 0], sizes = [2048, 512], strides = [1, 1]} : vector<4096x512xf32> to vector<2048x512xf32>
    %slice3A_181 = vector.extract_strided_slice %sub3A_179 {offsets = [2048, 0], sizes = [2048, 512], strides = [1, 1]} : vector<4096x512xf32> to vector<2048x512xf32>
    %min3A = arith.minimumf %slice3A_180, %slice3A_181 : vector<2048x512xf32>
    %max3A_182 = arith.maximumf %slice3A_180, %slice3A_181 : vector<2048x512xf32>
    %slice3A_183 = vector.extract_strided_slice %min3A {offsets = [0, 0], sizes = [1024, 512], strides = [1, 1]} : vector<2048x512xf32> to vector<1024x512xf32>
    %slice3A_184 = vector.extract_strided_slice %max3A_182 {offsets = [0, 0], sizes = [1024, 512], strides = [1, 1]} : vector<2048x512xf32> to vector<1024x512xf32>
    %slice3A_185 = vector.extract_strided_slice %min3A {offsets = [1024, 0], sizes = [1024, 512], strides = [1, 1]} : vector<2048x512xf32> to vector<1024x512xf32>
    %slice3A_186 = vector.extract_strided_slice %max3A_182 {offsets = [1024, 0], sizes = [1024, 512], strides = [1, 1]} : vector<2048x512xf32> to vector<1024x512xf32>
    %min3A_187 = arith.minimumf %slice3A_183, %slice3A_185 : vector<1024x512xf32>
    %max3A_188 = arith.maximumf %slice3A_183, %slice3A_185 : vector<1024x512xf32>
    %min3A_189 = arith.minimumf %slice3A_184, %slice3A_186 : vector<1024x512xf32>
    %max3A_190 = arith.maximumf %slice3A_184, %slice3A_186 : vector<1024x512xf32>
    %min3A_191 = arith.minimumf %max3A_188, %min3A_189 : vector<1024x512xf32>
    %max3A_192 = arith.maximumf %max3A_188, %min3A_189 : vector<1024x512xf32>
    %slice3A_193 = vector.extract_strided_slice %min3A_187 {offsets = [0, 0], sizes = [512, 512], strides = [1, 1]} : vector<1024x512xf32> to vector<512x512xf32>
    %slice3A_194 = vector.extract_strided_slice %min3A_191 {offsets = [0, 0], sizes = [512, 512], strides = [1, 1]} : vector<1024x512xf32> to vector<512x512xf32>
    %slice3A_195 = vector.extract_strided_slice %max3A_192 {offsets = [0, 0], sizes = [512, 512], strides = [1, 1]} : vector<1024x512xf32> to vector<512x512xf32>
    %slice3A_196 = vector.extract_strided_slice %max3A_190 {offsets = [0, 0], sizes = [512, 512], strides = [1, 1]} : vector<1024x512xf32> to vector<512x512xf32>
    %slice3A_197 = vector.extract_strided_slice %min3A_187 {offsets = [512, 0], sizes = [512, 512], strides = [1, 1]} : vector<1024x512xf32> to vector<512x512xf32>
    %slice3A_198 = vector.extract_strided_slice %min3A_191 {offsets = [512, 0], sizes = [512, 512], strides = [1, 1]} : vector<1024x512xf32> to vector<512x512xf32>
    %slice3A_199 = vector.extract_strided_slice %max3A_192 {offsets = [512, 0], sizes = [512, 512], strides = [1, 1]} : vector<1024x512xf32> to vector<512x512xf32>
    %slice3A_200 = vector.extract_strided_slice %max3A_190 {offsets = [512, 0], sizes = [512, 512], strides = [1, 1]} : vector<1024x512xf32> to vector<512x512xf32>
    %min3A_201 = arith.minimumf %slice3A_193, %slice3A_197 : vector<512x512xf32>
    %max3A_202 = arith.maximumf %slice3A_193, %slice3A_197 : vector<512x512xf32>
    %min3A_203 = arith.minimumf %slice3A_195, %slice3A_199 : vector<512x512xf32>
    %min3A_204 = arith.minimumf %max3A_202, %min3A_203 : vector<512x512xf32>
    %max3A_205 = arith.maximumf %max3A_202, %min3A_203 : vector<512x512xf32>
    %min3A_206 = arith.minimumf %slice3A_194, %slice3A_198 : vector<512x512xf32>
    %max3A_207 = arith.maximumf %slice3A_194, %slice3A_198 : vector<512x512xf32>
    %min3A_208 = arith.minimumf %slice3A_196, %slice3A_200 : vector<512x512xf32>
    %min3A_209 = arith.minimumf %max3A_207, %min3A_208 : vector<512x512xf32>
    %min3A_210 = arith.minimumf %min3A_204, %min3A_206 : vector<512x512xf32>
    %max3A_211 = arith.maximumf %min3A_204, %min3A_206 : vector<512x512xf32>
    %min3A_212 = arith.minimumf %max3A_205, %min3A_209 : vector<512x512xf32>
    %max3A_213 = arith.maximumf %max3A_205, %min3A_209 : vector<512x512xf32>
    %slice3A_214 = vector.extract_strided_slice %min3A_201 {offsets = [0, 0], sizes = [256, 512], strides = [1, 1]} : vector<512x512xf32> to vector<256x512xf32>
    %slice3A_215 = vector.extract_strided_slice %min3A_210 {offsets = [0, 0], sizes = [256, 512], strides = [1, 1]} : vector<512x512xf32> to vector<256x512xf32>
    %slice3A_216 = vector.extract_strided_slice %max3A_211 {offsets = [0, 0], sizes = [256, 512], strides = [1, 1]} : vector<512x512xf32> to vector<256x512xf32>
    %slice3A_217 = vector.extract_strided_slice %min3A_212 {offsets = [0, 0], sizes = [256, 512], strides = [1, 1]} : vector<512x512xf32> to vector<256x512xf32>
    %slice3A_218 = vector.extract_strided_slice %max3A_213 {offsets = [0, 0], sizes = [256, 512], strides = [1, 1]} : vector<512x512xf32> to vector<256x512xf32>
    %slice3A_219 = vector.extract_strided_slice %min3A_201 {offsets = [256, 0], sizes = [256, 512], strides = [1, 1]} : vector<512x512xf32> to vector<256x512xf32>
    %slice3A_220 = vector.extract_strided_slice %min3A_210 {offsets = [256, 0], sizes = [256, 512], strides = [1, 1]} : vector<512x512xf32> to vector<256x512xf32>
    %slice3A_221 = vector.extract_strided_slice %max3A_211 {offsets = [256, 0], sizes = [256, 512], strides = [1, 1]} : vector<512x512xf32> to vector<256x512xf32>
    %slice3A_222 = vector.extract_strided_slice %min3A_212 {offsets = [256, 0], sizes = [256, 512], strides = [1, 1]} : vector<512x512xf32> to vector<256x512xf32>
    %slice3A_223 = vector.extract_strided_slice %max3A_213 {offsets = [256, 0], sizes = [256, 512], strides = [1, 1]} : vector<512x512xf32> to vector<256x512xf32>
    %min3A_224 = arith.minimumf %slice3A_214, %slice3A_219 : vector<256x512xf32>
    %max3A_225 = arith.maximumf %slice3A_214, %slice3A_219 : vector<256x512xf32>
    %min3A_226 = arith.minimumf %slice3A_218, %slice3A_223 : vector<256x512xf32>
    %min3A_227 = arith.minimumf %max3A_225, %min3A_226 : vector<256x512xf32>
    %min3A_228 = arith.minimumf %slice3A_216, %slice3A_221 : vector<256x512xf32>
    %min3A_229 = arith.minimumf %min3A_227, %min3A_228 : vector<256x512xf32>
    %max3A_230 = arith.maximumf %min3A_227, %min3A_228 : vector<256x512xf32>
    %min3A_231 = arith.minimumf %slice3A_215, %slice3A_220 : vector<256x512xf32>
    %max3A_232 = arith.maximumf %slice3A_215, %slice3A_220 : vector<256x512xf32>
    %min3A_233 = arith.minimumf %slice3A_217, %slice3A_222 : vector<256x512xf32>
    %min3A_234 = arith.minimumf %max3A_232, %min3A_233 : vector<256x512xf32>
    %min3A_235 = arith.minimumf %min3A_229, %min3A_231 : vector<256x512xf32>
    %max3A_236 = arith.maximumf %min3A_229, %min3A_231 : vector<256x512xf32>
    %min3A_237 = arith.minimumf %max3A_230, %min3A_234 : vector<256x512xf32>
    %max3A_238 = arith.maximumf %max3A_230, %min3A_234 : vector<256x512xf32>
    %slice3A_239 = vector.extract_strided_slice %min3A_224 {offsets = [0, 0], sizes = [128, 512], strides = [1, 1]} : vector<256x512xf32> to vector<128x512xf32>
    %slice3A_240 = vector.extract_strided_slice %min3A_235 {offsets = [0, 0], sizes = [128, 512], strides = [1, 1]} : vector<256x512xf32> to vector<128x512xf32>
    %slice3A_241 = vector.extract_strided_slice %max3A_236 {offsets = [0, 0], sizes = [128, 512], strides = [1, 1]} : vector<256x512xf32> to vector<128x512xf32>
    %slice3A_242 = vector.extract_strided_slice %min3A_237 {offsets = [0, 0], sizes = [128, 512], strides = [1, 1]} : vector<256x512xf32> to vector<128x512xf32>
    %slice3A_243 = vector.extract_strided_slice %max3A_238 {offsets = [0, 0], sizes = [128, 512], strides = [1, 1]} : vector<256x512xf32> to vector<128x512xf32>
    %slice3A_244 = vector.extract_strided_slice %min3A_224 {offsets = [128, 0], sizes = [128, 512], strides = [1, 1]} : vector<256x512xf32> to vector<128x512xf32>
    %slice3A_245 = vector.extract_strided_slice %min3A_235 {offsets = [128, 0], sizes = [128, 512], strides = [1, 1]} : vector<256x512xf32> to vector<128x512xf32>
    %slice3A_246 = vector.extract_strided_slice %max3A_236 {offsets = [128, 0], sizes = [128, 512], strides = [1, 1]} : vector<256x512xf32> to vector<128x512xf32>
    %slice3A_247 = vector.extract_strided_slice %min3A_237 {offsets = [128, 0], sizes = [128, 512], strides = [1, 1]} : vector<256x512xf32> to vector<128x512xf32>
    %slice3A_248 = vector.extract_strided_slice %max3A_238 {offsets = [128, 0], sizes = [128, 512], strides = [1, 1]} : vector<256x512xf32> to vector<128x512xf32>
    %min3A_249 = arith.minimumf %slice3A_239, %slice3A_244 : vector<128x512xf32>
    %max3A_250 = arith.maximumf %slice3A_239, %slice3A_244 : vector<128x512xf32>
    %min3A_251 = arith.minimumf %slice3A_243, %slice3A_248 : vector<128x512xf32>
    %min3A_252 = arith.minimumf %max3A_250, %min3A_251 : vector<128x512xf32>
    %min3A_253 = arith.minimumf %slice3A_241, %slice3A_246 : vector<128x512xf32>
    %min3A_254 = arith.minimumf %min3A_252, %min3A_253 : vector<128x512xf32>
    %max3A_255 = arith.maximumf %min3A_252, %min3A_253 : vector<128x512xf32>
    %min3A_256 = arith.minimumf %slice3A_240, %slice3A_245 : vector<128x512xf32>
    %max3A_257 = arith.maximumf %slice3A_240, %slice3A_245 : vector<128x512xf32>
    %min3A_258 = arith.minimumf %slice3A_242, %slice3A_247 : vector<128x512xf32>
    %min3A_259 = arith.minimumf %max3A_257, %min3A_258 : vector<128x512xf32>
    %min3A_260 = arith.minimumf %min3A_254, %min3A_256 : vector<128x512xf32>
    %max3A_261 = arith.maximumf %min3A_254, %min3A_256 : vector<128x512xf32>
    %min3A_262 = arith.minimumf %max3A_255, %min3A_259 : vector<128x512xf32>
    %max3A_263 = arith.maximumf %max3A_255, %min3A_259 : vector<128x512xf32>
    %slice3A_264 = vector.extract_strided_slice %min3A_249 {offsets = [0, 0], sizes = [64, 512], strides = [1, 1]} : vector<128x512xf32> to vector<64x512xf32>
    %slice3A_265 = vector.extract_strided_slice %min3A_260 {offsets = [0, 0], sizes = [64, 512], strides = [1, 1]} : vector<128x512xf32> to vector<64x512xf32>
    %slice3A_266 = vector.extract_strided_slice %max3A_261 {offsets = [0, 0], sizes = [64, 512], strides = [1, 1]} : vector<128x512xf32> to vector<64x512xf32>
    %slice3A_267 = vector.extract_strided_slice %min3A_262 {offsets = [0, 0], sizes = [64, 512], strides = [1, 1]} : vector<128x512xf32> to vector<64x512xf32>
    %slice3A_268 = vector.extract_strided_slice %max3A_263 {offsets = [0, 0], sizes = [64, 512], strides = [1, 1]} : vector<128x512xf32> to vector<64x512xf32>
    %slice3A_269 = vector.extract_strided_slice %min3A_249 {offsets = [64, 0], sizes = [64, 512], strides = [1, 1]} : vector<128x512xf32> to vector<64x512xf32>
    %slice3A_270 = vector.extract_strided_slice %min3A_260 {offsets = [64, 0], sizes = [64, 512], strides = [1, 1]} : vector<128x512xf32> to vector<64x512xf32>
    %slice3A_271 = vector.extract_strided_slice %max3A_261 {offsets = [64, 0], sizes = [64, 512], strides = [1, 1]} : vector<128x512xf32> to vector<64x512xf32>
    %slice3A_272 = vector.extract_strided_slice %min3A_262 {offsets = [64, 0], sizes = [64, 512], strides = [1, 1]} : vector<128x512xf32> to vector<64x512xf32>
    %slice3A_273 = vector.extract_strided_slice %max3A_263 {offsets = [64, 0], sizes = [64, 512], strides = [1, 1]} : vector<128x512xf32> to vector<64x512xf32>
    %min3A_274 = arith.minimumf %slice3A_264, %slice3A_269 : vector<64x512xf32>
    %max3A_275 = arith.maximumf %slice3A_264, %slice3A_269 : vector<64x512xf32>
    %min3A_276 = arith.minimumf %slice3A_268, %slice3A_273 : vector<64x512xf32>
    %min3A_277 = arith.minimumf %max3A_275, %min3A_276 : vector<64x512xf32>
    %min3A_278 = arith.minimumf %slice3A_266, %slice3A_271 : vector<64x512xf32>
    %min3A_279 = arith.minimumf %min3A_277, %min3A_278 : vector<64x512xf32>
    %max3A_280 = arith.maximumf %min3A_277, %min3A_278 : vector<64x512xf32>
    %min3A_281 = arith.minimumf %slice3A_265, %slice3A_270 : vector<64x512xf32>
    %max3A_282 = arith.maximumf %slice3A_265, %slice3A_270 : vector<64x512xf32>
    %min3A_283 = arith.minimumf %slice3A_267, %slice3A_272 : vector<64x512xf32>
    %min3A_284 = arith.minimumf %max3A_282, %min3A_283 : vector<64x512xf32>
    %min3A_285 = arith.minimumf %min3A_279, %min3A_281 : vector<64x512xf32>
    %max3A_286 = arith.maximumf %min3A_279, %min3A_281 : vector<64x512xf32>
    %min3A_287 = arith.minimumf %max3A_280, %min3A_284 : vector<64x512xf32>
    %max3A_288 = arith.maximumf %max3A_280, %min3A_284 : vector<64x512xf32>
    %slice3A_289 = vector.extract_strided_slice %min3A_274 {offsets = [0, 0], sizes = [32, 512], strides = [1, 1]} : vector<64x512xf32> to vector<32x512xf32>
    %slice3A_290 = vector.extract_strided_slice %min3A_285 {offsets = [0, 0], sizes = [32, 512], strides = [1, 1]} : vector<64x512xf32> to vector<32x512xf32>
    %slice3A_291 = vector.extract_strided_slice %max3A_286 {offsets = [0, 0], sizes = [32, 512], strides = [1, 1]} : vector<64x512xf32> to vector<32x512xf32>
    %slice3A_292 = vector.extract_strided_slice %min3A_287 {offsets = [0, 0], sizes = [32, 512], strides = [1, 1]} : vector<64x512xf32> to vector<32x512xf32>
    %slice3A_293 = vector.extract_strided_slice %max3A_288 {offsets = [0, 0], sizes = [32, 512], strides = [1, 1]} : vector<64x512xf32> to vector<32x512xf32>
    %slice3A_294 = vector.extract_strided_slice %min3A_274 {offsets = [32, 0], sizes = [32, 512], strides = [1, 1]} : vector<64x512xf32> to vector<32x512xf32>
    %slice3A_295 = vector.extract_strided_slice %min3A_285 {offsets = [32, 0], sizes = [32, 512], strides = [1, 1]} : vector<64x512xf32> to vector<32x512xf32>
    %slice3A_296 = vector.extract_strided_slice %max3A_286 {offsets = [32, 0], sizes = [32, 512], strides = [1, 1]} : vector<64x512xf32> to vector<32x512xf32>
    %slice3A_297 = vector.extract_strided_slice %min3A_287 {offsets = [32, 0], sizes = [32, 512], strides = [1, 1]} : vector<64x512xf32> to vector<32x512xf32>
    %slice3A_298 = vector.extract_strided_slice %max3A_288 {offsets = [32, 0], sizes = [32, 512], strides = [1, 1]} : vector<64x512xf32> to vector<32x512xf32>
    %min3A_299 = arith.minimumf %slice3A_289, %slice3A_294 : vector<32x512xf32>
    %max3A_300 = arith.maximumf %slice3A_289, %slice3A_294 : vector<32x512xf32>
    %min3A_301 = arith.minimumf %slice3A_293, %slice3A_298 : vector<32x512xf32>
    %min3A_302 = arith.minimumf %max3A_300, %min3A_301 : vector<32x512xf32>
    %min3A_303 = arith.minimumf %slice3A_291, %slice3A_296 : vector<32x512xf32>
    %min3A_304 = arith.minimumf %min3A_302, %min3A_303 : vector<32x512xf32>
    %max3A_305 = arith.maximumf %min3A_302, %min3A_303 : vector<32x512xf32>
    %min3A_306 = arith.minimumf %slice3A_290, %slice3A_295 : vector<32x512xf32>
    %max3A_307 = arith.maximumf %slice3A_290, %slice3A_295 : vector<32x512xf32>
    %min3A_308 = arith.minimumf %slice3A_292, %slice3A_297 : vector<32x512xf32>
    %min3A_309 = arith.minimumf %max3A_307, %min3A_308 : vector<32x512xf32>
    %min3A_310 = arith.minimumf %min3A_304, %min3A_306 : vector<32x512xf32>
    %max3A_311 = arith.maximumf %min3A_304, %min3A_306 : vector<32x512xf32>
    %min3A_312 = arith.minimumf %max3A_305, %min3A_309 : vector<32x512xf32>
    %max3A_313 = arith.maximumf %max3A_305, %min3A_309 : vector<32x512xf32>
    %slice3A_314 = vector.extract_strided_slice %min3A_299 {offsets = [0, 0], sizes = [16, 512], strides = [1, 1]} : vector<32x512xf32> to vector<16x512xf32>
    %slice3A_315 = vector.extract_strided_slice %min3A_310 {offsets = [0, 0], sizes = [16, 512], strides = [1, 1]} : vector<32x512xf32> to vector<16x512xf32>
    %slice3A_316 = vector.extract_strided_slice %max3A_311 {offsets = [0, 0], sizes = [16, 512], strides = [1, 1]} : vector<32x512xf32> to vector<16x512xf32>
    %slice3A_317 = vector.extract_strided_slice %min3A_312 {offsets = [0, 0], sizes = [16, 512], strides = [1, 1]} : vector<32x512xf32> to vector<16x512xf32>
    %slice3A_318 = vector.extract_strided_slice %max3A_313 {offsets = [0, 0], sizes = [16, 512], strides = [1, 1]} : vector<32x512xf32> to vector<16x512xf32>
    %slice3A_319 = vector.extract_strided_slice %min3A_299 {offsets = [16, 0], sizes = [16, 512], strides = [1, 1]} : vector<32x512xf32> to vector<16x512xf32>
    %slice3A_320 = vector.extract_strided_slice %min3A_310 {offsets = [16, 0], sizes = [16, 512], strides = [1, 1]} : vector<32x512xf32> to vector<16x512xf32>
    %slice3A_321 = vector.extract_strided_slice %max3A_311 {offsets = [16, 0], sizes = [16, 512], strides = [1, 1]} : vector<32x512xf32> to vector<16x512xf32>
    %slice3A_322 = vector.extract_strided_slice %min3A_312 {offsets = [16, 0], sizes = [16, 512], strides = [1, 1]} : vector<32x512xf32> to vector<16x512xf32>
    %slice3A_323 = vector.extract_strided_slice %max3A_313 {offsets = [16, 0], sizes = [16, 512], strides = [1, 1]} : vector<32x512xf32> to vector<16x512xf32>
    %min3A_324 = arith.minimumf %slice3A_314, %slice3A_319 : vector<16x512xf32>
    %max3A_325 = arith.maximumf %slice3A_314, %slice3A_319 : vector<16x512xf32>
    %min3A_326 = arith.minimumf %slice3A_318, %slice3A_323 : vector<16x512xf32>
    %min3A_327 = arith.minimumf %max3A_325, %min3A_326 : vector<16x512xf32>
    %min3A_328 = arith.minimumf %slice3A_316, %slice3A_321 : vector<16x512xf32>
    %min3A_329 = arith.minimumf %min3A_327, %min3A_328 : vector<16x512xf32>
    %max3A_330 = arith.maximumf %min3A_327, %min3A_328 : vector<16x512xf32>
    %min3A_331 = arith.minimumf %slice3A_315, %slice3A_320 : vector<16x512xf32>
    %max3A_332 = arith.maximumf %slice3A_315, %slice3A_320 : vector<16x512xf32>
    %min3A_333 = arith.minimumf %slice3A_317, %slice3A_322 : vector<16x512xf32>
    %min3A_334 = arith.minimumf %max3A_332, %min3A_333 : vector<16x512xf32>
    %min3A_335 = arith.minimumf %min3A_329, %min3A_331 : vector<16x512xf32>
    %max3A_336 = arith.maximumf %min3A_329, %min3A_331 : vector<16x512xf32>
    %min3A_337 = arith.minimumf %max3A_330, %min3A_334 : vector<16x512xf32>
    %max3A_338 = arith.maximumf %max3A_330, %min3A_334 : vector<16x512xf32>
    %slice3A_339 = vector.extract_strided_slice %min3A_324 {offsets = [0, 0], sizes = [8, 512], strides = [1, 1]} : vector<16x512xf32> to vector<8x512xf32>
    %slice3A_340 = vector.extract_strided_slice %min3A_335 {offsets = [0, 0], sizes = [8, 512], strides = [1, 1]} : vector<16x512xf32> to vector<8x512xf32>
    %slice3A_341 = vector.extract_strided_slice %max3A_336 {offsets = [0, 0], sizes = [8, 512], strides = [1, 1]} : vector<16x512xf32> to vector<8x512xf32>
    %slice3A_342 = vector.extract_strided_slice %min3A_337 {offsets = [0, 0], sizes = [8, 512], strides = [1, 1]} : vector<16x512xf32> to vector<8x512xf32>
    %slice3A_343 = vector.extract_strided_slice %max3A_338 {offsets = [0, 0], sizes = [8, 512], strides = [1, 1]} : vector<16x512xf32> to vector<8x512xf32>
    %slice3A_344 = vector.extract_strided_slice %min3A_324 {offsets = [8, 0], sizes = [8, 512], strides = [1, 1]} : vector<16x512xf32> to vector<8x512xf32>
    %slice3A_345 = vector.extract_strided_slice %min3A_335 {offsets = [8, 0], sizes = [8, 512], strides = [1, 1]} : vector<16x512xf32> to vector<8x512xf32>
    %slice3A_346 = vector.extract_strided_slice %max3A_336 {offsets = [8, 0], sizes = [8, 512], strides = [1, 1]} : vector<16x512xf32> to vector<8x512xf32>
    %slice3A_347 = vector.extract_strided_slice %min3A_337 {offsets = [8, 0], sizes = [8, 512], strides = [1, 1]} : vector<16x512xf32> to vector<8x512xf32>
    %slice3A_348 = vector.extract_strided_slice %max3A_338 {offsets = [8, 0], sizes = [8, 512], strides = [1, 1]} : vector<16x512xf32> to vector<8x512xf32>
    %min3A_349 = arith.minimumf %slice3A_339, %slice3A_344 : vector<8x512xf32>
    %max3A_350 = arith.maximumf %slice3A_339, %slice3A_344 : vector<8x512xf32>
    %min3A_351 = arith.minimumf %slice3A_343, %slice3A_348 : vector<8x512xf32>
    %min3A_352 = arith.minimumf %max3A_350, %min3A_351 : vector<8x512xf32>
    %min3A_353 = arith.minimumf %slice3A_341, %slice3A_346 : vector<8x512xf32>
    %min3A_354 = arith.minimumf %min3A_352, %min3A_353 : vector<8x512xf32>
    %max3A_355 = arith.maximumf %min3A_352, %min3A_353 : vector<8x512xf32>
    %min3A_356 = arith.minimumf %slice3A_340, %slice3A_345 : vector<8x512xf32>
    %max3A_357 = arith.maximumf %slice3A_340, %slice3A_345 : vector<8x512xf32>
    %min3A_358 = arith.minimumf %slice3A_342, %slice3A_347 : vector<8x512xf32>
    %min3A_359 = arith.minimumf %max3A_357, %min3A_358 : vector<8x512xf32>
    %min3A_360 = arith.minimumf %min3A_354, %min3A_356 : vector<8x512xf32>
    %max3A_361 = arith.maximumf %min3A_354, %min3A_356 : vector<8x512xf32>
    %min3A_362 = arith.minimumf %max3A_355, %min3A_359 : vector<8x512xf32>
    %max3A_363 = arith.maximumf %max3A_355, %min3A_359 : vector<8x512xf32>
    %slice3A_364 = vector.extract_strided_slice %min3A_349 {offsets = [0, 0], sizes = [4, 512], strides = [1, 1]} : vector<8x512xf32> to vector<4x512xf32>
    %slice3A_365 = vector.extract_strided_slice %min3A_360 {offsets = [0, 0], sizes = [4, 512], strides = [1, 1]} : vector<8x512xf32> to vector<4x512xf32>
    %slice3A_366 = vector.extract_strided_slice %max3A_361 {offsets = [0, 0], sizes = [4, 512], strides = [1, 1]} : vector<8x512xf32> to vector<4x512xf32>
    %slice3A_367 = vector.extract_strided_slice %min3A_362 {offsets = [0, 0], sizes = [4, 512], strides = [1, 1]} : vector<8x512xf32> to vector<4x512xf32>
    %slice3A_368 = vector.extract_strided_slice %max3A_363 {offsets = [0, 0], sizes = [4, 512], strides = [1, 1]} : vector<8x512xf32> to vector<4x512xf32>
    %slice3A_369 = vector.extract_strided_slice %min3A_349 {offsets = [4, 0], sizes = [4, 512], strides = [1, 1]} : vector<8x512xf32> to vector<4x512xf32>
    %slice3A_370 = vector.extract_strided_slice %min3A_360 {offsets = [4, 0], sizes = [4, 512], strides = [1, 1]} : vector<8x512xf32> to vector<4x512xf32>
    %slice3A_371 = vector.extract_strided_slice %max3A_361 {offsets = [4, 0], sizes = [4, 512], strides = [1, 1]} : vector<8x512xf32> to vector<4x512xf32>
    %slice3A_372 = vector.extract_strided_slice %min3A_362 {offsets = [4, 0], sizes = [4, 512], strides = [1, 1]} : vector<8x512xf32> to vector<4x512xf32>
    %slice3A_373 = vector.extract_strided_slice %max3A_363 {offsets = [4, 0], sizes = [4, 512], strides = [1, 1]} : vector<8x512xf32> to vector<4x512xf32>
    %min3A_374 = arith.minimumf %slice3A_364, %slice3A_369 : vector<4x512xf32>
    %max3A_375 = arith.maximumf %slice3A_364, %slice3A_369 : vector<4x512xf32>
    %min3A_376 = arith.minimumf %slice3A_368, %slice3A_373 : vector<4x512xf32>
    %min3A_377 = arith.minimumf %max3A_375, %min3A_376 : vector<4x512xf32>
    %min3A_378 = arith.minimumf %slice3A_366, %slice3A_371 : vector<4x512xf32>
    %min3A_379 = arith.minimumf %min3A_377, %min3A_378 : vector<4x512xf32>
    %max3A_380 = arith.maximumf %min3A_377, %min3A_378 : vector<4x512xf32>
    %min3A_381 = arith.minimumf %slice3A_365, %slice3A_370 : vector<4x512xf32>
    %max3A_382 = arith.maximumf %slice3A_365, %slice3A_370 : vector<4x512xf32>
    %min3A_383 = arith.minimumf %slice3A_367, %slice3A_372 : vector<4x512xf32>
    %min3A_384 = arith.minimumf %max3A_382, %min3A_383 : vector<4x512xf32>
    %min3A_385 = arith.minimumf %min3A_379, %min3A_381 : vector<4x512xf32>
    %max3A_386 = arith.maximumf %min3A_379, %min3A_381 : vector<4x512xf32>
    %min3A_387 = arith.minimumf %max3A_380, %min3A_384 : vector<4x512xf32>
    %max3A_388 = arith.maximumf %max3A_380, %min3A_384 : vector<4x512xf32>
    %slice3A_389 = vector.extract_strided_slice %min3A_374 {offsets = [0, 0], sizes = [2, 512], strides = [1, 1]} : vector<4x512xf32> to vector<2x512xf32>
    %slice3A_390 = vector.extract_strided_slice %min3A_385 {offsets = [0, 0], sizes = [2, 512], strides = [1, 1]} : vector<4x512xf32> to vector<2x512xf32>
    %slice3A_391 = vector.extract_strided_slice %max3A_386 {offsets = [0, 0], sizes = [2, 512], strides = [1, 1]} : vector<4x512xf32> to vector<2x512xf32>
    %slice3A_392 = vector.extract_strided_slice %min3A_387 {offsets = [0, 0], sizes = [2, 512], strides = [1, 1]} : vector<4x512xf32> to vector<2x512xf32>
    %slice3A_393 = vector.extract_strided_slice %max3A_388 {offsets = [0, 0], sizes = [2, 512], strides = [1, 1]} : vector<4x512xf32> to vector<2x512xf32>
    %slice3A_394 = vector.extract_strided_slice %min3A_374 {offsets = [2, 0], sizes = [2, 512], strides = [1, 1]} : vector<4x512xf32> to vector<2x512xf32>
    %slice3A_395 = vector.extract_strided_slice %min3A_385 {offsets = [2, 0], sizes = [2, 512], strides = [1, 1]} : vector<4x512xf32> to vector<2x512xf32>
    %slice3A_396 = vector.extract_strided_slice %max3A_386 {offsets = [2, 0], sizes = [2, 512], strides = [1, 1]} : vector<4x512xf32> to vector<2x512xf32>
    %slice3A_397 = vector.extract_strided_slice %min3A_387 {offsets = [2, 0], sizes = [2, 512], strides = [1, 1]} : vector<4x512xf32> to vector<2x512xf32>
    %slice3A_398 = vector.extract_strided_slice %max3A_388 {offsets = [2, 0], sizes = [2, 512], strides = [1, 1]} : vector<4x512xf32> to vector<2x512xf32>
    %min3A_399 = arith.minimumf %slice3A_389, %slice3A_394 : vector<2x512xf32>
    %max3A_400 = arith.maximumf %slice3A_389, %slice3A_394 : vector<2x512xf32>
    %min3A_401 = arith.minimumf %slice3A_393, %slice3A_398 : vector<2x512xf32>
    %min3A_402 = arith.minimumf %max3A_400, %min3A_401 : vector<2x512xf32>
    %min3A_403 = arith.minimumf %slice3A_391, %slice3A_396 : vector<2x512xf32>
    %min3A_404 = arith.minimumf %min3A_402, %min3A_403 : vector<2x512xf32>
    %max3A_405 = arith.maximumf %min3A_402, %min3A_403 : vector<2x512xf32>
    %min3A_406 = arith.minimumf %slice3A_390, %slice3A_395 : vector<2x512xf32>
    %max3A_407 = arith.maximumf %slice3A_390, %slice3A_395 : vector<2x512xf32>
    %min3A_408 = arith.minimumf %slice3A_392, %slice3A_397 : vector<2x512xf32>
    %min3A_409 = arith.minimumf %max3A_407, %min3A_408 : vector<2x512xf32>
    %min3A_410 = arith.minimumf %min3A_404, %min3A_406 : vector<2x512xf32>
    %max3A_411 = arith.maximumf %min3A_404, %min3A_406 : vector<2x512xf32>
    %min3A_412 = arith.minimumf %max3A_405, %min3A_409 : vector<2x512xf32>
    %max3A_413 = arith.maximumf %max3A_405, %min3A_409 : vector<2x512xf32>
    %slice3A_414 = vector.extract_strided_slice %min3A_399 {offsets = [0, 0], sizes = [1, 512], strides = [1, 1]} : vector<2x512xf32> to vector<1x512xf32>
    %slice3A_415 = vector.extract_strided_slice %min3A_410 {offsets = [0, 0], sizes = [1, 512], strides = [1, 1]} : vector<2x512xf32> to vector<1x512xf32>
    %slice3A_416 = vector.extract_strided_slice %max3A_411 {offsets = [0, 0], sizes = [1, 512], strides = [1, 1]} : vector<2x512xf32> to vector<1x512xf32>
    %slice3A_417 = vector.extract_strided_slice %min3A_412 {offsets = [0, 0], sizes = [1, 512], strides = [1, 1]} : vector<2x512xf32> to vector<1x512xf32>
    %slice3A_418 = vector.extract_strided_slice %max3A_413 {offsets = [0, 0], sizes = [1, 512], strides = [1, 1]} : vector<2x512xf32> to vector<1x512xf32>
    %slice3A_419 = vector.extract_strided_slice %min3A_399 {offsets = [1, 0], sizes = [1, 512], strides = [1, 1]} : vector<2x512xf32> to vector<1x512xf32>
    %slice3A_420 = vector.extract_strided_slice %min3A_410 {offsets = [1, 0], sizes = [1, 512], strides = [1, 1]} : vector<2x512xf32> to vector<1x512xf32>
    %slice3A_421 = vector.extract_strided_slice %max3A_411 {offsets = [1, 0], sizes = [1, 512], strides = [1, 1]} : vector<2x512xf32> to vector<1x512xf32>
    %slice3A_422 = vector.extract_strided_slice %min3A_412 {offsets = [1, 0], sizes = [1, 512], strides = [1, 1]} : vector<2x512xf32> to vector<1x512xf32>
    %slice3A_423 = vector.extract_strided_slice %max3A_413 {offsets = [1, 0], sizes = [1, 512], strides = [1, 1]} : vector<2x512xf32> to vector<1x512xf32>
    %min3A_424 = arith.minimumf %slice3A_414, %slice3A_419 : vector<1x512xf32>
    %max3A_425 = arith.maximumf %slice3A_414, %slice3A_419 : vector<1x512xf32>
    %min3A_426 = arith.minimumf %slice3A_418, %slice3A_423 : vector<1x512xf32>
    %min3A_427 = arith.minimumf %max3A_425, %min3A_426 : vector<1x512xf32>
    %min3A_428 = arith.minimumf %slice3A_416, %slice3A_421 : vector<1x512xf32>
    %min3A_429 = arith.minimumf %min3A_427, %min3A_428 : vector<1x512xf32>
    %max3A_430 = arith.maximumf %min3A_427, %min3A_428 : vector<1x512xf32>
    %min3A_431 = arith.minimumf %slice3A_415, %slice3A_420 : vector<1x512xf32>
    %max3A_432 = arith.maximumf %slice3A_415, %slice3A_420 : vector<1x512xf32>
    %min3A_433 = arith.minimumf %slice3A_417, %slice3A_422 : vector<1x512xf32>
    %min3A_434 = arith.minimumf %max3A_432, %min3A_433 : vector<1x512xf32>
    %min3A_435 = arith.minimumf %min3A_429, %min3A_431 : vector<1x512xf32>
    %max3A_436 = arith.maximumf %min3A_429, %min3A_431 : vector<1x512xf32>
    %min3A_437 = arith.minimumf %max3A_430, %min3A_434 : vector<1x512xf32>
    %max3A_438 = arith.maximumf %max3A_430, %min3A_434 : vector<1x512xf32>
    %min3A_439 = arith.minimumf %broadcast_in_dim3A_157, %min3A_424 : vector<1x512xf32>
    %max3A_440 = arith.maximumf %broadcast_in_dim3A_157, %min3A_424 : vector<1x512xf32>
    %min3A_441 = arith.minimumf %broadcast_in_dim3A_165, %max3A_438 : vector<1x512xf32>
    %min3A_442 = arith.minimumf %max3A_440, %min3A_441 : vector<1x512xf32>
    %min3A_443 = arith.minimumf %broadcast_in_dim3A_161, %max3A_436 : vector<1x512xf32>
    %min3A_444 = arith.minimumf %min3A_442, %min3A_443 : vector<1x512xf32>
    %max3A_445 = arith.maximumf %min3A_442, %min3A_443 : vector<1x512xf32>
    %min3A_446 = arith.minimumf %broadcast_in_dim3A_159, %min3A_435 : vector<1x512xf32>
    %max3A_447 = arith.maximumf %broadcast_in_dim3A_159, %min3A_435 : vector<1x512xf32>
    %min3A_448 = arith.minimumf %broadcast_in_dim3A_163, %min3A_437 : vector<1x512xf32>
    %min3A_449 = arith.minimumf %max3A_447, %min3A_448 : vector<1x512xf32>
    %min3A_450 = arith.minimumf %min3A_444, %min3A_446 : vector<1x512xf32>
    %max3A_451 = arith.maximumf %min3A_444, %min3A_446 : vector<1x512xf32>
    %min3A_452 = arith.minimumf %max3A_445, %min3A_449 : vector<1x512xf32>
    %max3A_453 = arith.maximumf %max3A_445, %min3A_449 : vector<1x512xf32>
    %get3A_454 = arith.constant 0 : index
    %get3A_455 = arith.constant 4096 : index
    %get3A_456 = vector.load %arg2[%get3A_454, %get3A_455] : memref<4x20480xf32, #tpu.memory_space<vmem>>, vector<4x4096xf32>
    %get3A_457 = arith.constant 4096 : index
    %get3A_458 = arith.constant 0 : index
    %get3A_459 = vector.load %arg3[%get3A_457, %get3A_458] : memref<20480x4xf32, #tpu.memory_space<vmem>>, vector<4096x4xf32>
    %mul3A_460 = arith.mulf %get3A_459, %get3A_459 : vector<4096x4xf32>
    %reduce_sum3A_461 = arith.constant dense<0.000000e+00> : vector<4096xf32>
    %reduce_sum3A_462 = vector.multi_reduction <add>, %mul3A_460, %reduce_sum3A_461 [1] : vector<4096x4xf32> to vector<4096xf32>
    %broadcast_in_dim3A_463 = vector.shape_cast %reduce_sum3A_462 : vector<4096xf32> to vector<4096x1xf32>
    %dot_general3A_464 = arith.constant dense<0.000000e+00> : vector<4096x512xf32>
    %dot_general3A_465 = tpu.matmul %get3A_456, %add3A_155, %dot_general3A_464 {dimension_numbers = #tpu.dot_dimension_numbers<[0], [0], [1], [1], [0, 1, 1, 1], [], []>, transpose_lhs_hint = false} : vector<4x4096xf32>, vector<4x512xf32>, vector<4096x512xf32> -> vector<4096x512xf32>
    %sub3A_466 = vector.broadcast %broadcast_in_dim3A_463 : vector<4096x1xf32> to vector<4096x512xf32>
    %sub3A_467 = arith.subf %sub3A_466, %dot_general3A_465 : vector<4096x512xf32>
    %slice3A_468 = vector.extract_strided_slice %sub3A_467 {offsets = [0, 0], sizes = [2048, 512], strides = [1, 1]} : vector<4096x512xf32> to vector<2048x512xf32>
    %slice3A_469 = vector.extract_strided_slice %sub3A_467 {offsets = [2048, 0], sizes = [2048, 512], strides = [1, 1]} : vector<4096x512xf32> to vector<2048x512xf32>
    %min3A_470 = arith.minimumf %slice3A_468, %slice3A_469 : vector<2048x512xf32>
    %max3A_471 = arith.maximumf %slice3A_468, %slice3A_469 : vector<2048x512xf32>
    %slice3A_472 = vector.extract_strided_slice %min3A_470 {offsets = [0, 0], sizes = [1024, 512], strides = [1, 1]} : vector<2048x512xf32> to vector<1024x512xf32>
    %slice3A_473 = vector.extract_strided_slice %max3A_471 {offsets = [0, 0], sizes = [1024, 512], strides = [1, 1]} : vector<2048x512xf32> to vector<1024x512xf32>
    %slice3A_474 = vector.extract_strided_slice %min3A_470 {offsets = [1024, 0], sizes = [1024, 512], strides = [1, 1]} : vector<2048x512xf32> to vector<1024x512xf32>
    %slice3A_475 = vector.extract_strided_slice %max3A_471 {offsets = [1024, 0], sizes = [1024, 512], strides = [1, 1]} : vector<2048x512xf32> to vector<1024x512xf32>
    %min3A_476 = arith.minimumf %slice3A_472, %slice3A_474 : vector<1024x512xf32>
    %max3A_477 = arith.maximumf %slice3A_472, %slice3A_474 : vector<1024x512xf32>
    %min3A_478 = arith.minimumf %slice3A_473, %slice3A_475 : vector<1024x512xf32>
    %max3A_479 = arith.maximumf %slice3A_473, %slice3A_475 : vector<1024x512xf32>
    %min3A_480 = arith.minimumf %max3A_477, %min3A_478 : vector<1024x512xf32>
    %max3A_481 = arith.maximumf %max3A_477, %min3A_478 : vector<1024x512xf32>
    %slice3A_482 = vector.extract_strided_slice %min3A_476 {offsets = [0, 0], sizes = [512, 512], strides = [1, 1]} : vector<1024x512xf32> to vector<512x512xf32>
    %slice3A_483 = vector.extract_strided_slice %min3A_480 {offsets = [0, 0], sizes = [512, 512], strides = [1, 1]} : vector<1024x512xf32> to vector<512x512xf32>
    %slice3A_484 = vector.extract_strided_slice %max3A_481 {offsets = [0, 0], sizes = [512, 512], strides = [1, 1]} : vector<1024x512xf32> to vector<512x512xf32>
    %slice3A_485 = vector.extract_strided_slice %max3A_479 {offsets = [0, 0], sizes = [512, 512], strides = [1, 1]} : vector<1024x512xf32> to vector<512x512xf32>
    %slice3A_486 = vector.extract_strided_slice %min3A_476 {offsets = [512, 0], sizes = [512, 512], strides = [1, 1]} : vector<1024x512xf32> to vector<512x512xf32>
    %slice3A_487 = vector.extract_strided_slice %min3A_480 {offsets = [512, 0], sizes = [512, 512], strides = [1, 1]} : vector<1024x512xf32> to vector<512x512xf32>
    %slice3A_488 = vector.extract_strided_slice %max3A_481 {offsets = [512, 0], sizes = [512, 512], strides = [1, 1]} : vector<1024x512xf32> to vector<512x512xf32>
    %slice3A_489 = vector.extract_strided_slice %max3A_479 {offsets = [512, 0], sizes = [512, 512], strides = [1, 1]} : vector<1024x512xf32> to vector<512x512xf32>
    %min3A_490 = arith.minimumf %slice3A_482, %slice3A_486 : vector<512x512xf32>
    %max3A_491 = arith.maximumf %slice3A_482, %slice3A_486 : vector<512x512xf32>
    %min3A_492 = arith.minimumf %slice3A_484, %slice3A_488 : vector<512x512xf32>
    %min3A_493 = arith.minimumf %max3A_491, %min3A_492 : vector<512x512xf32>
    %max3A_494 = arith.maximumf %max3A_491, %min3A_492 : vector<512x512xf32>
    %min3A_495 = arith.minimumf %slice3A_483, %slice3A_487 : vector<512x512xf32>
    %max3A_496 = arith.maximumf %slice3A_483, %slice3A_487 : vector<512x512xf32>
    %min3A_497 = arith.minimumf %slice3A_485, %slice3A_489 : vector<512x512xf32>
    %min3A_498 = arith.minimumf %max3A_496, %min3A_497 : vector<512x512xf32>
    %min3A_499 = arith.minimumf %min3A_493, %min3A_495 : vector<512x512xf32>
    %max3A_500 = arith.maximumf %min3A_493, %min3A_495 : vector<512x512xf32>
    %min3A_501 = arith.minimumf %max3A_494, %min3A_498 : vector<512x512xf32>
    %max3A_502 = arith.maximumf %max3A_494, %min3A_498 : vector<512x512xf32>
    %slice3A_503 = vector.extract_strided_slice %min3A_490 {offsets = [0, 0], sizes = [256, 512], strides = [1, 1]} : vector<512x512xf32> to vector<256x512xf32>
    %slice3A_504 = vector.extract_strided_slice %min3A_499 {offsets = [0, 0], sizes = [256, 512], strides = [1, 1]} : vector<512x512xf32> to vector<256x512xf32>
    %slice3A_505 = vector.extract_strided_slice %max3A_500 {offsets = [0, 0], sizes = [256, 512], strides = [1, 1]} : vector<512x512xf32> to vector<256x512xf32>
    %slice3A_506 = vector.extract_strided_slice %min3A_501 {offsets = [0, 0], sizes = [256, 512], strides = [1, 1]} : vector<512x512xf32> to vector<256x512xf32>
    %slice3A_507 = vector.extract_strided_slice %max3A_502 {offsets = [0, 0], sizes = [256, 512], strides = [1, 1]} : vector<512x512xf32> to vector<256x512xf32>
    %slice3A_508 = vector.extract_strided_slice %min3A_490 {offsets = [256, 0], sizes = [256, 512], strides = [1, 1]} : vector<512x512xf32> to vector<256x512xf32>
    %slice3A_509 = vector.extract_strided_slice %min3A_499 {offsets = [256, 0], sizes = [256, 512], strides = [1, 1]} : vector<512x512xf32> to vector<256x512xf32>
    %slice3A_510 = vector.extract_strided_slice %max3A_500 {offsets = [256, 0], sizes = [256, 512], strides = [1, 1]} : vector<512x512xf32> to vector<256x512xf32>
    %slice3A_511 = vector.extract_strided_slice %min3A_501 {offsets = [256, 0], sizes = [256, 512], strides = [1, 1]} : vector<512x512xf32> to vector<256x512xf32>
    %slice3A_512 = vector.extract_strided_slice %max3A_502 {offsets = [256, 0], sizes = [256, 512], strides = [1, 1]} : vector<512x512xf32> to vector<256x512xf32>
    %min3A_513 = arith.minimumf %slice3A_503, %slice3A_508 : vector<256x512xf32>
    %max3A_514 = arith.maximumf %slice3A_503, %slice3A_508 : vector<256x512xf32>
    %min3A_515 = arith.minimumf %slice3A_507, %slice3A_512 : vector<256x512xf32>
    %min3A_516 = arith.minimumf %max3A_514, %min3A_515 : vector<256x512xf32>
    %min3A_517 = arith.minimumf %slice3A_505, %slice3A_510 : vector<256x512xf32>
    %min3A_518 = arith.minimumf %min3A_516, %min3A_517 : vector<256x512xf32>
    %max3A_519 = arith.maximumf %min3A_516, %min3A_517 : vector<256x512xf32>
    %min3A_520 = arith.minimumf %slice3A_504, %slice3A_509 : vector<256x512xf32>
    %max3A_521 = arith.maximumf %slice3A_504, %slice3A_509 : vector<256x512xf32>
    %min3A_522 = arith.minimumf %slice3A_506, %slice3A_511 : vector<256x512xf32>
    %min3A_523 = arith.minimumf %max3A_521, %min3A_522 : vector<256x512xf32>
    %min3A_524 = arith.minimumf %min3A_518, %min3A_520 : vector<256x512xf32>
    %max3A_525 = arith.maximumf %min3A_518, %min3A_520 : vector<256x512xf32>
    %min3A_526 = arith.minimumf %max3A_519, %min3A_523 : vector<256x512xf32>
    %max3A_527 = arith.maximumf %max3A_519, %min3A_523 : vector<256x512xf32>
    %slice3A_528 = vector.extract_strided_slice %min3A_513 {offsets = [0, 0], sizes = [128, 512], strides = [1, 1]} : vector<256x512xf32> to vector<128x512xf32>
    %slice3A_529 = vector.extract_strided_slice %min3A_524 {offsets = [0, 0], sizes = [128, 512], strides = [1, 1]} : vector<256x512xf32> to vector<128x512xf32>
    %slice3A_530 = vector.extract_strided_slice %max3A_525 {offsets = [0, 0], sizes = [128, 512], strides = [1, 1]} : vector<256x512xf32> to vector<128x512xf32>
    %slice3A_531 = vector.extract_strided_slice %min3A_526 {offsets = [0, 0], sizes = [128, 512], strides = [1, 1]} : vector<256x512xf32> to vector<128x512xf32>
    %slice3A_532 = vector.extract_strided_slice %max3A_527 {offsets = [0, 0], sizes = [128, 512], strides = [1, 1]} : vector<256x512xf32> to vector<128x512xf32>
    %slice3A_533 = vector.extract_strided_slice %min3A_513 {offsets = [128, 0], sizes = [128, 512], strides = [1, 1]} : vector<256x512xf32> to vector<128x512xf32>
    %slice3A_534 = vector.extract_strided_slice %min3A_524 {offsets = [128, 0], sizes = [128, 512], strides = [1, 1]} : vector<256x512xf32> to vector<128x512xf32>
    %slice3A_535 = vector.extract_strided_slice %max3A_525 {offsets = [128, 0], sizes = [128, 512], strides = [1, 1]} : vector<256x512xf32> to vector<128x512xf32>
    %slice3A_536 = vector.extract_strided_slice %min3A_526 {offsets = [128, 0], sizes = [128, 512], strides = [1, 1]} : vector<256x512xf32> to vector<128x512xf32>
    %slice3A_537 = vector.extract_strided_slice %max3A_527 {offsets = [128, 0], sizes = [128, 512], strides = [1, 1]} : vector<256x512xf32> to vector<128x512xf32>
    %min3A_538 = arith.minimumf %slice3A_528, %slice3A_533 : vector<128x512xf32>
    %max3A_539 = arith.maximumf %slice3A_528, %slice3A_533 : vector<128x512xf32>
    %min3A_540 = arith.minimumf %slice3A_532, %slice3A_537 : vector<128x512xf32>
    %min3A_541 = arith.minimumf %max3A_539, %min3A_540 : vector<128x512xf32>
    %min3A_542 = arith.minimumf %slice3A_530, %slice3A_535 : vector<128x512xf32>
    %min3A_543 = arith.minimumf %min3A_541, %min3A_542 : vector<128x512xf32>
    %max3A_544 = arith.maximumf %min3A_541, %min3A_542 : vector<128x512xf32>
    %min3A_545 = arith.minimumf %slice3A_529, %slice3A_534 : vector<128x512xf32>
    %max3A_546 = arith.maximumf %slice3A_529, %slice3A_534 : vector<128x512xf32>
    %min3A_547 = arith.minimumf %slice3A_531, %slice3A_536 : vector<128x512xf32>
    %min3A_548 = arith.minimumf %max3A_546, %min3A_547 : vector<128x512xf32>
    %min3A_549 = arith.minimumf %min3A_543, %min3A_545 : vector<128x512xf32>
    %max3A_550 = arith.maximumf %min3A_543, %min3A_545 : vector<128x512xf32>
    %min3A_551 = arith.minimumf %max3A_544, %min3A_548 : vector<128x512xf32>
    %max3A_552 = arith.maximumf %max3A_544, %min3A_548 : vector<128x512xf32>
    %slice3A_553 = vector.extract_strided_slice %min3A_538 {offsets = [0, 0], sizes = [64, 512], strides = [1, 1]} : vector<128x512xf32> to vector<64x512xf32>
    %slice3A_554 = vector.extract_strided_slice %min3A_549 {offsets = [0, 0], sizes = [64, 512], strides = [1, 1]} : vector<128x512xf32> to vector<64x512xf32>
    %slice3A_555 = vector.extract_strided_slice %max3A_550 {offsets = [0, 0], sizes = [64, 512], strides = [1, 1]} : vector<128x512xf32> to vector<64x512xf32>
    %slice3A_556 = vector.extract_strided_slice %min3A_551 {offsets = [0, 0], sizes = [64, 512], strides = [1, 1]} : vector<128x512xf32> to vector<64x512xf32>
    %slice3A_557 = vector.extract_strided_slice %max3A_552 {offsets = [0, 0], sizes = [64, 512], strides = [1, 1]} : vector<128x512xf32> to vector<64x512xf32>
    %slice3A_558 = vector.extract_strided_slice %min3A_538 {offsets = [64, 0], sizes = [64, 512], strides = [1, 1]} : vector<128x512xf32> to vector<64x512xf32>
    %slice3A_559 = vector.extract_strided_slice %min3A_549 {offsets = [64, 0], sizes = [64, 512], strides = [1, 1]} : vector<128x512xf32> to vector<64x512xf32>
    %slice3A_560 = vector.extract_strided_slice %max3A_550 {offsets = [64, 0], sizes = [64, 512], strides = [1, 1]} : vector<128x512xf32> to vector<64x512xf32>
    %slice3A_561 = vector.extract_strided_slice %min3A_551 {offsets = [64, 0], sizes = [64, 512], strides = [1, 1]} : vector<128x512xf32> to vector<64x512xf32>
    %slice3A_562 = vector.extract_strided_slice %max3A_552 {offsets = [64, 0], sizes = [64, 512], strides = [1, 1]} : vector<128x512xf32> to vector<64x512xf32>
    %min3A_563 = arith.minimumf %slice3A_553, %slice3A_558 : vector<64x512xf32>
    %max3A_564 = arith.maximumf %slice3A_553, %slice3A_558 : vector<64x512xf32>
    %min3A_565 = arith.minimumf %slice3A_557, %slice3A_562 : vector<64x512xf32>
    %min3A_566 = arith.minimumf %max3A_564, %min3A_565 : vector<64x512xf32>
    %min3A_567 = arith.minimumf %slice3A_555, %slice3A_560 : vector<64x512xf32>
    %min3A_568 = arith.minimumf %min3A_566, %min3A_567 : vector<64x512xf32>
    %max3A_569 = arith.maximumf %min3A_566, %min3A_567 : vector<64x512xf32>
    %min3A_570 = arith.minimumf %slice3A_554, %slice3A_559 : vector<64x512xf32>
    %max3A_571 = arith.maximumf %slice3A_554, %slice3A_559 : vector<64x512xf32>
    %min3A_572 = arith.minimumf %slice3A_556, %slice3A_561 : vector<64x512xf32>
    %min3A_573 = arith.minimumf %max3A_571, %min3A_572 : vector<64x512xf32>
    %min3A_574 = arith.minimumf %min3A_568, %min3A_570 : vector<64x512xf32>
    %max3A_575 = arith.maximumf %min3A_568, %min3A_570 : vector<64x512xf32>
    %min3A_576 = arith.minimumf %max3A_569, %min3A_573 : vector<64x512xf32>
    %max3A_577 = arith.maximumf %max3A_569, %min3A_573 : vector<64x512xf32>
    %slice3A_578 = vector.extract_strided_slice %min3A_563 {offsets = [0, 0], sizes = [32, 512], strides = [1, 1]} : vector<64x512xf32> to vector<32x512xf32>
    %slice3A_579 = vector.extract_strided_slice %min3A_574 {offsets = [0, 0], sizes = [32, 512], strides = [1, 1]} : vector<64x512xf32> to vector<32x512xf32>
    %slice3A_580 = vector.extract_strided_slice %max3A_575 {offsets = [0, 0], sizes = [32, 512], strides = [1, 1]} : vector<64x512xf32> to vector<32x512xf32>
    %slice3A_581 = vector.extract_strided_slice %min3A_576 {offsets = [0, 0], sizes = [32, 512], strides = [1, 1]} : vector<64x512xf32> to vector<32x512xf32>
    %slice3A_582 = vector.extract_strided_slice %max3A_577 {offsets = [0, 0], sizes = [32, 512], strides = [1, 1]} : vector<64x512xf32> to vector<32x512xf32>
    %slice3A_583 = vector.extract_strided_slice %min3A_563 {offsets = [32, 0], sizes = [32, 512], strides = [1, 1]} : vector<64x512xf32> to vector<32x512xf32>
    %slice3A_584 = vector.extract_strided_slice %min3A_574 {offsets = [32, 0], sizes = [32, 512], strides = [1, 1]} : vector<64x512xf32> to vector<32x512xf32>
    %slice3A_585 = vector.extract_strided_slice %max3A_575 {offsets = [32, 0], sizes = [32, 512], strides = [1, 1]} : vector<64x512xf32> to vector<32x512xf32>
    %slice3A_586 = vector.extract_strided_slice %min3A_576 {offsets = [32, 0], sizes = [32, 512], strides = [1, 1]} : vector<64x512xf32> to vector<32x512xf32>
    %slice3A_587 = vector.extract_strided_slice %max3A_577 {offsets = [32, 0], sizes = [32, 512], strides = [1, 1]} : vector<64x512xf32> to vector<32x512xf32>
    %min3A_588 = arith.minimumf %slice3A_578, %slice3A_583 : vector<32x512xf32>
    %max3A_589 = arith.maximumf %slice3A_578, %slice3A_583 : vector<32x512xf32>
    %min3A_590 = arith.minimumf %slice3A_582, %slice3A_587 : vector<32x512xf32>
    %min3A_591 = arith.minimumf %max3A_589, %min3A_590 : vector<32x512xf32>
    %min3A_592 = arith.minimumf %slice3A_580, %slice3A_585 : vector<32x512xf32>
    %min3A_593 = arith.minimumf %min3A_591, %min3A_592 : vector<32x512xf32>
    %max3A_594 = arith.maximumf %min3A_591, %min3A_592 : vector<32x512xf32>
    %min3A_595 = arith.minimumf %slice3A_579, %slice3A_584 : vector<32x512xf32>
    %max3A_596 = arith.maximumf %slice3A_579, %slice3A_584 : vector<32x512xf32>
    %min3A_597 = arith.minimumf %slice3A_581, %slice3A_586 : vector<32x512xf32>
    %min3A_598 = arith.minimumf %max3A_596, %min3A_597 : vector<32x512xf32>
    %min3A_599 = arith.minimumf %min3A_593, %min3A_595 : vector<32x512xf32>
    %max3A_600 = arith.maximumf %min3A_593, %min3A_595 : vector<32x512xf32>
    %min3A_601 = arith.minimumf %max3A_594, %min3A_598 : vector<32x512xf32>
    %max3A_602 = arith.maximumf %max3A_594, %min3A_598 : vector<32x512xf32>
    %slice3A_603 = vector.extract_strided_slice %min3A_588 {offsets = [0, 0], sizes = [16, 512], strides = [1, 1]} : vector<32x512xf32> to vector<16x512xf32>
    %slice3A_604 = vector.extract_strided_slice %min3A_599 {offsets = [0, 0], sizes = [16, 512], strides = [1, 1]} : vector<32x512xf32> to vector<16x512xf32>
    %slice3A_605 = vector.extract_strided_slice %max3A_600 {offsets = [0, 0], sizes = [16, 512], strides = [1, 1]} : vector<32x512xf32> to vector<16x512xf32>
    %slice3A_606 = vector.extract_strided_slice %min3A_601 {offsets = [0, 0], sizes = [16, 512], strides = [1, 1]} : vector<32x512xf32> to vector<16x512xf32>
    %slice3A_607 = vector.extract_strided_slice %max3A_602 {offsets = [0, 0], sizes = [16, 512], strides = [1, 1]} : vector<32x512xf32> to vector<16x512xf32>
    %slice3A_608 = vector.extract_strided_slice %min3A_588 {offsets = [16, 0], sizes = [16, 512], strides = [1, 1]} : vector<32x512xf32> to vector<16x512xf32>
    %slice3A_609 = vector.extract_strided_slice %min3A_599 {offsets = [16, 0], sizes = [16, 512], strides = [1, 1]} : vector<32x512xf32> to vector<16x512xf32>
    %slice3A_610 = vector.extract_strided_slice %max3A_600 {offsets = [16, 0], sizes = [16, 512], strides = [1, 1]} : vector<32x512xf32> to vector<16x512xf32>
    %slice3A_611 = vector.extract_strided_slice %min3A_601 {offsets = [16, 0], sizes = [16, 512], strides = [1, 1]} : vector<32x512xf32> to vector<16x512xf32>
    %slice3A_612 = vector.extract_strided_slice %max3A_602 {offsets = [16, 0], sizes = [16, 512], strides = [1, 1]} : vector<32x512xf32> to vector<16x512xf32>
    %min3A_613 = arith.minimumf %slice3A_603, %slice3A_608 : vector<16x512xf32>
    %max3A_614 = arith.maximumf %slice3A_603, %slice3A_608 : vector<16x512xf32>
    %min3A_615 = arith.minimumf %slice3A_607, %slice3A_612 : vector<16x512xf32>
    %min3A_616 = arith.minimumf %max3A_614, %min3A_615 : vector<16x512xf32>
    %min3A_617 = arith.minimumf %slice3A_605, %slice3A_610 : vector<16x512xf32>
    %min3A_618 = arith.minimumf %min3A_616, %min3A_617 : vector<16x512xf32>
    %max3A_619 = arith.maximumf %min3A_616, %min3A_617 : vector<16x512xf32>
    %min3A_620 = arith.minimumf %slice3A_604, %slice3A_609 : vector<16x512xf32>
    %max3A_621 = arith.maximumf %slice3A_604, %slice3A_609 : vector<16x512xf32>
    %min3A_622 = arith.minimumf %slice3A_606, %slice3A_611 : vector<16x512xf32>
    %min3A_623 = arith.minimumf %max3A_621, %min3A_622 : vector<16x512xf32>
    %min3A_624 = arith.minimumf %min3A_618, %min3A_620 : vector<16x512xf32>
    %max3A_625 = arith.maximumf %min3A_618, %min3A_620 : vector<16x512xf32>
    %min3A_626 = arith.minimumf %max3A_619, %min3A_623 : vector<16x512xf32>
    %max3A_627 = arith.maximumf %max3A_619, %min3A_623 : vector<16x512xf32>
    %slice3A_628 = vector.extract_strided_slice %min3A_613 {offsets = [0, 0], sizes = [8, 512], strides = [1, 1]} : vector<16x512xf32> to vector<8x512xf32>
    %slice3A_629 = vector.extract_strided_slice %min3A_624 {offsets = [0, 0], sizes = [8, 512], strides = [1, 1]} : vector<16x512xf32> to vector<8x512xf32>
    %slice3A_630 = vector.extract_strided_slice %max3A_625 {offsets = [0, 0], sizes = [8, 512], strides = [1, 1]} : vector<16x512xf32> to vector<8x512xf32>
    %slice3A_631 = vector.extract_strided_slice %min3A_626 {offsets = [0, 0], sizes = [8, 512], strides = [1, 1]} : vector<16x512xf32> to vector<8x512xf32>
    %slice3A_632 = vector.extract_strided_slice %max3A_627 {offsets = [0, 0], sizes = [8, 512], strides = [1, 1]} : vector<16x512xf32> to vector<8x512xf32>
    %slice3A_633 = vector.extract_strided_slice %min3A_613 {offsets = [8, 0], sizes = [8, 512], strides = [1, 1]} : vector<16x512xf32> to vector<8x512xf32>
    %slice3A_634 = vector.extract_strided_slice %min3A_624 {offsets = [8, 0], sizes = [8, 512], strides = [1, 1]} : vector<16x512xf32> to vector<8x512xf32>
    %slice3A_635 = vector.extract_strided_slice %max3A_625 {offsets = [8, 0], sizes = [8, 512], strides = [1, 1]} : vector<16x512xf32> to vector<8x512xf32>
    %slice3A_636 = vector.extract_strided_slice %min3A_626 {offsets = [8, 0], sizes = [8, 512], strides = [1, 1]} : vector<16x512xf32> to vector<8x512xf32>
    %slice3A_637 = vector.extract_strided_slice %max3A_627 {offsets = [8, 0], sizes = [8, 512], strides = [1, 1]} : vector<16x512xf32> to vector<8x512xf32>
    %min3A_638 = arith.minimumf %slice3A_628, %slice3A_633 : vector<8x512xf32>
    %max3A_639 = arith.maximumf %slice3A_628, %slice3A_633 : vector<8x512xf32>
    %min3A_640 = arith.minimumf %slice3A_632, %slice3A_637 : vector<8x512xf32>
    %min3A_641 = arith.minimumf %max3A_639, %min3A_640 : vector<8x512xf32>
    %min3A_642 = arith.minimumf %slice3A_630, %slice3A_635 : vector<8x512xf32>
    %min3A_643 = arith.minimumf %min3A_641, %min3A_642 : vector<8x512xf32>
    %max3A_644 = arith.maximumf %min3A_641, %min3A_642 : vector<8x512xf32>
    %min3A_645 = arith.minimumf %slice3A_629, %slice3A_634 : vector<8x512xf32>
    %max3A_646 = arith.maximumf %slice3A_629, %slice3A_634 : vector<8x512xf32>
    %min3A_647 = arith.minimumf %slice3A_631, %slice3A_636 : vector<8x512xf32>
    %min3A_648 = arith.minimumf %max3A_646, %min3A_647 : vector<8x512xf32>
    %min3A_649 = arith.minimumf %min3A_643, %min3A_645 : vector<8x512xf32>
    %max3A_650 = arith.maximumf %min3A_643, %min3A_645 : vector<8x512xf32>
    %min3A_651 = arith.minimumf %max3A_644, %min3A_648 : vector<8x512xf32>
    %max3A_652 = arith.maximumf %max3A_644, %min3A_648 : vector<8x512xf32>
    %slice3A_653 = vector.extract_strided_slice %min3A_638 {offsets = [0, 0], sizes = [4, 512], strides = [1, 1]} : vector<8x512xf32> to vector<4x512xf32>
    %slice3A_654 = vector.extract_strided_slice %min3A_649 {offsets = [0, 0], sizes = [4, 512], strides = [1, 1]} : vector<8x512xf32> to vector<4x512xf32>
    %slice3A_655 = vector.extract_strided_slice %max3A_650 {offsets = [0, 0], sizes = [4, 512], strides = [1, 1]} : vector<8x512xf32> to vector<4x512xf32>
    %slice3A_656 = vector.extract_strided_slice %min3A_651 {offsets = [0, 0], sizes = [4, 512], strides = [1, 1]} : vector<8x512xf32> to vector<4x512xf32>
    %slice3A_657 = vector.extract_strided_slice %max3A_652 {offsets = [0, 0], sizes = [4, 512], strides = [1, 1]} : vector<8x512xf32> to vector<4x512xf32>
    %slice3A_658 = vector.extract_strided_slice %min3A_638 {offsets = [4, 0], sizes = [4, 512], strides = [1, 1]} : vector<8x512xf32> to vector<4x512xf32>
    %slice3A_659 = vector.extract_strided_slice %min3A_649 {offsets = [4, 0], sizes = [4, 512], strides = [1, 1]} : vector<8x512xf32> to vector<4x512xf32>
    %slice3A_660 = vector.extract_strided_slice %max3A_650 {offsets = [4, 0], sizes = [4, 512], strides = [1, 1]} : vector<8x512xf32> to vector<4x512xf32>
    %slice3A_661 = vector.extract_strided_slice %min3A_651 {offsets = [4, 0], sizes = [4, 512], strides = [1, 1]} : vector<8x512xf32> to vector<4x512xf32>
    %slice3A_662 = vector.extract_strided_slice %max3A_652 {offsets = [4, 0], sizes = [4, 512], strides = [1, 1]} : vector<8x512xf32> to vector<4x512xf32>
    %min3A_663 = arith.minimumf %slice3A_653, %slice3A_658 : vector<4x512xf32>
    %max3A_664 = arith.maximumf %slice3A_653, %slice3A_658 : vector<4x512xf32>
    %min3A_665 = arith.minimumf %slice3A_657, %slice3A_662 : vector<4x512xf32>
    %min3A_666 = arith.minimumf %max3A_664, %min3A_665 : vector<4x512xf32>
    %min3A_667 = arith.minimumf %slice3A_655, %slice3A_660 : vector<4x512xf32>
    %min3A_668 = arith.minimumf %min3A_666, %min3A_667 : vector<4x512xf32>
    %max3A_669 = arith.maximumf %min3A_666, %min3A_667 : vector<4x512xf32>
    %min3A_670 = arith.minimumf %slice3A_654, %slice3A_659 : vector<4x512xf32>
    %max3A_671 = arith.maximumf %slice3A_654, %slice3A_659 : vector<4x512xf32>
    %min3A_672 = arith.minimumf %slice3A_656, %slice3A_661 : vector<4x512xf32>
    %min3A_673 = arith.minimumf %max3A_671, %min3A_672 : vector<4x512xf32>
    %min3A_674 = arith.minimumf %min3A_668, %min3A_670 : vector<4x512xf32>
    %max3A_675 = arith.maximumf %min3A_668, %min3A_670 : vector<4x512xf32>
    %min3A_676 = arith.minimumf %max3A_669, %min3A_673 : vector<4x512xf32>
    %max3A_677 = arith.maximumf %max3A_669, %min3A_673 : vector<4x512xf32>
    %slice3A_678 = vector.extract_strided_slice %min3A_663 {offsets = [0, 0], sizes = [2, 512], strides = [1, 1]} : vector<4x512xf32> to vector<2x512xf32>
    %slice3A_679 = vector.extract_strided_slice %min3A_674 {offsets = [0, 0], sizes = [2, 512], strides = [1, 1]} : vector<4x512xf32> to vector<2x512xf32>
    %slice3A_680 = vector.extract_strided_slice %max3A_675 {offsets = [0, 0], sizes = [2, 512], strides = [1, 1]} : vector<4x512xf32> to vector<2x512xf32>
    %slice3A_681 = vector.extract_strided_slice %min3A_676 {offsets = [0, 0], sizes = [2, 512], strides = [1, 1]} : vector<4x512xf32> to vector<2x512xf32>
    %slice3A_682 = vector.extract_strided_slice %max3A_677 {offsets = [0, 0], sizes = [2, 512], strides = [1, 1]} : vector<4x512xf32> to vector<2x512xf32>
    %slice3A_683 = vector.extract_strided_slice %min3A_663 {offsets = [2, 0], sizes = [2, 512], strides = [1, 1]} : vector<4x512xf32> to vector<2x512xf32>
    %slice3A_684 = vector.extract_strided_slice %min3A_674 {offsets = [2, 0], sizes = [2, 512], strides = [1, 1]} : vector<4x512xf32> to vector<2x512xf32>
    %slice3A_685 = vector.extract_strided_slice %max3A_675 {offsets = [2, 0], sizes = [2, 512], strides = [1, 1]} : vector<4x512xf32> to vector<2x512xf32>
    %slice3A_686 = vector.extract_strided_slice %min3A_676 {offsets = [2, 0], sizes = [2, 512], strides = [1, 1]} : vector<4x512xf32> to vector<2x512xf32>
    %slice3A_687 = vector.extract_strided_slice %max3A_677 {offsets = [2, 0], sizes = [2, 512], strides = [1, 1]} : vector<4x512xf32> to vector<2x512xf32>
    %min3A_688 = arith.minimumf %slice3A_678, %slice3A_683 : vector<2x512xf32>
    %max3A_689 = arith.maximumf %slice3A_678, %slice3A_683 : vector<2x512xf32>
    %min3A_690 = arith.minimumf %slice3A_682, %slice3A_687 : vector<2x512xf32>
    %min3A_691 = arith.minimumf %max3A_689, %min3A_690 : vector<2x512xf32>
    %min3A_692 = arith.minimumf %slice3A_680, %slice3A_685 : vector<2x512xf32>
    %min3A_693 = arith.minimumf %min3A_691, %min3A_692 : vector<2x512xf32>
    %max3A_694 = arith.maximumf %min3A_691, %min3A_692 : vector<2x512xf32>
    %min3A_695 = arith.minimumf %slice3A_679, %slice3A_684 : vector<2x512xf32>
    %max3A_696 = arith.maximumf %slice3A_679, %slice3A_684 : vector<2x512xf32>
    %min3A_697 = arith.minimumf %slice3A_681, %slice3A_686 : vector<2x512xf32>
    %min3A_698 = arith.minimumf %max3A_696, %min3A_697 : vector<2x512xf32>
    %min3A_699 = arith.minimumf %min3A_693, %min3A_695 : vector<2x512xf32>
    %max3A_700 = arith.maximumf %min3A_693, %min3A_695 : vector<2x512xf32>
    %min3A_701 = arith.minimumf %max3A_694, %min3A_698 : vector<2x512xf32>
    %max3A_702 = arith.maximumf %max3A_694, %min3A_698 : vector<2x512xf32>
    %slice3A_703 = vector.extract_strided_slice %min3A_688 {offsets = [0, 0], sizes = [1, 512], strides = [1, 1]} : vector<2x512xf32> to vector<1x512xf32>
    %slice3A_704 = vector.extract_strided_slice %min3A_699 {offsets = [0, 0], sizes = [1, 512], strides = [1, 1]} : vector<2x512xf32> to vector<1x512xf32>
    %slice3A_705 = vector.extract_strided_slice %max3A_700 {offsets = [0, 0], sizes = [1, 512], strides = [1, 1]} : vector<2x512xf32> to vector<1x512xf32>
    %slice3A_706 = vector.extract_strided_slice %min3A_701 {offsets = [0, 0], sizes = [1, 512], strides = [1, 1]} : vector<2x512xf32> to vector<1x512xf32>
    %slice3A_707 = vector.extract_strided_slice %max3A_702 {offsets = [0, 0], sizes = [1, 512], strides = [1, 1]} : vector<2x512xf32> to vector<1x512xf32>
    %slice3A_708 = vector.extract_strided_slice %min3A_688 {offsets = [1, 0], sizes = [1, 512], strides = [1, 1]} : vector<2x512xf32> to vector<1x512xf32>
    %slice3A_709 = vector.extract_strided_slice %min3A_699 {offsets = [1, 0], sizes = [1, 512], strides = [1, 1]} : vector<2x512xf32> to vector<1x512xf32>
    %slice3A_710 = vector.extract_strided_slice %max3A_700 {offsets = [1, 0], sizes = [1, 512], strides = [1, 1]} : vector<2x512xf32> to vector<1x512xf32>
    %slice3A_711 = vector.extract_strided_slice %min3A_701 {offsets = [1, 0], sizes = [1, 512], strides = [1, 1]} : vector<2x512xf32> to vector<1x512xf32>
    %slice3A_712 = vector.extract_strided_slice %max3A_702 {offsets = [1, 0], sizes = [1, 512], strides = [1, 1]} : vector<2x512xf32> to vector<1x512xf32>
    %min3A_713 = arith.minimumf %slice3A_703, %slice3A_708 : vector<1x512xf32>
    %max3A_714 = arith.maximumf %slice3A_703, %slice3A_708 : vector<1x512xf32>
    %min3A_715 = arith.minimumf %slice3A_707, %slice3A_712 : vector<1x512xf32>
    %min3A_716 = arith.minimumf %max3A_714, %min3A_715 : vector<1x512xf32>
    %min3A_717 = arith.minimumf %slice3A_705, %slice3A_710 : vector<1x512xf32>
    %min3A_718 = arith.minimumf %min3A_716, %min3A_717 : vector<1x512xf32>
    %max3A_719 = arith.maximumf %min3A_716, %min3A_717 : vector<1x512xf32>
    %min3A_720 = arith.minimumf %slice3A_704, %slice3A_709 : vector<1x512xf32>
    %max3A_721 = arith.maximumf %slice3A_704, %slice3A_709 : vector<1x512xf32>
    %min3A_722 = arith.minimumf %slice3A_706, %slice3A_711 : vector<1x512xf32>
    %min3A_723 = arith.minimumf %max3A_721, %min3A_722 : vector<1x512xf32>
    %min3A_724 = arith.minimumf %min3A_718, %min3A_720 : vector<1x512xf32>
    %max3A_725 = arith.maximumf %min3A_718, %min3A_720 : vector<1x512xf32>
    %min3A_726 = arith.minimumf %max3A_719, %min3A_723 : vector<1x512xf32>
    %max3A_727 = arith.maximumf %max3A_719, %min3A_723 : vector<1x512xf32>
    %min3A_728 = arith.minimumf %min3A_439, %min3A_713 : vector<1x512xf32>
    %max3A_729 = arith.maximumf %min3A_439, %min3A_713 : vector<1x512xf32>
    %min3A_730 = arith.minimumf %max3A_453, %max3A_727 : vector<1x512xf32>
    %min3A_731 = arith.minimumf %max3A_729, %min3A_730 : vector<1x512xf32>
    %min3A_732 = arith.minimumf %max3A_451, %max3A_725 : vector<1x512xf32>
    %min3A_733 = arith.minimumf %min3A_731, %min3A_732 : vector<1x512xf32>
    %max3A_734 = arith.maximumf %min3A_731, %min3A_732 : vector<1x512xf32>
    %min3A_735 = arith.minimumf %min3A_450, %min3A_724 : vector<1x512xf32>
    %max3A_736 = arith.maximumf %min3A_450, %min3A_724 : vector<1x512xf32>
    %min3A_737 = arith.minimumf %min3A_452, %min3A_726 : vector<1x512xf32>
    %min3A_738 = arith.minimumf %max3A_736, %min3A_737 : vector<1x512xf32>
    %min3A_739 = arith.minimumf %min3A_733, %min3A_735 : vector<1x512xf32>
    %max3A_740 = arith.maximumf %min3A_733, %min3A_735 : vector<1x512xf32>
    %min3A_741 = arith.minimumf %max3A_734, %min3A_738 : vector<1x512xf32>
    %max3A_742 = arith.maximumf %max3A_734, %min3A_738 : vector<1x512xf32>
    %get3A_743 = arith.constant 0 : index
    %get3A_744 = arith.constant 8192 : index
    %get3A_745 = vector.load %arg2[%get3A_743, %get3A_744] : memref<4x20480xf32, #tpu.memory_space<vmem>>, vector<4x4096xf32>
    %get3A_746 = arith.constant 8192 : index
    %get3A_747 = arith.constant 0 : index
    %get3A_748 = vector.load %arg3[%get3A_746, %get3A_747] : memref<20480x4xf32, #tpu.memory_space<vmem>>, vector<4096x4xf32>
    %mul3A_749 = arith.mulf %get3A_748, %get3A_748 : vector<4096x4xf32>
    %reduce_sum3A_750 = arith.constant dense<0.000000e+00> : vector<4096xf32>
    %reduce_sum3A_751 = vector.multi_reduction <add>, %mul3A_749, %reduce_sum3A_750 [1] : vector<4096x4xf32> to vector<4096xf32>
    %broadcast_in_dim3A_752 = vector.shape_cast %reduce_sum3A_751 : vector<4096xf32> to vector<4096x1xf32>
    %dot_general3A_753 = arith.constant dense<0.000000e+00> : vector<4096x512xf32>
    %dot_general3A_754 = tpu.matmul %get3A_745, %add3A_155, %dot_general3A_753 {dimension_numbers = #tpu.dot_dimension_numbers<[0], [0], [1], [1], [0, 1, 1, 1], [], []>, transpose_lhs_hint = false} : vector<4x4096xf32>, vector<4x512xf32>, vector<4096x512xf32> -> vector<4096x512xf32>
    %sub3A_755 = vector.broadcast %broadcast_in_dim3A_752 : vector<4096x1xf32> to vector<4096x512xf32>
    %sub3A_756 = arith.subf %sub3A_755, %dot_general3A_754 : vector<4096x512xf32>
    %slice3A_757 = vector.extract_strided_slice %sub3A_756 {offsets = [0, 0], sizes = [2048, 512], strides = [1, 1]} : vector<4096x512xf32> to vector<2048x512xf32>
    %slice3A_758 = vector.extract_strided_slice %sub3A_756 {offsets = [2048, 0], sizes = [2048, 512], strides = [1, 1]} : vector<4096x512xf32> to vector<2048x512xf32>
    %min3A_759 = arith.minimumf %slice3A_757, %slice3A_758 : vector<2048x512xf32>
    %max3A_760 = arith.maximumf %slice3A_757, %slice3A_758 : vector<2048x512xf32>
    %slice3A_761 = vector.extract_strided_slice %min3A_759 {offsets = [0, 0], sizes = [1024, 512], strides = [1, 1]} : vector<2048x512xf32> to vector<1024x512xf32>
    %slice3A_762 = vector.extract_strided_slice %max3A_760 {offsets = [0, 0], sizes = [1024, 512], strides = [1, 1]} : vector<2048x512xf32> to vector<1024x512xf32>
    %slice3A_763 = vector.extract_strided_slice %min3A_759 {offsets = [1024, 0], sizes = [1024, 512], strides = [1, 1]} : vector<2048x512xf32> to vector<1024x512xf32>
    %slice3A_764 = vector.extract_strided_slice %max3A_760 {offsets = [1024, 0], sizes = [1024, 512], strides = [1, 1]} : vector<2048x512xf32> to vector<1024x512xf32>
    %min3A_765 = arith.minimumf %slice3A_761, %slice3A_763 : vector<1024x512xf32>
    %max3A_766 = arith.maximumf %slice3A_761, %slice3A_763 : vector<1024x512xf32>
    %min3A_767 = arith.minimumf %slice3A_762, %slice3A_764 : vector<1024x512xf32>
    %max3A_768 = arith.maximumf %slice3A_762, %slice3A_764 : vector<1024x512xf32>
    %min3A_769 = arith.minimumf %max3A_766, %min3A_767 : vector<1024x512xf32>
    %max3A_770 = arith.maximumf %max3A_766, %min3A_767 : vector<1024x512xf32>
    %slice3A_771 = vector.extract_strided_slice %min3A_765 {offsets = [0, 0], sizes = [512, 512], strides = [1, 1]} : vector<1024x512xf32> to vector<512x512xf32>
    %slice3A_772 = vector.extract_strided_slice %min3A_769 {offsets = [0, 0], sizes = [512, 512], strides = [1, 1]} : vector<1024x512xf32> to vector<512x512xf32>
    %slice3A_773 = vector.extract_strided_slice %max3A_770 {offsets = [0, 0], sizes = [512, 512], strides = [1, 1]} : vector<1024x512xf32> to vector<512x512xf32>
    %slice3A_774 = vector.extract_strided_slice %max3A_768 {offsets = [0, 0], sizes = [512, 512], strides = [1, 1]} : vector<1024x512xf32> to vector<512x512xf32>
    %slice3A_775 = vector.extract_strided_slice %min3A_765 {offsets = [512, 0], sizes = [512, 512], strides = [1, 1]} : vector<1024x512xf32> to vector<512x512xf32>
    %slice3A_776 = vector.extract_strided_slice %min3A_769 {offsets = [512, 0], sizes = [512, 512], strides = [1, 1]} : vector<1024x512xf32> to vector<512x512xf32>
    %slice3A_777 = vector.extract_strided_slice %max3A_770 {offsets = [512, 0], sizes = [512, 512], strides = [1, 1]} : vector<1024x512xf32> to vector<512x512xf32>
    %slice3A_778 = vector.extract_strided_slice %max3A_768 {offsets = [512, 0], sizes = [512, 512], strides = [1, 1]} : vector<1024x512xf32> to vector<512x512xf32>
    %min3A_779 = arith.minimumf %slice3A_771, %slice3A_775 : vector<512x512xf32>
    %max3A_780 = arith.maximumf %slice3A_771, %slice3A_775 : vector<512x512xf32>
    %min3A_781 = arith.minimumf %slice3A_773, %slice3A_777 : vector<512x512xf32>
    %min3A_782 = arith.minimumf %max3A_780, %min3A_781 : vector<512x512xf32>
    %max3A_783 = arith.maximumf %max3A_780, %min3A_781 : vector<512x512xf32>
    %min3A_784 = arith.minimumf %slice3A_772, %slice3A_776 : vector<512x512xf32>
    %max3A_785 = arith.maximumf %slice3A_772, %slice3A_776 : vector<512x512xf32>
    %min3A_786 = arith.minimumf %slice3A_774, %slice3A_778 : vector<512x512xf32>
    %min3A_787 = arith.minimumf %max3A_785, %min3A_786 : vector<512x512xf32>
    %min3A_788 = arith.minimumf %min3A_782, %min3A_784 : vector<512x512xf32>
    %max3A_789 = arith.maximumf %min3A_782, %min3A_784 : vector<512x512xf32>
    %min3A_790 = arith.minimumf %max3A_783, %min3A_787 : vector<512x512xf32>
    %max3A_791 = arith.maximumf %max3A_783, %min3A_787 : vector<512x512xf32>
    %slice3A_792 = vector.extract_strided_slice %min3A_779 {offsets = [0, 0], sizes = [256, 512], strides = [1, 1]} : vector<512x512xf32> to vector<256x512xf32>
    %slice3A_793 = vector.extract_strided_slice %min3A_788 {offsets = [0, 0], sizes = [256, 512], strides = [1, 1]} : vector<512x512xf32> to vector<256x512xf32>
    %slice3A_794 = vector.extract_strided_slice %max3A_789 {offsets = [0, 0], sizes = [256, 512], strides = [1, 1]} : vector<512x512xf32> to vector<256x512xf32>
    %slice3A_795 = vector.extract_strided_slice %min3A_790 {offsets = [0, 0], sizes = [256, 512], strides = [1, 1]} : vector<512x512xf32> to vector<256x512xf32>
    %slice3A_796 = vector.extract_strided_slice %max3A_791 {offsets = [0, 0], sizes = [256, 512], strides = [1, 1]} : vector<512x512xf32> to vector<256x512xf32>
    %slice3A_797 = vector.extract_strided_slice %min3A_779 {offsets = [256, 0], sizes = [256, 512], strides = [1, 1]} : vector<512x512xf32> to vector<256x512xf32>
    %slice3A_798 = vector.extract_strided_slice %min3A_788 {offsets = [256, 0], sizes = [256, 512], strides = [1, 1]} : vector<512x512xf32> to vector<256x512xf32>
    %slice3A_799 = vector.extract_strided_slice %max3A_789 {offsets = [256, 0], sizes = [256, 512], strides = [1, 1]} : vector<512x512xf32> to vector<256x512xf32>
    %slice3A_800 = vector.extract_strided_slice %min3A_790 {offsets = [256, 0], sizes = [256, 512], strides = [1, 1]} : vector<512x512xf32> to vector<256x512xf32>
    %slice3A_801 = vector.extract_strided_slice %max3A_791 {offsets = [256, 0], sizes = [256, 512], strides = [1, 1]} : vector<512x512xf32> to vector<256x512xf32>
    %min3A_802 = arith.minimumf %slice3A_792, %slice3A_797 : vector<256x512xf32>
    %max3A_803 = arith.maximumf %slice3A_792, %slice3A_797 : vector<256x512xf32>
    %min3A_804 = arith.minimumf %slice3A_796, %slice3A_801 : vector<256x512xf32>
    %min3A_805 = arith.minimumf %max3A_803, %min3A_804 : vector<256x512xf32>
    %min3A_806 = arith.minimumf %slice3A_794, %slice3A_799 : vector<256x512xf32>
    %min3A_807 = arith.minimumf %min3A_805, %min3A_806 : vector<256x512xf32>
    %max3A_808 = arith.maximumf %min3A_805, %min3A_806 : vector<256x512xf32>
    %min3A_809 = arith.minimumf %slice3A_793, %slice3A_798 : vector<256x512xf32>
    %max3A_810 = arith.maximumf %slice3A_793, %slice3A_798 : vector<256x512xf32>
    %min3A_811 = arith.minimumf %slice3A_795, %slice3A_800 : vector<256x512xf32>
    %min3A_812 = arith.minimumf %max3A_810, %min3A_811 : vector<256x512xf32>
    %min3A_813 = arith.minimumf %min3A_807, %min3A_809 : vector<256x512xf32>
    %max3A_814 = arith.maximumf %min3A_807, %min3A_809 : vector<256x512xf32>
    %min3A_815 = arith.minimumf %max3A_808, %min3A_812 : vector<256x512xf32>
    %max3A_816 = arith.maximumf %max3A_808, %min3A_812 : vector<256x512xf32>
    %slice3A_817 = vector.extract_strided_slice %min3A_802 {offsets = [0, 0], sizes = [128, 512], strides = [1, 1]} : vector<256x512xf32> to vector<128x512xf32>
    %slice3A_818 = vector.extract_strided_slice %min3A_813 {offsets = [0, 0], sizes = [128, 512], strides = [1, 1]} : vector<256x512xf32> to vector<128x512xf32>
    %slice3A_819 = vector.extract_strided_slice %max3A_814 {offsets = [0, 0], sizes = [128, 512], strides = [1, 1]} : vector<256x512xf32> to vector<128x512xf32>
    %slice3A_820 = vector.extract_strided_slice %min3A_815 {offsets = [0, 0], sizes = [128, 512], strides = [1, 1]} : vector<256x512xf32> to vector<128x512xf32>
    %slice3A_821 = vector.extract_strided_slice %max3A_816 {offsets = [0, 0], sizes = [128, 512], strides = [1, 1]} : vector<256x512xf32> to vector<128x512xf32>
    %slice3A_822 = vector.extract_strided_slice %min3A_802 {offsets = [128, 0], sizes = [128, 512], strides = [1, 1]} : vector<256x512xf32> to vector<128x512xf32>
    %slice3A_823 = vector.extract_strided_slice %min3A_813 {offsets = [128, 0], sizes = [128, 512], strides = [1, 1]} : vector<256x512xf32> to vector<128x512xf32>
    %slice3A_824 = vector.extract_strided_slice %max3A_814 {offsets = [128, 0], sizes = [128, 512], strides = [1, 1]} : vector<256x512xf32> to vector<128x512xf32>
    %slice3A_825 = vector.extract_strided_slice %min3A_815 {offsets = [128, 0], sizes = [128, 512], strides = [1, 1]} : vector<256x512xf32> to vector<128x512xf32>
    %slice3A_826 = vector.extract_strided_slice %max3A_816 {offsets = [128, 0], sizes = [128, 512], strides = [1, 1]} : vector<256x512xf32> to vector<128x512xf32>
    %min3A_827 = arith.minimumf %slice3A_817, %slice3A_822 : vector<128x512xf32>
    %max3A_828 = arith.maximumf %slice3A_817, %slice3A_822 : vector<128x512xf32>
    %min3A_829 = arith.minimumf %slice3A_821, %slice3A_826 : vector<128x512xf32>
    %min3A_830 = arith.minimumf %max3A_828, %min3A_829 : vector<128x512xf32>
    %min3A_831 = arith.minimumf %slice3A_819, %slice3A_824 : vector<128x512xf32>
    %min3A_832 = arith.minimumf %min3A_830, %min3A_831 : vector<128x512xf32>
    %max3A_833 = arith.maximumf %min3A_830, %min3A_831 : vector<128x512xf32>
    %min3A_834 = arith.minimumf %slice3A_818, %slice3A_823 : vector<128x512xf32>
    %max3A_835 = arith.maximumf %slice3A_818, %slice3A_823 : vector<128x512xf32>
    %min3A_836 = arith.minimumf %slice3A_820, %slice3A_825 : vector<128x512xf32>
    %min3A_837 = arith.minimumf %max3A_835, %min3A_836 : vector<128x512xf32>
    %min3A_838 = arith.minimumf %min3A_832, %min3A_834 : vector<128x512xf32>
    %max3A_839 = arith.maximumf %min3A_832, %min3A_834 : vector<128x512xf32>
    %min3A_840 = arith.minimumf %max3A_833, %min3A_837 : vector<128x512xf32>
    %max3A_841 = arith.maximumf %max3A_833, %min3A_837 : vector<128x512xf32>
    %slice3A_842 = vector.extract_strided_slice %min3A_827 {offsets = [0, 0], sizes = [64, 512], strides = [1, 1]} : vector<128x512xf32> to vector<64x512xf32>
    %slice3A_843 = vector.extract_strided_slice %min3A_838 {offsets = [0, 0], sizes = [64, 512], strides = [1, 1]} : vector<128x512xf32> to vector<64x512xf32>
    %slice3A_844 = vector.extract_strided_slice %max3A_839 {offsets = [0, 0], sizes = [64, 512], strides = [1, 1]} : vector<128x512xf32> to vector<64x512xf32>
    %slice3A_845 = vector.extract_strided_slice %min3A_840 {offsets = [0, 0], sizes = [64, 512], strides = [1, 1]} : vector<128x512xf32> to vector<64x512xf32>
    %slice3A_846 = vector.extract_strided_slice %max3A_841 {offsets = [0, 0], sizes = [64, 512], strides = [1, 1]} : vector<128x512xf32> to vector<64x512xf32>
    %slice3A_847 = vector.extract_strided_slice %min3A_827 {offsets = [64, 0], sizes = [64, 512], strides = [1, 1]} : vector<128x512xf32> to vector<64x512xf32>
    %slice3A_848 = vector.extract_strided_slice %min3A_838 {offsets = [64, 0], sizes = [64, 512], strides = [1, 1]} : vector<128x512xf32> to vector<64x512xf32>
    %slice3A_849 = vector.extract_strided_slice %max3A_839 {offsets = [64, 0], sizes = [64, 512], strides = [1, 1]} : vector<128x512xf32> to vector<64x512xf32>
    %slice3A_850 = vector.extract_strided_slice %min3A_840 {offsets = [64, 0], sizes = [64, 512], strides = [1, 1]} : vector<128x512xf32> to vector<64x512xf32>
    %slice3A_851 = vector.extract_strided_slice %max3A_841 {offsets = [64, 0], sizes = [64, 512], strides = [1, 1]} : vector<128x512xf32> to vector<64x512xf32>
    %min3A_852 = arith.minimumf %slice3A_842, %slice3A_847 : vector<64x512xf32>
    %max3A_853 = arith.maximumf %slice3A_842, %slice3A_847 : vector<64x512xf32>
    %min3A_854 = arith.minimumf %slice3A_846, %slice3A_851 : vector<64x512xf32>
    %min3A_855 = arith.minimumf %max3A_853, %min3A_854 : vector<64x512xf32>
    %min3A_856 = arith.minimumf %slice3A_844, %slice3A_849 : vector<64x512xf32>
    %min3A_857 = arith.minimumf %min3A_855, %min3A_856 : vector<64x512xf32>
    %max3A_858 = arith.maximumf %min3A_855, %min3A_856 : vector<64x512xf32>
    %min3A_859 = arith.minimumf %slice3A_843, %slice3A_848 : vector<64x512xf32>
    %max3A_860 = arith.maximumf %slice3A_843, %slice3A_848 : vector<64x512xf32>
    %min3A_861 = arith.minimumf %slice3A_845, %slice3A_850 : vector<64x512xf32>
    %min3A_862 = arith.minimumf %max3A_860, %min3A_861 : vector<64x512xf32>
    %min3A_863 = arith.minimumf %min3A_857, %min3A_859 : vector<64x512xf32>
    %max3A_864 = arith.maximumf %min3A_857, %min3A_859 : vector<64x512xf32>
    %min3A_865 = arith.minimumf %max3A_858, %min3A_862 : vector<64x512xf32>
    %max3A_866 = arith.maximumf %max3A_858, %min3A_862 : vector<64x512xf32>
    %slice3A_867 = vector.extract_strided_slice %min3A_852 {offsets = [0, 0], sizes = [32, 512], strides = [1, 1]} : vector<64x512xf32> to vector<32x512xf32>
    %slice3A_868 = vector.extract_strided_slice %min3A_863 {offsets = [0, 0], sizes = [32, 512], strides = [1, 1]} : vector<64x512xf32> to vector<32x512xf32>
    %slice3A_869 = vector.extract_strided_slice %max3A_864 {offsets = [0, 0], sizes = [32, 512], strides = [1, 1]} : vector<64x512xf32> to vector<32x512xf32>
    %slice3A_870 = vector.extract_strided_slice %min3A_865 {offsets = [0, 0], sizes = [32, 512], strides = [1, 1]} : vector<64x512xf32> to vector<32x512xf32>
    %slice3A_871 = vector.extract_strided_slice %max3A_866 {offsets = [0, 0], sizes = [32, 512], strides = [1, 1]} : vector<64x512xf32> to vector<32x512xf32>
    %slice3A_872 = vector.extract_strided_slice %min3A_852 {offsets = [32, 0], sizes = [32, 512], strides = [1, 1]} : vector<64x512xf32> to vector<32x512xf32>
    %slice3A_873 = vector.extract_strided_slice %min3A_863 {offsets = [32, 0], sizes = [32, 512], strides = [1, 1]} : vector<64x512xf32> to vector<32x512xf32>
    %slice3A_874 = vector.extract_strided_slice %max3A_864 {offsets = [32, 0], sizes = [32, 512], strides = [1, 1]} : vector<64x512xf32> to vector<32x512xf32>
    %slice3A_875 = vector.extract_strided_slice %min3A_865 {offsets = [32, 0], sizes = [32, 512], strides = [1, 1]} : vector<64x512xf32> to vector<32x512xf32>
    %slice3A_876 = vector.extract_strided_slice %max3A_866 {offsets = [32, 0], sizes = [32, 512], strides = [1, 1]} : vector<64x512xf32> to vector<32x512xf32>
    %min3A_877 = arith.minimumf %slice3A_867, %slice3A_872 : vector<32x512xf32>
    %max3A_878 = arith.maximumf %slice3A_867, %slice3A_872 : vector<32x512xf32>
    %min3A_879 = arith.minimumf %slice3A_871, %slice3A_876 : vector<32x512xf32>
    %min3A_880 = arith.minimumf %max3A_878, %min3A_879 : vector<32x512xf32>
    %min3A_881 = arith.minimumf %slice3A_869, %slice3A_874 : vector<32x512xf32>
    %min3A_882 = arith.minimumf %min3A_880, %min3A_881 : vector<32x512xf32>
    %max3A_883 = arith.maximumf %min3A_880, %min3A_881 : vector<32x512xf32>
    %min3A_884 = arith.minimumf %slice3A_868, %slice3A_873 : vector<32x512xf32>
    %max3A_885 = arith.maximumf %slice3A_868, %slice3A_873 : vector<32x512xf32>
    %min3A_886 = arith.minimumf %slice3A_870, %slice3A_875 : vector<32x512xf32>
    %min3A_887 = arith.minimumf %max3A_885, %min3A_886 : vector<32x512xf32>
    %min3A_888 = arith.minimumf %min3A_882, %min3A_884 : vector<32x512xf32>
    %max3A_889 = arith.maximumf %min3A_882, %min3A_884 : vector<32x512xf32>
    %min3A_890 = arith.minimumf %max3A_883, %min3A_887 : vector<32x512xf32>
    %max3A_891 = arith.maximumf %max3A_883, %min3A_887 : vector<32x512xf32>
    %slice3A_892 = vector.extract_strided_slice %min3A_877 {offsets = [0, 0], sizes = [16, 512], strides = [1, 1]} : vector<32x512xf32> to vector<16x512xf32>
    %slice3A_893 = vector.extract_strided_slice %min3A_888 {offsets = [0, 0], sizes = [16, 512], strides = [1, 1]} : vector<32x512xf32> to vector<16x512xf32>
    %slice3A_894 = vector.extract_strided_slice %max3A_889 {offsets = [0, 0], sizes = [16, 512], strides = [1, 1]} : vector<32x512xf32> to vector<16x512xf32>
    %slice3A_895 = vector.extract_strided_slice %min3A_890 {offsets = [0, 0], sizes = [16, 512], strides = [1, 1]} : vector<32x512xf32> to vector<16x512xf32>
    %slice3A_896 = vector.extract_strided_slice %max3A_891 {offsets = [0, 0], sizes = [16, 512], strides = [1, 1]} : vector<32x512xf32> to vector<16x512xf32>
    %slice3A_897 = vector.extract_strided_slice %min3A_877 {offsets = [16, 0], sizes = [16, 512], strides = [1, 1]} : vector<32x512xf32> to vector<16x512xf32>
    %slice3A_898 = vector.extract_strided_slice %min3A_888 {offsets = [16, 0], sizes = [16, 512], strides = [1, 1]} : vector<32x512xf32> to vector<16x512xf32>
    %slice3A_899 = vector.extract_strided_slice %max3A_889 {offsets = [16, 0], sizes = [16, 512], strides = [1, 1]} : vector<32x512xf32> to vector<16x512xf32>
    %slice3A_900 = vector.extract_strided_slice %min3A_890 {offsets = [16, 0], sizes = [16, 512], strides = [1, 1]} : vector<32x512xf32> to vector<16x512xf32>
    %slice3A_901 = vector.extract_strided_slice %max3A_891 {offsets = [16, 0], sizes = [16, 512], strides = [1, 1]} : vector<32x512xf32> to vector<16x512xf32>
    %min3A_902 = arith.minimumf %slice3A_892, %slice3A_897 : vector<16x512xf32>
    %max3A_903 = arith.maximumf %slice3A_892, %slice3A_897 : vector<16x512xf32>
    %min3A_904 = arith.minimumf %slice3A_896, %slice3A_901 : vector<16x512xf32>
    %min3A_905 = arith.minimumf %max3A_903, %min3A_904 : vector<16x512xf32>
    %min3A_906 = arith.minimumf %slice3A_894, %slice3A_899 : vector<16x512xf32>
    %min3A_907 = arith.minimumf %min3A_905, %min3A_906 : vector<16x512xf32>
    %max3A_908 = arith.maximumf %min3A_905, %min3A_906 : vector<16x512xf32>
    %min3A_909 = arith.minimumf %slice3A_893, %slice3A_898 : vector<16x512xf32>
    %max3A_910 = arith.maximumf %slice3A_893, %slice3A_898 : vector<16x512xf32>
    %min3A_911 = arith.minimumf %slice3A_895, %slice3A_900 : vector<16x512xf32>
    %min3A_912 = arith.minimumf %max3A_910, %min3A_911 : vector<16x512xf32>
    %min3A_913 = arith.minimumf %min3A_907, %min3A_909 : vector<16x512xf32>
    %max3A_914 = arith.maximumf %min3A_907, %min3A_909 : vector<16x512xf32>
    %min3A_915 = arith.minimumf %max3A_908, %min3A_912 : vector<16x512xf32>
    %max3A_916 = arith.maximumf %max3A_908, %min3A_912 : vector<16x512xf32>
    %slice3A_917 = vector.extract_strided_slice %min3A_902 {offsets = [0, 0], sizes = [8, 512], strides = [1, 1]} : vector<16x512xf32> to vector<8x512xf32>
    %slice3A_918 = vector.extract_strided_slice %min3A_913 {offsets = [0, 0], sizes = [8, 512], strides = [1, 1]} : vector<16x512xf32> to vector<8x512xf32>
    %slice3A_919 = vector.extract_strided_slice %max3A_914 {offsets = [0, 0], sizes = [8, 512], strides = [1, 1]} : vector<16x512xf32> to vector<8x512xf32>
    %slice3A_920 = vector.extract_strided_slice %min3A_915 {offsets = [0, 0], sizes = [8, 512], strides = [1, 1]} : vector<16x512xf32> to vector<8x512xf32>
    %slice3A_921 = vector.extract_strided_slice %max3A_916 {offsets = [0, 0], sizes = [8, 512], strides = [1, 1]} : vector<16x512xf32> to vector<8x512xf32>
    %slice3A_922 = vector.extract_strided_slice %min3A_902 {offsets = [8, 0], sizes = [8, 512], strides = [1, 1]} : vector<16x512xf32> to vector<8x512xf32>
    %slice3A_923 = vector.extract_strided_slice %min3A_913 {offsets = [8, 0], sizes = [8, 512], strides = [1, 1]} : vector<16x512xf32> to vector<8x512xf32>
    %slice3A_924 = vector.extract_strided_slice %max3A_914 {offsets = [8, 0], sizes = [8, 512], strides = [1, 1]} : vector<16x512xf32> to vector<8x512xf32>
    %slice3A_925 = vector.extract_strided_slice %min3A_915 {offsets = [8, 0], sizes = [8, 512], strides = [1, 1]} : vector<16x512xf32> to vector<8x512xf32>
    %slice3A_926 = vector.extract_strided_slice %max3A_916 {offsets = [8, 0], sizes = [8, 512], strides = [1, 1]} : vector<16x512xf32> to vector<8x512xf32>
    %min3A_927 = arith.minimumf %slice3A_917, %slice3A_922 : vector<8x512xf32>
    %max3A_928 = arith.maximumf %slice3A_917, %slice3A_922 : vector<8x512xf32>
    %min3A_929 = arith.minimumf %slice3A_921, %slice3A_926 : vector<8x512xf32>
    %min3A_930 = arith.minimumf %max3A_928, %min3A_929 : vector<8x512xf32>
    %min3A_931 = arith.minimumf %slice3A_919, %slice3A_924 : vector<8x512xf32>
    %min3A_932 = arith.minimumf %min3A_930, %min3A_931 : vector<8x512xf32>
    %max3A_933 = arith.maximumf %min3A_930, %min3A_931 : vector<8x512xf32>
    %min3A_934 = arith.minimumf %slice3A_918, %slice3A_923 : vector<8x512xf32>
    %max3A_935 = arith.maximumf %slice3A_918, %slice3A_923 : vector<8x512xf32>
    %min3A_936 = arith.minimumf %slice3A_920, %slice3A_925 : vector<8x512xf32>
    %min3A_937 = arith.minimumf %max3A_935, %min3A_936 : vector<8x512xf32>
    %min3A_938 = arith.minimumf %min3A_932, %min3A_934 : vector<8x512xf32>
    %max3A_939 = arith.maximumf %min3A_932, %min3A_934 : vector<8x512xf32>
    %min3A_940 = arith.minimumf %max3A_933, %min3A_937 : vector<8x512xf32>
    %max3A_941 = arith.maximumf %max3A_933, %min3A_937 : vector<8x512xf32>
    %slice3A_942 = vector.extract_strided_slice %min3A_927 {offsets = [0, 0], sizes = [4, 512], strides = [1, 1]} : vector<8x512xf32> to vector<4x512xf32>
    %slice3A_943 = vector.extract_strided_slice %min3A_938 {offsets = [0, 0], sizes = [4, 512], strides = [1, 1]} : vector<8x512xf32> to vector<4x512xf32>
    %slice3A_944 = vector.extract_strided_slice %max3A_939 {offsets = [0, 0], sizes = [4, 512], strides = [1, 1]} : vector<8x512xf32> to vector<4x512xf32>
    %slice3A_945 = vector.extract_strided_slice %min3A_940 {offsets = [0, 0], sizes = [4, 512], strides = [1, 1]} : vector<8x512xf32> to vector<4x512xf32>
    %slice3A_946 = vector.extract_strided_slice %max3A_941 {offsets = [0, 0], sizes = [4, 512], strides = [1, 1]} : vector<8x512xf32> to vector<4x512xf32>
    %slice3A_947 = vector.extract_strided_slice %min3A_927 {offsets = [4, 0], sizes = [4, 512], strides = [1, 1]} : vector<8x512xf32> to vector<4x512xf32>
    %slice3A_948 = vector.extract_strided_slice %min3A_938 {offsets = [4, 0], sizes = [4, 512], strides = [1, 1]} : vector<8x512xf32> to vector<4x512xf32>
    %slice3A_949 = vector.extract_strided_slice %max3A_939 {offsets = [4, 0], sizes = [4, 512], strides = [1, 1]} : vector<8x512xf32> to vector<4x512xf32>
    %slice3A_950 = vector.extract_strided_slice %min3A_940 {offsets = [4, 0], sizes = [4, 512], strides = [1, 1]} : vector<8x512xf32> to vector<4x512xf32>
    %slice3A_951 = vector.extract_strided_slice %max3A_941 {offsets = [4, 0], sizes = [4, 512], strides = [1, 1]} : vector<8x512xf32> to vector<4x512xf32>
    %min3A_952 = arith.minimumf %slice3A_942, %slice3A_947 : vector<4x512xf32>
    %max3A_953 = arith.maximumf %slice3A_942, %slice3A_947 : vector<4x512xf32>
    %min3A_954 = arith.minimumf %slice3A_946, %slice3A_951 : vector<4x512xf32>
    %min3A_955 = arith.minimumf %max3A_953, %min3A_954 : vector<4x512xf32>
    %min3A_956 = arith.minimumf %slice3A_944, %slice3A_949 : vector<4x512xf32>
    %min3A_957 = arith.minimumf %min3A_955, %min3A_956 : vector<4x512xf32>
    %max3A_958 = arith.maximumf %min3A_955, %min3A_956 : vector<4x512xf32>
    %min3A_959 = arith.minimumf %slice3A_943, %slice3A_948 : vector<4x512xf32>
    %max3A_960 = arith.maximumf %slice3A_943, %slice3A_948 : vector<4x512xf32>
    %min3A_961 = arith.minimumf %slice3A_945, %slice3A_950 : vector<4x512xf32>
    %min3A_962 = arith.minimumf %max3A_960, %min3A_961 : vector<4x512xf32>
    %min3A_963 = arith.minimumf %min3A_957, %min3A_959 : vector<4x512xf32>
    %max3A_964 = arith.maximumf %min3A_957, %min3A_959 : vector<4x512xf32>
    %min3A_965 = arith.minimumf %max3A_958, %min3A_962 : vector<4x512xf32>
    %max3A_966 = arith.maximumf %max3A_958, %min3A_962 : vector<4x512xf32>
    %slice3A_967 = vector.extract_strided_slice %min3A_952 {offsets = [0, 0], sizes = [2, 512], strides = [1, 1]} : vector<4x512xf32> to vector<2x512xf32>
    %slice3A_968 = vector.extract_strided_slice %min3A_963 {offsets = [0, 0], sizes = [2, 512], strides = [1, 1]} : vector<4x512xf32> to vector<2x512xf32>
    %slice3A_969 = vector.extract_strided_slice %max3A_964 {offsets = [0, 0], sizes = [2, 512], strides = [1, 1]} : vector<4x512xf32> to vector<2x512xf32>
    %slice3A_970 = vector.extract_strided_slice %min3A_965 {offsets = [0, 0], sizes = [2, 512], strides = [1, 1]} : vector<4x512xf32> to vector<2x512xf32>
    %slice3A_971 = vector.extract_strided_slice %max3A_966 {offsets = [0, 0], sizes = [2, 512], strides = [1, 1]} : vector<4x512xf32> to vector<2x512xf32>
    %slice3A_972 = vector.extract_strided_slice %min3A_952 {offsets = [2, 0], sizes = [2, 512], strides = [1, 1]} : vector<4x512xf32> to vector<2x512xf32>
    %slice3A_973 = vector.extract_strided_slice %min3A_963 {offsets = [2, 0], sizes = [2, 512], strides = [1, 1]} : vector<4x512xf32> to vector<2x512xf32>
    %slice3A_974 = vector.extract_strided_slice %max3A_964 {offsets = [2, 0], sizes = [2, 512], strides = [1, 1]} : vector<4x512xf32> to vector<2x512xf32>
    %slice3A_975 = vector.extract_strided_slice %min3A_965 {offsets = [2, 0], sizes = [2, 512], strides = [1, 1]} : vector<4x512xf32> to vector<2x512xf32>
    %slice3A_976 = vector.extract_strided_slice %max3A_966 {offsets = [2, 0], sizes = [2, 512], strides = [1, 1]} : vector<4x512xf32> to vector<2x512xf32>
    %min3A_977 = arith.minimumf %slice3A_967, %slice3A_972 : vector<2x512xf32>
    %max3A_978 = arith.maximumf %slice3A_967, %slice3A_972 : vector<2x512xf32>
    %min3A_979 = arith.minimumf %slice3A_971, %slice3A_976 : vector<2x512xf32>
    %min3A_980 = arith.minimumf %max3A_978, %min3A_979 : vector<2x512xf32>
    %min3A_981 = arith.minimumf %slice3A_969, %slice3A_974 : vector<2x512xf32>
    %min3A_982 = arith.minimumf %min3A_980, %min3A_981 : vector<2x512xf32>
    %max3A_983 = arith.maximumf %min3A_980, %min3A_981 : vector<2x512xf32>
    %min3A_984 = arith.minimumf %slice3A_968, %slice3A_973 : vector<2x512xf32>
    %max3A_985 = arith.maximumf %slice3A_968, %slice3A_973 : vector<2x512xf32>
    %min3A_986 = arith.minimumf %slice3A_970, %slice3A_975 : vector<2x512xf32>
    %min3A_987 = arith.minimumf %max3A_985, %min3A_986 : vector<2x512xf32>
    %min3A_988 = arith.minimumf %min3A_982, %min3A_984 : vector<2x512xf32>
    %max3A_989 = arith.maximumf %min3A_982, %min3A_984 : vector<2x512xf32>
    %min3A_990 = arith.minimumf %max3A_983, %min3A_987 : vector<2x512xf32>
    %max3A_991 = arith.maximumf %max3A_983, %min3A_987 : vector<2x512xf32>
    %slice3A_992 = vector.extract_strided_slice %min3A_977 {offsets = [0, 0], sizes = [1, 512], strides = [1, 1]} : vector<2x512xf32> to vector<1x512xf32>
    %slice3A_993 = vector.extract_strided_slice %min3A_988 {offsets = [0, 0], sizes = [1, 512], strides = [1, 1]} : vector<2x512xf32> to vector<1x512xf32>
    %slice3A_994 = vector.extract_strided_slice %max3A_989 {offsets = [0, 0], sizes = [1, 512], strides = [1, 1]} : vector<2x512xf32> to vector<1x512xf32>
    %slice3A_995 = vector.extract_strided_slice %min3A_990 {offsets = [0, 0], sizes = [1, 512], strides = [1, 1]} : vector<2x512xf32> to vector<1x512xf32>
    %slice3A_996 = vector.extract_strided_slice %max3A_991 {offsets = [0, 0], sizes = [1, 512], strides = [1, 1]} : vector<2x512xf32> to vector<1x512xf32>
    %slice3A_997 = vector.extract_strided_slice %min3A_977 {offsets = [1, 0], sizes = [1, 512], strides = [1, 1]} : vector<2x512xf32> to vector<1x512xf32>
    %slice3A_998 = vector.extract_strided_slice %min3A_988 {offsets = [1, 0], sizes = [1, 512], strides = [1, 1]} : vector<2x512xf32> to vector<1x512xf32>
    %slice3A_999 = vector.extract_strided_slice %max3A_989 {offsets = [1, 0], sizes = [1, 512], strides = [1, 1]} : vector<2x512xf32> to vector<1x512xf32>
    %slice3A_1000 = vector.extract_strided_slice %min3A_990 {offsets = [1, 0], sizes = [1, 512], strides = [1, 1]} : vector<2x512xf32> to vector<1x512xf32>
    %slice3A_1001 = vector.extract_strided_slice %max3A_991 {offsets = [1, 0], sizes = [1, 512], strides = [1, 1]} : vector<2x512xf32> to vector<1x512xf32>
    %min3A_1002 = arith.minimumf %slice3A_992, %slice3A_997 : vector<1x512xf32>
    %max3A_1003 = arith.maximumf %slice3A_992, %slice3A_997 : vector<1x512xf32>
    %min3A_1004 = arith.minimumf %slice3A_996, %slice3A_1001 : vector<1x512xf32>
    %min3A_1005 = arith.minimumf %max3A_1003, %min3A_1004 : vector<1x512xf32>
    %min3A_1006 = arith.minimumf %slice3A_994, %slice3A_999 : vector<1x512xf32>
    %min3A_1007 = arith.minimumf %min3A_1005, %min3A_1006 : vector<1x512xf32>
    %max3A_1008 = arith.maximumf %min3A_1005, %min3A_1006 : vector<1x512xf32>
    %min3A_1009 = arith.minimumf %slice3A_993, %slice3A_998 : vector<1x512xf32>
    %max3A_1010 = arith.maximumf %slice3A_993, %slice3A_998 : vector<1x512xf32>
    %min3A_1011 = arith.minimumf %slice3A_995, %slice3A_1000 : vector<1x512xf32>
    %min3A_1012 = arith.minimumf %max3A_1010, %min3A_1011 : vector<1x512xf32>
    %min3A_1013 = arith.minimumf %min3A_1007, %min3A_1009 : vector<1x512xf32>
    %max3A_1014 = arith.maximumf %min3A_1007, %min3A_1009 : vector<1x512xf32>
    %min3A_1015 = arith.minimumf %max3A_1008, %min3A_1012 : vector<1x512xf32>
    %max3A_1016 = arith.maximumf %max3A_1008, %min3A_1012 : vector<1x512xf32>
    %min3A_1017 = arith.minimumf %min3A_728, %min3A_1002 : vector<1x512xf32>
    %max3A_1018 = arith.maximumf %min3A_728, %min3A_1002 : vector<1x512xf32>
    %min3A_1019 = arith.minimumf %max3A_742, %max3A_1016 : vector<1x512xf32>
    %min3A_1020 = arith.minimumf %max3A_1018, %min3A_1019 : vector<1x512xf32>
    %min3A_1021 = arith.minimumf %max3A_740, %max3A_1014 : vector<1x512xf32>
    %min3A_1022 = arith.minimumf %min3A_1020, %min3A_1021 : vector<1x512xf32>
    %max3A_1023 = arith.maximumf %min3A_1020, %min3A_1021 : vector<1x512xf32>
    %min3A_1024 = arith.minimumf %min3A_739, %min3A_1013 : vector<1x512xf32>
    %max3A_1025 = arith.maximumf %min3A_739, %min3A_1013 : vector<1x512xf32>
    %min3A_1026 = arith.minimumf %min3A_741, %min3A_1015 : vector<1x512xf32>
    %min3A_1027 = arith.minimumf %max3A_1025, %min3A_1026 : vector<1x512xf32>
    %min3A_1028 = arith.minimumf %min3A_1022, %min3A_1024 : vector<1x512xf32>
    %max3A_1029 = arith.maximumf %min3A_1022, %min3A_1024 : vector<1x512xf32>
    %min3A_1030 = arith.minimumf %max3A_1023, %min3A_1027 : vector<1x512xf32>
    %max3A_1031 = arith.maximumf %max3A_1023, %min3A_1027 : vector<1x512xf32>
    %get3A_1032 = arith.constant 0 : index
    %get3A_1033 = arith.constant 12288 : index
    %get3A_1034 = vector.load %arg2[%get3A_1032, %get3A_1033] : memref<4x20480xf32, #tpu.memory_space<vmem>>, vector<4x4096xf32>
    %get3A_1035 = arith.constant 12288 : index
    %get3A_1036 = arith.constant 0 : index
    %get3A_1037 = vector.load %arg3[%get3A_1035, %get3A_1036] : memref<20480x4xf32, #tpu.memory_space<vmem>>, vector<4096x4xf32>
    %mul3A_1038 = arith.mulf %get3A_1037, %get3A_1037 : vector<4096x4xf32>
    %reduce_sum3A_1039 = arith.constant dense<0.000000e+00> : vector<4096xf32>
    %reduce_sum3A_1040 = vector.multi_reduction <add>, %mul3A_1038, %reduce_sum3A_1039 [1] : vector<4096x4xf32> to vector<4096xf32>
    %broadcast_in_dim3A_1041 = vector.shape_cast %reduce_sum3A_1040 : vector<4096xf32> to vector<4096x1xf32>
    %dot_general3A_1042 = arith.constant dense<0.000000e+00> : vector<4096x512xf32>
    %dot_general3A_1043 = tpu.matmul %get3A_1034, %add3A_155, %dot_general3A_1042 {dimension_numbers = #tpu.dot_dimension_numbers<[0], [0], [1], [1], [0, 1, 1, 1], [], []>, transpose_lhs_hint = false} : vector<4x4096xf32>, vector<4x512xf32>, vector<4096x512xf32> -> vector<4096x512xf32>
    %sub3A_1044 = vector.broadcast %broadcast_in_dim3A_1041 : vector<4096x1xf32> to vector<4096x512xf32>
    %sub3A_1045 = arith.subf %sub3A_1044, %dot_general3A_1043 : vector<4096x512xf32>
    %slice3A_1046 = vector.extract_strided_slice %sub3A_1045 {offsets = [0, 0], sizes = [2048, 512], strides = [1, 1]} : vector<4096x512xf32> to vector<2048x512xf32>
    %slice3A_1047 = vector.extract_strided_slice %sub3A_1045 {offsets = [2048, 0], sizes = [2048, 512], strides = [1, 1]} : vector<4096x512xf32> to vector<2048x512xf32>
    %min3A_1048 = arith.minimumf %slice3A_1046, %slice3A_1047 : vector<2048x512xf32>
    %max3A_1049 = arith.maximumf %slice3A_1046, %slice3A_1047 : vector<2048x512xf32>
    %slice3A_1050 = vector.extract_strided_slice %min3A_1048 {offsets = [0, 0], sizes = [1024, 512], strides = [1, 1]} : vector<2048x512xf32> to vector<1024x512xf32>
    %slice3A_1051 = vector.extract_strided_slice %max3A_1049 {offsets = [0, 0], sizes = [1024, 512], strides = [1, 1]} : vector<2048x512xf32> to vector<1024x512xf32>
    %slice3A_1052 = vector.extract_strided_slice %min3A_1048 {offsets = [1024, 0], sizes = [1024, 512], strides = [1, 1]} : vector<2048x512xf32> to vector<1024x512xf32>
    %slice3A_1053 = vector.extract_strided_slice %max3A_1049 {offsets = [1024, 0], sizes = [1024, 512], strides = [1, 1]} : vector<2048x512xf32> to vector<1024x512xf32>
    %min3A_1054 = arith.minimumf %slice3A_1050, %slice3A_1052 : vector<1024x512xf32>
    %max3A_1055 = arith.maximumf %slice3A_1050, %slice3A_1052 : vector<1024x512xf32>
    %min3A_1056 = arith.minimumf %slice3A_1051, %slice3A_1053 : vector<1024x512xf32>
    %max3A_1057 = arith.maximumf %slice3A_1051, %slice3A_1053 : vector<1024x512xf32>
    %min3A_1058 = arith.minimumf %max3A_1055, %min3A_1056 : vector<1024x512xf32>
    %max3A_1059 = arith.maximumf %max3A_1055, %min3A_1056 : vector<1024x512xf32>
    %slice3A_1060 = vector.extract_strided_slice %min3A_1054 {offsets = [0, 0], sizes = [512, 512], strides = [1, 1]} : vector<1024x512xf32> to vector<512x512xf32>
    %slice3A_1061 = vector.extract_strided_slice %min3A_1058 {offsets = [0, 0], sizes = [512, 512], strides = [1, 1]} : vector<1024x512xf32> to vector<512x512xf32>
    %slice3A_1062 = vector.extract_strided_slice %max3A_1059 {offsets = [0, 0], sizes = [512, 512], strides = [1, 1]} : vector<1024x512xf32> to vector<512x512xf32>
    %slice3A_1063 = vector.extract_strided_slice %max3A_1057 {offsets = [0, 0], sizes = [512, 512], strides = [1, 1]} : vector<1024x512xf32> to vector<512x512xf32>
    %slice3A_1064 = vector.extract_strided_slice %min3A_1054 {offsets = [512, 0], sizes = [512, 512], strides = [1, 1]} : vector<1024x512xf32> to vector<512x512xf32>
    %slice3A_1065 = vector.extract_strided_slice %min3A_1058 {offsets = [512, 0], sizes = [512, 512], strides = [1, 1]} : vector<1024x512xf32> to vector<512x512xf32>
    %slice3A_1066 = vector.extract_strided_slice %max3A_1059 {offsets = [512, 0], sizes = [512, 512], strides = [1, 1]} : vector<1024x512xf32> to vector<512x512xf32>
    %slice3A_1067 = vector.extract_strided_slice %max3A_1057 {offsets = [512, 0], sizes = [512, 512], strides = [1, 1]} : vector<1024x512xf32> to vector<512x512xf32>
    %min3A_1068 = arith.minimumf %slice3A_1060, %slice3A_1064 : vector<512x512xf32>
    %max3A_1069 = arith.maximumf %slice3A_1060, %slice3A_1064 : vector<512x512xf32>
    %min3A_1070 = arith.minimumf %slice3A_1062, %slice3A_1066 : vector<512x512xf32>
    %min3A_1071 = arith.minimumf %max3A_1069, %min3A_1070 : vector<512x512xf32>
    %max3A_1072 = arith.maximumf %max3A_1069, %min3A_1070 : vector<512x512xf32>
    %min3A_1073 = arith.minimumf %slice3A_1061, %slice3A_1065 : vector<512x512xf32>
    %max3A_1074 = arith.maximumf %slice3A_1061, %slice3A_1065 : vector<512x512xf32>
    %min3A_1075 = arith.minimumf %slice3A_1063, %slice3A_1067 : vector<512x512xf32>
    %min3A_1076 = arith.minimumf %max3A_1074, %min3A_1075 : vector<512x512xf32>
    %min3A_1077 = arith.minimumf %min3A_1071, %min3A_1073 : vector<512x512xf32>
    %max3A_1078 = arith.maximumf %min3A_1071, %min3A_1073 : vector<512x512xf32>
    %min3A_1079 = arith.minimumf %max3A_1072, %min3A_1076 : vector<512x512xf32>
    %max3A_1080 = arith.maximumf %max3A_1072, %min3A_1076 : vector<512x512xf32>
    %slice3A_1081 = vector.extract_strided_slice %min3A_1068 {offsets = [0, 0], sizes = [256, 512], strides = [1, 1]} : vector<512x512xf32> to vector<256x512xf32>
    %slice3A_1082 = vector.extract_strided_slice %min3A_1077 {offsets = [0, 0], sizes = [256, 512], strides = [1, 1]} : vector<512x512xf32> to vector<256x512xf32>
    %slice3A_1083 = vector.extract_strided_slice %max3A_1078 {offsets = [0, 0], sizes = [256, 512], strides = [1, 1]} : vector<512x512xf32> to vector<256x512xf32>
    %slice3A_1084 = vector.extract_strided_slice %min3A_1079 {offsets = [0, 0], sizes = [256, 512], strides = [1, 1]} : vector<512x512xf32> to vector<256x512xf32>
    %slice3A_1085 = vector.extract_strided_slice %max3A_1080 {offsets = [0, 0], sizes = [256, 512], strides = [1, 1]} : vector<512x512xf32> to vector<256x512xf32>
    %slice3A_1086 = vector.extract_strided_slice %min3A_1068 {offsets = [256, 0], sizes = [256, 512], strides = [1, 1]} : vector<512x512xf32> to vector<256x512xf32>
    %slice3A_1087 = vector.extract_strided_slice %min3A_1077 {offsets = [256, 0], sizes = [256, 512], strides = [1, 1]} : vector<512x512xf32> to vector<256x512xf32>
    %slice3A_1088 = vector.extract_strided_slice %max3A_1078 {offsets = [256, 0], sizes = [256, 512], strides = [1, 1]} : vector<512x512xf32> to vector<256x512xf32>
    %slice3A_1089 = vector.extract_strided_slice %min3A_1079 {offsets = [256, 0], sizes = [256, 512], strides = [1, 1]} : vector<512x512xf32> to vector<256x512xf32>
    %slice3A_1090 = vector.extract_strided_slice %max3A_1080 {offsets = [256, 0], sizes = [256, 512], strides = [1, 1]} : vector<512x512xf32> to vector<256x512xf32>
    %min3A_1091 = arith.minimumf %slice3A_1081, %slice3A_1086 : vector<256x512xf32>
    %max3A_1092 = arith.maximumf %slice3A_1081, %slice3A_1086 : vector<256x512xf32>
    %min3A_1093 = arith.minimumf %slice3A_1085, %slice3A_1090 : vector<256x512xf32>
    %min3A_1094 = arith.minimumf %max3A_1092, %min3A_1093 : vector<256x512xf32>
    %min3A_1095 = arith.minimumf %slice3A_1083, %slice3A_1088 : vector<256x512xf32>
    %min3A_1096 = arith.minimumf %min3A_1094, %min3A_1095 : vector<256x512xf32>
    %max3A_1097 = arith.maximumf %min3A_1094, %min3A_1095 : vector<256x512xf32>
    %min3A_1098 = arith.minimumf %slice3A_1082, %slice3A_1087 : vector<256x512xf32>
    %max3A_1099 = arith.maximumf %slice3A_1082, %slice3A_1087 : vector<256x512xf32>
    %min3A_1100 = arith.minimumf %slice3A_1084, %slice3A_1089 : vector<256x512xf32>
    %min3A_1101 = arith.minimumf %max3A_1099, %min3A_1100 : vector<256x512xf32>
    %min3A_1102 = arith.minimumf %min3A_1096, %min3A_1098 : vector<256x512xf32>
    %max3A_1103 = arith.maximumf %min3A_1096, %min3A_1098 : vector<256x512xf32>
    %min3A_1104 = arith.minimumf %max3A_1097, %min3A_1101 : vector<256x512xf32>
    %max3A_1105 = arith.maximumf %max3A_1097, %min3A_1101 : vector<256x512xf32>
    %slice3A_1106 = vector.extract_strided_slice %min3A_1091 {offsets = [0, 0], sizes = [128, 512], strides = [1, 1]} : vector<256x512xf32> to vector<128x512xf32>
    %slice3A_1107 = vector.extract_strided_slice %min3A_1102 {offsets = [0, 0], sizes = [128, 512], strides = [1, 1]} : vector<256x512xf32> to vector<128x512xf32>
    %slice3A_1108 = vector.extract_strided_slice %max3A_1103 {offsets = [0, 0], sizes = [128, 512], strides = [1, 1]} : vector<256x512xf32> to vector<128x512xf32>
    %slice3A_1109 = vector.extract_strided_slice %min3A_1104 {offsets = [0, 0], sizes = [128, 512], strides = [1, 1]} : vector<256x512xf32> to vector<128x512xf32>
    %slice3A_1110 = vector.extract_strided_slice %max3A_1105 {offsets = [0, 0], sizes = [128, 512], strides = [1, 1]} : vector<256x512xf32> to vector<128x512xf32>
    %slice3A_1111 = vector.extract_strided_slice %min3A_1091 {offsets = [128, 0], sizes = [128, 512], strides = [1, 1]} : vector<256x512xf32> to vector<128x512xf32>
    %slice3A_1112 = vector.extract_strided_slice %min3A_1102 {offsets = [128, 0], sizes = [128, 512], strides = [1, 1]} : vector<256x512xf32> to vector<128x512xf32>
    %slice3A_1113 = vector.extract_strided_slice %max3A_1103 {offsets = [128, 0], sizes = [128, 512], strides = [1, 1]} : vector<256x512xf32> to vector<128x512xf32>
    %slice3A_1114 = vector.extract_strided_slice %min3A_1104 {offsets = [128, 0], sizes = [128, 512], strides = [1, 1]} : vector<256x512xf32> to vector<128x512xf32>
    %slice3A_1115 = vector.extract_strided_slice %max3A_1105 {offsets = [128, 0], sizes = [128, 512], strides = [1, 1]} : vector<256x512xf32> to vector<128x512xf32>
    %min3A_1116 = arith.minimumf %slice3A_1106, %slice3A_1111 : vector<128x512xf32>
    %max3A_1117 = arith.maximumf %slice3A_1106, %slice3A_1111 : vector<128x512xf32>
    %min3A_1118 = arith.minimumf %slice3A_1110, %slice3A_1115 : vector<128x512xf32>
    %min3A_1119 = arith.minimumf %max3A_1117, %min3A_1118 : vector<128x512xf32>
    %min3A_1120 = arith.minimumf %slice3A_1108, %slice3A_1113 : vector<128x512xf32>
    %min3A_1121 = arith.minimumf %min3A_1119, %min3A_1120 : vector<128x512xf32>
    %max3A_1122 = arith.maximumf %min3A_1119, %min3A_1120 : vector<128x512xf32>
    %min3A_1123 = arith.minimumf %slice3A_1107, %slice3A_1112 : vector<128x512xf32>
    %max3A_1124 = arith.maximumf %slice3A_1107, %slice3A_1112 : vector<128x512xf32>
    %min3A_1125 = arith.minimumf %slice3A_1109, %slice3A_1114 : vector<128x512xf32>
    %min3A_1126 = arith.minimumf %max3A_1124, %min3A_1125 : vector<128x512xf32>
    %min3A_1127 = arith.minimumf %min3A_1121, %min3A_1123 : vector<128x512xf32>
    %max3A_1128 = arith.maximumf %min3A_1121, %min3A_1123 : vector<128x512xf32>
    %min3A_1129 = arith.minimumf %max3A_1122, %min3A_1126 : vector<128x512xf32>
    %max3A_1130 = arith.maximumf %max3A_1122, %min3A_1126 : vector<128x512xf32>
    %slice3A_1131 = vector.extract_strided_slice %min3A_1116 {offsets = [0, 0], sizes = [64, 512], strides = [1, 1]} : vector<128x512xf32> to vector<64x512xf32>
    %slice3A_1132 = vector.extract_strided_slice %min3A_1127 {offsets = [0, 0], sizes = [64, 512], strides = [1, 1]} : vector<128x512xf32> to vector<64x512xf32>
    %slice3A_1133 = vector.extract_strided_slice %max3A_1128 {offsets = [0, 0], sizes = [64, 512], strides = [1, 1]} : vector<128x512xf32> to vector<64x512xf32>
    %slice3A_1134 = vector.extract_strided_slice %min3A_1129 {offsets = [0, 0], sizes = [64, 512], strides = [1, 1]} : vector<128x512xf32> to vector<64x512xf32>
    %slice3A_1135 = vector.extract_strided_slice %max3A_1130 {offsets = [0, 0], sizes = [64, 512], strides = [1, 1]} : vector<128x512xf32> to vector<64x512xf32>
    %slice3A_1136 = vector.extract_strided_slice %min3A_1116 {offsets = [64, 0], sizes = [64, 512], strides = [1, 1]} : vector<128x512xf32> to vector<64x512xf32>
    %slice3A_1137 = vector.extract_strided_slice %min3A_1127 {offsets = [64, 0], sizes = [64, 512], strides = [1, 1]} : vector<128x512xf32> to vector<64x512xf32>
    %slice3A_1138 = vector.extract_strided_slice %max3A_1128 {offsets = [64, 0], sizes = [64, 512], strides = [1, 1]} : vector<128x512xf32> to vector<64x512xf32>
    %slice3A_1139 = vector.extract_strided_slice %min3A_1129 {offsets = [64, 0], sizes = [64, 512], strides = [1, 1]} : vector<128x512xf32> to vector<64x512xf32>
    %slice3A_1140 = vector.extract_strided_slice %max3A_1130 {offsets = [64, 0], sizes = [64, 512], strides = [1, 1]} : vector<128x512xf32> to vector<64x512xf32>
    %min3A_1141 = arith.minimumf %slice3A_1131, %slice3A_1136 : vector<64x512xf32>
    %max3A_1142 = arith.maximumf %slice3A_1131, %slice3A_1136 : vector<64x512xf32>
    %min3A_1143 = arith.minimumf %slice3A_1135, %slice3A_1140 : vector<64x512xf32>
    %min3A_1144 = arith.minimumf %max3A_1142, %min3A_1143 : vector<64x512xf32>
    %min3A_1145 = arith.minimumf %slice3A_1133, %slice3A_1138 : vector<64x512xf32>
    %min3A_1146 = arith.minimumf %min3A_1144, %min3A_1145 : vector<64x512xf32>
    %max3A_1147 = arith.maximumf %min3A_1144, %min3A_1145 : vector<64x512xf32>
    %min3A_1148 = arith.minimumf %slice3A_1132, %slice3A_1137 : vector<64x512xf32>
    %max3A_1149 = arith.maximumf %slice3A_1132, %slice3A_1137 : vector<64x512xf32>
    %min3A_1150 = arith.minimumf %slice3A_1134, %slice3A_1139 : vector<64x512xf32>
    %min3A_1151 = arith.minimumf %max3A_1149, %min3A_1150 : vector<64x512xf32>
    %min3A_1152 = arith.minimumf %min3A_1146, %min3A_1148 : vector<64x512xf32>
    %max3A_1153 = arith.maximumf %min3A_1146, %min3A_1148 : vector<64x512xf32>
    %min3A_1154 = arith.minimumf %max3A_1147, %min3A_1151 : vector<64x512xf32>
    %max3A_1155 = arith.maximumf %max3A_1147, %min3A_1151 : vector<64x512xf32>
    %slice3A_1156 = vector.extract_strided_slice %min3A_1141 {offsets = [0, 0], sizes = [32, 512], strides = [1, 1]} : vector<64x512xf32> to vector<32x512xf32>
    %slice3A_1157 = vector.extract_strided_slice %min3A_1152 {offsets = [0, 0], sizes = [32, 512], strides = [1, 1]} : vector<64x512xf32> to vector<32x512xf32>
    %slice3A_1158 = vector.extract_strided_slice %max3A_1153 {offsets = [0, 0], sizes = [32, 512], strides = [1, 1]} : vector<64x512xf32> to vector<32x512xf32>
    %slice3A_1159 = vector.extract_strided_slice %min3A_1154 {offsets = [0, 0], sizes = [32, 512], strides = [1, 1]} : vector<64x512xf32> to vector<32x512xf32>
    %slice3A_1160 = vector.extract_strided_slice %max3A_1155 {offsets = [0, 0], sizes = [32, 512], strides = [1, 1]} : vector<64x512xf32> to vector<32x512xf32>
    %slice3A_1161 = vector.extract_strided_slice %min3A_1141 {offsets = [32, 0], sizes = [32, 512], strides = [1, 1]} : vector<64x512xf32> to vector<32x512xf32>
    %slice3A_1162 = vector.extract_strided_slice %min3A_1152 {offsets = [32, 0], sizes = [32, 512], strides = [1, 1]} : vector<64x512xf32> to vector<32x512xf32>
    %slice3A_1163 = vector.extract_strided_slice %max3A_1153 {offsets = [32, 0], sizes = [32, 512], strides = [1, 1]} : vector<64x512xf32> to vector<32x512xf32>
    %slice3A_1164 = vector.extract_strided_slice %min3A_1154 {offsets = [32, 0], sizes = [32, 512], strides = [1, 1]} : vector<64x512xf32> to vector<32x512xf32>
    %slice3A_1165 = vector.extract_strided_slice %max3A_1155 {offsets = [32, 0], sizes = [32, 512], strides = [1, 1]} : vector<64x512xf32> to vector<32x512xf32>
    %min3A_1166 = arith.minimumf %slice3A_1156, %slice3A_1161 : vector<32x512xf32>
    %max3A_1167 = arith.maximumf %slice3A_1156, %slice3A_1161 : vector<32x512xf32>
    %min3A_1168 = arith.minimumf %slice3A_1160, %slice3A_1165 : vector<32x512xf32>
    %min3A_1169 = arith.minimumf %max3A_1167, %min3A_1168 : vector<32x512xf32>
    %min3A_1170 = arith.minimumf %slice3A_1158, %slice3A_1163 : vector<32x512xf32>
    %min3A_1171 = arith.minimumf %min3A_1169, %min3A_1170 : vector<32x512xf32>
    %max3A_1172 = arith.maximumf %min3A_1169, %min3A_1170 : vector<32x512xf32>
    %min3A_1173 = arith.minimumf %slice3A_1157, %slice3A_1162 : vector<32x512xf32>
    %max3A_1174 = arith.maximumf %slice3A_1157, %slice3A_1162 : vector<32x512xf32>
    %min3A_1175 = arith.minimumf %slice3A_1159, %slice3A_1164 : vector<32x512xf32>
    %min3A_1176 = arith.minimumf %max3A_1174, %min3A_1175 : vector<32x512xf32>
    %min3A_1177 = arith.minimumf %min3A_1171, %min3A_1173 : vector<32x512xf32>
    %max3A_1178 = arith.maximumf %min3A_1171, %min3A_1173 : vector<32x512xf32>
    %min3A_1179 = arith.minimumf %max3A_1172, %min3A_1176 : vector<32x512xf32>
    %max3A_1180 = arith.maximumf %max3A_1172, %min3A_1176 : vector<32x512xf32>
    %slice3A_1181 = vector.extract_strided_slice %min3A_1166 {offsets = [0, 0], sizes = [16, 512], strides = [1, 1]} : vector<32x512xf32> to vector<16x512xf32>
    %slice3A_1182 = vector.extract_strided_slice %min3A_1177 {offsets = [0, 0], sizes = [16, 512], strides = [1, 1]} : vector<32x512xf32> to vector<16x512xf32>
    %slice3A_1183 = vector.extract_strided_slice %max3A_1178 {offsets = [0, 0], sizes = [16, 512], strides = [1, 1]} : vector<32x512xf32> to vector<16x512xf32>
    %slice3A_1184 = vector.extract_strided_slice %min3A_1179 {offsets = [0, 0], sizes = [16, 512], strides = [1, 1]} : vector<32x512xf32> to vector<16x512xf32>
    %slice3A_1185 = vector.extract_strided_slice %max3A_1180 {offsets = [0, 0], sizes = [16, 512], strides = [1, 1]} : vector<32x512xf32> to vector<16x512xf32>
    %slice3A_1186 = vector.extract_strided_slice %min3A_1166 {offsets = [16, 0], sizes = [16, 512], strides = [1, 1]} : vector<32x512xf32> to vector<16x512xf32>
    %slice3A_1187 = vector.extract_strided_slice %min3A_1177 {offsets = [16, 0], sizes = [16, 512], strides = [1, 1]} : vector<32x512xf32> to vector<16x512xf32>
    %slice3A_1188 = vector.extract_strided_slice %max3A_1178 {offsets = [16, 0], sizes = [16, 512], strides = [1, 1]} : vector<32x512xf32> to vector<16x512xf32>
    %slice3A_1189 = vector.extract_strided_slice %min3A_1179 {offsets = [16, 0], sizes = [16, 512], strides = [1, 1]} : vector<32x512xf32> to vector<16x512xf32>
    %slice3A_1190 = vector.extract_strided_slice %max3A_1180 {offsets = [16, 0], sizes = [16, 512], strides = [1, 1]} : vector<32x512xf32> to vector<16x512xf32>
    %min3A_1191 = arith.minimumf %slice3A_1181, %slice3A_1186 : vector<16x512xf32>
    %max3A_1192 = arith.maximumf %slice3A_1181, %slice3A_1186 : vector<16x512xf32>
    %min3A_1193 = arith.minimumf %slice3A_1185, %slice3A_1190 : vector<16x512xf32>
    %min3A_1194 = arith.minimumf %max3A_1192, %min3A_1193 : vector<16x512xf32>
    %min3A_1195 = arith.minimumf %slice3A_1183, %slice3A_1188 : vector<16x512xf32>
    %min3A_1196 = arith.minimumf %min3A_1194, %min3A_1195 : vector<16x512xf32>
    %max3A_1197 = arith.maximumf %min3A_1194, %min3A_1195 : vector<16x512xf32>
    %min3A_1198 = arith.minimumf %slice3A_1182, %slice3A_1187 : vector<16x512xf32>
    %max3A_1199 = arith.maximumf %slice3A_1182, %slice3A_1187 : vector<16x512xf32>
    %min3A_1200 = arith.minimumf %slice3A_1184, %slice3A_1189 : vector<16x512xf32>
    %min3A_1201 = arith.minimumf %max3A_1199, %min3A_1200 : vector<16x512xf32>
    %min3A_1202 = arith.minimumf %min3A_1196, %min3A_1198 : vector<16x512xf32>
    %max3A_1203 = arith.maximumf %min3A_1196, %min3A_1198 : vector<16x512xf32>
    %min3A_1204 = arith.minimumf %max3A_1197, %min3A_1201 : vector<16x512xf32>
    %max3A_1205 = arith.maximumf %max3A_1197, %min3A_1201 : vector<16x512xf32>
    %slice3A_1206 = vector.extract_strided_slice %min3A_1191 {offsets = [0, 0], sizes = [8, 512], strides = [1, 1]} : vector<16x512xf32> to vector<8x512xf32>
    %slice3A_1207 = vector.extract_strided_slice %min3A_1202 {offsets = [0, 0], sizes = [8, 512], strides = [1, 1]} : vector<16x512xf32> to vector<8x512xf32>
    %slice3A_1208 = vector.extract_strided_slice %max3A_1203 {offsets = [0, 0], sizes = [8, 512], strides = [1, 1]} : vector<16x512xf32> to vector<8x512xf32>
    %slice3A_1209 = vector.extract_strided_slice %min3A_1204 {offsets = [0, 0], sizes = [8, 512], strides = [1, 1]} : vector<16x512xf32> to vector<8x512xf32>
    %slice3A_1210 = vector.extract_strided_slice %max3A_1205 {offsets = [0, 0], sizes = [8, 512], strides = [1, 1]} : vector<16x512xf32> to vector<8x512xf32>
    %slice3A_1211 = vector.extract_strided_slice %min3A_1191 {offsets = [8, 0], sizes = [8, 512], strides = [1, 1]} : vector<16x512xf32> to vector<8x512xf32>
    %slice3A_1212 = vector.extract_strided_slice %min3A_1202 {offsets = [8, 0], sizes = [8, 512], strides = [1, 1]} : vector<16x512xf32> to vector<8x512xf32>
    %slice3A_1213 = vector.extract_strided_slice %max3A_1203 {offsets = [8, 0], sizes = [8, 512], strides = [1, 1]} : vector<16x512xf32> to vector<8x512xf32>
    %slice3A_1214 = vector.extract_strided_slice %min3A_1204 {offsets = [8, 0], sizes = [8, 512], strides = [1, 1]} : vector<16x512xf32> to vector<8x512xf32>
    %slice3A_1215 = vector.extract_strided_slice %max3A_1205 {offsets = [8, 0], sizes = [8, 512], strides = [1, 1]} : vector<16x512xf32> to vector<8x512xf32>
    %min3A_1216 = arith.minimumf %slice3A_1206, %slice3A_1211 : vector<8x512xf32>
    %max3A_1217 = arith.maximumf %slice3A_1206, %slice3A_1211 : vector<8x512xf32>
    %min3A_1218 = arith.minimumf %slice3A_1210, %slice3A_1215 : vector<8x512xf32>
    %min3A_1219 = arith.minimumf %max3A_1217, %min3A_1218 : vector<8x512xf32>
    %min3A_1220 = arith.minimumf %slice3A_1208, %slice3A_1213 : vector<8x512xf32>
    %min3A_1221 = arith.minimumf %min3A_1219, %min3A_1220 : vector<8x512xf32>
    %max3A_1222 = arith.maximumf %min3A_1219, %min3A_1220 : vector<8x512xf32>
    %min3A_1223 = arith.minimumf %slice3A_1207, %slice3A_1212 : vector<8x512xf32>
    %max3A_1224 = arith.maximumf %slice3A_1207, %slice3A_1212 : vector<8x512xf32>
    %min3A_1225 = arith.minimumf %slice3A_1209, %slice3A_1214 : vector<8x512xf32>
    %min3A_1226 = arith.minimumf %max3A_1224, %min3A_1225 : vector<8x512xf32>
    %min3A_1227 = arith.minimumf %min3A_1221, %min3A_1223 : vector<8x512xf32>
    %max3A_1228 = arith.maximumf %min3A_1221, %min3A_1223 : vector<8x512xf32>
    %min3A_1229 = arith.minimumf %max3A_1222, %min3A_1226 : vector<8x512xf32>
    %max3A_1230 = arith.maximumf %max3A_1222, %min3A_1226 : vector<8x512xf32>
    %slice3A_1231 = vector.extract_strided_slice %min3A_1216 {offsets = [0, 0], sizes = [4, 512], strides = [1, 1]} : vector<8x512xf32> to vector<4x512xf32>
    %slice3A_1232 = vector.extract_strided_slice %min3A_1227 {offsets = [0, 0], sizes = [4, 512], strides = [1, 1]} : vector<8x512xf32> to vector<4x512xf32>
    %slice3A_1233 = vector.extract_strided_slice %max3A_1228 {offsets = [0, 0], sizes = [4, 512], strides = [1, 1]} : vector<8x512xf32> to vector<4x512xf32>
    %slice3A_1234 = vector.extract_strided_slice %min3A_1229 {offsets = [0, 0], sizes = [4, 512], strides = [1, 1]} : vector<8x512xf32> to vector<4x512xf32>
    %slice3A_1235 = vector.extract_strided_slice %max3A_1230 {offsets = [0, 0], sizes = [4, 512], strides = [1, 1]} : vector<8x512xf32> to vector<4x512xf32>
    %slice3A_1236 = vector.extract_strided_slice %min3A_1216 {offsets = [4, 0], sizes = [4, 512], strides = [1, 1]} : vector<8x512xf32> to vector<4x512xf32>
    %slice3A_1237 = vector.extract_strided_slice %min3A_1227 {offsets = [4, 0], sizes = [4, 512], strides = [1, 1]} : vector<8x512xf32> to vector<4x512xf32>
    %slice3A_1238 = vector.extract_strided_slice %max3A_1228 {offsets = [4, 0], sizes = [4, 512], strides = [1, 1]} : vector<8x512xf32> to vector<4x512xf32>
    %slice3A_1239 = vector.extract_strided_slice %min3A_1229 {offsets = [4, 0], sizes = [4, 512], strides = [1, 1]} : vector<8x512xf32> to vector<4x512xf32>
    %slice3A_1240 = vector.extract_strided_slice %max3A_1230 {offsets = [4, 0], sizes = [4, 512], strides = [1, 1]} : vector<8x512xf32> to vector<4x512xf32>
    %min3A_1241 = arith.minimumf %slice3A_1231, %slice3A_1236 : vector<4x512xf32>
    %max3A_1242 = arith.maximumf %slice3A_1231, %slice3A_1236 : vector<4x512xf32>
    %min3A_1243 = arith.minimumf %slice3A_1235, %slice3A_1240 : vector<4x512xf32>
    %min3A_1244 = arith.minimumf %max3A_1242, %min3A_1243 : vector<4x512xf32>
    %min3A_1245 = arith.minimumf %slice3A_1233, %slice3A_1238 : vector<4x512xf32>
    %min3A_1246 = arith.minimumf %min3A_1244, %min3A_1245 : vector<4x512xf32>
    %max3A_1247 = arith.maximumf %min3A_1244, %min3A_1245 : vector<4x512xf32>
    %min3A_1248 = arith.minimumf %slice3A_1232, %slice3A_1237 : vector<4x512xf32>
    %max3A_1249 = arith.maximumf %slice3A_1232, %slice3A_1237 : vector<4x512xf32>
    %min3A_1250 = arith.minimumf %slice3A_1234, %slice3A_1239 : vector<4x512xf32>
    %min3A_1251 = arith.minimumf %max3A_1249, %min3A_1250 : vector<4x512xf32>
    %min3A_1252 = arith.minimumf %min3A_1246, %min3A_1248 : vector<4x512xf32>
    %max3A_1253 = arith.maximumf %min3A_1246, %min3A_1248 : vector<4x512xf32>
    %min3A_1254 = arith.minimumf %max3A_1247, %min3A_1251 : vector<4x512xf32>
    %max3A_1255 = arith.maximumf %max3A_1247, %min3A_1251 : vector<4x512xf32>
    %slice3A_1256 = vector.extract_strided_slice %min3A_1241 {offsets = [0, 0], sizes = [2, 512], strides = [1, 1]} : vector<4x512xf32> to vector<2x512xf32>
    %slice3A_1257 = vector.extract_strided_slice %min3A_1252 {offsets = [0, 0], sizes = [2, 512], strides = [1, 1]} : vector<4x512xf32> to vector<2x512xf32>
    %slice3A_1258 = vector.extract_strided_slice %max3A_1253 {offsets = [0, 0], sizes = [2, 512], strides = [1, 1]} : vector<4x512xf32> to vector<2x512xf32>
    %slice3A_1259 = vector.extract_strided_slice %min3A_1254 {offsets = [0, 0], sizes = [2, 512], strides = [1, 1]} : vector<4x512xf32> to vector<2x512xf32>
    %slice3A_1260 = vector.extract_strided_slice %max3A_1255 {offsets = [0, 0], sizes = [2, 512], strides = [1, 1]} : vector<4x512xf32> to vector<2x512xf32>
    %slice3A_1261 = vector.extract_strided_slice %min3A_1241 {offsets = [2, 0], sizes = [2, 512], strides = [1, 1]} : vector<4x512xf32> to vector<2x512xf32>
    %slice3A_1262 = vector.extract_strided_slice %min3A_1252 {offsets = [2, 0], sizes = [2, 512], strides = [1, 1]} : vector<4x512xf32> to vector<2x512xf32>
    %slice3A_1263 = vector.extract_strided_slice %max3A_1253 {offsets = [2, 0], sizes = [2, 512], strides = [1, 1]} : vector<4x512xf32> to vector<2x512xf32>
    %slice3A_1264 = vector.extract_strided_slice %min3A_1254 {offsets = [2, 0], sizes = [2, 512], strides = [1, 1]} : vector<4x512xf32> to vector<2x512xf32>
    %slice3A_1265 = vector.extract_strided_slice %max3A_1255 {offsets = [2, 0], sizes = [2, 512], strides = [1, 1]} : vector<4x512xf32> to vector<2x512xf32>
    %min3A_1266 = arith.minimumf %slice3A_1256, %slice3A_1261 : vector<2x512xf32>
    %max3A_1267 = arith.maximumf %slice3A_1256, %slice3A_1261 : vector<2x512xf32>
    %min3A_1268 = arith.minimumf %slice3A_1260, %slice3A_1265 : vector<2x512xf32>
    %min3A_1269 = arith.minimumf %max3A_1267, %min3A_1268 : vector<2x512xf32>
    %min3A_1270 = arith.minimumf %slice3A_1258, %slice3A_1263 : vector<2x512xf32>
    %min3A_1271 = arith.minimumf %min3A_1269, %min3A_1270 : vector<2x512xf32>
    %max3A_1272 = arith.maximumf %min3A_1269, %min3A_1270 : vector<2x512xf32>
    %min3A_1273 = arith.minimumf %slice3A_1257, %slice3A_1262 : vector<2x512xf32>
    %max3A_1274 = arith.maximumf %slice3A_1257, %slice3A_1262 : vector<2x512xf32>
    %min3A_1275 = arith.minimumf %slice3A_1259, %slice3A_1264 : vector<2x512xf32>
    %min3A_1276 = arith.minimumf %max3A_1274, %min3A_1275 : vector<2x512xf32>
    %min3A_1277 = arith.minimumf %min3A_1271, %min3A_1273 : vector<2x512xf32>
    %max3A_1278 = arith.maximumf %min3A_1271, %min3A_1273 : vector<2x512xf32>
    %min3A_1279 = arith.minimumf %max3A_1272, %min3A_1276 : vector<2x512xf32>
    %max3A_1280 = arith.maximumf %max3A_1272, %min3A_1276 : vector<2x512xf32>
    %slice3A_1281 = vector.extract_strided_slice %min3A_1266 {offsets = [0, 0], sizes = [1, 512], strides = [1, 1]} : vector<2x512xf32> to vector<1x512xf32>
    %slice3A_1282 = vector.extract_strided_slice %min3A_1277 {offsets = [0, 0], sizes = [1, 512], strides = [1, 1]} : vector<2x512xf32> to vector<1x512xf32>
    %slice3A_1283 = vector.extract_strided_slice %max3A_1278 {offsets = [0, 0], sizes = [1, 512], strides = [1, 1]} : vector<2x512xf32> to vector<1x512xf32>
    %slice3A_1284 = vector.extract_strided_slice %min3A_1279 {offsets = [0, 0], sizes = [1, 512], strides = [1, 1]} : vector<2x512xf32> to vector<1x512xf32>
    %slice3A_1285 = vector.extract_strided_slice %max3A_1280 {offsets = [0, 0], sizes = [1, 512], strides = [1, 1]} : vector<2x512xf32> to vector<1x512xf32>
    %slice3A_1286 = vector.extract_strided_slice %min3A_1266 {offsets = [1, 0], sizes = [1, 512], strides = [1, 1]} : vector<2x512xf32> to vector<1x512xf32>
    %slice3A_1287 = vector.extract_strided_slice %min3A_1277 {offsets = [1, 0], sizes = [1, 512], strides = [1, 1]} : vector<2x512xf32> to vector<1x512xf32>
    %slice3A_1288 = vector.extract_strided_slice %max3A_1278 {offsets = [1, 0], sizes = [1, 512], strides = [1, 1]} : vector<2x512xf32> to vector<1x512xf32>
    %slice3A_1289 = vector.extract_strided_slice %min3A_1279 {offsets = [1, 0], sizes = [1, 512], strides = [1, 1]} : vector<2x512xf32> to vector<1x512xf32>
    %slice3A_1290 = vector.extract_strided_slice %max3A_1280 {offsets = [1, 0], sizes = [1, 512], strides = [1, 1]} : vector<2x512xf32> to vector<1x512xf32>
    %min3A_1291 = arith.minimumf %slice3A_1281, %slice3A_1286 : vector<1x512xf32>
    %max3A_1292 = arith.maximumf %slice3A_1281, %slice3A_1286 : vector<1x512xf32>
    %min3A_1293 = arith.minimumf %slice3A_1285, %slice3A_1290 : vector<1x512xf32>
    %min3A_1294 = arith.minimumf %max3A_1292, %min3A_1293 : vector<1x512xf32>
    %min3A_1295 = arith.minimumf %slice3A_1283, %slice3A_1288 : vector<1x512xf32>
    %min3A_1296 = arith.minimumf %min3A_1294, %min3A_1295 : vector<1x512xf32>
    %max3A_1297 = arith.maximumf %min3A_1294, %min3A_1295 : vector<1x512xf32>
    %min3A_1298 = arith.minimumf %slice3A_1282, %slice3A_1287 : vector<1x512xf32>
    %max3A_1299 = arith.maximumf %slice3A_1282, %slice3A_1287 : vector<1x512xf32>
    %min3A_1300 = arith.minimumf %slice3A_1284, %slice3A_1289 : vector<1x512xf32>
    %min3A_1301 = arith.minimumf %max3A_1299, %min3A_1300 : vector<1x512xf32>
    %min3A_1302 = arith.minimumf %min3A_1296, %min3A_1298 : vector<1x512xf32>
    %max3A_1303 = arith.maximumf %min3A_1296, %min3A_1298 : vector<1x512xf32>
    %min3A_1304 = arith.minimumf %max3A_1297, %min3A_1301 : vector<1x512xf32>
    %max3A_1305 = arith.maximumf %max3A_1297, %min3A_1301 : vector<1x512xf32>
    %min3A_1306 = arith.minimumf %min3A_1017, %min3A_1291 : vector<1x512xf32>
    %max3A_1307 = arith.maximumf %min3A_1017, %min3A_1291 : vector<1x512xf32>
    %min3A_1308 = arith.minimumf %max3A_1031, %max3A_1305 : vector<1x512xf32>
    %min3A_1309 = arith.minimumf %max3A_1307, %min3A_1308 : vector<1x512xf32>
    %min3A_1310 = arith.minimumf %max3A_1029, %max3A_1303 : vector<1x512xf32>
    %min3A_1311 = arith.minimumf %min3A_1309, %min3A_1310 : vector<1x512xf32>
    %max3A_1312 = arith.maximumf %min3A_1309, %min3A_1310 : vector<1x512xf32>
    %min3A_1313 = arith.minimumf %min3A_1028, %min3A_1302 : vector<1x512xf32>
    %max3A_1314 = arith.maximumf %min3A_1028, %min3A_1302 : vector<1x512xf32>
    %min3A_1315 = arith.minimumf %min3A_1030, %min3A_1304 : vector<1x512xf32>
    %min3A_1316 = arith.minimumf %max3A_1314, %min3A_1315 : vector<1x512xf32>
    %min3A_1317 = arith.minimumf %min3A_1311, %min3A_1313 : vector<1x512xf32>
    %max3A_1318 = arith.maximumf %min3A_1311, %min3A_1313 : vector<1x512xf32>
    %min3A_1319 = arith.minimumf %max3A_1312, %min3A_1316 : vector<1x512xf32>
    %max3A_1320 = arith.maximumf %max3A_1312, %min3A_1316 : vector<1x512xf32>
    %get3A_1321 = arith.constant 0 : index
    %get3A_1322 = arith.constant 16384 : index
    %get3A_1323 = vector.load %arg2[%get3A_1321, %get3A_1322] : memref<4x20480xf32, #tpu.memory_space<vmem>>, vector<4x4096xf32>
    %get3A_1324 = arith.constant 16384 : index
    %get3A_1325 = arith.constant 0 : index
    %get3A_1326 = vector.load %arg3[%get3A_1324, %get3A_1325] : memref<20480x4xf32, #tpu.memory_space<vmem>>, vector<4096x4xf32>
    %mul3A_1327 = arith.mulf %get3A_1326, %get3A_1326 : vector<4096x4xf32>
    %reduce_sum3A_1328 = arith.constant dense<0.000000e+00> : vector<4096xf32>
    %reduce_sum3A_1329 = vector.multi_reduction <add>, %mul3A_1327, %reduce_sum3A_1328 [1] : vector<4096x4xf32> to vector<4096xf32>
    %broadcast_in_dim3A_1330 = vector.shape_cast %reduce_sum3A_1329 : vector<4096xf32> to vector<4096x1xf32>
    %dot_general3A_1331 = arith.constant dense<0.000000e+00> : vector<4096x512xf32>
    %dot_general3A_1332 = tpu.matmul %get3A_1323, %add3A_155, %dot_general3A_1331 {dimension_numbers = #tpu.dot_dimension_numbers<[0], [0], [1], [1], [0, 1, 1, 1], [], []>, transpose_lhs_hint = false} : vector<4x4096xf32>, vector<4x512xf32>, vector<4096x512xf32> -> vector<4096x512xf32>
    %sub3A_1333 = vector.broadcast %broadcast_in_dim3A_1330 : vector<4096x1xf32> to vector<4096x512xf32>
    %sub3A_1334 = arith.subf %sub3A_1333, %dot_general3A_1332 : vector<4096x512xf32>
    %slice3A_1335 = vector.extract_strided_slice %sub3A_1334 {offsets = [0, 0], sizes = [2048, 512], strides = [1, 1]} : vector<4096x512xf32> to vector<2048x512xf32>
    %slice3A_1336 = vector.extract_strided_slice %sub3A_1334 {offsets = [2048, 0], sizes = [2048, 512], strides = [1, 1]} : vector<4096x512xf32> to vector<2048x512xf32>
    %min3A_1337 = arith.minimumf %slice3A_1335, %slice3A_1336 : vector<2048x512xf32>
    %max3A_1338 = arith.maximumf %slice3A_1335, %slice3A_1336 : vector<2048x512xf32>
    %slice3A_1339 = vector.extract_strided_slice %min3A_1337 {offsets = [0, 0], sizes = [1024, 512], strides = [1, 1]} : vector<2048x512xf32> to vector<1024x512xf32>
    %slice3A_1340 = vector.extract_strided_slice %max3A_1338 {offsets = [0, 0], sizes = [1024, 512], strides = [1, 1]} : vector<2048x512xf32> to vector<1024x512xf32>
    %slice3A_1341 = vector.extract_strided_slice %min3A_1337 {offsets = [1024, 0], sizes = [1024, 512], strides = [1, 1]} : vector<2048x512xf32> to vector<1024x512xf32>
    %slice3A_1342 = vector.extract_strided_slice %max3A_1338 {offsets = [1024, 0], sizes = [1024, 512], strides = [1, 1]} : vector<2048x512xf32> to vector<1024x512xf32>
    %min3A_1343 = arith.minimumf %slice3A_1339, %slice3A_1341 : vector<1024x512xf32>
    %max3A_1344 = arith.maximumf %slice3A_1339, %slice3A_1341 : vector<1024x512xf32>
    %min3A_1345 = arith.minimumf %slice3A_1340, %slice3A_1342 : vector<1024x512xf32>
    %max3A_1346 = arith.maximumf %slice3A_1340, %slice3A_1342 : vector<1024x512xf32>
    %min3A_1347 = arith.minimumf %max3A_1344, %min3A_1345 : vector<1024x512xf32>
    %max3A_1348 = arith.maximumf %max3A_1344, %min3A_1345 : vector<1024x512xf32>
    %slice3A_1349 = vector.extract_strided_slice %min3A_1343 {offsets = [0, 0], sizes = [512, 512], strides = [1, 1]} : vector<1024x512xf32> to vector<512x512xf32>
    %slice3A_1350 = vector.extract_strided_slice %min3A_1347 {offsets = [0, 0], sizes = [512, 512], strides = [1, 1]} : vector<1024x512xf32> to vector<512x512xf32>
    %slice3A_1351 = vector.extract_strided_slice %max3A_1348 {offsets = [0, 0], sizes = [512, 512], strides = [1, 1]} : vector<1024x512xf32> to vector<512x512xf32>
    %slice3A_1352 = vector.extract_strided_slice %max3A_1346 {offsets = [0, 0], sizes = [512, 512], strides = [1, 1]} : vector<1024x512xf32> to vector<512x512xf32>
    %slice3A_1353 = vector.extract_strided_slice %min3A_1343 {offsets = [512, 0], sizes = [512, 512], strides = [1, 1]} : vector<1024x512xf32> to vector<512x512xf32>
    %slice3A_1354 = vector.extract_strided_slice %min3A_1347 {offsets = [512, 0], sizes = [512, 512], strides = [1, 1]} : vector<1024x512xf32> to vector<512x512xf32>
    %slice3A_1355 = vector.extract_strided_slice %max3A_1348 {offsets = [512, 0], sizes = [512, 512], strides = [1, 1]} : vector<1024x512xf32> to vector<512x512xf32>
    %slice3A_1356 = vector.extract_strided_slice %max3A_1346 {offsets = [512, 0], sizes = [512, 512], strides = [1, 1]} : vector<1024x512xf32> to vector<512x512xf32>
    %min3A_1357 = arith.minimumf %slice3A_1349, %slice3A_1353 : vector<512x512xf32>
    %max3A_1358 = arith.maximumf %slice3A_1349, %slice3A_1353 : vector<512x512xf32>
    %min3A_1359 = arith.minimumf %slice3A_1351, %slice3A_1355 : vector<512x512xf32>
    %min3A_1360 = arith.minimumf %max3A_1358, %min3A_1359 : vector<512x512xf32>
    %max3A_1361 = arith.maximumf %max3A_1358, %min3A_1359 : vector<512x512xf32>
    %min3A_1362 = arith.minimumf %slice3A_1350, %slice3A_1354 : vector<512x512xf32>
    %max3A_1363 = arith.maximumf %slice3A_1350, %slice3A_1354 : vector<512x512xf32>
    %min3A_1364 = arith.minimumf %slice3A_1352, %slice3A_1356 : vector<512x512xf32>
    %min3A_1365 = arith.minimumf %max3A_1363, %min3A_1364 : vector<512x512xf32>
    %min3A_1366 = arith.minimumf %min3A_1360, %min3A_1362 : vector<512x512xf32>
    %max3A_1367 = arith.maximumf %min3A_1360, %min3A_1362 : vector<512x512xf32>
    %min3A_1368 = arith.minimumf %max3A_1361, %min3A_1365 : vector<512x512xf32>
    %max3A_1369 = arith.maximumf %max3A_1361, %min3A_1365 : vector<512x512xf32>
    %slice3A_1370 = vector.extract_strided_slice %min3A_1357 {offsets = [0, 0], sizes = [256, 512], strides = [1, 1]} : vector<512x512xf32> to vector<256x512xf32>
    %slice3A_1371 = vector.extract_strided_slice %min3A_1366 {offsets = [0, 0], sizes = [256, 512], strides = [1, 1]} : vector<512x512xf32> to vector<256x512xf32>
    %slice3A_1372 = vector.extract_strided_slice %max3A_1367 {offsets = [0, 0], sizes = [256, 512], strides = [1, 1]} : vector<512x512xf32> to vector<256x512xf32>
    %slice3A_1373 = vector.extract_strided_slice %min3A_1368 {offsets = [0, 0], sizes = [256, 512], strides = [1, 1]} : vector<512x512xf32> to vector<256x512xf32>
    %slice3A_1374 = vector.extract_strided_slice %max3A_1369 {offsets = [0, 0], sizes = [256, 512], strides = [1, 1]} : vector<512x512xf32> to vector<256x512xf32>
    %slice3A_1375 = vector.extract_strided_slice %min3A_1357 {offsets = [256, 0], sizes = [256, 512], strides = [1, 1]} : vector<512x512xf32> to vector<256x512xf32>
    %slice3A_1376 = vector.extract_strided_slice %min3A_1366 {offsets = [256, 0], sizes = [256, 512], strides = [1, 1]} : vector<512x512xf32> to vector<256x512xf32>
    %slice3A_1377 = vector.extract_strided_slice %max3A_1367 {offsets = [256, 0], sizes = [256, 512], strides = [1, 1]} : vector<512x512xf32> to vector<256x512xf32>
    %slice3A_1378 = vector.extract_strided_slice %min3A_1368 {offsets = [256, 0], sizes = [256, 512], strides = [1, 1]} : vector<512x512xf32> to vector<256x512xf32>
    %slice3A_1379 = vector.extract_strided_slice %max3A_1369 {offsets = [256, 0], sizes = [256, 512], strides = [1, 1]} : vector<512x512xf32> to vector<256x512xf32>
    %min3A_1380 = arith.minimumf %slice3A_1370, %slice3A_1375 : vector<256x512xf32>
    %max3A_1381 = arith.maximumf %slice3A_1370, %slice3A_1375 : vector<256x512xf32>
    %min3A_1382 = arith.minimumf %slice3A_1374, %slice3A_1379 : vector<256x512xf32>
    %min3A_1383 = arith.minimumf %max3A_1381, %min3A_1382 : vector<256x512xf32>
    %min3A_1384 = arith.minimumf %slice3A_1372, %slice3A_1377 : vector<256x512xf32>
    %min3A_1385 = arith.minimumf %min3A_1383, %min3A_1384 : vector<256x512xf32>
    %max3A_1386 = arith.maximumf %min3A_1383, %min3A_1384 : vector<256x512xf32>
    %min3A_1387 = arith.minimumf %slice3A_1371, %slice3A_1376 : vector<256x512xf32>
    %max3A_1388 = arith.maximumf %slice3A_1371, %slice3A_1376 : vector<256x512xf32>
    %min3A_1389 = arith.minimumf %slice3A_1373, %slice3A_1378 : vector<256x512xf32>
    %min3A_1390 = arith.minimumf %max3A_1388, %min3A_1389 : vector<256x512xf32>
    %min3A_1391 = arith.minimumf %min3A_1385, %min3A_1387 : vector<256x512xf32>
    %max3A_1392 = arith.maximumf %min3A_1385, %min3A_1387 : vector<256x512xf32>
    %min3A_1393 = arith.minimumf %max3A_1386, %min3A_1390 : vector<256x512xf32>
    %max3A_1394 = arith.maximumf %max3A_1386, %min3A_1390 : vector<256x512xf32>
    %slice3A_1395 = vector.extract_strided_slice %min3A_1380 {offsets = [0, 0], sizes = [128, 512], strides = [1, 1]} : vector<256x512xf32> to vector<128x512xf32>
    %slice3A_1396 = vector.extract_strided_slice %min3A_1391 {offsets = [0, 0], sizes = [128, 512], strides = [1, 1]} : vector<256x512xf32> to vector<128x512xf32>
    %slice3A_1397 = vector.extract_strided_slice %max3A_1392 {offsets = [0, 0], sizes = [128, 512], strides = [1, 1]} : vector<256x512xf32> to vector<128x512xf32>
    %slice3A_1398 = vector.extract_strided_slice %min3A_1393 {offsets = [0, 0], sizes = [128, 512], strides = [1, 1]} : vector<256x512xf32> to vector<128x512xf32>
    %slice3A_1399 = vector.extract_strided_slice %max3A_1394 {offsets = [0, 0], sizes = [128, 512], strides = [1, 1]} : vector<256x512xf32> to vector<128x512xf32>
    %slice3A_1400 = vector.extract_strided_slice %min3A_1380 {offsets = [128, 0], sizes = [128, 512], strides = [1, 1]} : vector<256x512xf32> to vector<128x512xf32>
    %slice3A_1401 = vector.extract_strided_slice %min3A_1391 {offsets = [128, 0], sizes = [128, 512], strides = [1, 1]} : vector<256x512xf32> to vector<128x512xf32>
    %slice3A_1402 = vector.extract_strided_slice %max3A_1392 {offsets = [128, 0], sizes = [128, 512], strides = [1, 1]} : vector<256x512xf32> to vector<128x512xf32>
    %slice3A_1403 = vector.extract_strided_slice %min3A_1393 {offsets = [128, 0], sizes = [128, 512], strides = [1, 1]} : vector<256x512xf32> to vector<128x512xf32>
    %slice3A_1404 = vector.extract_strided_slice %max3A_1394 {offsets = [128, 0], sizes = [128, 512], strides = [1, 1]} : vector<256x512xf32> to vector<128x512xf32>
    %min3A_1405 = arith.minimumf %slice3A_1395, %slice3A_1400 : vector<128x512xf32>
    %max3A_1406 = arith.maximumf %slice3A_1395, %slice3A_1400 : vector<128x512xf32>
    %min3A_1407 = arith.minimumf %slice3A_1399, %slice3A_1404 : vector<128x512xf32>
    %min3A_1408 = arith.minimumf %max3A_1406, %min3A_1407 : vector<128x512xf32>
    %min3A_1409 = arith.minimumf %slice3A_1397, %slice3A_1402 : vector<128x512xf32>
    %min3A_1410 = arith.minimumf %min3A_1408, %min3A_1409 : vector<128x512xf32>
    %max3A_1411 = arith.maximumf %min3A_1408, %min3A_1409 : vector<128x512xf32>
    %min3A_1412 = arith.minimumf %slice3A_1396, %slice3A_1401 : vector<128x512xf32>
    %max3A_1413 = arith.maximumf %slice3A_1396, %slice3A_1401 : vector<128x512xf32>
    %min3A_1414 = arith.minimumf %slice3A_1398, %slice3A_1403 : vector<128x512xf32>
    %min3A_1415 = arith.minimumf %max3A_1413, %min3A_1414 : vector<128x512xf32>
    %min3A_1416 = arith.minimumf %min3A_1410, %min3A_1412 : vector<128x512xf32>
    %max3A_1417 = arith.maximumf %min3A_1410, %min3A_1412 : vector<128x512xf32>
    %min3A_1418 = arith.minimumf %max3A_1411, %min3A_1415 : vector<128x512xf32>
    %max3A_1419 = arith.maximumf %max3A_1411, %min3A_1415 : vector<128x512xf32>
    %slice3A_1420 = vector.extract_strided_slice %min3A_1405 {offsets = [0, 0], sizes = [64, 512], strides = [1, 1]} : vector<128x512xf32> to vector<64x512xf32>
    %slice3A_1421 = vector.extract_strided_slice %min3A_1416 {offsets = [0, 0], sizes = [64, 512], strides = [1, 1]} : vector<128x512xf32> to vector<64x512xf32>
    %slice3A_1422 = vector.extract_strided_slice %max3A_1417 {offsets = [0, 0], sizes = [64, 512], strides = [1, 1]} : vector<128x512xf32> to vector<64x512xf32>
    %slice3A_1423 = vector.extract_strided_slice %min3A_1418 {offsets = [0, 0], sizes = [64, 512], strides = [1, 1]} : vector<128x512xf32> to vector<64x512xf32>
    %slice3A_1424 = vector.extract_strided_slice %max3A_1419 {offsets = [0, 0], sizes = [64, 512], strides = [1, 1]} : vector<128x512xf32> to vector<64x512xf32>
    %slice3A_1425 = vector.extract_strided_slice %min3A_1405 {offsets = [64, 0], sizes = [64, 512], strides = [1, 1]} : vector<128x512xf32> to vector<64x512xf32>
    %slice3A_1426 = vector.extract_strided_slice %min3A_1416 {offsets = [64, 0], sizes = [64, 512], strides = [1, 1]} : vector<128x512xf32> to vector<64x512xf32>
    %slice3A_1427 = vector.extract_strided_slice %max3A_1417 {offsets = [64, 0], sizes = [64, 512], strides = [1, 1]} : vector<128x512xf32> to vector<64x512xf32>
    %slice3A_1428 = vector.extract_strided_slice %min3A_1418 {offsets = [64, 0], sizes = [64, 512], strides = [1, 1]} : vector<128x512xf32> to vector<64x512xf32>
    %slice3A_1429 = vector.extract_strided_slice %max3A_1419 {offsets = [64, 0], sizes = [64, 512], strides = [1, 1]} : vector<128x512xf32> to vector<64x512xf32>
    %min3A_1430 = arith.minimumf %slice3A_1420, %slice3A_1425 : vector<64x512xf32>
    %max3A_1431 = arith.maximumf %slice3A_1420, %slice3A_1425 : vector<64x512xf32>
    %min3A_1432 = arith.minimumf %slice3A_1424, %slice3A_1429 : vector<64x512xf32>
    %min3A_1433 = arith.minimumf %max3A_1431, %min3A_1432 : vector<64x512xf32>
    %min3A_1434 = arith.minimumf %slice3A_1422, %slice3A_1427 : vector<64x512xf32>
    %min3A_1435 = arith.minimumf %min3A_1433, %min3A_1434 : vector<64x512xf32>
    %max3A_1436 = arith.maximumf %min3A_1433, %min3A_1434 : vector<64x512xf32>
    %min3A_1437 = arith.minimumf %slice3A_1421, %slice3A_1426 : vector<64x512xf32>
    %max3A_1438 = arith.maximumf %slice3A_1421, %slice3A_1426 : vector<64x512xf32>
    %min3A_1439 = arith.minimumf %slice3A_1423, %slice3A_1428 : vector<64x512xf32>
    %min3A_1440 = arith.minimumf %max3A_1438, %min3A_1439 : vector<64x512xf32>
    %min3A_1441 = arith.minimumf %min3A_1435, %min3A_1437 : vector<64x512xf32>
    %max3A_1442 = arith.maximumf %min3A_1435, %min3A_1437 : vector<64x512xf32>
    %min3A_1443 = arith.minimumf %max3A_1436, %min3A_1440 : vector<64x512xf32>
    %max3A_1444 = arith.maximumf %max3A_1436, %min3A_1440 : vector<64x512xf32>
    %slice3A_1445 = vector.extract_strided_slice %min3A_1430 {offsets = [0, 0], sizes = [32, 512], strides = [1, 1]} : vector<64x512xf32> to vector<32x512xf32>
    %slice3A_1446 = vector.extract_strided_slice %min3A_1441 {offsets = [0, 0], sizes = [32, 512], strides = [1, 1]} : vector<64x512xf32> to vector<32x512xf32>
    %slice3A_1447 = vector.extract_strided_slice %max3A_1442 {offsets = [0, 0], sizes = [32, 512], strides = [1, 1]} : vector<64x512xf32> to vector<32x512xf32>
    %slice3A_1448 = vector.extract_strided_slice %min3A_1443 {offsets = [0, 0], sizes = [32, 512], strides = [1, 1]} : vector<64x512xf32> to vector<32x512xf32>
    %slice3A_1449 = vector.extract_strided_slice %max3A_1444 {offsets = [0, 0], sizes = [32, 512], strides = [1, 1]} : vector<64x512xf32> to vector<32x512xf32>
    %slice3A_1450 = vector.extract_strided_slice %min3A_1430 {offsets = [32, 0], sizes = [32, 512], strides = [1, 1]} : vector<64x512xf32> to vector<32x512xf32>
    %slice3A_1451 = vector.extract_strided_slice %min3A_1441 {offsets = [32, 0], sizes = [32, 512], strides = [1, 1]} : vector<64x512xf32> to vector<32x512xf32>
    %slice3A_1452 = vector.extract_strided_slice %max3A_1442 {offsets = [32, 0], sizes = [32, 512], strides = [1, 1]} : vector<64x512xf32> to vector<32x512xf32>
    %slice3A_1453 = vector.extract_strided_slice %min3A_1443 {offsets = [32, 0], sizes = [32, 512], strides = [1, 1]} : vector<64x512xf32> to vector<32x512xf32>
    %slice3A_1454 = vector.extract_strided_slice %max3A_1444 {offsets = [32, 0], sizes = [32, 512], strides = [1, 1]} : vector<64x512xf32> to vector<32x512xf32>
    %min3A_1455 = arith.minimumf %slice3A_1445, %slice3A_1450 : vector<32x512xf32>
    %max3A_1456 = arith.maximumf %slice3A_1445, %slice3A_1450 : vector<32x512xf32>
    %min3A_1457 = arith.minimumf %slice3A_1449, %slice3A_1454 : vector<32x512xf32>
    %min3A_1458 = arith.minimumf %max3A_1456, %min3A_1457 : vector<32x512xf32>
    %min3A_1459 = arith.minimumf %slice3A_1447, %slice3A_1452 : vector<32x512xf32>
    %min3A_1460 = arith.minimumf %min3A_1458, %min3A_1459 : vector<32x512xf32>
    %max3A_1461 = arith.maximumf %min3A_1458, %min3A_1459 : vector<32x512xf32>
    %min3A_1462 = arith.minimumf %slice3A_1446, %slice3A_1451 : vector<32x512xf32>
    %max3A_1463 = arith.maximumf %slice3A_1446, %slice3A_1451 : vector<32x512xf32>
    %min3A_1464 = arith.minimumf %slice3A_1448, %slice3A_1453 : vector<32x512xf32>
    %min3A_1465 = arith.minimumf %max3A_1463, %min3A_1464 : vector<32x512xf32>
    %min3A_1466 = arith.minimumf %min3A_1460, %min3A_1462 : vector<32x512xf32>
    %max3A_1467 = arith.maximumf %min3A_1460, %min3A_1462 : vector<32x512xf32>
    %min3A_1468 = arith.minimumf %max3A_1461, %min3A_1465 : vector<32x512xf32>
    %max3A_1469 = arith.maximumf %max3A_1461, %min3A_1465 : vector<32x512xf32>
    %slice3A_1470 = vector.extract_strided_slice %min3A_1455 {offsets = [0, 0], sizes = [16, 512], strides = [1, 1]} : vector<32x512xf32> to vector<16x512xf32>
    %slice3A_1471 = vector.extract_strided_slice %min3A_1466 {offsets = [0, 0], sizes = [16, 512], strides = [1, 1]} : vector<32x512xf32> to vector<16x512xf32>
    %slice3A_1472 = vector.extract_strided_slice %max3A_1467 {offsets = [0, 0], sizes = [16, 512], strides = [1, 1]} : vector<32x512xf32> to vector<16x512xf32>
    %slice3A_1473 = vector.extract_strided_slice %min3A_1468 {offsets = [0, 0], sizes = [16, 512], strides = [1, 1]} : vector<32x512xf32> to vector<16x512xf32>
    %slice3A_1474 = vector.extract_strided_slice %max3A_1469 {offsets = [0, 0], sizes = [16, 512], strides = [1, 1]} : vector<32x512xf32> to vector<16x512xf32>
    %slice3A_1475 = vector.extract_strided_slice %min3A_1455 {offsets = [16, 0], sizes = [16, 512], strides = [1, 1]} : vector<32x512xf32> to vector<16x512xf32>
    %slice3A_1476 = vector.extract_strided_slice %min3A_1466 {offsets = [16, 0], sizes = [16, 512], strides = [1, 1]} : vector<32x512xf32> to vector<16x512xf32>
    %slice3A_1477 = vector.extract_strided_slice %max3A_1467 {offsets = [16, 0], sizes = [16, 512], strides = [1, 1]} : vector<32x512xf32> to vector<16x512xf32>
    %slice3A_1478 = vector.extract_strided_slice %min3A_1468 {offsets = [16, 0], sizes = [16, 512], strides = [1, 1]} : vector<32x512xf32> to vector<16x512xf32>
    %slice3A_1479 = vector.extract_strided_slice %max3A_1469 {offsets = [16, 0], sizes = [16, 512], strides = [1, 1]} : vector<32x512xf32> to vector<16x512xf32>
    %min3A_1480 = arith.minimumf %slice3A_1470, %slice3A_1475 : vector<16x512xf32>
    %max3A_1481 = arith.maximumf %slice3A_1470, %slice3A_1475 : vector<16x512xf32>
    %min3A_1482 = arith.minimumf %slice3A_1474, %slice3A_1479 : vector<16x512xf32>
    %min3A_1483 = arith.minimumf %max3A_1481, %min3A_1482 : vector<16x512xf32>
    %min3A_1484 = arith.minimumf %slice3A_1472, %slice3A_1477 : vector<16x512xf32>
    %min3A_1485 = arith.minimumf %min3A_1483, %min3A_1484 : vector<16x512xf32>
    %max3A_1486 = arith.maximumf %min3A_1483, %min3A_1484 : vector<16x512xf32>
    %min3A_1487 = arith.minimumf %slice3A_1471, %slice3A_1476 : vector<16x512xf32>
    %max3A_1488 = arith.maximumf %slice3A_1471, %slice3A_1476 : vector<16x512xf32>
    %min3A_1489 = arith.minimumf %slice3A_1473, %slice3A_1478 : vector<16x512xf32>
    %min3A_1490 = arith.minimumf %max3A_1488, %min3A_1489 : vector<16x512xf32>
    %min3A_1491 = arith.minimumf %min3A_1485, %min3A_1487 : vector<16x512xf32>
    %max3A_1492 = arith.maximumf %min3A_1485, %min3A_1487 : vector<16x512xf32>
    %min3A_1493 = arith.minimumf %max3A_1486, %min3A_1490 : vector<16x512xf32>
    %max3A_1494 = arith.maximumf %max3A_1486, %min3A_1490 : vector<16x512xf32>
    %slice3A_1495 = vector.extract_strided_slice %min3A_1480 {offsets = [0, 0], sizes = [8, 512], strides = [1, 1]} : vector<16x512xf32> to vector<8x512xf32>
    %slice3A_1496 = vector.extract_strided_slice %min3A_1491 {offsets = [0, 0], sizes = [8, 512], strides = [1, 1]} : vector<16x512xf32> to vector<8x512xf32>
    %slice3A_1497 = vector.extract_strided_slice %max3A_1492 {offsets = [0, 0], sizes = [8, 512], strides = [1, 1]} : vector<16x512xf32> to vector<8x512xf32>
    %slice3A_1498 = vector.extract_strided_slice %min3A_1493 {offsets = [0, 0], sizes = [8, 512], strides = [1, 1]} : vector<16x512xf32> to vector<8x512xf32>
    %slice3A_1499 = vector.extract_strided_slice %max3A_1494 {offsets = [0, 0], sizes = [8, 512], strides = [1, 1]} : vector<16x512xf32> to vector<8x512xf32>
    %slice3A_1500 = vector.extract_strided_slice %min3A_1480 {offsets = [8, 0], sizes = [8, 512], strides = [1, 1]} : vector<16x512xf32> to vector<8x512xf32>
    %slice3A_1501 = vector.extract_strided_slice %min3A_1491 {offsets = [8, 0], sizes = [8, 512], strides = [1, 1]} : vector<16x512xf32> to vector<8x512xf32>
    %slice3A_1502 = vector.extract_strided_slice %max3A_1492 {offsets = [8, 0], sizes = [8, 512], strides = [1, 1]} : vector<16x512xf32> to vector<8x512xf32>
    %slice3A_1503 = vector.extract_strided_slice %min3A_1493 {offsets = [8, 0], sizes = [8, 512], strides = [1, 1]} : vector<16x512xf32> to vector<8x512xf32>
    %slice3A_1504 = vector.extract_strided_slice %max3A_1494 {offsets = [8, 0], sizes = [8, 512], strides = [1, 1]} : vector<16x512xf32> to vector<8x512xf32>
    %min3A_1505 = arith.minimumf %slice3A_1495, %slice3A_1500 : vector<8x512xf32>
    %max3A_1506 = arith.maximumf %slice3A_1495, %slice3A_1500 : vector<8x512xf32>
    %min3A_1507 = arith.minimumf %slice3A_1499, %slice3A_1504 : vector<8x512xf32>
    %min3A_1508 = arith.minimumf %max3A_1506, %min3A_1507 : vector<8x512xf32>
    %min3A_1509 = arith.minimumf %slice3A_1497, %slice3A_1502 : vector<8x512xf32>
    %min3A_1510 = arith.minimumf %min3A_1508, %min3A_1509 : vector<8x512xf32>
    %max3A_1511 = arith.maximumf %min3A_1508, %min3A_1509 : vector<8x512xf32>
    %min3A_1512 = arith.minimumf %slice3A_1496, %slice3A_1501 : vector<8x512xf32>
    %max3A_1513 = arith.maximumf %slice3A_1496, %slice3A_1501 : vector<8x512xf32>
    %min3A_1514 = arith.minimumf %slice3A_1498, %slice3A_1503 : vector<8x512xf32>
    %min3A_1515 = arith.minimumf %max3A_1513, %min3A_1514 : vector<8x512xf32>
    %min3A_1516 = arith.minimumf %min3A_1510, %min3A_1512 : vector<8x512xf32>
    %max3A_1517 = arith.maximumf %min3A_1510, %min3A_1512 : vector<8x512xf32>
    %min3A_1518 = arith.minimumf %max3A_1511, %min3A_1515 : vector<8x512xf32>
    %max3A_1519 = arith.maximumf %max3A_1511, %min3A_1515 : vector<8x512xf32>
    %slice3A_1520 = vector.extract_strided_slice %min3A_1505 {offsets = [0, 0], sizes = [4, 512], strides = [1, 1]} : vector<8x512xf32> to vector<4x512xf32>
    %slice3A_1521 = vector.extract_strided_slice %min3A_1516 {offsets = [0, 0], sizes = [4, 512], strides = [1, 1]} : vector<8x512xf32> to vector<4x512xf32>
    %slice3A_1522 = vector.extract_strided_slice %max3A_1517 {offsets = [0, 0], sizes = [4, 512], strides = [1, 1]} : vector<8x512xf32> to vector<4x512xf32>
    %slice3A_1523 = vector.extract_strided_slice %min3A_1518 {offsets = [0, 0], sizes = [4, 512], strides = [1, 1]} : vector<8x512xf32> to vector<4x512xf32>
    %slice3A_1524 = vector.extract_strided_slice %max3A_1519 {offsets = [0, 0], sizes = [4, 512], strides = [1, 1]} : vector<8x512xf32> to vector<4x512xf32>
    %slice3A_1525 = vector.extract_strided_slice %min3A_1505 {offsets = [4, 0], sizes = [4, 512], strides = [1, 1]} : vector<8x512xf32> to vector<4x512xf32>
    %slice3A_1526 = vector.extract_strided_slice %min3A_1516 {offsets = [4, 0], sizes = [4, 512], strides = [1, 1]} : vector<8x512xf32> to vector<4x512xf32>
    %slice3A_1527 = vector.extract_strided_slice %max3A_1517 {offsets = [4, 0], sizes = [4, 512], strides = [1, 1]} : vector<8x512xf32> to vector<4x512xf32>
    %slice3A_1528 = vector.extract_strided_slice %min3A_1518 {offsets = [4, 0], sizes = [4, 512], strides = [1, 1]} : vector<8x512xf32> to vector<4x512xf32>
    %slice3A_1529 = vector.extract_strided_slice %max3A_1519 {offsets = [4, 0], sizes = [4, 512], strides = [1, 1]} : vector<8x512xf32> to vector<4x512xf32>
    %min3A_1530 = arith.minimumf %slice3A_1520, %slice3A_1525 : vector<4x512xf32>
    %max3A_1531 = arith.maximumf %slice3A_1520, %slice3A_1525 : vector<4x512xf32>
    %min3A_1532 = arith.minimumf %slice3A_1524, %slice3A_1529 : vector<4x512xf32>
    %min3A_1533 = arith.minimumf %max3A_1531, %min3A_1532 : vector<4x512xf32>
    %min3A_1534 = arith.minimumf %slice3A_1522, %slice3A_1527 : vector<4x512xf32>
    %min3A_1535 = arith.minimumf %min3A_1533, %min3A_1534 : vector<4x512xf32>
    %max3A_1536 = arith.maximumf %min3A_1533, %min3A_1534 : vector<4x512xf32>
    %min3A_1537 = arith.minimumf %slice3A_1521, %slice3A_1526 : vector<4x512xf32>
    %max3A_1538 = arith.maximumf %slice3A_1521, %slice3A_1526 : vector<4x512xf32>
    %min3A_1539 = arith.minimumf %slice3A_1523, %slice3A_1528 : vector<4x512xf32>
    %min3A_1540 = arith.minimumf %max3A_1538, %min3A_1539 : vector<4x512xf32>
    %min3A_1541 = arith.minimumf %min3A_1535, %min3A_1537 : vector<4x512xf32>
    %max3A_1542 = arith.maximumf %min3A_1535, %min3A_1537 : vector<4x512xf32>
    %min3A_1543 = arith.minimumf %max3A_1536, %min3A_1540 : vector<4x512xf32>
    %max3A_1544 = arith.maximumf %max3A_1536, %min3A_1540 : vector<4x512xf32>
    %slice3A_1545 = vector.extract_strided_slice %min3A_1530 {offsets = [0, 0], sizes = [2, 512], strides = [1, 1]} : vector<4x512xf32> to vector<2x512xf32>
    %slice3A_1546 = vector.extract_strided_slice %min3A_1541 {offsets = [0, 0], sizes = [2, 512], strides = [1, 1]} : vector<4x512xf32> to vector<2x512xf32>
    %slice3A_1547 = vector.extract_strided_slice %max3A_1542 {offsets = [0, 0], sizes = [2, 512], strides = [1, 1]} : vector<4x512xf32> to vector<2x512xf32>
    %slice3A_1548 = vector.extract_strided_slice %min3A_1543 {offsets = [0, 0], sizes = [2, 512], strides = [1, 1]} : vector<4x512xf32> to vector<2x512xf32>
    %slice3A_1549 = vector.extract_strided_slice %max3A_1544 {offsets = [0, 0], sizes = [2, 512], strides = [1, 1]} : vector<4x512xf32> to vector<2x512xf32>
    %slice3A_1550 = vector.extract_strided_slice %min3A_1530 {offsets = [2, 0], sizes = [2, 512], strides = [1, 1]} : vector<4x512xf32> to vector<2x512xf32>
    %slice3A_1551 = vector.extract_strided_slice %min3A_1541 {offsets = [2, 0], sizes = [2, 512], strides = [1, 1]} : vector<4x512xf32> to vector<2x512xf32>
    %slice3A_1552 = vector.extract_strided_slice %max3A_1542 {offsets = [2, 0], sizes = [2, 512], strides = [1, 1]} : vector<4x512xf32> to vector<2x512xf32>
    %slice3A_1553 = vector.extract_strided_slice %min3A_1543 {offsets = [2, 0], sizes = [2, 512], strides = [1, 1]} : vector<4x512xf32> to vector<2x512xf32>
    %slice3A_1554 = vector.extract_strided_slice %max3A_1544 {offsets = [2, 0], sizes = [2, 512], strides = [1, 1]} : vector<4x512xf32> to vector<2x512xf32>
    %min3A_1555 = arith.minimumf %slice3A_1545, %slice3A_1550 : vector<2x512xf32>
    %max3A_1556 = arith.maximumf %slice3A_1545, %slice3A_1550 : vector<2x512xf32>
    %min3A_1557 = arith.minimumf %slice3A_1549, %slice3A_1554 : vector<2x512xf32>
    %min3A_1558 = arith.minimumf %max3A_1556, %min3A_1557 : vector<2x512xf32>
    %min3A_1559 = arith.minimumf %slice3A_1547, %slice3A_1552 : vector<2x512xf32>
    %min3A_1560 = arith.minimumf %min3A_1558, %min3A_1559 : vector<2x512xf32>
    %max3A_1561 = arith.maximumf %min3A_1558, %min3A_1559 : vector<2x512xf32>
    %min3A_1562 = arith.minimumf %slice3A_1546, %slice3A_1551 : vector<2x512xf32>
    %max3A_1563 = arith.maximumf %slice3A_1546, %slice3A_1551 : vector<2x512xf32>
    %min3A_1564 = arith.minimumf %slice3A_1548, %slice3A_1553 : vector<2x512xf32>
    %min3A_1565 = arith.minimumf %max3A_1563, %min3A_1564 : vector<2x512xf32>
    %min3A_1566 = arith.minimumf %min3A_1560, %min3A_1562 : vector<2x512xf32>
    %max3A_1567 = arith.maximumf %min3A_1560, %min3A_1562 : vector<2x512xf32>
    %min3A_1568 = arith.minimumf %max3A_1561, %min3A_1565 : vector<2x512xf32>
    %max3A_1569 = arith.maximumf %max3A_1561, %min3A_1565 : vector<2x512xf32>
    %slice3A_1570 = vector.extract_strided_slice %min3A_1555 {offsets = [0, 0], sizes = [1, 512], strides = [1, 1]} : vector<2x512xf32> to vector<1x512xf32>
    %slice3A_1571 = vector.extract_strided_slice %min3A_1566 {offsets = [0, 0], sizes = [1, 512], strides = [1, 1]} : vector<2x512xf32> to vector<1x512xf32>
    %slice3A_1572 = vector.extract_strided_slice %max3A_1567 {offsets = [0, 0], sizes = [1, 512], strides = [1, 1]} : vector<2x512xf32> to vector<1x512xf32>
    %slice3A_1573 = vector.extract_strided_slice %min3A_1568 {offsets = [0, 0], sizes = [1, 512], strides = [1, 1]} : vector<2x512xf32> to vector<1x512xf32>
    %slice3A_1574 = vector.extract_strided_slice %max3A_1569 {offsets = [0, 0], sizes = [1, 512], strides = [1, 1]} : vector<2x512xf32> to vector<1x512xf32>
    %slice3A_1575 = vector.extract_strided_slice %min3A_1555 {offsets = [1, 0], sizes = [1, 512], strides = [1, 1]} : vector<2x512xf32> to vector<1x512xf32>
    %slice3A_1576 = vector.extract_strided_slice %min3A_1566 {offsets = [1, 0], sizes = [1, 512], strides = [1, 1]} : vector<2x512xf32> to vector<1x512xf32>
    %slice3A_1577 = vector.extract_strided_slice %max3A_1567 {offsets = [1, 0], sizes = [1, 512], strides = [1, 1]} : vector<2x512xf32> to vector<1x512xf32>
    %slice3A_1578 = vector.extract_strided_slice %min3A_1568 {offsets = [1, 0], sizes = [1, 512], strides = [1, 1]} : vector<2x512xf32> to vector<1x512xf32>
    %slice3A_1579 = vector.extract_strided_slice %max3A_1569 {offsets = [1, 0], sizes = [1, 512], strides = [1, 1]} : vector<2x512xf32> to vector<1x512xf32>
    %min3A_1580 = arith.minimumf %slice3A_1570, %slice3A_1575 : vector<1x512xf32>
    %max3A_1581 = arith.maximumf %slice3A_1570, %slice3A_1575 : vector<1x512xf32>
    %min3A_1582 = arith.minimumf %slice3A_1574, %slice3A_1579 : vector<1x512xf32>
    %min3A_1583 = arith.minimumf %max3A_1581, %min3A_1582 : vector<1x512xf32>
    %min3A_1584 = arith.minimumf %slice3A_1572, %slice3A_1577 : vector<1x512xf32>
    %min3A_1585 = arith.minimumf %min3A_1583, %min3A_1584 : vector<1x512xf32>
    %max3A_1586 = arith.maximumf %min3A_1583, %min3A_1584 : vector<1x512xf32>
    %min3A_1587 = arith.minimumf %slice3A_1571, %slice3A_1576 : vector<1x512xf32>
    %max3A_1588 = arith.maximumf %slice3A_1571, %slice3A_1576 : vector<1x512xf32>
    %min3A_1589 = arith.minimumf %slice3A_1573, %slice3A_1578 : vector<1x512xf32>
    %min3A_1590 = arith.minimumf %max3A_1588, %min3A_1589 : vector<1x512xf32>
    %min3A_1591 = arith.minimumf %min3A_1585, %min3A_1587 : vector<1x512xf32>
    %max3A_1592 = arith.maximumf %min3A_1585, %min3A_1587 : vector<1x512xf32>
    %min3A_1593 = arith.minimumf %max3A_1586, %min3A_1590 : vector<1x512xf32>
    %max3A_1594 = arith.maximumf %max3A_1586, %min3A_1590 : vector<1x512xf32>
    %min3A_1595 = arith.minimumf %min3A_1306, %min3A_1580 : vector<1x512xf32>
    %max3A_1596 = arith.maximumf %min3A_1306, %min3A_1580 : vector<1x512xf32>
    %min3A_1597 = arith.minimumf %max3A_1320, %max3A_1594 : vector<1x512xf32>
    %min3A_1598 = arith.minimumf %max3A_1596, %min3A_1597 : vector<1x512xf32>
    %min3A_1599 = arith.minimumf %max3A_1318, %max3A_1592 : vector<1x512xf32>
    %min3A_1600 = arith.minimumf %min3A_1598, %min3A_1599 : vector<1x512xf32>
    %max3A_1601 = arith.maximumf %min3A_1598, %min3A_1599 : vector<1x512xf32>
    %min3A_1602 = arith.minimumf %min3A_1317, %min3A_1591 : vector<1x512xf32>
    %max3A_1603 = arith.maximumf %min3A_1317, %min3A_1591 : vector<1x512xf32>
    %min3A_1604 = arith.minimumf %min3A_1319, %min3A_1593 : vector<1x512xf32>
    %min3A_1605 = arith.minimumf %max3A_1603, %min3A_1604 : vector<1x512xf32>
    %min3A_1606 = arith.minimumf %min3A_1600, %min3A_1602 : vector<1x512xf32>
    %max3A_1607 = arith.maximumf %min3A_1600, %min3A_1602 : vector<1x512xf32>
    %min3A_1608 = arith.minimumf %max3A_1601, %min3A_1605 : vector<1x512xf32>
    %max3A_1609 = arith.maximumf %max3A_1601, %min3A_1605 : vector<1x512xf32>
    %mul3A_1610 = arith.constant 5.000000e+00 : f32
    %mul3A_1611 = vector.broadcast %mul3A_1610 : f32 to vector<1x512xf32>
    %mul3A_1612 = arith.mulf %mul3A_1611, %broadcast_in_dim3A : vector<1x512xf32>
    %max3A_1613 = arith.maximumf %min3A_1595, %neg3A_154 : vector<1x512xf32>
    %add3A_1614 = arith.constant 0.000000e+00 : f32
    %add3A_1615 = vector.broadcast %add3A_1614 : f32 to vector<1x512xf32>
    %add3A_1616 = arith.addf %add3A_1615, %max3A_1613 : vector<1x512xf32>
    %max3A_1617 = arith.maximumf %min3A_1606, %neg3A_154 : vector<1x512xf32>
    %add3A_1618 = arith.addf %add3A_1616, %max3A_1617 : vector<1x512xf32>
    %max3A_1619 = arith.maximumf %max3A_1607, %neg3A_154 : vector<1x512xf32>
    %add3A_1620 = arith.addf %add3A_1618, %max3A_1619 : vector<1x512xf32>
    %max3A_1621 = arith.maximumf %min3A_1608, %neg3A_154 : vector<1x512xf32>
    %add3A_1622 = arith.addf %add3A_1620, %max3A_1621 : vector<1x512xf32>
    %max3A_1623 = arith.maximumf %max3A_1609, %neg3A_154 : vector<1x512xf32>
    %add3A_1624 = arith.addf %add3A_1622, %max3A_1623 : vector<1x512xf32>
    %add3A_1625 = arith.addf %mul3A_1612, %add3A_1624 : vector<1x512xf32>
    %jit3A_1626 = arith.constant 0.000000e+00 : f32
    %broadcast_in_dim3A_1627 = vector.broadcast %jit3A_1626 : f32 to vector<1x512xf32>
    %select_n3A_1628 = arith.select %lt3A_7, %add3A_1625, %broadcast_in_dim3A_1627 : vector<1x512xi1>, vector<1x512xf32>
    %broadcast_in_dim3A_1629 = vector.shape_cast %select_n3A_1628 : vector<1x512xf32> to vector<1x1x512xf32>
    %swap3A_1630 = arith.constant 0 : index
    %swap3A_1631 = arith.constant 0 : index
    %swap3A_1632 = arith.constant 0 : index
    %swap3A_1633 = vector.load %arg7[%swap3A_1630, %swap3A_1631, %swap3A_1632] : memref<1x1x512xf32, #tpu.memory_space<vmem>>, vector<1x1x512xf32>
    tpu.vector_store %arg7[%swap3A_1630, %swap3A_1631, %swap3A_1632], %broadcast_in_dim3A_1629 {strides = array<i32>} : memref<1x1x512xf32, #tpu.memory_space<vmem>>, vector<1x1x512xf32>,
    %broadcast_in_dim3A_1634 = vector.shape_cast %broadcast_in_dim3A_133 : vector<1x512xf32> to vector<1x1x512xf32>
    %swap3A_1635 = arith.constant 0 : index
    %swap3A_1636 = arith.constant 0 : index
    %swap3A_1637 = arith.constant 0 : index
    %swap3A_1638 = vector.load %arg8[%swap3A_1635, %swap3A_1636, %swap3A_1637] : memref<1x1x512xf32, #tpu.memory_space<vmem>>, vector<1x1x512xf32>
    tpu.vector_store %arg8[%swap3A_1635, %swap3A_1636, %swap3A_1637], %broadcast_in_dim3A_1634 {strides = array<i32>} : memref<1x1x512xf32, #tpu.memory_space<vmem>>, vector<1x1x512xf32>,
    %broadcast_in_dim3A_1639 = vector.shape_cast %broadcast_in_dim3A_34 : vector<1x512xi32> to vector<1x1x512xi32>
    %swap3A_1640 = arith.constant 0 : index
    %swap3A_1641 = arith.constant 0 : index
    %swap3A_1642 = arith.constant 0 : index
    %swap3A_1643 = vector.load %arg9[%swap3A_1640, %swap3A_1641, %swap3A_1642] : memref<1x1x512xi32, #tpu.memory_space<vmem>>, vector<1x1x512xi32>
    tpu.vector_store %arg9[%swap3A_1640, %swap3A_1641, %swap3A_1642], %broadcast_in_dim3A_1639 {strides = array<i32>} : memref<1x1x512xi32, #tpu.memory_space<vmem>>, vector<1x1x512xi32>,
    %convert_element_type3A_1644 = arith.extui %eq3A_44 : vector<32x1xi1> to vector<32x1xi32>
    %convert_element_type3A_1645 = arith.sitofp %convert_element_type3A_1644 : vector<32x1xi32> to vector<32x1xf32>
    %reshape3A = vector.shape_cast %convert_element_type3A_1645 : vector<32x1xf32> to vector<1x1x32xf32>
    %swap3A_1646 = arith.constant 0 : index
    %swap3A_1647 = arith.constant 0 : index
    %swap3A_1648 = arith.constant 0 : index
    %swap3A_1649 = vector.load %arg11[%swap3A_1646, %swap3A_1647, %swap3A_1648] : memref<1x1x32xf32, #tpu.memory_space<vmem>>, vector<1x1x32xf32>
    tpu.vector_store %arg11[%swap3A_1646, %swap3A_1647, %swap3A_1648], %reshape3A {strides = array<i32>} : memref<1x1x32xf32, #tpu.memory_space<vmem>>, vector<1x1x32xf32>,
    return
  }
  func.func @transform_0(%arg0: i32) -> (i32, i32) {
    %c0_i32 = arith.constant 0 : i32
    %c0_i32_0 = arith.constant 0 : i32
    return %c0_i32, %arg0 : i32, i32
  }
  func.func @transform_1(%arg0: i32) -> (i32, i32) {
    %c0_i32 = arith.constant 0 : i32
    %c0_i32_0 = arith.constant 0 : i32
    %c0_i32_1 = arith.constant 0 : i32
    return %c0_i32, %c0_i32_0 : i32, i32
  }
  func.func @transform_2(%arg0: i32) -> (i32, i32) {
    %c0_i32 = arith.constant 0 : i32
    %c0_i32_0 = arith.constant 0 : i32
    %c0_i32_1 = arith.constant 0 : i32
    return %c0_i32, %c0_i32_0 : i32, i32
  }
  func.func @transform_3(%arg0: i32) -> (i32, i32) {
    %c0_i32 = arith.constant 0 : i32
    %c0_i32_0 = arith.constant 0 : i32
    %c0_i32_1 = arith.constant 0 : i32
    return %c0_i32, %c0_i32_0 : i32, i32
  }
  func.func @transform_4(%arg0: i32) -> (i32, i32) {
    %c0_i32 = arith.constant 0 : i32
    %c0_i32_0 = arith.constant 0 : i32
    %c0_i32_1 = arith.constant 0 : i32
    return %c0_i32, %c0_i32_0 : i32, i32
  }
  func.func @transform_5(%arg0: i32) -> (i32, i32) {
    %c0_i32 = arith.constant 0 : i32
    %c0_i32_0 = arith.constant 0 : i32
    %c0_i32_1 = arith.constant 0 : i32
    return %c0_i32, %c0_i32_0 : i32, i32
  }
  func.func @transform_6(%arg0: i32) -> (i32, i32, i32) {
    %c0_i32 = arith.constant 0 : i32
    %c0_i32_0 = arith.constant 0 : i32
    %c0_i32_1 = arith.constant 0 : i32
    return %arg0, %c0_i32, %c0_i32_0 : i32, i32, i32
  }
  func.func @transform_7(%arg0: i32) -> (i32, i32, i32) {
    %c0_i32 = arith.constant 0 : i32
    %c0_i32_0 = arith.constant 0 : i32
    %c0_i32_1 = arith.constant 0 : i32
    return %arg0, %c0_i32, %c0_i32_0 : i32, i32, i32
  }
  func.func @transform_8(%arg0: i32) -> (i32, i32, i32) {
    %c0_i32 = arith.constant 0 : i32
    %c0_i32_0 = arith.constant 0 : i32
    %c0_i32_1 = arith.constant 0 : i32
    return %arg0, %c0_i32, %c0_i32_0 : i32, i32, i32
  }
  func.func @transform_9(%arg0: i32) -> (i32, i32, i32) {
    %c0_i32 = arith.constant 0 : i32
    %c0_i32_0 = arith.constant 0 : i32
    %c0_i32_1 = arith.constant 0 : i32
    %c0_i32_2 = arith.constant 0 : i32
    return %c0_i32, %c0_i32_0, %c0_i32_1 : i32, i32, i32
  }
  func.func @transform_10(%arg0: i32) -> (i32, i32, i32) {
    %c0_i32 = arith.constant 0 : i32
    %c0_i32_0 = arith.constant 0 : i32
    %c0_i32_1 = arith.constant 0 : i32
    %c0_i32_2 = arith.constant 0 : i32
    return %c0_i32, %c0_i32_0, %c0_i32_1 : i32, i32, i32
  }
}

</mosaic_0001>

<sc_bundles>
// kernel: kernel.4.cloned.1.call-start
scs
__scs_entry_jumppad:
0x0: {  	(pc) =	sbr.rel $0x88, $3  }
0x1: {  	(tag) =	ssettag $0x0;
	lr =	simm.s32 $0x1  }
0x2: {  	[smem:$0x3F9C] =	sst lr;
	_ =	strace $0xD0000000  }
0x3: {  	_ = 	snop  }
0x4: {  	_ = 	snop  }
0x5: {  	_ = 	snop  }
0x6: {  	_ = 	snop  }
0x7: {  	_ = 	snop  }
__scs_overlays_trampoline_lowered:
0x8: {  	[smem:$0x3FAB] =	sst s0  }
0x9: {  	[smem:$0x3FAC] =	sst s1  }
0xa: {  	[smem:$0x3FAD] =	sst s2  }
0xb: {  	[smem:$0x3FAE] =	sst s3  }
0xc: {  	[smem:$0x3FAF] =	sst s4  }
0xd: {  	[smem:$0x3FB0] =	sst s5  }
0xe: {  	[smem:$0x3FB1] =	sst s6  }
0xf: {  	[smem:$0x3FB2] =	sst s7  }
0x10: {  	[smem:$0x3FB3] =	sst s8  }
0x11: {  	[smem:$0x3FB4] =	sst s9;
	s0 =	simm.s32 @!p0 $0x0  }
0x12: {  	s1 =	sld [smem:$0x3F9A];
	s0 =	simm.s32 @p0 $0x1  }
0x13: {  	[smem:$0x3FB5] =	sst s0;
	s0 =	simm.s32 @!p1 $0x0  }
0x14: {  	s2 =	sld [smem:$0x3F99];
	s0 =	simm.s32 @p1 $0x1  }
0x15: {  	[smem:$0x3FB6] =	sst s0;
	s0 =	simm.s32 @!p2 $0x0  }
0x16: {  	s3 =	sld [smem:$0x3FDB];
	s0 =	simm.s32 @p2 $0x1  }
0x17: {  	s4 =	simm.s32 $0x1BF5;
	[smem:$0x3FB8] =	sst s0  }
0x18: {  	s0 =	sld [smem:$0x3F9B];
	_ =	swait.ge [sflag:s4], $0x0  }
0x19: {  	s7 =	sld [smem:$0x3F9C]  }
0x1a: {  	s8 =	sadd.s32 $0xFFFFE003, lr  }
0x1b: {  	s9 =	sadd.s32 $0xFFFFFEF7, lr;
	s5 =	simm.s32 $0xFFFFFFFF;
	p2 =	slt.u32 s8, $0xFFFFF086  }
0x1c: {  	p1 =	slt.u32 s9, $0xF7A;
	s5 =	simm.s32 @!p2 $0x0  }
0x1d: {  	s5 =	simm.s32 @p1 $0x1;
	p0 =	seq.s32 s7, s2  }
0x1e: {  	s7 =	smul.u32 @!p0 $0xF7A, s2;
	p2 =	seq.s32 @!p0 s5, $0x0  }
0x1f: {  	s9 =	smul.u32 $0xF7A, s1;
	s8 =	simm.s32 @!p0 $0x1BF5;
	p2 =	por !p2, p0  }
0x20: {  	[sflag:s8] =	ssyncset.s32 @!p0 $0xFFFFF086;
	s6 =	sadd.s32 @!p0 s3, s7;
	s7 =	simm.s32 @!p0 $0x108  }
0x21: {  	s3 =	sadd.s32 s3, s9;
	s6 =	sadd.s32 @!p0 $0x88, s6;
	s7 =	simm.s32 @p2 $0x1082  }
0x22: {  	[simem:s7], [sflag:s8] =	dma.local @!p0 [hbm:s6], $0xF7A  }
0x23: {  	s9 =	sor.u32 $0xD0000000, s2;
	s6 =	simm.s32 $0x108;
	_ =	swait.ge @!p0 [sflag:s8], $0x0  }
0x24: {  	s3 =	sadd.s32 $0x88, s3;
	s6 =	simm.s32 @!p1 $0x1082;
	[sflag:s4] =	ssyncset.s32 $0xFFFFF086  }
0x25: {  	[simem:s6], [sflag:s4] =	dma.local [hbm:s3], $0xF7A  }
0x26: {  	[smem:$0x3F9C] =	sst s1;
	(tag) =	ssettag s2;
	_ =	strace s9  }
0x27: {  	s1 =	sld [smem:$0x3FAC]  }
0x28: {  	s2 =	sld [smem:$0x3FAD]  }
0x29: {  	s4 =	sld [smem:$0x3FAF]  }
0x2a: {  	p0 =	seq.s32 s5, $0x0;
	s5 =	sld [smem:$0x3FB0]  }
0x2b: {  	s6 =	sld [smem:$0x3FB1]  }
0x2c: {  	s7 =	sld [smem:$0x3FB2]  }
0x2d: {  	s3 =	simm.s32 $0x108;
	s8 =	sld [smem:$0x3FB3]  }
0x2e: {  	s3 =	simm.s32 @!p0 $0x1082;
	s9 =	sld [smem:$0x3FB4]  }
0x2f: {  	lr =	sadd.s32 s0, s3;
	s0 =	sld [smem:$0x3FAB]  }
0x30: {  	s3 =	sld [smem:$0x3FAE]  }
0x31: {  	[smem:$0x3FB7] =	sst s10  }
0x32: {  	s10 =	sld [smem:$0x3FB5];
	_ =	sdelay $0x3  }
0x33: {  	p0 =	seq.s32 s10, $0x1;
	s10 =	sld [smem:$0x3FB7];
	_ =	sdelay $0x3  }
0x34: {  	[smem:$0x3FB7] =	sst s10  }
0x35: {  	s10 =	sld [smem:$0x3FB6];
	_ =	sdelay $0x3  }
0x36: {  	p1 =	seq.s32 s10, $0x1;
	s10 =	sld [smem:$0x3FB7];
	_ =	sdelay $0x3  }
0x37: {  	[smem:$0x3FB7] =	sst s10  }
0x38: {  	s10 =	sld [smem:$0x3FB8]  }
0x39: {  	_ = 	snop;
	(pc) =	sbr.ind lr, $3  }
0x3a: {  	_ = 	snop  }
0x3b: {  	_ = 	snop  }
0x3c: {  	p2 =	seq.s32 s10, $0x1;
	s10 =	sld [smem:$0x3FB7]  }
0x3d: {  	_ =	shalt  }
0x3e: {  	_ =	shalt  }
0x3f: {  	_ =	shalt  }
0x40: {  	_ =	shalt  }
0x41: {  	_ =	shalt  }
0x42: {  	_ =	shalt  }
0x43: {  	_ =	shalt  }
0x44: {  	_ =	shalt  }
0x45: {  	_ =	shalt  }
0x46: {  	_ =	shalt  }
0x47: {  	_ =	shalt  }
0x48: {  	_ =	shalt  }
0x49: {  	_ =	shalt  }
0x4a: {  	_ =	shalt  }
0x4b: {  	_ =	shalt  }
0x4c: {  	_ =	shalt  }
0x4d: {  	_ =	shalt  }
0x4e: {  	_ =	shalt  }
0x4f: {  	_ =	shalt  }
0x50: {  	_ =	shalt  }
0x51: {  	_ =	shalt  }
0x52: {  	_ =	shalt  }
0x53: {  	_ =	shalt  }
0x54: {  	_ =	shalt  }
0x55: {  	_ =	shalt  }
0x56: {  	_ =	shalt  }
0x57: {  	_ =	shalt  }
0x58: {  	_ =	shalt  }
0x59: {  	_ =	shalt  }
0x5a: {  	_ =	shalt  }
0x5b: {  	_ =	shalt  }
0x5c: {  	_ =	shalt  }
0x5d: {  	_ =	shalt  }
0x5e: {  	_ =	shalt  }
0x5f: {  	_ =	shalt  }
0x60: {  	_ =	shalt  }
0x61: {  	_ =	shalt  }
0x62: {  	_ =	shalt  }
0x63: {  	_ =	shalt  }
0x64: {  	_ =	shalt  }
0x65: {  	_ =	shalt  }
0x66: {  	_ =	shalt  }
0x67: {  	_ =	shalt  }
0x68: {  	_ =	shalt  }
0x69: {  	_ =	shalt  }
0x6a: {  	_ =	shalt  }
0x6b: {  	_ =	shalt  }
0x6c: {  	_ =	shalt  }
0x6d: {  	_ =	shalt  }
0x6e: {  	_ =	shalt  }
0x6f: {  	_ =	shalt  }
0x70: {  	_ =	shalt  }
0x71: {  	_ =	shalt  }
0x72: {  	_ =	shalt  }
0x73: {  	_ =	shalt  }
0x74: {  	_ =	shalt  }
0x75: {  	_ =	shalt  }
0x76: {  	_ =	shalt  }
0x77: {  	_ =	shalt  }
0x78: {  	_ =	shalt  }
0x79: {  	_ =	shalt  }
0x7a: {  	_ =	shalt  }
0x7b: {  	_ =	shalt  }
0x7c: {  	_ =	shalt  }
0x7d: {  	_ =	shalt  }
0x7e: {  	_ =	shalt  }
0x7f: {  	_ =	shalt  }
0x80: {  	_ =	shalt  }
0x81: {  	_ =	shalt  }
0x82: {  	_ =	shalt  }
0x83: {  	_ =	shalt  }
0x84: {  	_ =	shalt  }
0x85: {  	_ =	shalt  }
0x86: {  	_ =	shalt  }
0x87: {  	_ =	shalt  }
.Lfunc_end0:
.L_simem_size_0:
called_computation_lowered:
.L_overlay_start_0:
0x88: {  	s0 =	sld [smem:$0x3FD9]  }
0x89: {  	s1 =	sld [smem:$0x3FFE];
	_ =	sdelay $0x3  }
0x8a: {  	s0 =	sadd.s32 s1, s0  }
0x8b: {  	[smem:$0x3FC3] =	sst s0  }
0x8c: {  	_ = 	snop  }
0x8d: {  	s0 =	sld [smem:$0x3FD0];
	(tm) =	ssettm $0x1  }
0x8e: {  	s16 =	sld [smem:$0x3FFB];
	_ =	sdelay $0x3  }
0x8f: {  	_ =	strace s16  }
0x90: {  	s1 =	sld [smem:$0x3FFC];
	_ =	sdelay $0x3  }
0x91: {  	_ =	strace s1  }
0x92: {  	s1 =	sld [smem:$0x3FFD];
	_ =	sdelay $0x3  }
0x93: {  	_ =	strace s1  }
0x94: {  	_ =	strace $0x8FFFFFFF  }
0x95: {  	s17 =	sld [smem:$0x3FDB];
	_ =	sdelay $0x1  }
0x96: {  	s2 =	simm.s32 $_scs_section_size  }
0x97: {  	s3 =	simm.s32 $_size__tile_overlayer_lowered;
	s4 =	simm.s32 $_tile_overlayer_lowered  }
0x98: {  	s20 =	simm.s32 $0x1BFF;
	s19 =	sshll.u32 s4, $0x1;
	s1 =	sadd.s32 s2, s17  }
0x99: {  	s5 =	simm.s32 $0x0;
	s18 =	sshll.u32 s3, $0x1;
	s3 =	sadd.s32 s19, s1  }
0x9a: {  	[timem:s5], [sflag:s20] =	dma.local [hbm:s3], s18  }
0x9b: {  	_ =	swait.ge [sflag:s20], s18  }
0x9c: {  	s2 =	ssub.s32 $0x0, s18;
	[sflag:s20] =	ssyncset.done $0x0  }
0x9d: {  	[sflag:s20] =	ssyncadd.s32 s2;
	_ =	sdelay $0x1  }
0x9e: {  	s21 =	simm.s32 $0x1B8B  }
0x9f: {  	_ =	swait.ge [sflag:s21], $0x1  }
0xa0: {  	[sflag:s21] =	ssyncset.done $0x0  }
0xa1: {  	s23 =	simm.s32 $0x1B8E;
	s22 =	sld [smem:$0x3FFE];
	[sflag:s21] =	ssyncadd.s32 $0xFFFFFFFF  }
0xa2: {  	s24 =	simm.s32 $execute0_lowered;
	[smem:$0x3FD2] =	sst s23  }
0xa3: {  	s3 =	sshll.u32 s24, $0x1;
	_ =	strace $0x80000046;
	[dreg:$0x1] =	wrdreg $0xFFFFFFFF  }
0xa4: {  	s25 =	simm.s32 $_size_execute0_lowered;
	s1 =	sadd.s32 s1, s3;
	[dreg:$0x0] =	wrdreg $0x0  }
0xa5: {  	s3 =	sshll.u32 s25, $0x1;
	[dreg:$0x2] =	wrdreg s1  }
0xa6: {  	[dreg:$0x3] =	wrdreg s3  }
0xa7: {  	[dreg:$0x4] =	wrdreg $0xC0  }
0xa8: {  	_ =	task [dreg:s5], $0x5FFFF  }
0xa9: {  	[dreg:$0x1] =	wrdreg $0xFFFFFFFF  }
0xaa: {  	[dreg:$0x0] =	wrdreg $0x60  }
0xab: {  	[dreg:$0x2] =	wrdreg s22  }
0xac: {  	[dreg:$0x3] =	wrdreg s0  }
0xad: {  	[dreg:$0x4] =	wrdreg $0x6800  }
0xae: {  	[dreg:$0x5] =	wrdreg $0x9  }
0xaf: {  	_ =	task.clear_ibuf [dreg:s5], $0x6FFFF;
	_ =	strace $0x90000046  }
0xb0: {  	s26 =	simm.s32 $0x9;
	_ =	strace $0x80000048  }
0xb1: {  	_ =	swait.ge [sflag:s26], $0x1  }
0xb2: {  	[sflag:s26] =	ssyncadd.s32 $0xFFFFFFFF  }
0xb3: {  	_ =	strace $0x90000048  }
0xb4: {  	_ =	sfence  }
0xb5: {  	s28 =	sld [smem:$0x0];
	_ =	sdelay $0x1  }
0xb6: {  	s29 =	srdreg.scid  }
0xb7: {  	s30 =	sshll.u32 s29, $0xD;
	s31 =	sshrl.u32 s29, $0x2  }
0xb8: {  	s2 =	sand.u32 $0x4000, s30;
	s1 =	sand.u32 $0x1, s29;
	s0 =	sadd.s32 s31, s28  }
0xb9: {  	s1 =	sor.u32 s2, s1;
	s0 =	sshll.u32 s0, $0x11  }
0xba: {  	s0 =	sor.u32 s0, s1  }
0xbb: {  	s0 =	sadd.s32 $0x8F2B, s0  }
0xbc: {  	[sflag:s0] =	ssyncadd.remote.s32 $0x1  }
0xbd: {  	_ =	sfence.sel $0xFFFF  }
0xbe: {  	[dreg:$0x0] =	wrdreg $0xFFFFFFFF;
	(pc) =	sbr.abs _section_cstart, $3  }
0xbf: {  	[dreg:$0x1] =	wrdreg $0xFFFFFFFF  }
0xc0: {  	_ =	task.clear_ibuf [dreg:s5], $0x2FFFF;
	_ =	strace $0x9FFFFFFF  }
0xc1: {  	(tm) =	ssettm $0x7FFFFFFF  }
tec
execute0_lowered:
.L_overlay_start_1:
0x0: {  	(tag) =	ssettag $0x1  }
0x1: {  	s6 =	rddreg [dreg:$0x0];
	s5 =	stileid.u32  }
0x2: {  	s1 =	rddreg [dreg:$0x1];
	s3 =	smul.u32 $0x38, s5  }
0x3: {  	s4 =	rddreg [dreg:$0x2];
	s2 =	simm.s32 $0x0  }
0x4: {  	[smem:$0x7FF] =	sst s2;
	s7 =	sadd.s32 s3, s6  }
0x5: {  	s0 =	rddreg [dreg:$0x3];
	_ =	strace $0x80000047;
	s3 =	sadd.s32 $0x1400, s7  }
0x6: {  	[tilespmem:s2], [sflag:$0x1] =	stream.linear.gather [hbm4b:s3+s2], $0x1C0, $0x38;
	[tilespmem:$0x810] =	vst v63  }
0x7: {  	s3 =	simm.s32 $0x1  }
0x8: {  	_ =	swait.ge [sflag:s3], $0x1C0  }
0x9: {  	[sflag:s3] =	ssyncset.done $0x0  }
0xa: {  	s9 =	simm.s32 $0x200;
	s8 =	sadd.s32 $0xC00, s7;
	[sflag:s3] =	ssyncadd.s32 $0xFFFFFE40  }
0xb: {  	[tilespmem:s9], [sflag:$0x1] =	stream.linear.gather [hbm4b:s8+s2], $0x1C0, $0x38;
	[tilespmem:$0x810] =	vst v63  }
0xc: {  	_ =	swait.ge [sflag:s3], $0x1C0  }
0xd: {  	[sflag:s3] =	ssyncset.done $0x0  }
0xe: {  	s28 =	simm.s32 $0x400;
	s7 =	sadd.s32 $0x1000, s7;
	[sflag:s3] =	ssyncadd.s32 $0xFFFFFE40  }
0xf: {  	[tilespmem:s28], [sflag:$0x1] =	stream.linear.gather [hbm4b:s7+s2], $0x1C0, $0x38;
	[tilespmem:$0x810] =	vst v63  }
0x10: {  	_ =	swait.ge [sflag:s3], $0x1C0  }
0x11: {  	[sflag:s3] =	ssyncset.done $0x0  }
0x12: {  	s29 =	simm.s32 $0x600;
	s6 =	sadd.s32 $0x1800, s6;
	[sflag:s3] =	ssyncadd.s32 $0xFFFFFE40  }
0x13: {  	[tilespmem:s29], [sflag:$0x1] =	stream.linear.gather [hbm4b:s6+s2], $0x80, $0x38;
	[tilespmem:$0x810] =	vst v63  }
0x14: {  	_ =	swait.ge [sflag:s3], $0x80  }
0x15: {  	[sflag:s3] =	ssyncset.done $0x0  }
0x16: {  	[sflag:s3] =	ssyncadd.s32 $0xFFFFFF80  }
0x17: {  	v0 =	vld [tilespmem:$0x400]  }
0x18: {  	v44 =	vld [tilespmem:$0x410]  }
0x19: {  	v8 =	vld [tilespmem:$0x420]  }
0x1a: {  	v14 =	vld [tilespmem:$0x430]  }
0x1b: {  	v19 =	vld [tilespmem:$0x440]  }
0x1c: {  	v3 =	vld [tilespmem:$0x600]  }
0x1d: {  	v4 =	vld [tilespmem:$0x610]  }
0x1e: {  	vm0 =	vlt.s32 v0, $0x10  }
0x1f: {  	vm3 =	vlt.s32 v44, $0x10;
	vm2 =	vlt.s32 v8, $0x10;
	vm11 =	vlt.s32 v14, $0x10  }
0x20: {  	vm13 =	vlt.s32 v19, $0x10;
	v1 =	vsel vm0, $0x10, v0;
	v0 =	vnsel vm0, $0x10, v0  }
0x21: {  	v45 =	vsel vm3, $0x10, v44;
	v5 =	vand.u32 $0xF, v0;
	v6 =	vand.u32 $0xF, v1  }
0x22: {  	v46 =	vsel vm2, $0x10, v8;
	v0 =	vperm.xlane v3, v5;
	v1 =	vperm.xlane v4, v6  }
0x23: {  	v31 =	vld [tilespmem:$0x460];
	v8 =	vnsel vm2, $0x10, v8;
	v17 =	vsel vm11, $0x10, v14;
	v14 =	vnsel vm11, $0x10, v14  }
0x24: {  	v10 =	vand.u32 $0xF, v45;
	v14 =	vand.u32 $0xF, v14;
	v2 =	vsel vm0, v0, v1  }
0x25: {  	v49 =	vand.u32 $0xF, v17;
	v0 =	vnsel vm3, $0x10, v44;
	(erf) = vrcp.f32 v2  }
0x26: {  	v13 =	vperm.xlane v4, v10;
	v50 =	vperm.xlane v3, v14;
	v9 =	vand.u32 $0xF, v0;
	v0 =	vld [tilespmem:$0x620]  }
0x27: {  	v18 =	vperm.xlane v4, v49;
	vm1 =	vgt.f32 v2, $1.000000000e+00;
	v2 =	vld [tilespmem:$0x630];
	v12 =	vperm.xlane v3, v9  }
0x28: {  	vm10 =	vlt.s32 v31, $0x10;
	v59 =	vnsel vm13, $0x10, v19;
	v8 =	vand.u32 $0xF, v8  }
0x29: {  	v47 =	vperm.xlane v3, v8;
	v17 =	vsel vm11, v50, v18;
	v12 =	vsel vm3, v12, v13  }
0x2a: {  	v7 =	vld [tilespmem:$0x200];
	v18 =	vand.u32 $0xF, v59;
	v13 =	vand.u32 $0xF, v46;
	(erf) = vrcp.f32 v12  }
0x2b: {  	v58 =	vsel vm13, $0x10, v19;
	v21 =	vperm.xlane v3, v18;
	v16 =	vperm.xlane v4, v13  }
0x2c: {  	v37 =	vsel vm10, $0x10, v31;
	v5 =	vperm.xlane v0, v5;
	v6 =	vperm.xlane v2, v6  }
0x2d: {  	v1 =	vld [tilespmem:$0x640];
	vm6 =	vgt.f32 v17, $1.000000000e+00;
	v54 =	vperm.xlane v0, v9;
	v55 =	vperm.xlane v2, v10  }
0x2e: {  	vm12 =	vgt.f32 v12, $1.000000000e+00;
	v8 =	vperm.xlane v0, v8;
	v26 =	vperm.xlane v0, v14;
	v11 =	vpop (erf)  }
0x2f: {  	v48 =	vld [tilespmem:$0x210];
	v28 =	vperm.xlane v2, v49;
	v14 =	vand.u32 $0xF, v37;
	v11 =	vmul.f32 v11, v7  }
0x30: {  	v35 =	vperm.xlane v0, v18;
	v39 =	vperm.xlane v4, v14;
	v5 =	vsel vm0, v5, v6  }
0x31: {  	vm0 =	vgt.f32 v5, $5.000000000e-01;
	v7 =	vsel vm1, v11, v7;
	v11 =	vsel vm2, v47, v16  }
0x32: {  	v15 =	vld [tilespmem:$0x0];
	v16 =	vand.u32 $0xF, v58;
	vm1 =	vgt.f32 v7, v1;
	(erf) = vrcp.f32 v11  }
0x33: {  	v40 =	vld [tilespmem:$0x470];
	v52 =	vpop (erf);
	v22 =	vperm.xlane v4, v16;
	vm14 =	vgt.f32 v11, $1.000000000e+00;
	v41 =	vperm.xlane v2, v16  }
0x34: {  	v7 =	vnsel vm1, $0x0, v7;
	v53 =	vmul.f32 v52, v48;
	(erf) = vrcp.f32 v17  }
0x35: {  	v17 =	vnsel vm10, $0x10, v31;
	v7 =	vmul.f32 v7, v7;
	v63 =	vsel vm13, v21, v22  }
0x36: {  	v22 =	vperm.xlane v2, v13;
	v17 =	vand.u32 $0xF, v17;
	v5 =	vsel vm12, v53, v48  }
0x37: {  	v21 =	vld [tilespmem:$0x450];
	(erf) = vrcp.f32 v63;
	vm9 =	vgt.f32 v63, $1.000000000e+00;
	v38 =	vperm.xlane v3, v17  }
0x38: {  	v56 =	vld [tilespmem:$0x10];
	vm12 =	vlt.s32 v40, $0x10;
	v17 =	vperm.xlane v0, v17;
	v7 =	vmul.f32 v7, v15  }
0x39: {  	vm4 =	vgt.f32 v5, v1;
	v24 =	vsel vm2, v8, v22;
	v49 =	vsel vm12, $0x10, v40  }
0x3a: {  	v20 =	vld [tilespmem:$0x220];
	v50 =	vnsel vm12, $0x10, v40;
	v5 =	vnsel vm4, $0x0, v5;
	vm8 =	vgt.f32 v24, $5.000000000e-01  }
0x3b: {  	v60 =	vld [tilespmem:$0x230];
	v51 =	vadd.f32 $0.0e+00, v7;
	v7 =	vsel vm3, v54, v55;
	v5 =	vmul.f32 v5, v5  }
0x3c: {  	v44 =	vsel vm10, v38, v39;
	vm15 =	vgt.f32 v7, $5.000000000e-01;
	vm7 =	vlt.s32 v21, $0x10  }
0x3d: {  	v6 =	vsel vm0, $0x0, v51;
	v5 =	vmul.f32 v5, v56;
	v10 =	vnsel vm7, $0x10, v21  }
0x3e: {  	v30 =	vsel vm7, $0x10, v21;
	v21 =	vperm.xlane v2, v14;
	v57 =	vpop (erf);
	v10 =	vand.u32 $0xF, v10  }
0x3f: {  	v15 =	vand.u32 $0xF, v30;
	v12 =	vmul.f32 v57, v20;
	v23 =	vpop (erf);
	v32 =	vperm.xlane v3, v10  }
0x40: {  	v5 =	vsel vm15, $0x0, v5;
	v33 =	vperm.xlane v4, v15;
	v13 =	vmul.f32 v23, v60  }
0x41: {  	v25 =	vld [tilespmem:$0x30];
	v46 =	vperm.xlane v0, v10;
	v47 =	vperm.xlane v2, v15;
	v5 =	vadd.f32 v5, v6  }
0x42: {  	v29 =	vld [tilespmem:$0x240];
	v62 =	vsel vm14, v12, v20;
	v6 =	vsel vm7, v32, v33;
	v27 =	vsel vm6, v13, v60  }
0x43: {  	v61 =	vld [tilespmem:$0x20];
	v34 =	vpop (erf);
	vm3 =	vgt.f32 v62, v1;
	(erf) = vrcp.f32 v6;
	vm2 =	vgt.f32 v27, v1  }
0x44: {  	v13 =	vand.u32 $0xF, v50;
	(erf) = vrcp.f32 v44;
	v12 =	vnsel vm2, $0x0, v27  }
0x45: {  	v9 =	vnsel vm3, $0x0, v62;
	v53 =	vperm.xlane v3, v13;
	v12 =	vmul.f32 v12, v12  }
0x46: {  	v23 =	vsel vm10, v17, v21;
	v13 =	vperm.xlane v0, v13;
	v9 =	vmul.f32 v9, v9  }
0x47: {  	vm14 =	vgt.f32 v44, $1.000000000e+00;
	v27 =	vld [tilespmem:$0x4A0];
	v8 =	vmul.f32 v12, v25;
	v12 =	vmul.f32 v34, v29  }
0x48: {  	vm2 =	vgt.f32 v23, $5.000000000e-01;
	v7 =	vmul.f32 v9, v61;
	v9 =	vsel vm11, v26, v28  }
0x49: {  	v36 =	vld [tilespmem:$0x40];
	vm11 =	vgt.f32 v9, $5.000000000e-01;
	v9 =	vsel vm13, v35, v41;
	v12 =	vsel vm9, v12, v29  }
0x4a: {  	vm13 =	vgt.f32 v6, $1.000000000e+00;
	v7 =	vsel vm8, $0x0, v7;
	vm1 =	vgt.f32 v12, v1  }
0x4b: {  	v43 =	vld [tilespmem:$0x250];
	vm0 =	vgt.f32 v9, $5.000000000e-01;
	v9 =	vsel vm7, v46, v47;
	v12 =	vnsel vm1, $0x0, v12  }
0x4c: {  	v5 =	vadd.f32 v7, v5;
	vm10 =	vlt.s32 v27, $0x10;
	v12 =	vmul.f32 v12, v12  }
0x4d: {  	v52 =	vld [tilespmem:$0x260];
	v42 =	vsel vm11, $0x0, v8;
	vm15 =	vgt.f32 v9, $5.000000000e-01;
	v34 =	vsel vm10, $0x10, v27  }
0x4e: {  	v5 =	vadd.f32 v42, v5;
	v11 =	vmul.f32 v12, v36;
	v12 =	vand.u32 $0xF, v49  }
0x4f: {  	v51 =	vld [tilespmem:$0x480];
	v48 =	vpop (erf);
	v35 =	vand.u32 $0xF, v34;
	v54 =	vperm.xlane v4, v12;
	v12 =	vperm.xlane v2, v12  }
0x50: {  	v39 =	vperm.xlane v4, v35;
	v36 =	vld [tilespmem:$0x4B0];
	v45 =	vsel vm0, $0x0, v11;
	v11 =	vmul.f32 v48, v43  }
0x51: {  	v58 =	vpop (erf);
	v5 =	vadd.f32 v45, v5;
	v57 =	vsel vm12, v53, v54;
	v12 =	vsel vm12, v13, v12  }
0x52: {  	v55 =	vsel vm13, v11, v43;
	(erf) = vrcp.f32 v57;
	v11 =	vmul.f32 v58, v52  }
0x53: {  	vm8 =	vgt.f32 v57, $1.000000000e+00;
	vm13 =	vgt.f32 v12, $5.000000000e-01;
	vm1 =	vgt.f32 v55, v1  }
0x54: {  	v62 =	vld [tilespmem:$0x490];
	v7 =	vnsel vm1, $0x0, v55;
	vm1 =	vlt.s32 v51, $0x10;
	v6 =	vsel vm14, v11, v52  }
0x55: {  	v11 =	vnsel vm10, $0x10, v27;
	vm14 =	vlt.s32 v36, $0x10;
	v7 =	vmul.f32 v7, v7  }
0x56: {  	v56 =	vld [tilespmem:$0x50];
	v59 =	vsel vm1, $0x10, v51;
	v15 =	vnsel vm1, $0x10, v51;
	vm3 =	vgt.f32 v6, v1  }
0x57: {  	v11 =	vand.u32 $0xF, v11;
	v45 =	vsel vm14, $0x10, v36;
	v19 =	vnsel vm14, $0x10, v36  }
0x58: {  	v15 =	vand.u32 $0xF, v15;
	v18 =	vand.u32 $0xF, v59;
	v6 =	vnsel vm3, $0x0, v6  }
0x59: {  	vm3 =	vlt.s32 v62, $0x10;
	v38 =	vperm.xlane v3, v11;
	v11 =	vperm.xlane v0, v11  }
0x5a: {  	v19 =	vand.u32 $0xF, v19;
	v60 =	vperm.xlane v3, v15;
	v61 =	vperm.xlane v4, v18  }
0x5b: {  	v7 =	vmul.f32 v7, v56;
	v6 =	vmul.f32 v6, v6;
	v25 =	vsel vm3, $0x10, v62  }
0x5c: {  	v63 =	vld [tilespmem:$0x60];
	v26 =	vnsel vm3, $0x10, v62;
	v42 =	vperm.xlane v0, v15;
	v43 =	vperm.xlane v2, v18  }
0x5d: {  	v18 =	vand.u32 $0xF, v45;
	v47 =	vperm.xlane v3, v19;
	v62 =	vperm.xlane v2, v35  }
0x5e: {  	v22 =	vld [tilespmem:$0x270];
	v9 =	vand.u32 $0xF, v26;
	v8 =	vand.u32 $0xF, v25;
	v41 =	vsel vm10, v38, v39  }
0x5f: {  	v48 =	vperm.xlane v4, v18;
	v16 =	vsel vm1, v60, v61;
	v29 =	vperm.xlane v3, v9  }
0x60: {  	v7 =	vsel vm15, $0x0, v7;
	v30 =	vperm.xlane v4, v8;
	(erf) = vrcp.f32 v16  }
0x61: {  	v46 =	vld [tilespmem:$0x4C0];
	v6 =	vmul.f32 v6, v63;
	v14 =	vsel vm1, v42, v43;
	v9 =	vperm.xlane v0, v9  }
0x62: {  	v8 =	vperm.xlane v2, v8;
	v11 =	vsel vm10, v11, v62;
	v24 =	vpop (erf);
	v31 =	vsel vm3, v29, v30  }
0x63: {  	v5 =	vadd.f32 v7, v5;
	v7 =	vmul.f32 v24, v22;
	(erf) = vrcp.f32 v31  }
0x64: {  	v32 =	vld [tilespmem:$0x70];
	vm11 =	vgt.f32 v16, $1.000000000e+00;
	vm1 =	vgt.f32 v14, $5.000000000e-01;
	v52 =	vsel vm14, v47, v48  }
0x65: {  	v28 =	vld [tilespmem:$0x280];
	v6 =	vsel vm2, $0x0, v6;
	v8 =	vsel vm3, v9, v8;
	v7 =	vsel vm8, v7, v22  }
0x66: {  	vm5 =	vgt.f32 v52, $1.000000000e+00;
	vm8 =	vlt.s32 v46, $0x10;
	vm9 =	vgt.f32 v7, v1  }
0x67: {  	v29 =	vperm.xlane v2, v18;
	v20 =	vnsel vm8, $0x10, v46;
	v7 =	vnsel vm9, $0x0, v7  }
0x68: {  	v40 =	vld [tilespmem:$0x290];
	v5 =	vadd.f32 v6, v5;
	v20 =	vand.u32 $0xF, v20;
	v7 =	vmul.f32 v7, v7  }
0x69: {  	vm15 =	vgt.f32 v31, $1.000000000e+00;
	vm3 =	vgt.f32 v8, $5.000000000e-01;
	v57 =	vperm.xlane v3, v20;
	v33 =	vpop (erf)  }
0x6a: {  	v55 =	vsel vm8, $0x10, v46;
	v7 =	vmul.f32 v7, v32;
	v17 =	vmul.f32 v33, v28  }
0x6b: {  	v30 =	vld [tilespmem:$0x4E0];
	vm9 =	vgt.f32 v41, $1.000000000e+00;
	v34 =	vperm.xlane v0, v20;
	(erf) = vrcp.f32 v41  }
0x6c: {  	v7 =	vsel vm13, $0x0, v7;
	v44 =	vpop (erf);
	(erf) = vrcp.f32 v52;
	v10 =	vsel vm11, v17, v28  }
0x6d: {  	v17 =	vmul.f32 v44, v40;
	v28 =	vperm.xlane v0, v19;
	vm12 =	vgt.f32 v10, v1  }
0x6e: {  	v37 =	vld [tilespmem:$0x80];
	v5 =	vadd.f32 v7, v5;
	vm11 =	vgt.f32 v11, $5.000000000e-01;
	v10 =	vnsel vm12, $0x0, v10  }
0x6f: {  	v51 =	vsel vm15, v17, v40;
	v17 =	vand.u32 $0xF, v55;
	v31 =	vsel vm14, v28, v29  }
0x70: {  	v49 =	vld [tilespmem:$0x2A0];
	vm14 =	vlt.s32 v30, $0x10;
	v10 =	vmul.f32 v10, v10;
	vm7 =	vgt.f32 v51, v1  }
0x71: {  	v55 =	vld [tilespmem:$0x510];
	v58 =	vperm.xlane v4, v17;
	vm0 =	vgt.f32 v31, $5.000000000e-01;
	v11 =	vnsel vm14, $0x10, v30  }
0x72: {  	v17 =	vperm.xlane v2, v17;
	v40 =	vsel vm14, $0x10, v30;
	v11 =	vand.u32 $0xF, v11  }
0x73: {  	v59 =	vld [tilespmem:$0x2B0];
	v10 =	vmul.f32 v10, v37;
	v9 =	vsel vm8, v57, v58;
	v42 =	vperm.xlane v3, v11  }
0x74: {  	v53 =	vld [tilespmem:$0x90];
	v39 =	vsel vm8, v34, v17;
	v11 =	vperm.xlane v0, v11;
	v54 =	vpop (erf);
	(erf) = vrcp.f32 v9  }
0x75: {  	v56 =	vld [tilespmem:$0x4D0];
	vm12 =	vgt.f32 v9, $1.000000000e+00;
	vm15 =	vgt.f32 v39, $5.000000000e-01;
	v50 =	vsel vm1, $0x0, v10  }
0x76: {  	v10 =	vnsel vm7, $0x0, v51;
	v15 =	vmul.f32 v54, v49;
	vm4 =	vlt.s32 v55, $0x10  }
0x77: {  	v10 =	vmul.f32 v10, v10;
	v5 =	vadd.f32 v50, v5;
	v63 =	vpop (erf);
	v62 =	vsel vm4, $0x10, v55  }
0x78: {  	v6 =	vsel vm9, v15, v49;
	v14 =	vmul.f32 v63, v59;
	v63 =	vand.u32 $0xF, v62  }
0x79: {  	v60 =	vmul.f32 v10, v53;
	vm1 =	vgt.f32 v6, v1;
	v30 =	vperm.xlane v4, v63  }
0x7a: {  	v47 =	vld [tilespmem:$0x500];
	v6 =	vnsel vm1, $0x0, v6;
	vm1 =	vlt.s32 v56, $0x10;
	v7 =	vsel vm5, v14, v59  }
0x7b: {  	v61 =	vld [tilespmem:$0xA0];
	v14 =	vand.u32 $0xF, v40;
	v6 =	vmul.f32 v6, v6;
	v22 =	vsel vm1, $0x10, v56  }
0x7c: {  	v23 =	vnsel vm1, $0x10, v56;
	vm10 =	vgt.f32 v7, v1;
	v8 =	vsel vm3, $0x0, v60  }
0x7d: {  	v43 =	vperm.xlane v4, v14;
	v14 =	vperm.xlane v2, v14;
	v16 =	vand.u32 $0xF, v23  }
0x7e: {  	v27 =	vld [tilespmem:$0x2C0];
	v15 =	vand.u32 $0xF, v22;
	v7 =	vnsel vm10, $0x0, v7;
	v5 =	vadd.f32 v8, v5  }
0x7f: {  	v24 =	vld [tilespmem:$0xB0];
	vm10 =	vlt.s32 v47, $0x10;
	v25 =	vperm.xlane v3, v16;
	v26 =	vperm.xlane v4, v15  }
0x80: {  	v6 =	vmul.f32 v6, v61;
	v7 =	vmul.f32 v7, v7;
	v45 =	vsel vm14, v42, v43  }
0x81: {  	v52 =	vperm.xlane v0, v16;
	v15 =	vperm.xlane v2, v15;
	v13 =	vsel vm1, v25, v26  }
0x82: {  	v38 =	vld [tilespmem:$0x4F0];
	v18 =	vnsel vm10, $0x10, v47;
	v11 =	vsel vm14, v11, v14;
	(erf) = vrcp.f32 v13  }
0x83: {  	v56 =	vsel vm10, $0x10, v47;
	v32 =	vpop (erf);
	v57 =	vand.u32 $0xF, v18;
	vm14 =	vgt.f32 v11, $5.000000000e-01  }
0x84: {  	v6 =	vsel vm11, $0x0, v6;
	v7 =	vmul.f32 v7, v24;
	v12 =	vmul.f32 v32, v27  }
0x85: {  	v9 =	vsel vm1, v52, v15;
	v15 =	vand.u32 $0xF, v56;
	v18 =	vperm.xlane v3, v57  }
0x86: {  	vm11 =	vgt.f32 v45, $1.000000000e+00;
	v5 =	vadd.f32 v6, v5;
	v59 =	vperm.xlane v4, v15  }
0x87: {  	v35 =	vld [tilespmem:$0x2D0];
	v39 =	vperm.xlane v2, v15;
	v36 =	vsel vm0, $0x0, v7;
	vm0 =	vlt.s32 v38, $0x10  }
0x88: {  	v37 =	vsel vm12, v12, v27;
	v46 =	vsel vm0, $0x10, v38;
	v10 =	vnsel vm0, $0x10, v38  }
0x89: {  	vm13 =	vgt.f32 v37, v1;
	v10 =	vand.u32 $0xF, v10;
	v17 =	vand.u32 $0xF, v46  }
0x8a: {  	v33 =	vld [tilespmem:$0xC0];
	v7 =	vnsel vm13, $0x0, v37;
	v48 =	vperm.xlane v3, v10;
	v49 =	vperm.xlane v4, v17  }
0x8b: {  	vm8 =	vgt.f32 v13, $1.000000000e+00;
	v7 =	vmul.f32 v7, v7;
	v10 =	vperm.xlane v0, v10;
	v41 =	vpop (erf)  }
0x8c: {  	v13 =	vsel vm0, v48, v49;
	(erf) = vrcp.f32 v45;
	v44 =	vmul.f32 v41, v35  }
0x8d: {  	vm1 =	vgt.f32 v9, $5.000000000e-01;
	v17 =	vperm.xlane v2, v17;
	(erf) = vrcp.f32 v13  }
0x8e: {  	v51 =	vld [tilespmem:$0xD0];
	v5 =	vadd.f32 v36, v5;
	v18 =	vsel vm10, v18, v59;
	v8 =	vsel vm8, v44, v35  }
0x8f: {  	v7 =	vmul.f32 v7, v33;
	v10 =	vsel vm0, v10, v17;
	vm9 =	vgt.f32 v8, v1  }
0x90: {  	v53 =	vld [tilespmem:$0x2E0];
	vm13 =	vgt.f32 v13, $1.000000000e+00;
	vm7 =	vgt.f32 v10, $5.000000000e-01;
	v8 =	vnsel vm9, $0x0, v8  }
0x91: {  	v61 =	vld [tilespmem:$0x520];
	v50 =	vsel vm15, $0x0, v7;
	vm15 =	vgt.f32 v18, $1.000000000e+00;
	v54 =	vmul.f32 v8, v8  }
0x92: {  	v58 =	vld [tilespmem:$0x2F0];
	v7 =	vperm.xlane v0, v57;
	v5 =	vadd.f32 v50, v5;
	v8 =	vnsel vm4, $0x10, v55  }
0x93: {  	v45 =	vperm.xlane v2, v63;
	v8 =	vand.u32 $0xF, v8;
	v6 =	vmul.f32 v54, v51  }
0x94: {  	v7 =	vsel vm10, v7, v39;
	v29 =	vperm.xlane v3, v8;
	v8 =	vperm.xlane v0, v8  }
0x95: {  	vm8 =	vgt.f32 v7, $5.000000000e-01;
	v60 =	vpop (erf);
	(erf) = vrcp.f32 v18;
	v6 =	vsel vm1, $0x0, v6  }
0x96: {  	v20 =	vmul.f32 v60, v53;
	v28 =	vpop (erf);
	vm1 =	vlt.s32 v61, $0x10;
	v8 =	vsel vm4, v8, v45  }
0x97: {  	v49 =	vld [tilespmem:$0x540];
	v19 =	vmul.f32 v28, v58;
	v31 =	vsel vm1, $0x10, v61;
	v21 =	vnsel vm1, $0x10, v61  }
0x98: {  	v44 =	vld [tilespmem:$0x530];
	v5 =	vadd.f32 v6, v5;
	v16 =	vsel vm11, v20, v53;
	v20 =	vsel vm4, v29, v30  }
0x99: {  	v21 =	vand.u32 $0xF, v21;
	v22 =	vand.u32 $0xF, v31;
	vm4 =	vgt.f32 v8, $5.000000000e-01  }
0x9a: {  	vm12 =	vgt.f32 v16, v1;
	(erf) = vrcp.f32 v20;
	v25 =	vperm.xlane v3, v21  }
0x9b: {  	v26 =	vperm.xlane v4, v22;
	v9 =	vsel vm13, v19, v58;
	vm9 =	vgt.f32 v20, $1.000000000e+00  }
0x9c: {  	v48 =	vperm.xlane v0, v21;
	v51 =	vperm.xlane v2, v22;
	vm13 =	vlt.s32 v49, $0x10  }
0x9d: {  	v23 =	vld [tilespmem:$0xE0];
	v16 =	vnsel vm12, $0x0, v16;
	vm2 =	vgt.f32 v9, v1;
	vm12 =	vlt.s32 v44, $0x10  }
0x9e: {  	v56 =	vnsel vm13, $0x10, v49;
	v13 =	vsel vm13, $0x10, v49;
	v32 =	vmul.f32 v16, v16  }
0x9f: {  	v24 =	vld [tilespmem:$0x300];
	v34 =	vsel vm1, v25, v26;
	v9 =	vnsel vm2, $0x0, v9;
	v52 =	vsel vm12, $0x10, v44  }
0xa0: {  	v33 =	vld [tilespmem:$0xF0];
	v7 =	vnsel vm12, $0x10, v44;
	v13 =	vand.u32 $0xF, v13;
	v9 =	vmul.f32 v9, v9  }
0xa1: {  	v53 =	vld [tilespmem:$0x550];
	v7 =	vand.u32 $0xF, v7;
	v59 =	vperm.xlane v4, v13;
	v13 =	vperm.xlane v2, v13  }
0xa2: {  	v17 =	vand.u32 $0xF, v52;
	v14 =	vmul.f32 v32, v23;
	v54 =	vperm.xlane v3, v7  }
0xa3: {  	v11 =	vsel vm1, v48, v51;
	v55 =	vperm.xlane v4, v17;
	v7 =	vperm.xlane v0, v7  }
0xa4: {  	vm11 =	vgt.f32 v34, $1.000000000e+00;
	v17 =	vperm.xlane v2, v17;
	v35 =	vpop (erf);
	(erf) = vrcp.f32 v34  }
0xa5: {  	v57 =	vld [tilespmem:$0x560];
	v9 =	vmul.f32 v9, v33;
	v16 =	vmul.f32 v35, v24;
	v37 =	vsel vm14, $0x0, v14  }
0xa6: {  	v8 =	vsel vm12, v54, v55;
	v14 =	vand.u32 $0xF, v56;
	vm14 =	vlt.s32 v53, $0x10  }
0xa7: {  	v7 =	vsel vm12, v7, v17;
	v6 =	vadd.f32 v37, v5;
	v9 =	vsel vm7, $0x0, v9  }
0xa8: {  	v36 =	vld [tilespmem:$0x310];
	(erf) = vrcp.f32 v8;
	v58 =	vperm.xlane v3, v14;
	v60 =	vsel vm14, $0x10, v53  }
0xa9: {  	v18 =	vnsel vm14, $0x10, v53;
	v14 =	vperm.xlane v0, v14;
	v16 =	vsel vm15, v16, v24  }
0xaa: {  	v18 =	vand.u32 $0xF, v18;
	v20 =	vand.u32 $0xF, v60;
	vm15 =	vlt.s32 v57, $0x10  }
0xab: {  	v27 =	vld [tilespmem:$0x580];
	vm6 =	vgt.f32 v16, v1;
	v61 =	vperm.xlane v3, v18;
	v62 =	vperm.xlane v4, v20  }
0xac: {  	v43 =	vpop (erf);
	v28 =	vsel vm15, $0x10, v57;
	v15 =	vnsel vm15, $0x10, v57;
	v6 =	vadd.f32 v9, v6  }
0xad: {  	v13 =	vsel vm13, v14, v13;
	v40 =	vnsel vm6, $0x0, v16;
	v10 =	vmul.f32 v43, v36  }
0xae: {  	v16 =	vsel vm13, v58, v59;
	v15 =	vand.u32 $0xF, v15;
	v42 =	vmul.f32 v40, v40  }
0xaf: {  	v38 =	vld [tilespmem:$0x100];
	v21 =	vand.u32 $0xF, v28;
	(erf) = vrcp.f32 v16;
	v30 =	vperm.xlane v3, v15  }
0xb0: {  	vm13 =	vlt.s32 v27, $0x10;
	v31 =	vperm.xlane v4, v21;
	v40 =	vperm.xlane v0, v18  }
0xb1: {  	v29 =	vld [tilespmem:$0x570];
	v19 =	vsel vm14, v61, v62;
	v15 =	vperm.xlane v0, v15;
	v45 =	vperm.xlane v2, v21  }
0xb2: {  	v41 =	vld [tilespmem:$0x320];
	v48 =	vsel vm13, $0x10, v27;
	v49 =	vnsel vm13, $0x10, v27;
	v10 =	vsel vm9, v10, v36  }
0xb3: {  	vm9 =	vgt.f32 v8, $1.000000000e+00;
	vm12 =	vgt.f32 v19, $1.000000000e+00;
	v18 =	vand.u32 $0xF, v48  }
0xb4: {  	v5 =	vmul.f32 v42, v38;
	vm10 =	vgt.f32 v10, v1;
	v15 =	vsel vm15, v15, v45  }
0xb5: {  	v47 =	vld [tilespmem:$0x110];
	v52 =	vperm.xlane v4, v18;
	v18 =	vperm.xlane v2, v18;
	v10 =	vnsel vm10, $0x0, v10  }
0xb6: {  	v63 =	vld [tilespmem:$0x330];
	v46 =	vpop (erf);
	(erf) = vrcp.f32 v19;
	vm10 =	vlt.s32 v29, $0x10;
	v19 =	vand.u32 $0xF, v49  }
0xb7: {  	v5 =	vsel vm8, $0x0, v5;
	v12 =	vmul.f32 v46, v41;
	v10 =	vmul.f32 v10, v10  }
0xb8: {  	vm8 =	vgt.f32 v11, $5.000000000e-01;
	v11 =	vsel vm15, v30, v31;
	v35 =	vsel vm10, $0x10, v29  }
0xb9: {  	v23 =	vnsel vm10, $0x10, v29;
	v51 =	vperm.xlane v3, v19;
	v19 =	vperm.xlane v0, v19  }
0xba: {  	v32 =	vpop (erf);
	(erf) = vrcp.f32 v11;
	v23 =	vand.u32 $0xF, v23;
	v24 =	vand.u32 $0xF, v35  }
0xbb: {  	v5 =	vadd.f32 v5, v6;
	v10 =	vmul.f32 v10, v47;
	v8 =	vmul.f32 v32, v63  }
0xbc: {  	v53 =	vld [tilespmem:$0x5A0];
	v12 =	vsel vm11, v12, v41;
	v37 =	vperm.xlane v3, v23;
	v38 =	vperm.xlane v4, v24  }
0xbd: {  	vm11 =	vgt.f32 v16, $1.000000000e+00;
	v41 =	vperm.xlane v2, v20;
	v23 =	vperm.xlane v0, v23  }
0xbe: {  	v46 =	vld [tilespmem:$0x590];
	v24 =	vperm.xlane v2, v24;
	v62 =	vsel vm13, v19, v18;
	vm0 =	vgt.f32 v12, v1  }
0xbf: {  	v30 =	vld [tilespmem:$0x5B0];
	v12 =	vnsel vm0, $0x0, v12;
	v10 =	vsel vm4, $0x0, v10;
	v8 =	vsel vm9, v8, v63  }
0xc0: {  	v33 =	vld [tilespmem:$0x340];
	v25 =	vsel vm10, v37, v38;
	v16 =	vsel vm14, v40, v41;
	vm14 =	vgt.f32 v11, $1.000000000e+00  }
0xc1: {  	v11 =	vsel vm13, v51, v52;
	v23 =	vsel vm10, v23, v24;
	vm0 =	vlt.s32 v53, $0x10  }
0xc2: {  	v50 =	vld [tilespmem:$0x120];
	vm10 =	vgt.f32 v7, $5.000000000e-01;
	vm13 =	vgt.f32 v13, $5.000000000e-01;
	v12 =	vmul.f32 v12, v12  }
0xc3: {  	vm15 =	vlt.s32 v46, $0x10;
	v57 =	vsel vm0, $0x10, v53;
	v27 =	vnsel vm0, $0x10, v53  }
0xc4: {  	v36 =	vpop (erf);
	vm6 =	vgt.f32 v25, $1.000000000e+00;
	vm1 =	vlt.s32 v30, $0x10;
	vm7 =	vgt.f32 v8, v1  }
0xc5: {  	v5 =	vadd.f32 v10, v5;
	v39 =	vmul.f32 v36, v33;
	v54 =	vsel vm15, $0x10, v46  }
0xc6: {  	v34 =	vld [tilespmem:$0x350];
	v20 =	vnsel vm15, $0x10, v46;
	v27 =	vand.u32 $0xF, v27;
	v60 =	vsel vm1, $0x10, v30  }
0xc7: {  	v30 =	vnsel vm1, $0x10, v30;
	v12 =	vmul.f32 v12, v50;
	v20 =	vand.u32 $0xF, v20  }
0xc8: {  	v26 =	vand.u32 $0xF, v54;
	v58 =	vperm.xlane v3, v27;
	v42 =	vpop (erf);
	(erf) = vrcp.f32 v25  }
0xc9: {  	v30 =	vand.u32 $0xF, v30;
	v28 =	vperm.xlane v3, v20;
	v29 =	vperm.xlane v4, v26  }
0xca: {  	v43 =	vld [tilespmem:$0x360];
	vm4 =	vgt.f32 v16, $5.000000000e-01;
	v3 =	vperm.xlane v3, v30;
	v37 =	vperm.xlane v0, v20  }
0xcb: {  	v9 =	vsel vm8, $0x0, v12;
	v12 =	vsel vm11, v39, v33;
	v44 =	vmul.f32 v42, v34  }
0xcc: {  	v33 =	vnsel vm7, $0x0, v8;
	vm8 =	vgt.f32 v11, $1.000000000e+00;
	v39 =	vperm.xlane v2, v26  }
0xcd: {  	v47 =	vpop (erf);
	(erf) = vrcp.f32 v11;
	v56 =	vsel vm15, v28, v29;
	v28 =	vand.u32 $0xF, v57  }
0xce: {  	v29 =	vand.u32 $0xF, v60;
	vm9 =	vgt.f32 v12, v1;
	v60 =	vperm.xlane v0, v27  }
0xcf: {  	v35 =	vld [tilespmem:$0x140];
	v5 =	vadd.f32 v9, v5;
	v0 =	vperm.xlane v0, v30;
	v17 =	vmul.f32 v47, v43  }
0xd0: {  	v14 =	vsel vm12, v44, v34;
	(erf) = vrcp.f32 v56;
	v59 =	vperm.xlane v4, v28  }
0xd1: {  	v61 =	vld [tilespmem:$0x130];
	v4 =	vperm.xlane v4, v29;
	v12 =	vnsel vm9, $0x0, v12;
	vm11 =	vgt.f32 v56, $1.000000000e+00  }
0xd2: {  	v7 =	vsel vm15, v37, v39;
	v12 =	vmul.f32 v12, v12;
	vm12 =	vgt.f32 v14, v1  }
0xd3: {  	v40 =	vld [tilespmem:$0x150];
	v17 =	vsel vm14, v17, v43;
	v25 =	vsel vm0, v58, v59;
	v3 =	vsel vm1, v3, v4  }
0xd4: {  	v50 =	vld [tilespmem:$0x370];
	v4 =	vmul.f32 v33, v33;
	v44 =	vnsel vm12, $0x0, v14;
	v43 =	vmul.f32 v12, v35  }
0xd5: {  	v10 =	vmul.f32 v44, v44;
	vm14 =	vgt.f32 v25, $1.000000000e+00;
	vm15 =	vgt.f32 v17, v1  }
0xd6: {  	v31 =	vld [tilespmem:$0x380];
	vm5 =	vgt.f32 v3, $1.000000000e+00;
	v4 =	vmul.f32 v4, v61;
	v61 =	vperm.xlane v2, v28  }
0xd7: {  	v32 =	vld [tilespmem:$0x390];
	v49 =	vnsel vm15, $0x0, v17;
	v2 =	vperm.xlane v2, v29;
	v55 =	vpop (erf);
	(erf) = vrcp.f32 v25  }
0xd8: {  	v47 =	vld [tilespmem:$0x160];
	v46 =	vsel vm13, $0x0, v43;
	v10 =	vmul.f32 v10, v40;
	v14 =	vmul.f32 v49, v49  }
0xd9: {  	v4 =	vsel vm10, $0x0, v4;
	v22 =	vmul.f32 v55, v50;
	v63 =	vpop (erf);
	(erf) = vrcp.f32 v3  }
0xda: {  	vm13 =	vgt.f32 v7, $5.000000000e-01;
	vm10 =	vgt.f32 v23, $5.000000000e-01;
	v4 =	vadd.f32 v4, v5  }
0xdb: {  	v38 =	vld [tilespmem:$0x3A0];
	v10 =	vsel vm4, $0x0, v10;
	v21 =	vsel vm6, v22, v50;
	v34 =	vmul.f32 v63, v31;
	v36 =	vpop (erf)  }
0xdc: {  	v41 =	vld [tilespmem:$0x3B0];
	v4 =	vadd.f32 v46, v4;
	v11 =	vmul.f32 v36, v32;
	vm6 =	vgt.f32 v21, v1  }
0xdd: {  	v9 =	vmul.f32 v14, v47;
	v50 =	vld [tilespmem:$0x170];
	v8 =	vsel vm8, v34, v31;
	v53 =	vnsel vm6, $0x0, v21  }
0xde: {  	v52 =	vld [tilespmem:$0x180];
	vm8 =	vgt.f32 v15, $5.000000000e-01;
	v4 =	vadd.f32 v10, v4;
	v11 =	vsel vm11, v11, v32  }
0xdf: {  	v54 =	vld [tilespmem:$0x190];
	vm7 =	vgt.f32 v8, v1;
	v14 =	vmul.f32 v53, v53;
	v9 =	vsel vm8, $0x0, v9  }
0xe0: {  	vm11 =	vgt.f32 v62, $5.000000000e-01;
	v8 =	vnsel vm7, $0x0, v8;
	vm9 =	vgt.f32 v11, v1;
	v42 =	vpop (erf)  }
0xe1: {  	v8 =	vmul.f32 v8, v8;
	v55 =	vnsel vm9, $0x0, v11;
	v45 =	vmul.f32 v42, v38  }
0xe2: {  	v4 =	vadd.f32 v9, v4;
	v3 =	vmul.f32 v14, v50;
	v10 =	vmul.f32 v55, v55;
	v48 =	vpop (erf)  }
0xe3: {  	v56 =	vld [tilespmem:$0x1A0];
	v8 =	vmul.f32 v8, v52;
	v12 =	vsel vm14, v45, v38;
	v13 =	vmul.f32 v48, v41  }
0xe4: {  	v3 =	vsel vm10, $0x0, v3;
	v57 =	vmul.f32 v10, v54;
	vm12 =	vgt.f32 v12, v1  }
0xe5: {  	v59 =	vld [tilespmem:$0x1B0];
	v3 =	vadd.f32 v3, v4;
	v51 =	vsel vm5, v13, v41;
	v58 =	vnsel vm12, $0x0, v12  }
0xe6: {  	v8 =	vsel vm11, $0x0, v8;
	v4 =	vmul.f32 v58, v58;
	vm14 =	vgt.f32 v51, v1  }
0xe7: {  	v62 =	vsel vm0, v60, v61;
	v3 =	vadd.f32 v8, v3;
	v5 =	vnsel vm14, $0x0, v51  }
0xe8: {  	v7 =	vsel vm13, $0x0, v57;
	v4 =	vmul.f32 v4, v56;
	v5 =	vmul.f32 v5, v5  }
0xe9: {  	vm0 =	vgt.f32 v62, $5.000000000e-01;
	v3 =	vadd.f32 v7, v3  }
0xea: {  	v0 =	vsel vm1, v0, v2;
	v4 =	vsel vm0, $0x0, v4;
	v1 =	vmul.f32 v5, v59  }
0xeb: {  	vm15 =	vgt.f32 v0, $5.000000000e-01;
	v63 =	vadd.f32 v4, v3  }
0xec: {  	v0 =	vsel vm15, $0x0, v1  }
0xed: {  	v0 =	vadd.f32 v0, v63  }
0xee: {  	s30 =	sshll.u32 s5, $0x4  }
0xef: {  	s31 =	sadd.s32 s30, s4;
	s6 =	simm.s32 $0x790;
	[tilespmem:$0x790] =	vst v0  }
0xf0: {  	[spmem:s31] =	stream.linear.scatter [tilespmem:s6], [sflag:$0x1], $0x10, $0x38;
	[tilespmem:$0x810] =	vst v63  }
0xf1: {  	_ =	swait.ge [sflag:s3], $0x10  }
0xf2: {  	[sflag:s3] =	ssyncset.done $0x0  }
0xf3: {  	[sflag:s3] =	ssyncadd.s32 $0xFFFFFFF0  }
0xf4: {  	p0 =	sne.s32 s5, $0x0;
	[bflag:$0x0] =	sbarrier.arrive $0xFFFF  }
0xf5: {  	_ =	sfence.sel @p0 $0x180000  }
0xf6: {  	[bflag:$0x0] =	sbarrier.arrive @p0 $0xFFFF  }
0xf7: {  	_ =	strace @p0 $0x90000047  }
0xf8: {  	[bflag:$0x2] =	sbarrier.arrive @p0 $0xFFFF  }
0xf9: {  	_ =	shalt @p0  }
.LBB2_1:
0xfa: {  	v0 =	vimm.f32 $3.445000000e+04  }
0xfb: {  	(erf) = vrcp.f32 v0;
	_ =	sdelay $0x7  }
0xfc: {  	s5 =	simm.s32 $0x690  }
0xfd: {  	[tilespmem:s5], [sflag:$0x1] =	stream.linear.gather [spmem:s4], $0x100, $0x38;
	v0 =	vpop (erf);
	[tilespmem:$0x810] =	vst v63  }
0xfe: {  	_ =	swait.ge [sflag:s3], $0x100  }
0xff: {  	[sflag:s3] =	ssyncset.done $0x0  }
0x100: {  	[sflag:s3] =	ssyncadd.s32 $0xFFFFFF00  }
0x101: {  	v1 =	vld [tilespmem:$0x690];
	_ =	sdelay $0x1  }
0x102: {  	v2 =	vld [tilespmem:$0x6A0];
	_ =	sdelay $0x1  }
0x103: {  	v3 =	vld [tilespmem:$0x6B0]  }
0x104: {  	v1 =	vadd.f32 $0.0e+00, v1  }
0x105: {  	v4 =	vld [tilespmem:$0x6C0]  }
0x106: {  	v1 =	vadd.f32 v2, v1  }
0x107: {  	v42 =	vld [tilespmem:$0x6D0]  }
0x108: {  	v1 =	vadd.f32 v3, v1  }
0x109: {  	v43 =	vld [tilespmem:$0x6E0]  }
0x10a: {  	v1 =	vadd.f32 v4, v1  }
0x10b: {  	v44 =	vld [tilespmem:$0x6F0]  }
0x10c: {  	v1 =	vadd.f32 v42, v1  }
0x10d: {  	v45 =	vld [tilespmem:$0x700]  }
0x10e: {  	v1 =	vadd.f32 v43, v1  }
0x10f: {  	v46 =	vld [tilespmem:$0x710]  }
0x110: {  	v1 =	vadd.f32 v44, v1  }
0x111: {  	v47 =	vld [tilespmem:$0x720]  }
0x112: {  	v1 =	vadd.f32 v45, v1  }
0x113: {  	v48 =	vld [tilespmem:$0x730]  }
0x114: {  	v1 =	vadd.f32 v46, v1  }
0x115: {  	v49 =	vld [tilespmem:$0x740]  }
0x116: {  	v1 =	vadd.f32 v47, v1  }
0x117: {  	v50 =	vld [tilespmem:$0x750]  }
0x118: {  	v1 =	vadd.f32 v48, v1  }
0x119: {  	v51 =	vld [tilespmem:$0x760]  }
0x11a: {  	v1 =	vadd.f32 v49, v1  }
0x11b: {  	v5 =	vimm.s32 $0xFEDCBA98;
	v52 =	vld [tilespmem:$0x770]  }
0x11c: {  	v54 =	vimm.s32 $0x76543210;
	v5 =	vunpack.c.l.s4.s8 v5;
	v1 =	vadd.f32 v50, v1  }
0x11d: {  	v53 =	vld [tilespmem:$0x780];
	v2 =	vunpack.c.l.s4.s8 v54  }
0x11e: {  	v55 =	vunpack.c.0.s8.s32 v5;
	v1 =	vadd.f32 v51, v1  }
0x11f: {  	v56 =	vimm.s32 $0xBA98FEDC;
	v2 =	vunpack.c.0.s8.s32 v2  }
0x120: {  	v57 =	vimm.s32 $0x32107654;
	v3 =	vand.u32 $0xF, v55;
	v1 =	vadd.f32 v52, v1  }
0x121: {  	v2 =	vcombine.low v3, v2;
	v3 =	vunpack.c.l.s4.s8 v56;
	v4 =	vunpack.c.l.s4.s8 v57  }
0x122: {  	v1 =	vadd.f32 v53, v1  }
0x123: {  	v3 =	vunpack.c.0.s8.s32 v3;
	v4 =	vunpack.c.0.s8.s32 v4  }
0x124: {  	v2 =	vperm.xlane v1, v2  }
0x125: {  	v59 =	vimm.s32 $0xDCFE98BA;
	v60 =	vimm.s32 $0x54761032;
	v58 =	vcombine.low v4, v3  }
0x126: {  	v3 =	vunpack.c.l.s4.s8 v59;
	v4 =	vunpack.c.l.s4.s8 v60;
	v1 =	vadd.f32 v2, v1  }
0x127: {  	v62 =	vimm.s32 $0x67452301  }
0x128: {  	v3 =	vunpack.c.0.s8.s32 v3;
	v4 =	vunpack.c.0.s8.s32 v4;
	v2 =	vperm.xlane v1, v58  }
0x129: {  	v61 =	vimm.s32 $0xEFCDAB89;
	v63 =	vunpack.c.l.s4.s8 v62  }
0x12a: {  	v3 =	vcombine.low v4, v3;
	v1 =	vadd.f32 v2, v1;
	v2 =	vunpack.c.l.s4.s8 v61;
	_ =	sdelay $0x1  }
0x12b: {  	v4 =	vunpack.c.0.s8.s32 v63;
	v3 =	vperm.xlane v1, v3;
	v2 =	vunpack.c.0.s8.s32 v2;
	_ =	sdelay $0x1  }
0x12c: {  	v1 =	vadd.f32 v3, v1;
	v2 =	vcombine.low v4, v2;
	_ =	sdelay $0x1  }
0x12d: {  	v2 =	vperm.xlane v1, v2;
	_ =	sdelay $0x1  }
0x12e: {  	v1 =	vadd.f32 v2, v1;
	_ =	sdelay $0x1  }
0x12f: {  	v0 =	vmul.f32 v1, v0  }
0x130: {  	vm0 =	vmmov $0x1  }
0x131: {  	v0 =	vnsel vm0, $0x0, v0  }
0x132: {  	[tilespmem:$0x790] =	vst v0  }
0x133: {  	[hbm4b:s1+s2] =	stream.linear.scatter [tilespmem:s6], [sflag:$0x1], $0x80, $0x38;
	[tilespmem:$0x810] =	vst v63  }
0x134: {  	_ =	swait.ge [sflag:s3], $0x80  }
0x135: {  	[sflag:s3] =	ssyncset.done $0x0  }
0x136: {  	[sflag:s3] =	ssyncadd.s32 $0xFFFFFF80  }
0x137: {  	_ =	sfence.sel $0x180000  }
0x138: {  	[bflag:$0x0] =	sbarrier.arrive $0xFFFF  }
0x139: {  	_ =	strace $0x90000047  }
0x13a: {  	s0 =	sadd.s32 $0x100000, s0;
	[bflag:$0x2] =	sbarrier.arrive $0xFFFF  }
0x13b: {  	[sflag:s0] =	ssyncadd.tile.s32 $0x1;
	_ =	shalt  }
.Lfunc_end2:
_tile_overlayer_lowered:
.L_overlay_start_2:
0x13c: {  	(tag) =	ssettag $0x2  }
0x13d: {  	s0 =	rddreg [dreg:$0x0];
	s2 =	stileid.u32  }
0x13e: {  	s1 =	rddreg [dreg:$0x1];
	p0 =	sne.s32 s2, $0x0  }
0x13f: {  	s3 =	rddreg [dreg:$0x2];
	[bflag:$0x3] =	sbarrier.arrive $0xFFFF;
	s2 =	simm.s32 @!p0 $0x1C01  }
0x140: {  	[timem:s3], [sflag:s2] =	dma.local @!p0 [hbm:s0], s1  }
0x141: {  	s0 =	simm.s32 @!p0 $0x1  }
0x142: {  	_ =	swait.ge @!p0 [sflag:s0], s1  }
0x143: {  	s1 =	ssub.s32 @!p0 $0x0, s1;
	[sflag:s0] =	ssyncset.done @!p0 $0x0  }
0x144: {  	[sflag:s0] =	ssyncadd.s32 @!p0 s1  }
0x145: {  	[bflag:$0x3] =	sbarrier.arrive $0xFFFF  }
0x146: {  	_ =	shalt  }

</sc_bundles>
